<compile_context>
chip_gen: v7x
topology: tpu7x:2x2x1
jax: 0.10.2.dev20260603
libtpu: 0.0.44.dev20260713+nightly
codegen_flags: <defaults>
</compile_context>

<pallas_src>
import functools

import jax
import jax.numpy as jnp
from jax import lax
from jax.experimental import pallas as pl
from jax.experimental.pallas import tpu as pltpu
from jax.experimental.pallas import tpu_sc as plsc

_B = 16384
_L = 200
_D = 256
_NBINS = 48
_NW = 32
_ROWS_PER_W = _B // _NW
_BLK = 64
_NBLK = _ROWS_PER_W // _BLK


def _hist_body(s_hbm, c_hbm, o_hbm, out_hbm, bufs, cnts, in_sems, out_sems):
    wid = lax.axis_index("s") * 2 + lax.axis_index("c")
    base = wid * _ROWS_PER_W
    ones = jnp.ones((16,), jnp.float32)
    zeros = jnp.zeros((16,), jnp.float32)
    lane = lax.iota(jnp.int32, 16)
    tail_mask = lane >= 8
    hbms = (s_hbm, c_hbm, o_hbm)

    def in_copies(row0, par):
        return [
            pltpu.make_async_copy(hbm.at[pl.ds(row0, _BLK)], v,
                                  in_sems[par])
            for hbm, v in zip(hbms, bufs[par])
        ]

    def out_copy(row0, par):
        return pltpu.make_async_copy(
            cnts[par], out_hbm.at[pl.ds(row0 * _NBINS, _BLK * _NBINS)],
            out_sems[par])

    for cp in in_copies(base, 0):
        cp.start()
    for cp in in_copies(base + _BLK, 1):
        cp.start()

    def pair_body(i, carry):
        for par in (0, 1):
            row0 = base + (2 * i + par) * _BLK
            for cp in in_copies(row0, par):
                cp.wait()

            @pl.when(i > 0)
            def _wait_out():
                out_copy(row0 - 2 * _BLK, par).wait()

            cnt_v = cnts[par]
            s_v, c_v, o_v = bufs[par]

            @plsc.parallel_loop(0, _BLK * 3)
            def zero_body(z):
                cnt_v[pl.ds(z * 16, 16)] = zeros

            @plsc.parallel_loop(0, _BLK, unroll=4)
            def row_body(r):
                roff = r * _NBINS
                for ids_v, fbase in ((s_v, 0), (c_v, 20), (o_v, 35)):
                    for k in range(12):
                        idx = ids_v[r, pl.ds(k * 16, 16)] + (roff + fbase)
                        plsc.addupdate_scatter(cnt_v, [idx], ones)
                    idx = ids_v[r, pl.ds(_L - 16, 16)] + (roff + fbase)
                    plsc.addupdate_scatter(cnt_v, [idx], ones,
                                           mask=tail_mask)

            out_copy(row0, par).start()

            @pl.when(i < _NBLK // 2 - 1)
            def _next_in():
                for cp in in_copies(row0 + 2 * _BLK, par):
                    cp.start()

        return carry

    lax.fori_loop(0, _NBLK // 2, pair_body, 0)
    out_copy(base + (_NBLK - 2) * _BLK, 0).wait()
    out_copy(base + (_NBLK - 1) * _BLK, 1).wait()


@functools.partial(
    pl.kernel,
    out_type=jax.ShapeDtypeStruct((_B * _NBINS,), jnp.float32),
    mesh=plsc.VectorSubcoreMesh(core_axis_name="c", subcore_axis_name="s"),
    compiler_params=pltpu.CompilerParams(needs_layout_passes=False),
    scratch_types=[
        pltpu.VMEM((_BLK, _L), jnp.int32),
        pltpu.VMEM((_BLK, _L), jnp.int32),
        pltpu.VMEM((_BLK, _L), jnp.int32),
        pltpu.VMEM((_BLK, _L), jnp.int32),
        pltpu.VMEM((_BLK, _L), jnp.int32),
        pltpu.VMEM((_BLK, _L), jnp.int32),
        pltpu.VMEM((_BLK * _NBINS,), jnp.float32),
        pltpu.VMEM((_BLK * _NBINS,), jnp.float32),
        pltpu.SemaphoreType.DMA,
        pltpu.SemaphoreType.DMA,
        pltpu.SemaphoreType.DMA,
        pltpu.SemaphoreType.DMA,
    ],
)
def _sc_histogram(s_hbm, c_hbm, o_hbm, out_hbm, s0, c0, o0, s1, c1, o1,
                  cnt0, cnt1, isem0, isem1, osem0, osem1):
    _hist_body(s_hbm, c_hbm, o_hbm, out_hbm,
               ((s0, c0, o0), (s1, c1, o1)), (cnt0, cnt1),
               (isem0, isem1), (osem0, osem1))


_TILE = 512


def _mlp_kernel_body(cnt_ref, wf_ref, b1_ref, w2_ref, b2_ref, w3_ref, b3_ref,
                     out_ref):
    h = jnp.maximum(
        jnp.dot(cnt_ref[...], wf_ref[...], preferred_element_type=jnp.float32)
        + b1_ref[...], 0.0)
    h = jnp.maximum(
        jnp.dot(h, w2_ref[...], preferred_element_type=jnp.float32)
        + b2_ref[...], 0.0)
    out_ref[...] = (
        jnp.dot(h, w3_ref[...], preferred_element_type=jnp.float32)
        + b3_ref[...])


def kernel(style_ids, color_ids, occasion_ids, style_table, color_table,
           occasion_table, W1, b1, W2, b2, W3, b3):
    b = style_ids.shape[0]
    q = style_table.shape[1]
    wf = jnp.concatenate([
        style_table @ W1[:q],
        color_table @ W1[q:2 * q],
        occasion_table @ W1[2 * q:3 * q],
    ], axis=0) * (1.0 / _L)
    wf = jnp.pad(wf, ((0, _NBINS - wf.shape[0]), (0, 0)))

    counts = _sc_histogram(style_ids, color_ids,
                           occasion_ids).reshape(b, _NBINS)

    grid = (b // _TILE,)
    w_spec = lambda shape: pl.BlockSpec(shape, lambda i: (0,) * len(shape))
    return pl.pallas_call(
        _mlp_kernel_body,
        grid=grid,
        in_specs=[
            pl.BlockSpec((_TILE, _NBINS), lambda i: (i, 0)),
            w_spec((_NBINS, _D)),
            w_spec((1, _D)),
            w_spec((_D, _D)),
            w_spec((1, _D)),
            w_spec((_D, _D)),
            w_spec((1, _D)),
        ],
        out_specs=pl.BlockSpec((_TILE, _D), lambda i: (i, 0)),
        out_shape=jax.ShapeDtypeStruct((b, _D), jnp.float32),
    )(counts, wf, b1.reshape(1, _D), W2, b2.reshape(1, _D), W3,
      b3.reshape(1, _D))

# --- scband reference (transcript-rebuilt; emitter-appended) ---
"""Pipeline reference for scband-user-profile-encoder-58763742544890 (READ-ONLY COPY).

The authoritative reference and input builder live on the scoring server;
editing this copy changes nothing except your own understanding.
"""

import jax, jax.numpy as jnp
import numpy as np

B = 16384
L = 200
D = 256
Q = D // 4  # 64 per-field embedding dim
FUSE_IN = 3 * Q  # 192; NOTE: original torch code declares Linear(D, D) for the first fusion layer,
# which is shape-inconsistent with the 192-dim concat input and would error in torch.
# We implement the shape-consistent intended version: first Linear maps 192 -> 256.


def setup_inputs(seed: int = 0) -> dict:
    key = jax.random.key(seed)
    ks = jax.random.split(key, 12)
    style_ids = jax.random.randint(ks[0], (B, L), 0, 20, dtype=jnp.int32)
    color_ids = jax.random.randint(ks[1], (B, L), 0, 15, dtype=jnp.int32)
    occasion_ids = jax.random.randint(ks[2], (B, L), 0, 10, dtype=jnp.int32)
    style_table = jax.random.normal(ks[3], (20, Q), dtype=jnp.float32)
    color_table = jax.random.normal(ks[4], (15, Q), dtype=jnp.float32)
    occasion_table = jax.random.normal(ks[5], (10, Q), dtype=jnp.float32)
    W1 = jax.random.normal(ks[6], (FUSE_IN, D), dtype=jnp.float32) * (1.0 / np.sqrt(FUSE_IN))
    b1 = jnp.zeros((D,), dtype=jnp.float32)
    W2 = jax.random.normal(ks[7], (D, D), dtype=jnp.float32) * (1.0 / np.sqrt(D))
    b2 = jnp.zeros((D,), dtype=jnp.float32)
    W3 = jax.random.normal(ks[8], (D, D), dtype=jnp.float32) * (1.0 / np.sqrt(D))
    b3 = jnp.zeros((D,), dtype=jnp.float32)
    return {
        'style_ids': style_ids,
        'color_ids': color_ids,
        'occasion_ids': occasion_ids,
        'style_table': style_table,
        'color_table': color_table,
        'occasion_table': occasion_table,
        'W1': W1, 'b1': b1, 'W2': W2, 'b2': b2, 'W3': W3, 'b3': b3,
    }


def reference(style_ids, color_ids, occasion_ids, style_table, color_table, occasion_table, W1, b1, W2, b2, W3, b3):
    # embedding lookups (gather) + mean over history length (dim=1)
    style_emb = jnp.take(style_table, style_ids, axis=0).mean(axis=1)        # [B, Q]
    color_emb = jnp.take(color_table, color_ids, axis=0).mean(axis=1)        # [B, Q]
    occasion_emb = jnp.take(occasion_table, occasion_ids, axis=0).mean(axis=1)  # [B, Q]
    combined = jnp.concatenate([style_emb, color_emb, occasion_emb], axis=1)  # [B, 192]
    # fusion MLP: Linear -> ReLU -> Dropout(eval: identity) -> Linear -> ReLU -> Linear
    h = jax.nn.relu(combined @ W1 + b1)
    h = jax.nn.relu(h @ W2 + b2)
    user_profile = h @ W3 + b3
    return user_profile

if __name__ == "__main__":
    import jax
    _d = setup_inputs()
    print(jax.jit(kernel)(*tuple(_d.values())))

</pallas_src>

<mosaic_0001>
#map = affine_map<(d0, d1) -> (0, 0)>
#map1 = affine_map<(d0, d1) -> (0)>
module attributes {stable_mosaic.version = 14 : i64} {
  func.func @_sc_histogram(%arg0: i32, %arg1: i32, %arg2: memref<16384x200xi32, #tpu.memory_space<hbm>>, %arg3: memref<16384x200xi32, #tpu.memory_space<hbm>>, %arg4: memref<16384x200xi32, #tpu.memory_space<hbm>>, %arg5: memref<786432xf32, #tpu.memory_space<hbm>>, %arg6: memref<64x200xi32, #tpu.memory_space<vmem>>, %arg7: memref<64x200xi32, #tpu.memory_space<vmem>>, %arg8: memref<64x200xi32, #tpu.memory_space<vmem>>, %arg9: memref<64x200xi32, #tpu.memory_space<vmem>>, %arg10: memref<64x200xi32, #tpu.memory_space<vmem>>, %arg11: memref<64x200xi32, #tpu.memory_space<vmem>>, %arg12: memref<3072xf32, #tpu.memory_space<vmem>>, %arg13: memref<3072xf32, #tpu.memory_space<vmem>>, %arg14: memref<!tpu.dma_semaphore, #tpu.memory_space<semaphore_mem>>, %arg15: memref<!tpu.dma_semaphore, #tpu.memory_space<semaphore_mem>>, %arg16: memref<!tpu.dma_semaphore, #tpu.memory_space<semaphore_mem>>, %arg17: memref<!tpu.dma_semaphore, #tpu.memory_space<semaphore_mem>>) attributes {dimension_semantics = [#tpu.dimension_semantics<core_parallel>, #tpu.dimension_semantics<subcore_parallel>], iteration_bounds = array<i64: 2, 16>, scalar_prefetch = 0 : i64, scratch_operands = 12 : i64, tpu.core_type = #tpu.core_type<sc_vector_subcore>, window_params = [{transform_indices = #map}, {transform_indices = #map}, {transform_indices = #map}, {transform_indices = #map1}]} {
    %mul3A = arith.constant 2 : i32
    %mul3A_0 = arith.muli %arg1, %mul3A : i32
    %add3A = arith.addi %mul3A_0, %arg0 : i32
    %mul3A_1 = arith.constant 512 : i32
    %mul3A_2 = arith.muli %add3A, %mul3A_1 : i32
    %broadcast_in_dim3A = arith.constant 1.000000e+00 : f32
    %broadcast_in_dim3A_3 = vector.broadcast %broadcast_in_dim3A : f32 to vector<16xf32>
    %broadcast_in_dim3A_4 = arith.constant 0.000000e+00 : f32
    %broadcast_in_dim3A_5 = vector.broadcast %broadcast_in_dim3A_4 : f32 to vector<16xf32>
    %iota3A = tpu.iota {dimensions = array<i32: 0>} : vector<16xi32>
    %ge3A = arith.constant 8 : i32
    %ge3A_6 = vector.broadcast %ge3A : i32 to vector<16xi32>
    %ge3A_7 = arith.cmpi sge, %iota3A, %ge3A_6 : vector<16xi32>
    %dma_start3A = arith.constant 0 : i32
    %dma_start3A_8 = tpu.memref_slice %arg2[%mul3A_2, %dma_start3A] : memref<16384x200xi32, #tpu.memory_space<hbm>> -> memref<64x200xi32, #tpu.memory_space<hbm>>
    %dma_start3A_9 = arith.constant 0 : i32
    %dma_start3A_10 = tpu.memref_slice %arg2[%mul3A_2, %dma_start3A_9] : memref<16384x200xi32, #tpu.memory_space<hbm>> -> memref<64x200xi32, #tpu.memory_space<hbm>>
    tpu.enqueue_dma source(%dma_start3A_10 : memref<64x200xi32, #tpu.memory_space<hbm>>) target(%arg6 : memref<64x200xi32, #tpu.memory_space<vmem>>) target_semaphore(%arg14 : memref<!tpu.dma_semaphore, #tpu.memory_space<semaphore_mem>>)
    %dma_start3A_11 = arith.constant 0 : i32
    %dma_start3A_12 = tpu.memref_slice %arg3[%mul3A_2, %dma_start3A_11] : memref<16384x200xi32, #tpu.memory_space<hbm>> -> memref<64x200xi32, #tpu.memory_space<hbm>>
    %dma_start3A_13 = arith.constant 0 : i32
    %dma_start3A_14 = tpu.memref_slice %arg3[%mul3A_2, %dma_start3A_13] : memref<16384x200xi32, #tpu.memory_space<hbm>> -> memref<64x200xi32, #tpu.memory_space<hbm>>
    tpu.enqueue_dma source(%dma_start3A_14 : memref<64x200xi32, #tpu.memory_space<hbm>>) target(%arg7 : memref<64x200xi32, #tpu.memory_space<vmem>>) target_semaphore(%arg14 : memref<!tpu.dma_semaphore, #tpu.memory_space<semaphore_mem>>)
    %dma_start3A_15 = arith.constant 0 : i32
    %dma_start3A_16 = tpu.memref_slice %arg4[%mul3A_2, %dma_start3A_15] : memref<16384x200xi32, #tpu.memory_space<hbm>> -> memref<64x200xi32, #tpu.memory_space<hbm>>
    %dma_start3A_17 = arith.constant 0 : i32
    %dma_start3A_18 = tpu.memref_slice %arg4[%mul3A_2, %dma_start3A_17] : memref<16384x200xi32, #tpu.memory_space<hbm>> -> memref<64x200xi32, #tpu.memory_space<hbm>>
    tpu.enqueue_dma source(%dma_start3A_18 : memref<64x200xi32, #tpu.memory_space<hbm>>) target(%arg8 : memref<64x200xi32, #tpu.memory_space<vmem>>) target_semaphore(%arg14 : memref<!tpu.dma_semaphore, #tpu.memory_space<semaphore_mem>>)
    %add3A_19 = arith.constant 64 : i32
    %add3A_20 = arith.addi %mul3A_2, %add3A_19 : i32
    %dma_start3A_21 = arith.constant 0 : i32
    %dma_start3A_22 = tpu.memref_slice %arg2[%add3A_20, %dma_start3A_21] : memref<16384x200xi32, #tpu.memory_space<hbm>> -> memref<64x200xi32, #tpu.memory_space<hbm>>
    %dma_start3A_23 = arith.constant 0 : i32
    %dma_start3A_24 = tpu.memref_slice %arg2[%add3A_20, %dma_start3A_23] : memref<16384x200xi32, #tpu.memory_space<hbm>> -> memref<64x200xi32, #tpu.memory_space<hbm>>
    tpu.enqueue_dma source(%dma_start3A_24 : memref<64x200xi32, #tpu.memory_space<hbm>>) target(%arg9 : memref<64x200xi32, #tpu.memory_space<vmem>>) target_semaphore(%arg15 : memref<!tpu.dma_semaphore, #tpu.memory_space<semaphore_mem>>)
    %dma_start3A_25 = arith.constant 0 : i32
    %dma_start3A_26 = tpu.memref_slice %arg3[%add3A_20, %dma_start3A_25] : memref<16384x200xi32, #tpu.memory_space<hbm>> -> memref<64x200xi32, #tpu.memory_space<hbm>>
    %dma_start3A_27 = arith.constant 0 : i32
    %dma_start3A_28 = tpu.memref_slice %arg3[%add3A_20, %dma_start3A_27] : memref<16384x200xi32, #tpu.memory_space<hbm>> -> memref<64x200xi32, #tpu.memory_space<hbm>>
    tpu.enqueue_dma source(%dma_start3A_28 : memref<64x200xi32, #tpu.memory_space<hbm>>) target(%arg10 : memref<64x200xi32, #tpu.memory_space<vmem>>) target_semaphore(%arg15 : memref<!tpu.dma_semaphore, #tpu.memory_space<semaphore_mem>>)
    %dma_start3A_29 = arith.constant 0 : i32
    %dma_start3A_30 = tpu.memref_slice %arg4[%add3A_20, %dma_start3A_29] : memref<16384x200xi32, #tpu.memory_space<hbm>> -> memref<64x200xi32, #tpu.memory_space<hbm>>
    %dma_start3A_31 = arith.constant 0 : i32
    %dma_start3A_32 = tpu.memref_slice %arg4[%add3A_20, %dma_start3A_31] : memref<16384x200xi32, #tpu.memory_space<hbm>> -> memref<64x200xi32, #tpu.memory_space<hbm>>
    tpu.enqueue_dma source(%dma_start3A_32 : memref<64x200xi32, #tpu.memory_space<hbm>>) target(%arg11 : memref<64x200xi32, #tpu.memory_space<vmem>>) target_semaphore(%arg15 : memref<!tpu.dma_semaphore, #tpu.memory_space<semaphore_mem>>)
    %scan3A = arith.constant 0 : i32
    %scan3A_33 = arith.constant 0 : i32
    %scan3A_34 = arith.constant 4 : i32
    %scan3A_35 = arith.addi %scan3A_33, %scan3A_34 : i32
    %scan3A_36 = arith.constant 1 : i32
    scf.for %scan3A_49 = %scan3A_33 to %scan3A_35 step %scan3A_36  : i32 {
      %mul3A_50 = arith.constant 2 : i32
      %mul3A_51 = arith.muli %mul3A_50, %scan3A_49 : i32
      %add3A_52 = arith.constant 0 : i32
      %add3A_53 = arith.addi %mul3A_51, %add3A_52 : i32
      %mul3A_54 = arith.constant 64 : i32
      %mul3A_55 = arith.muli %add3A_53, %mul3A_54 : i32
      %add3A_56 = arith.addi %mul3A_2, %mul3A_55 : i32
      %dma_wait3A_57 = arith.constant 0 : i32
      %dma_wait3A_58 = tpu.memref_slice %arg2[%add3A_56, %dma_wait3A_57] : memref<16384x200xi32, #tpu.memory_space<hbm>> -> memref<64x200xi32, #tpu.memory_space<hbm>>
      %dma_wait3A_59 = arith.constant 0 : i32
      %dma_wait3A_60 = tpu.memref_slice %arg2[%add3A_56, %dma_wait3A_59] : memref<16384x200xi32, #tpu.memory_space<hbm>> -> memref<64x200xi32, #tpu.memory_space<hbm>>
      tpu.wait_dma2 semaphore(%arg14 : memref<!tpu.dma_semaphore, #tpu.memory_space<semaphore_mem>>) src(%dma_wait3A_60 : memref<64x200xi32, #tpu.memory_space<hbm>>) dst(%arg6 : memref<64x200xi32, #tpu.memory_space<vmem>>)
      %dma_wait3A_61 = arith.constant 0 : i32
      %dma_wait3A_62 = tpu.memref_slice %arg3[%add3A_56, %dma_wait3A_61] : memref<16384x200xi32, #tpu.memory_space<hbm>> -> memref<64x200xi32, #tpu.memory_space<hbm>>
      %dma_wait3A_63 = arith.constant 0 : i32
      %dma_wait3A_64 = tpu.memref_slice %arg3[%add3A_56, %dma_wait3A_63] : memref<16384x200xi32, #tpu.memory_space<hbm>> -> memref<64x200xi32, #tpu.memory_space<hbm>>
      tpu.wait_dma2 semaphore(%arg14 : memref<!tpu.dma_semaphore, #tpu.memory_space<semaphore_mem>>) src(%dma_wait3A_64 : memref<64x200xi32, #tpu.memory_space<hbm>>) dst(%arg7 : memref<64x200xi32, #tpu.memory_space<vmem>>)
      %dma_wait3A_65 = arith.constant 0 : i32
      %dma_wait3A_66 = tpu.memref_slice %arg4[%add3A_56, %dma_wait3A_65] : memref<16384x200xi32, #tpu.memory_space<hbm>> -> memref<64x200xi32, #tpu.memory_space<hbm>>
      %dma_wait3A_67 = arith.constant 0 : i32
      %dma_wait3A_68 = tpu.memref_slice %arg4[%add3A_56, %dma_wait3A_67] : memref<16384x200xi32, #tpu.memory_space<hbm>> -> memref<64x200xi32, #tpu.memory_space<hbm>>
      tpu.wait_dma2 semaphore(%arg14 : memref<!tpu.dma_semaphore, #tpu.memory_space<semaphore_mem>>) src(%dma_wait3A_68 : memref<64x200xi32, #tpu.memory_space<hbm>>) dst(%arg8 : memref<64x200xi32, #tpu.memory_space<vmem>>)
      %gt3A = arith.constant 0 : i32
      %gt3A_69 = arith.cmpi sgt, %scan3A_49, %gt3A : i32
      %convert_element_type3A = arith.extui %gt3A_69 : i1 to i32
      %cond3A = arith.constant 0 : i32
      %cond3A_70 = arith.cmpi ne, %convert_element_type3A, %cond3A : i32
      scf.if %cond3A_70 {
        %sub3A = arith.constant 128 : i32
        %sub3A_123 = arith.subi %add3A_56, %sub3A : i32
        %mul3A_124 = arith.constant 48 : i32
        %mul3A_125 = arith.muli %sub3A_123, %mul3A_124 : i32
        %dma_wait3A_126 = tpu.memref_slice %arg5[%mul3A_125] : memref<786432xf32, #tpu.memory_space<hbm>> -> memref<3072xf32, #tpu.memory_space<hbm>>
        %dma_wait3A_127 = tpu.memref_slice %arg5[%mul3A_125] : memref<786432xf32, #tpu.memory_space<hbm>> -> memref<3072xf32, #tpu.memory_space<hbm>>
        tpu.wait_dma2 semaphore(%arg16 : memref<!tpu.dma_semaphore, #tpu.memory_space<semaphore_mem>>) src(%arg12 : memref<3072xf32, #tpu.memory_space<vmem>>) dst(%dma_wait3A_127 : memref<3072xf32, #tpu.memory_space<hbm>>)
      } else {
      }
      %parallel_loop3A = arith.constant 0 : i32
      %parallel_loop3A_71 = arith.constant 192 : i32
      %parallel_loop3A_72 = arith.constant 1 : i32
      scf.for %parallel_loop3A_123 = %parallel_loop3A to %parallel_loop3A_71 step %parallel_loop3A_72  : i32 {
        %parallel_loop3A_124 = arith.constant 16 : i32
        %parallel_loop3A_125 = arith.muli %parallel_loop3A_123, %parallel_loop3A_124 : i32
        %parallel_loop3A_126 = arith.index_cast %parallel_loop3A_125 : i32 to index
        %parallel_loop3A_127 = tpu.vector_load %arg12[%parallel_loop3A_126] {strides = array<i32>} : memref<3072xf32, #tpu.memory_space<vmem>>, vector<16xf32>,
        tpu.vector_store %arg12[%parallel_loop3A_126], %broadcast_in_dim3A_5 {strides = array<i32>} : memref<3072xf32, #tpu.memory_space<vmem>>, vector<16xf32>,
      } {sc.loop_unroll_factor = 1 : i64, sc.parallel_access}
      %parallel_loop3A_73 = arith.constant 0 : i32
      %parallel_loop3A_74 = arith.constant 64 : i32
      %parallel_loop3A_75 = arith.constant 1 : i32
      scf.for %parallel_loop3A_123 = %parallel_loop3A_73 to %parallel_loop3A_74 step %parallel_loop3A_75  : i32 {
        %parallel_loop3A_124 = arith.constant 48 : i32
        %parallel_loop3A_125 = arith.muli %parallel_loop3A_123, %parallel_loop3A_124 : i32
        %parallel_loop3A_126 = arith.index_cast %parallel_loop3A_123 : i32 to index
        %parallel_loop3A_127 = arith.constant 0 : index
        %parallel_loop3A_128 = tpu.vector_load %arg6[%parallel_loop3A_126, %parallel_loop3A_127] {strides = array<i32>} : memref<64x200xi32, #tpu.memory_space<vmem>>, vector<16xi32>,
        %parallel_loop3A_129 = arith.constant 0 : i32
        %parallel_loop3A_130 = arith.addi %parallel_loop3A_125, %parallel_loop3A_129 : i32
        %parallel_loop3A_131 = vector.broadcast %parallel_loop3A_130 : i32 to vector<16xi32>
        %parallel_loop3A_132 = arith.addi %parallel_loop3A_128, %parallel_loop3A_131 : vector<16xi32>
        tpu.vector_store_idx %arg12[%parallel_loop3A_132], %broadcast_in_dim3A_3 {add = true} : memref<3072xf32, #tpu.memory_space<vmem>>[vector<16xi32>], vector<16xf32>,
        %parallel_loop3A_133 = arith.index_cast %parallel_loop3A_123 : i32 to index
        %parallel_loop3A_134 = arith.constant 16 : index
        %parallel_loop3A_135 = tpu.vector_load %arg6[%parallel_loop3A_133, %parallel_loop3A_134] {strides = array<i32>} : memref<64x200xi32, #tpu.memory_space<vmem>>, vector<16xi32>,
        %parallel_loop3A_136 = arith.constant 0 : i32
        %parallel_loop3A_137 = arith.addi %parallel_loop3A_125, %parallel_loop3A_136 : i32
        %parallel_loop3A_138 = vector.broadcast %parallel_loop3A_137 : i32 to vector<16xi32>
        %parallel_loop3A_139 = arith.addi %parallel_loop3A_135, %parallel_loop3A_138 : vector<16xi32>
        tpu.vector_store_idx %arg12[%parallel_loop3A_139], %broadcast_in_dim3A_3 {add = true} : memref<3072xf32, #tpu.memory_space<vmem>>[vector<16xi32>], vector<16xf32>,
        %parallel_loop3A_140 = arith.index_cast %parallel_loop3A_123 : i32 to index
        %parallel_loop3A_141 = arith.constant 32 : index
        %parallel_loop3A_142 = tpu.vector_load %arg6[%parallel_loop3A_140, %parallel_loop3A_141] {strides = array<i32>} : memref<64x200xi32, #tpu.memory_space<vmem>>, vector<16xi32>,
        %parallel_loop3A_143 = arith.constant 0 : i32
        %parallel_loop3A_144 = arith.addi %parallel_loop3A_125, %parallel_loop3A_143 : i32
        %parallel_loop3A_145 = vector.broadcast %parallel_loop3A_144 : i32 to vector<16xi32>
        %parallel_loop3A_146 = arith.addi %parallel_loop3A_142, %parallel_loop3A_145 : vector<16xi32>
        tpu.vector_store_idx %arg12[%parallel_loop3A_146], %broadcast_in_dim3A_3 {add = true} : memref<3072xf32, #tpu.memory_space<vmem>>[vector<16xi32>], vector<16xf32>,
        %parallel_loop3A_147 = arith.index_cast %parallel_loop3A_123 : i32 to index
        %parallel_loop3A_148 = arith.constant 48 : index
        %parallel_loop3A_149 = tpu.vector_load %arg6[%parallel_loop3A_147, %parallel_loop3A_148] {strides = array<i32>} : memref<64x200xi32, #tpu.memory_space<vmem>>, vector<16xi32>,
        %parallel_loop3A_150 = arith.constant 0 : i32
        %parallel_loop3A_151 = arith.addi %parallel_loop3A_125, %parallel_loop3A_150 : i32
        %parallel_loop3A_152 = vector.broadcast %parallel_loop3A_151 : i32 to vector<16xi32>
        %parallel_loop3A_153 = arith.addi %parallel_loop3A_149, %parallel_loop3A_152 : vector<16xi32>
        tpu.vector_store_idx %arg12[%parallel_loop3A_153], %broadcast_in_dim3A_3 {add = true} : memref<3072xf32, #tpu.memory_space<vmem>>[vector<16xi32>], vector<16xf32>,
        %parallel_loop3A_154 = arith.index_cast %parallel_loop3A_123 : i32 to index
        %parallel_loop3A_155 = arith.constant 64 : index
        %parallel_loop3A_156 = tpu.vector_load %arg6[%parallel_loop3A_154, %parallel_loop3A_155] {strides = array<i32>} : memref<64x200xi32, #tpu.memory_space<vmem>>, vector<16xi32>,
        %parallel_loop3A_157 = arith.constant 0 : i32
        %parallel_loop3A_158 = arith.addi %parallel_loop3A_125, %parallel_loop3A_157 : i32
        %parallel_loop3A_159 = vector.broadcast %parallel_loop3A_158 : i32 to vector<16xi32>
        %parallel_loop3A_160 = arith.addi %parallel_loop3A_156, %parallel_loop3A_159 : vector<16xi32>
        tpu.vector_store_idx %arg12[%parallel_loop3A_160], %broadcast_in_dim3A_3 {add = true} : memref<3072xf32, #tpu.memory_space<vmem>>[vector<16xi32>], vector<16xf32>,
        %parallel_loop3A_161 = arith.index_cast %parallel_loop3A_123 : i32 to index
        %parallel_loop3A_162 = arith.constant 80 : index
        %parallel_loop3A_163 = tpu.vector_load %arg6[%parallel_loop3A_161, %parallel_loop3A_162] {strides = array<i32>} : memref<64x200xi32, #tpu.memory_space<vmem>>, vector<16xi32>,
        %parallel_loop3A_164 = arith.constant 0 : i32
        %parallel_loop3A_165 = arith.addi %parallel_loop3A_125, %parallel_loop3A_164 : i32
        %parallel_loop3A_166 = vector.broadcast %parallel_loop3A_165 : i32 to vector<16xi32>
        %parallel_loop3A_167 = arith.addi %parallel_loop3A_163, %parallel_loop3A_166 : vector<16xi32>
        tpu.vector_store_idx %arg12[%parallel_loop3A_167], %broadcast_in_dim3A_3 {add = true} : memref<3072xf32, #tpu.memory_space<vmem>>[vector<16xi32>], vector<16xf32>,
        %parallel_loop3A_168 = arith.index_cast %parallel_loop3A_123 : i32 to index
        %parallel_loop3A_169 = arith.constant 96 : index
        %parallel_loop3A_170 = tpu.vector_load %arg6[%parallel_loop3A_168, %parallel_loop3A_169] {strides = array<i32>} : memref<64x200xi32, #tpu.memory_space<vmem>>, vector<16xi32>,
        %parallel_loop3A_171 = arith.constant 0 : i32
        %parallel_loop3A_172 = arith.addi %parallel_loop3A_125, %parallel_loop3A_171 : i32
        %parallel_loop3A_173 = vector.broadcast %parallel_loop3A_172 : i32 to vector<16xi32>
        %parallel_loop3A_174 = arith.addi %parallel_loop3A_170, %parallel_loop3A_173 : vector<16xi32>
        tpu.vector_store_idx %arg12[%parallel_loop3A_174], %broadcast_in_dim3A_3 {add = true} : memref<3072xf32, #tpu.memory_space<vmem>>[vector<16xi32>], vector<16xf32>,
        %parallel_loop3A_175 = arith.index_cast %parallel_loop3A_123 : i32 to index
        %parallel_loop3A_176 = arith.constant 112 : index
        %parallel_loop3A_177 = tpu.vector_load %arg6[%parallel_loop3A_175, %parallel_loop3A_176] {strides = array<i32>} : memref<64x200xi32, #tpu.memory_space<vmem>>, vector<16xi32>,
        %parallel_loop3A_178 = arith.constant 0 : i32
        %parallel_loop3A_179 = arith.addi %parallel_loop3A_125, %parallel_loop3A_178 : i32
        %parallel_loop3A_180 = vector.broadcast %parallel_loop3A_179 : i32 to vector<16xi32>
        %parallel_loop3A_181 = arith.addi %parallel_loop3A_177, %parallel_loop3A_180 : vector<16xi32>
        tpu.vector_store_idx %arg12[%parallel_loop3A_181], %broadcast_in_dim3A_3 {add = true} : memref<3072xf32, #tpu.memory_space<vmem>>[vector<16xi32>], vector<16xf32>,
        %parallel_loop3A_182 = arith.index_cast %parallel_loop3A_123 : i32 to index
        %parallel_loop3A_183 = arith.constant 128 : index
        %parallel_loop3A_184 = tpu.vector_load %arg6[%parallel_loop3A_182, %parallel_loop3A_183] {strides = array<i32>} : memref<64x200xi32, #tpu.memory_space<vmem>>, vector<16xi32>,
        %parallel_loop3A_185 = arith.constant 0 : i32
        %parallel_loop3A_186 = arith.addi %parallel_loop3A_125, %parallel_loop3A_185 : i32
        %parallel_loop3A_187 = vector.broadcast %parallel_loop3A_186 : i32 to vector<16xi32>
        %parallel_loop3A_188 = arith.addi %parallel_loop3A_184, %parallel_loop3A_187 : vector<16xi32>
        tpu.vector_store_idx %arg12[%parallel_loop3A_188], %broadcast_in_dim3A_3 {add = true} : memref<3072xf32, #tpu.memory_space<vmem>>[vector<16xi32>], vector<16xf32>,
        %parallel_loop3A_189 = arith.index_cast %parallel_loop3A_123 : i32 to index
        %parallel_loop3A_190 = arith.constant 144 : index
        %parallel_loop3A_191 = tpu.vector_load %arg6[%parallel_loop3A_189, %parallel_loop3A_190] {strides = array<i32>} : memref<64x200xi32, #tpu.memory_space<vmem>>, vector<16xi32>,
        %parallel_loop3A_192 = arith.constant 0 : i32
        %parallel_loop3A_193 = arith.addi %parallel_loop3A_125, %parallel_loop3A_192 : i32
        %parallel_loop3A_194 = vector.broadcast %parallel_loop3A_193 : i32 to vector<16xi32>
        %parallel_loop3A_195 = arith.addi %parallel_loop3A_191, %parallel_loop3A_194 : vector<16xi32>
        tpu.vector_store_idx %arg12[%parallel_loop3A_195], %broadcast_in_dim3A_3 {add = true} : memref<3072xf32, #tpu.memory_space<vmem>>[vector<16xi32>], vector<16xf32>,
        %parallel_loop3A_196 = arith.index_cast %parallel_loop3A_123 : i32 to index
        %parallel_loop3A_197 = arith.constant 160 : index
        %parallel_loop3A_198 = tpu.vector_load %arg6[%parallel_loop3A_196, %parallel_loop3A_197] {strides = array<i32>} : memref<64x200xi32, #tpu.memory_space<vmem>>, vector<16xi32>,
        %parallel_loop3A_199 = arith.constant 0 : i32
        %parallel_loop3A_200 = arith.addi %parallel_loop3A_125, %parallel_loop3A_199 : i32
        %parallel_loop3A_201 = vector.broadcast %parallel_loop3A_200 : i32 to vector<16xi32>
        %parallel_loop3A_202 = arith.addi %parallel_loop3A_198, %parallel_loop3A_201 : vector<16xi32>
        tpu.vector_store_idx %arg12[%parallel_loop3A_202], %broadcast_in_dim3A_3 {add = true} : memref<3072xf32, #tpu.memory_space<vmem>>[vector<16xi32>], vector<16xf32>,
        %parallel_loop3A_203 = arith.index_cast %parallel_loop3A_123 : i32 to index
        %parallel_loop3A_204 = arith.constant 176 : index
        %parallel_loop3A_205 = tpu.vector_load %arg6[%parallel_loop3A_203, %parallel_loop3A_204] {strides = array<i32>} : memref<64x200xi32, #tpu.memory_space<vmem>>, vector<16xi32>,
        %parallel_loop3A_206 = arith.constant 0 : i32
        %parallel_loop3A_207 = arith.addi %parallel_loop3A_125, %parallel_loop3A_206 : i32
        %parallel_loop3A_208 = vector.broadcast %parallel_loop3A_207 : i32 to vector<16xi32>
        %parallel_loop3A_209 = arith.addi %parallel_loop3A_205, %parallel_loop3A_208 : vector<16xi32>
        tpu.vector_store_idx %arg12[%parallel_loop3A_209], %broadcast_in_dim3A_3 {add = true} : memref<3072xf32, #tpu.memory_space<vmem>>[vector<16xi32>], vector<16xf32>,
        %parallel_loop3A_210 = arith.index_cast %parallel_loop3A_123 : i32 to index
        %parallel_loop3A_211 = arith.constant 184 : index
        %parallel_loop3A_212 = tpu.vector_load %arg6[%parallel_loop3A_210, %parallel_loop3A_211] {strides = array<i32>} : memref<64x200xi32, #tpu.memory_space<vmem>>, vector<16xi32>,
        %parallel_loop3A_213 = arith.constant 0 : i32
        %parallel_loop3A_214 = arith.addi %parallel_loop3A_125, %parallel_loop3A_213 : i32
        %parallel_loop3A_215 = vector.broadcast %parallel_loop3A_214 : i32 to vector<16xi32>
        %parallel_loop3A_216 = arith.addi %parallel_loop3A_212, %parallel_loop3A_215 : vector<16xi32>
        tpu.vector_store_idx %arg12[%parallel_loop3A_216], %broadcast_in_dim3A_3 masked %ge3A_7 {add = true} : memref<3072xf32, #tpu.memory_space<vmem>>[vector<16xi32>], vector<16xf32>, vector<16xi1>
        %parallel_loop3A_217 = arith.index_cast %parallel_loop3A_123 : i32 to index
        %parallel_loop3A_218 = arith.constant 0 : index
        %parallel_loop3A_219 = tpu.vector_load %arg7[%parallel_loop3A_217, %parallel_loop3A_218] {strides = array<i32>} : memref<64x200xi32, #tpu.memory_space<vmem>>, vector<16xi32>,
        %parallel_loop3A_220 = arith.constant 20 : i32
        %parallel_loop3A_221 = arith.addi %parallel_loop3A_125, %parallel_loop3A_220 : i32
        %parallel_loop3A_222 = vector.broadcast %parallel_loop3A_221 : i32 to vector<16xi32>
        %parallel_loop3A_223 = arith.addi %parallel_loop3A_219, %parallel_loop3A_222 : vector<16xi32>
        tpu.vector_store_idx %arg12[%parallel_loop3A_223], %broadcast_in_dim3A_3 {add = true} : memref<3072xf32, #tpu.memory_space<vmem>>[vector<16xi32>], vector<16xf32>,
        %parallel_loop3A_224 = arith.index_cast %parallel_loop3A_123 : i32 to index
        %parallel_loop3A_225 = arith.constant 16 : index
        %parallel_loop3A_226 = tpu.vector_load %arg7[%parallel_loop3A_224, %parallel_loop3A_225] {strides = array<i32>} : memref<64x200xi32, #tpu.memory_space<vmem>>, vector<16xi32>,
        %parallel_loop3A_227 = arith.constant 20 : i32
        %parallel_loop3A_228 = arith.addi %parallel_loop3A_125, %parallel_loop3A_227 : i32
        %parallel_loop3A_229 = vector.broadcast %parallel_loop3A_228 : i32 to vector<16xi32>
        %parallel_loop3A_230 = arith.addi %parallel_loop3A_226, %parallel_loop3A_229 : vector<16xi32>
        tpu.vector_store_idx %arg12[%parallel_loop3A_230], %broadcast_in_dim3A_3 {add = true} : memref<3072xf32, #tpu.memory_space<vmem>>[vector<16xi32>], vector<16xf32>,
        %parallel_loop3A_231 = arith.index_cast %parallel_loop3A_123 : i32 to index
        %parallel_loop3A_232 = arith.constant 32 : index
        %parallel_loop3A_233 = tpu.vector_load %arg7[%parallel_loop3A_231, %parallel_loop3A_232] {strides = array<i32>} : memref<64x200xi32, #tpu.memory_space<vmem>>, vector<16xi32>,
        %parallel_loop3A_234 = arith.constant 20 : i32
        %parallel_loop3A_235 = arith.addi %parallel_loop3A_125, %parallel_loop3A_234 : i32
        %parallel_loop3A_236 = vector.broadcast %parallel_loop3A_235 : i32 to vector<16xi32>
        %parallel_loop3A_237 = arith.addi %parallel_loop3A_233, %parallel_loop3A_236 : vector<16xi32>
        tpu.vector_store_idx %arg12[%parallel_loop3A_237], %broadcast_in_dim3A_3 {add = true} : memref<3072xf32, #tpu.memory_space<vmem>>[vector<16xi32>], vector<16xf32>,
        %parallel_loop3A_238 = arith.index_cast %parallel_loop3A_123 : i32 to index
        %parallel_loop3A_239 = arith.constant 48 : index
        %parallel_loop3A_240 = tpu.vector_load %arg7[%parallel_loop3A_238, %parallel_loop3A_239] {strides = array<i32>} : memref<64x200xi32, #tpu.memory_space<vmem>>, vector<16xi32>,
        %parallel_loop3A_241 = arith.constant 20 : i32
        %parallel_loop3A_242 = arith.addi %parallel_loop3A_125, %parallel_loop3A_241 : i32
        %parallel_loop3A_243 = vector.broadcast %parallel_loop3A_242 : i32 to vector<16xi32>
        %parallel_loop3A_244 = arith.addi %parallel_loop3A_240, %parallel_loop3A_243 : vector<16xi32>
        tpu.vector_store_idx %arg12[%parallel_loop3A_244], %broadcast_in_dim3A_3 {add = true} : memref<3072xf32, #tpu.memory_space<vmem>>[vector<16xi32>], vector<16xf32>,
        %parallel_loop3A_245 = arith.index_cast %parallel_loop3A_123 : i32 to index
        %parallel_loop3A_246 = arith.constant 64 : index
        %parallel_loop3A_247 = tpu.vector_load %arg7[%parallel_loop3A_245, %parallel_loop3A_246] {strides = array<i32>} : memref<64x200xi32, #tpu.memory_space<vmem>>, vector<16xi32>,
        %parallel_loop3A_248 = arith.constant 20 : i32
        %parallel_loop3A_249 = arith.addi %parallel_loop3A_125, %parallel_loop3A_248 : i32
        %parallel_loop3A_250 = vector.broadcast %parallel_loop3A_249 : i32 to vector<16xi32>
        %parallel_loop3A_251 = arith.addi %parallel_loop3A_247, %parallel_loop3A_250 : vector<16xi32>
        tpu.vector_store_idx %arg12[%parallel_loop3A_251], %broadcast_in_dim3A_3 {add = true} : memref<3072xf32, #tpu.memory_space<vmem>>[vector<16xi32>], vector<16xf32>,
        %parallel_loop3A_252 = arith.index_cast %parallel_loop3A_123 : i32 to index
        %parallel_loop3A_253 = arith.constant 80 : index
        %parallel_loop3A_254 = tpu.vector_load %arg7[%parallel_loop3A_252, %parallel_loop3A_253] {strides = array<i32>} : memref<64x200xi32, #tpu.memory_space<vmem>>, vector<16xi32>,
        %parallel_loop3A_255 = arith.constant 20 : i32
        %parallel_loop3A_256 = arith.addi %parallel_loop3A_125, %parallel_loop3A_255 : i32
        %parallel_loop3A_257 = vector.broadcast %parallel_loop3A_256 : i32 to vector<16xi32>
        %parallel_loop3A_258 = arith.addi %parallel_loop3A_254, %parallel_loop3A_257 : vector<16xi32>
        tpu.vector_store_idx %arg12[%parallel_loop3A_258], %broadcast_in_dim3A_3 {add = true} : memref<3072xf32, #tpu.memory_space<vmem>>[vector<16xi32>], vector<16xf32>,
        %parallel_loop3A_259 = arith.index_cast %parallel_loop3A_123 : i32 to index
        %parallel_loop3A_260 = arith.constant 96 : index
        %parallel_loop3A_261 = tpu.vector_load %arg7[%parallel_loop3A_259, %parallel_loop3A_260] {strides = array<i32>} : memref<64x200xi32, #tpu.memory_space<vmem>>, vector<16xi32>,
        %parallel_loop3A_262 = arith.constant 20 : i32
        %parallel_loop3A_263 = arith.addi %parallel_loop3A_125, %parallel_loop3A_262 : i32
        %parallel_loop3A_264 = vector.broadcast %parallel_loop3A_263 : i32 to vector<16xi32>
        %parallel_loop3A_265 = arith.addi %parallel_loop3A_261, %parallel_loop3A_264 : vector<16xi32>
        tpu.vector_store_idx %arg12[%parallel_loop3A_265], %broadcast_in_dim3A_3 {add = true} : memref<3072xf32, #tpu.memory_space<vmem>>[vector<16xi32>], vector<16xf32>,
        %parallel_loop3A_266 = arith.index_cast %parallel_loop3A_123 : i32 to index
        %parallel_loop3A_267 = arith.constant 112 : index
        %parallel_loop3A_268 = tpu.vector_load %arg7[%parallel_loop3A_266, %parallel_loop3A_267] {strides = array<i32>} : memref<64x200xi32, #tpu.memory_space<vmem>>, vector<16xi32>,
        %parallel_loop3A_269 = arith.constant 20 : i32
        %parallel_loop3A_270 = arith.addi %parallel_loop3A_125, %parallel_loop3A_269 : i32
        %parallel_loop3A_271 = vector.broadcast %parallel_loop3A_270 : i32 to vector<16xi32>
        %parallel_loop3A_272 = arith.addi %parallel_loop3A_268, %parallel_loop3A_271 : vector<16xi32>
        tpu.vector_store_idx %arg12[%parallel_loop3A_272], %broadcast_in_dim3A_3 {add = true} : memref<3072xf32, #tpu.memory_space<vmem>>[vector<16xi32>], vector<16xf32>,
        %parallel_loop3A_273 = arith.index_cast %parallel_loop3A_123 : i32 to index
        %parallel_loop3A_274 = arith.constant 128 : index
        %parallel_loop3A_275 = tpu.vector_load %arg7[%parallel_loop3A_273, %parallel_loop3A_274] {strides = array<i32>} : memref<64x200xi32, #tpu.memory_space<vmem>>, vector<16xi32>,
        %parallel_loop3A_276 = arith.constant 20 : i32
        %parallel_loop3A_277 = arith.addi %parallel_loop3A_125, %parallel_loop3A_276 : i32
        %parallel_loop3A_278 = vector.broadcast %parallel_loop3A_277 : i32 to vector<16xi32>
        %parallel_loop3A_279 = arith.addi %parallel_loop3A_275, %parallel_loop3A_278 : vector<16xi32>
        tpu.vector_store_idx %arg12[%parallel_loop3A_279], %broadcast_in_dim3A_3 {add = true} : memref<3072xf32, #tpu.memory_space<vmem>>[vector<16xi32>], vector<16xf32>,
        %parallel_loop3A_280 = arith.index_cast %parallel_loop3A_123 : i32 to index
        %parallel_loop3A_281 = arith.constant 144 : index
        %parallel_loop3A_282 = tpu.vector_load %arg7[%parallel_loop3A_280, %parallel_loop3A_281] {strides = array<i32>} : memref<64x200xi32, #tpu.memory_space<vmem>>, vector<16xi32>,
        %parallel_loop3A_283 = arith.constant 20 : i32
        %parallel_loop3A_284 = arith.addi %parallel_loop3A_125, %parallel_loop3A_283 : i32
        %parallel_loop3A_285 = vector.broadcast %parallel_loop3A_284 : i32 to vector<16xi32>
        %parallel_loop3A_286 = arith.addi %parallel_loop3A_282, %parallel_loop3A_285 : vector<16xi32>
        tpu.vector_store_idx %arg12[%parallel_loop3A_286], %broadcast_in_dim3A_3 {add = true} : memref<3072xf32, #tpu.memory_space<vmem>>[vector<16xi32>], vector<16xf32>,
        %parallel_loop3A_287 = arith.index_cast %parallel_loop3A_123 : i32 to index
        %parallel_loop3A_288 = arith.constant 160 : index
        %parallel_loop3A_289 = tpu.vector_load %arg7[%parallel_loop3A_287, %parallel_loop3A_288] {strides = array<i32>} : memref<64x200xi32, #tpu.memory_space<vmem>>, vector<16xi32>,
        %parallel_loop3A_290 = arith.constant 20 : i32
        %parallel_loop3A_291 = arith.addi %parallel_loop3A_125, %parallel_loop3A_290 : i32
        %parallel_loop3A_292 = vector.broadcast %parallel_loop3A_291 : i32 to vector<16xi32>
        %parallel_loop3A_293 = arith.addi %parallel_loop3A_289, %parallel_loop3A_292 : vector<16xi32>
        tpu.vector_store_idx %arg12[%parallel_loop3A_293], %broadcast_in_dim3A_3 {add = true} : memref<3072xf32, #tpu.memory_space<vmem>>[vector<16xi32>], vector<16xf32>,
        %parallel_loop3A_294 = arith.index_cast %parallel_loop3A_123 : i32 to index
        %parallel_loop3A_295 = arith.constant 176 : index
        %parallel_loop3A_296 = tpu.vector_load %arg7[%parallel_loop3A_294, %parallel_loop3A_295] {strides = array<i32>} : memref<64x200xi32, #tpu.memory_space<vmem>>, vector<16xi32>,
        %parallel_loop3A_297 = arith.constant 20 : i32
        %parallel_loop3A_298 = arith.addi %parallel_loop3A_125, %parallel_loop3A_297 : i32
        %parallel_loop3A_299 = vector.broadcast %parallel_loop3A_298 : i32 to vector<16xi32>
        %parallel_loop3A_300 = arith.addi %parallel_loop3A_296, %parallel_loop3A_299 : vector<16xi32>
        tpu.vector_store_idx %arg12[%parallel_loop3A_300], %broadcast_in_dim3A_3 {add = true} : memref<3072xf32, #tpu.memory_space<vmem>>[vector<16xi32>], vector<16xf32>,
        %parallel_loop3A_301 = arith.index_cast %parallel_loop3A_123 : i32 to index
        %parallel_loop3A_302 = arith.constant 184 : index
        %parallel_loop3A_303 = tpu.vector_load %arg7[%parallel_loop3A_301, %parallel_loop3A_302] {strides = array<i32>} : memref<64x200xi32, #tpu.memory_space<vmem>>, vector<16xi32>,
        %parallel_loop3A_304 = arith.constant 20 : i32
        %parallel_loop3A_305 = arith.addi %parallel_loop3A_125, %parallel_loop3A_304 : i32
        %parallel_loop3A_306 = vector.broadcast %parallel_loop3A_305 : i32 to vector<16xi32>
        %parallel_loop3A_307 = arith.addi %parallel_loop3A_303, %parallel_loop3A_306 : vector<16xi32>
        tpu.vector_store_idx %arg12[%parallel_loop3A_307], %broadcast_in_dim3A_3 masked %ge3A_7 {add = true} : memref<3072xf32, #tpu.memory_space<vmem>>[vector<16xi32>], vector<16xf32>, vector<16xi1>
        %parallel_loop3A_308 = arith.index_cast %parallel_loop3A_123 : i32 to index
        %parallel_loop3A_309 = arith.constant 0 : index
        %parallel_loop3A_310 = tpu.vector_load %arg8[%parallel_loop3A_308, %parallel_loop3A_309] {strides = array<i32>} : memref<64x200xi32, #tpu.memory_space<vmem>>, vector<16xi32>,
        %parallel_loop3A_311 = arith.constant 35 : i32
        %parallel_loop3A_312 = arith.addi %parallel_loop3A_125, %parallel_loop3A_311 : i32
        %parallel_loop3A_313 = vector.broadcast %parallel_loop3A_312 : i32 to vector<16xi32>
        %parallel_loop3A_314 = arith.addi %parallel_loop3A_310, %parallel_loop3A_313 : vector<16xi32>
        tpu.vector_store_idx %arg12[%parallel_loop3A_314], %broadcast_in_dim3A_3 {add = true} : memref<3072xf32, #tpu.memory_space<vmem>>[vector<16xi32>], vector<16xf32>,
        %parallel_loop3A_315 = arith.index_cast %parallel_loop3A_123 : i32 to index
        %parallel_loop3A_316 = arith.constant 16 : index
        %parallel_loop3A_317 = tpu.vector_load %arg8[%parallel_loop3A_315, %parallel_loop3A_316] {strides = array<i32>} : memref<64x200xi32, #tpu.memory_space<vmem>>, vector<16xi32>,
        %parallel_loop3A_318 = arith.constant 35 : i32
        %parallel_loop3A_319 = arith.addi %parallel_loop3A_125, %parallel_loop3A_318 : i32
        %parallel_loop3A_320 = vector.broadcast %parallel_loop3A_319 : i32 to vector<16xi32>
        %parallel_loop3A_321 = arith.addi %parallel_loop3A_317, %parallel_loop3A_320 : vector<16xi32>
        tpu.vector_store_idx %arg12[%parallel_loop3A_321], %broadcast_in_dim3A_3 {add = true} : memref<3072xf32, #tpu.memory_space<vmem>>[vector<16xi32>], vector<16xf32>,
        %parallel_loop3A_322 = arith.index_cast %parallel_loop3A_123 : i32 to index
        %parallel_loop3A_323 = arith.constant 32 : index
        %parallel_loop3A_324 = tpu.vector_load %arg8[%parallel_loop3A_322, %parallel_loop3A_323] {strides = array<i32>} : memref<64x200xi32, #tpu.memory_space<vmem>>, vector<16xi32>,
        %parallel_loop3A_325 = arith.constant 35 : i32
        %parallel_loop3A_326 = arith.addi %parallel_loop3A_125, %parallel_loop3A_325 : i32
        %parallel_loop3A_327 = vector.broadcast %parallel_loop3A_326 : i32 to vector<16xi32>
        %parallel_loop3A_328 = arith.addi %parallel_loop3A_324, %parallel_loop3A_327 : vector<16xi32>
        tpu.vector_store_idx %arg12[%parallel_loop3A_328], %broadcast_in_dim3A_3 {add = true} : memref<3072xf32, #tpu.memory_space<vmem>>[vector<16xi32>], vector<16xf32>,
        %parallel_loop3A_329 = arith.index_cast %parallel_loop3A_123 : i32 to index
        %parallel_loop3A_330 = arith.constant 48 : index
        %parallel_loop3A_331 = tpu.vector_load %arg8[%parallel_loop3A_329, %parallel_loop3A_330] {strides = array<i32>} : memref<64x200xi32, #tpu.memory_space<vmem>>, vector<16xi32>,
        %parallel_loop3A_332 = arith.constant 35 : i32
        %parallel_loop3A_333 = arith.addi %parallel_loop3A_125, %parallel_loop3A_332 : i32
        %parallel_loop3A_334 = vector.broadcast %parallel_loop3A_333 : i32 to vector<16xi32>
        %parallel_loop3A_335 = arith.addi %parallel_loop3A_331, %parallel_loop3A_334 : vector<16xi32>
        tpu.vector_store_idx %arg12[%parallel_loop3A_335], %broadcast_in_dim3A_3 {add = true} : memref<3072xf32, #tpu.memory_space<vmem>>[vector<16xi32>], vector<16xf32>,
        %parallel_loop3A_336 = arith.index_cast %parallel_loop3A_123 : i32 to index
        %parallel_loop3A_337 = arith.constant 64 : index
        %parallel_loop3A_338 = tpu.vector_load %arg8[%parallel_loop3A_336, %parallel_loop3A_337] {strides = array<i32>} : memref<64x200xi32, #tpu.memory_space<vmem>>, vector<16xi32>,
        %parallel_loop3A_339 = arith.constant 35 : i32
        %parallel_loop3A_340 = arith.addi %parallel_loop3A_125, %parallel_loop3A_339 : i32
        %parallel_loop3A_341 = vector.broadcast %parallel_loop3A_340 : i32 to vector<16xi32>
        %parallel_loop3A_342 = arith.addi %parallel_loop3A_338, %parallel_loop3A_341 : vector<16xi32>
        tpu.vector_store_idx %arg12[%parallel_loop3A_342], %broadcast_in_dim3A_3 {add = true} : memref<3072xf32, #tpu.memory_space<vmem>>[vector<16xi32>], vector<16xf32>,
        %parallel_loop3A_343 = arith.index_cast %parallel_loop3A_123 : i32 to index
        %parallel_loop3A_344 = arith.constant 80 : index
        %parallel_loop3A_345 = tpu.vector_load %arg8[%parallel_loop3A_343, %parallel_loop3A_344] {strides = array<i32>} : memref<64x200xi32, #tpu.memory_space<vmem>>, vector<16xi32>,
        %parallel_loop3A_346 = arith.constant 35 : i32
        %parallel_loop3A_347 = arith.addi %parallel_loop3A_125, %parallel_loop3A_346 : i32
        %parallel_loop3A_348 = vector.broadcast %parallel_loop3A_347 : i32 to vector<16xi32>
        %parallel_loop3A_349 = arith.addi %parallel_loop3A_345, %parallel_loop3A_348 : vector<16xi32>
        tpu.vector_store_idx %arg12[%parallel_loop3A_349], %broadcast_in_dim3A_3 {add = true} : memref<3072xf32, #tpu.memory_space<vmem>>[vector<16xi32>], vector<16xf32>,
        %parallel_loop3A_350 = arith.index_cast %parallel_loop3A_123 : i32 to index
        %parallel_loop3A_351 = arith.constant 96 : index
        %parallel_loop3A_352 = tpu.vector_load %arg8[%parallel_loop3A_350, %parallel_loop3A_351] {strides = array<i32>} : memref<64x200xi32, #tpu.memory_space<vmem>>, vector<16xi32>,
        %parallel_loop3A_353 = arith.constant 35 : i32
        %parallel_loop3A_354 = arith.addi %parallel_loop3A_125, %parallel_loop3A_353 : i32
        %parallel_loop3A_355 = vector.broadcast %parallel_loop3A_354 : i32 to vector<16xi32>
        %parallel_loop3A_356 = arith.addi %parallel_loop3A_352, %parallel_loop3A_355 : vector<16xi32>
        tpu.vector_store_idx %arg12[%parallel_loop3A_356], %broadcast_in_dim3A_3 {add = true} : memref<3072xf32, #tpu.memory_space<vmem>>[vector<16xi32>], vector<16xf32>,
        %parallel_loop3A_357 = arith.index_cast %parallel_loop3A_123 : i32 to index
        %parallel_loop3A_358 = arith.constant 112 : index
        %parallel_loop3A_359 = tpu.vector_load %arg8[%parallel_loop3A_357, %parallel_loop3A_358] {strides = array<i32>} : memref<64x200xi32, #tpu.memory_space<vmem>>, vector<16xi32>,
        %parallel_loop3A_360 = arith.constant 35 : i32
        %parallel_loop3A_361 = arith.addi %parallel_loop3A_125, %parallel_loop3A_360 : i32
        %parallel_loop3A_362 = vector.broadcast %parallel_loop3A_361 : i32 to vector<16xi32>
        %parallel_loop3A_363 = arith.addi %parallel_loop3A_359, %parallel_loop3A_362 : vector<16xi32>
        tpu.vector_store_idx %arg12[%parallel_loop3A_363], %broadcast_in_dim3A_3 {add = true} : memref<3072xf32, #tpu.memory_space<vmem>>[vector<16xi32>], vector<16xf32>,
        %parallel_loop3A_364 = arith.index_cast %parallel_loop3A_123 : i32 to index
        %parallel_loop3A_365 = arith.constant 128 : index
        %parallel_loop3A_366 = tpu.vector_load %arg8[%parallel_loop3A_364, %parallel_loop3A_365] {strides = array<i32>} : memref<64x200xi32, #tpu.memory_space<vmem>>, vector<16xi32>,
        %parallel_loop3A_367 = arith.constant 35 : i32
        %parallel_loop3A_368 = arith.addi %parallel_loop3A_125, %parallel_loop3A_367 : i32
        %parallel_loop3A_369 = vector.broadcast %parallel_loop3A_368 : i32 to vector<16xi32>
        %parallel_loop3A_370 = arith.addi %parallel_loop3A_366, %parallel_loop3A_369 : vector<16xi32>
        tpu.vector_store_idx %arg12[%parallel_loop3A_370], %broadcast_in_dim3A_3 {add = true} : memref<3072xf32, #tpu.memory_space<vmem>>[vector<16xi32>], vector<16xf32>,
        %parallel_loop3A_371 = arith.index_cast %parallel_loop3A_123 : i32 to index
        %parallel_loop3A_372 = arith.constant 144 : index
        %parallel_loop3A_373 = tpu.vector_load %arg8[%parallel_loop3A_371, %parallel_loop3A_372] {strides = array<i32>} : memref<64x200xi32, #tpu.memory_space<vmem>>, vector<16xi32>,
        %parallel_loop3A_374 = arith.constant 35 : i32
        %parallel_loop3A_375 = arith.addi %parallel_loop3A_125, %parallel_loop3A_374 : i32
        %parallel_loop3A_376 = vector.broadcast %parallel_loop3A_375 : i32 to vector<16xi32>
        %parallel_loop3A_377 = arith.addi %parallel_loop3A_373, %parallel_loop3A_376 : vector<16xi32>
        tpu.vector_store_idx %arg12[%parallel_loop3A_377], %broadcast_in_dim3A_3 {add = true} : memref<3072xf32, #tpu.memory_space<vmem>>[vector<16xi32>], vector<16xf32>,
        %parallel_loop3A_378 = arith.index_cast %parallel_loop3A_123 : i32 to index
        %parallel_loop3A_379 = arith.constant 160 : index
        %parallel_loop3A_380 = tpu.vector_load %arg8[%parallel_loop3A_378, %parallel_loop3A_379] {strides = array<i32>} : memref<64x200xi32, #tpu.memory_space<vmem>>, vector<16xi32>,
        %parallel_loop3A_381 = arith.constant 35 : i32
        %parallel_loop3A_382 = arith.addi %parallel_loop3A_125, %parallel_loop3A_381 : i32
        %parallel_loop3A_383 = vector.broadcast %parallel_loop3A_382 : i32 to vector<16xi32>
        %parallel_loop3A_384 = arith.addi %parallel_loop3A_380, %parallel_loop3A_383 : vector<16xi32>
        tpu.vector_store_idx %arg12[%parallel_loop3A_384], %broadcast_in_dim3A_3 {add = true} : memref<3072xf32, #tpu.memory_space<vmem>>[vector<16xi32>], vector<16xf32>,
        %parallel_loop3A_385 = arith.index_cast %parallel_loop3A_123 : i32 to index
        %parallel_loop3A_386 = arith.constant 176 : index
        %parallel_loop3A_387 = tpu.vector_load %arg8[%parallel_loop3A_385, %parallel_loop3A_386] {strides = array<i32>} : memref<64x200xi32, #tpu.memory_space<vmem>>, vector<16xi32>,
        %parallel_loop3A_388 = arith.constant 35 : i32
        %parallel_loop3A_389 = arith.addi %parallel_loop3A_125, %parallel_loop3A_388 : i32
        %parallel_loop3A_390 = vector.broadcast %parallel_loop3A_389 : i32 to vector<16xi32>
        %parallel_loop3A_391 = arith.addi %parallel_loop3A_387, %parallel_loop3A_390 : vector<16xi32>
        tpu.vector_store_idx %arg12[%parallel_loop3A_391], %broadcast_in_dim3A_3 {add = true} : memref<3072xf32, #tpu.memory_space<vmem>>[vector<16xi32>], vector<16xf32>,
        %parallel_loop3A_392 = arith.index_cast %parallel_loop3A_123 : i32 to index
        %parallel_loop3A_393 = arith.constant 184 : index
        %parallel_loop3A_394 = tpu.vector_load %arg8[%parallel_loop3A_392, %parallel_loop3A_393] {strides = array<i32>} : memref<64x200xi32, #tpu.memory_space<vmem>>, vector<16xi32>,
        %parallel_loop3A_395 = arith.constant 35 : i32
        %parallel_loop3A_396 = arith.addi %parallel_loop3A_125, %parallel_loop3A_395 : i32
        %parallel_loop3A_397 = vector.broadcast %parallel_loop3A_396 : i32 to vector<16xi32>
        %parallel_loop3A_398 = arith.addi %parallel_loop3A_394, %parallel_loop3A_397 : vector<16xi32>
        tpu.vector_store_idx %arg12[%parallel_loop3A_398], %broadcast_in_dim3A_3 masked %ge3A_7 {add = true} : memref<3072xf32, #tpu.memory_space<vmem>>[vector<16xi32>], vector<16xf32>, vector<16xi1>
      } {sc.loop_unroll_factor = 4 : i64, sc.parallel_access}
      %mul3A_76 = arith.constant 48 : i32
      %mul3A_77 = arith.muli %add3A_56, %mul3A_76 : i32
      %dma_start3A_78 = tpu.memref_slice %arg5[%mul3A_77] : memref<786432xf32, #tpu.memory_space<hbm>> -> memref<3072xf32, #tpu.memory_space<hbm>>
      %dma_start3A_79 = tpu.memref_slice %arg5[%mul3A_77] : memref<786432xf32, #tpu.memory_space<hbm>> -> memref<3072xf32, #tpu.memory_space<hbm>>
      tpu.enqueue_dma source(%arg12 : memref<3072xf32, #tpu.memory_space<vmem>>) target(%dma_start3A_79 : memref<3072xf32, #tpu.memory_space<hbm>>) target_semaphore(%arg16 : memref<!tpu.dma_semaphore, #tpu.memory_space<semaphore_mem>>)
      %lt3A = arith.constant 3 : i32
      %lt3A_80 = arith.cmpi slt, %scan3A_49, %lt3A : i32
      %convert_element_type3A_81 = arith.extui %lt3A_80 : i1 to i32
      %cond3A_82 = arith.constant 0 : i32
      %cond3A_83 = arith.cmpi ne, %convert_element_type3A_81, %cond3A_82 : i32
      scf.if %cond3A_83 {
        %add3A_123 = arith.constant 128 : i32
        %add3A_124 = arith.addi %add3A_56, %add3A_123 : i32
        %dma_start3A_125 = arith.constant 0 : i32
        %dma_start3A_126 = tpu.memref_slice %arg2[%add3A_124, %dma_start3A_125] : memref<16384x200xi32, #tpu.memory_space<hbm>> -> memref<64x200xi32, #tpu.memory_space<hbm>>
        %dma_start3A_127 = arith.constant 0 : i32
        %dma_start3A_128 = tpu.memref_slice %arg2[%add3A_124, %dma_start3A_127] : memref<16384x200xi32, #tpu.memory_space<hbm>> -> memref<64x200xi32, #tpu.memory_space<hbm>>
        tpu.enqueue_dma source(%dma_start3A_128 : memref<64x200xi32, #tpu.memory_space<hbm>>) target(%arg6 : memref<64x200xi32, #tpu.memory_space<vmem>>) target_semaphore(%arg14 : memref<!tpu.dma_semaphore, #tpu.memory_space<semaphore_mem>>)
        %dma_start3A_129 = arith.constant 0 : i32
        %dma_start3A_130 = tpu.memref_slice %arg3[%add3A_124, %dma_start3A_129] : memref<16384x200xi32, #tpu.memory_space<hbm>> -> memref<64x200xi32, #tpu.memory_space<hbm>>
        %dma_start3A_131 = arith.constant 0 : i32
        %dma_start3A_132 = tpu.memref_slice %arg3[%add3A_124, %dma_start3A_131] : memref<16384x200xi32, #tpu.memory_space<hbm>> -> memref<64x200xi32, #tpu.memory_space<hbm>>
        tpu.enqueue_dma source(%dma_start3A_132 : memref<64x200xi32, #tpu.memory_space<hbm>>) target(%arg7 : memref<64x200xi32, #tpu.memory_space<vmem>>) target_semaphore(%arg14 : memref<!tpu.dma_semaphore, #tpu.memory_space<semaphore_mem>>)
        %dma_start3A_133 = arith.constant 0 : i32
        %dma_start3A_134 = tpu.memref_slice %arg4[%add3A_124, %dma_start3A_133] : memref<16384x200xi32, #tpu.memory_space<hbm>> -> memref<64x200xi32, #tpu.memory_space<hbm>>
        %dma_start3A_135 = arith.constant 0 : i32
        %dma_start3A_136 = tpu.memref_slice %arg4[%add3A_124, %dma_start3A_135] : memref<16384x200xi32, #tpu.memory_space<hbm>> -> memref<64x200xi32, #tpu.memory_space<hbm>>
        tpu.enqueue_dma source(%dma_start3A_136 : memref<64x200xi32, #tpu.memory_space<hbm>>) target(%arg8 : memref<64x200xi32, #tpu.memory_space<vmem>>) target_semaphore(%arg14 : memref<!tpu.dma_semaphore, #tpu.memory_space<semaphore_mem>>)
      } else {
      }
      %mul3A_84 = arith.constant 2 : i32
      %mul3A_85 = arith.muli %mul3A_84, %scan3A_49 : i32
      %add3A_86 = arith.constant 1 : i32
      %add3A_87 = arith.addi %mul3A_85, %add3A_86 : i32
      %mul3A_88 = arith.constant 64 : i32
      %mul3A_89 = arith.muli %add3A_87, %mul3A_88 : i32
      %add3A_90 = arith.addi %mul3A_2, %mul3A_89 : i32
      %dma_wait3A_91 = arith.constant 0 : i32
      %dma_wait3A_92 = tpu.memref_slice %arg2[%add3A_90, %dma_wait3A_91] : memref<16384x200xi32, #tpu.memory_space<hbm>> -> memref<64x200xi32, #tpu.memory_space<hbm>>
      %dma_wait3A_93 = arith.constant 0 : i32
      %dma_wait3A_94 = tpu.memref_slice %arg2[%add3A_90, %dma_wait3A_93] : memref<16384x200xi32, #tpu.memory_space<hbm>> -> memref<64x200xi32, #tpu.memory_space<hbm>>
      tpu.wait_dma2 semaphore(%arg15 : memref<!tpu.dma_semaphore, #tpu.memory_space<semaphore_mem>>) src(%dma_wait3A_94 : memref<64x200xi32, #tpu.memory_space<hbm>>) dst(%arg9 : memref<64x200xi32, #tpu.memory_space<vmem>>)
      %dma_wait3A_95 = arith.constant 0 : i32
      %dma_wait3A_96 = tpu.memref_slice %arg3[%add3A_90, %dma_wait3A_95] : memref<16384x200xi32, #tpu.memory_space<hbm>> -> memref<64x200xi32, #tpu.memory_space<hbm>>
      %dma_wait3A_97 = arith.constant 0 : i32
      %dma_wait3A_98 = tpu.memref_slice %arg3[%add3A_90, %dma_wait3A_97] : memref<16384x200xi32, #tpu.memory_space<hbm>> -> memref<64x200xi32, #tpu.memory_space<hbm>>
      tpu.wait_dma2 semaphore(%arg15 : memref<!tpu.dma_semaphore, #tpu.memory_space<semaphore_mem>>) src(%dma_wait3A_98 : memref<64x200xi32, #tpu.memory_space<hbm>>) dst(%arg10 : memref<64x200xi32, #tpu.memory_space<vmem>>)
      %dma_wait3A_99 = arith.constant 0 : i32
      %dma_wait3A_100 = tpu.memref_slice %arg4[%add3A_90, %dma_wait3A_99] : memref<16384x200xi32, #tpu.memory_space<hbm>> -> memref<64x200xi32, #tpu.memory_space<hbm>>
      %dma_wait3A_101 = arith.constant 0 : i32
      %dma_wait3A_102 = tpu.memref_slice %arg4[%add3A_90, %dma_wait3A_101] : memref<16384x200xi32, #tpu.memory_space<hbm>> -> memref<64x200xi32, #tpu.memory_space<hbm>>
      tpu.wait_dma2 semaphore(%arg15 : memref<!tpu.dma_semaphore, #tpu.memory_space<semaphore_mem>>) src(%dma_wait3A_102 : memref<64x200xi32, #tpu.memory_space<hbm>>) dst(%arg11 : memref<64x200xi32, #tpu.memory_space<vmem>>)
      %gt3A_103 = arith.constant 0 : i32
      %gt3A_104 = arith.cmpi sgt, %scan3A_49, %gt3A_103 : i32
      %convert_element_type3A_105 = arith.extui %gt3A_104 : i1 to i32
      %cond3A_106 = arith.constant 0 : i32
      %cond3A_107 = arith.cmpi ne, %convert_element_type3A_105, %cond3A_106 : i32
      scf.if %cond3A_107 {
        %sub3A = arith.constant 128 : i32
        %sub3A_123 = arith.subi %add3A_90, %sub3A : i32
        %mul3A_124 = arith.constant 48 : i32
        %mul3A_125 = arith.muli %sub3A_123, %mul3A_124 : i32
        %dma_wait3A_126 = tpu.memref_slice %arg5[%mul3A_125] : memref<786432xf32, #tpu.memory_space<hbm>> -> memref<3072xf32, #tpu.memory_space<hbm>>
        %dma_wait3A_127 = tpu.memref_slice %arg5[%mul3A_125] : memref<786432xf32, #tpu.memory_space<hbm>> -> memref<3072xf32, #tpu.memory_space<hbm>>
        tpu.wait_dma2 semaphore(%arg17 : memref<!tpu.dma_semaphore, #tpu.memory_space<semaphore_mem>>) src(%arg13 : memref<3072xf32, #tpu.memory_space<vmem>>) dst(%dma_wait3A_127 : memref<3072xf32, #tpu.memory_space<hbm>>)
      } else {
      }
      %parallel_loop3A_108 = arith.constant 0 : i32
      %parallel_loop3A_109 = arith.constant 192 : i32
      %parallel_loop3A_110 = arith.constant 1 : i32
      scf.for %parallel_loop3A_123 = %parallel_loop3A_108 to %parallel_loop3A_109 step %parallel_loop3A_110  : i32 {
        %parallel_loop3A_124 = arith.constant 16 : i32
        %parallel_loop3A_125 = arith.muli %parallel_loop3A_123, %parallel_loop3A_124 : i32
        %parallel_loop3A_126 = arith.index_cast %parallel_loop3A_125 : i32 to index
        %parallel_loop3A_127 = tpu.vector_load %arg13[%parallel_loop3A_126] {strides = array<i32>} : memref<3072xf32, #tpu.memory_space<vmem>>, vector<16xf32>,
        tpu.vector_store %arg13[%parallel_loop3A_126], %broadcast_in_dim3A_5 {strides = array<i32>} : memref<3072xf32, #tpu.memory_space<vmem>>, vector<16xf32>,
      } {sc.loop_unroll_factor = 1 : i64, sc.parallel_access}
      %parallel_loop3A_111 = arith.constant 0 : i32
      %parallel_loop3A_112 = arith.constant 64 : i32
      %parallel_loop3A_113 = arith.constant 1 : i32
      scf.for %parallel_loop3A_123 = %parallel_loop3A_111 to %parallel_loop3A_112 step %parallel_loop3A_113  : i32 {
        %parallel_loop3A_124 = arith.constant 48 : i32
        %parallel_loop3A_125 = arith.muli %parallel_loop3A_123, %parallel_loop3A_124 : i32
        %parallel_loop3A_126 = arith.index_cast %parallel_loop3A_123 : i32 to index
        %parallel_loop3A_127 = arith.constant 0 : index
        %parallel_loop3A_128 = tpu.vector_load %arg9[%parallel_loop3A_126, %parallel_loop3A_127] {strides = array<i32>} : memref<64x200xi32, #tpu.memory_space<vmem>>, vector<16xi32>,
        %parallel_loop3A_129 = arith.constant 0 : i32
        %parallel_loop3A_130 = arith.addi %parallel_loop3A_125, %parallel_loop3A_129 : i32
        %parallel_loop3A_131 = vector.broadcast %parallel_loop3A_130 : i32 to vector<16xi32>
        %parallel_loop3A_132 = arith.addi %parallel_loop3A_128, %parallel_loop3A_131 : vector<16xi32>
        tpu.vector_store_idx %arg13[%parallel_loop3A_132], %broadcast_in_dim3A_3 {add = true} : memref<3072xf32, #tpu.memory_space<vmem>>[vector<16xi32>], vector<16xf32>,
        %parallel_loop3A_133 = arith.index_cast %parallel_loop3A_123 : i32 to index
        %parallel_loop3A_134 = arith.constant 16 : index
        %parallel_loop3A_135 = tpu.vector_load %arg9[%parallel_loop3A_133, %parallel_loop3A_134] {strides = array<i32>} : memref<64x200xi32, #tpu.memory_space<vmem>>, vector<16xi32>,
        %parallel_loop3A_136 = arith.constant 0 : i32
        %parallel_loop3A_137 = arith.addi %parallel_loop3A_125, %parallel_loop3A_136 : i32
        %parallel_loop3A_138 = vector.broadcast %parallel_loop3A_137 : i32 to vector<16xi32>
        %parallel_loop3A_139 = arith.addi %parallel_loop3A_135, %parallel_loop3A_138 : vector<16xi32>
        tpu.vector_store_idx %arg13[%parallel_loop3A_139], %broadcast_in_dim3A_3 {add = true} : memref<3072xf32, #tpu.memory_space<vmem>>[vector<16xi32>], vector<16xf32>,
        %parallel_loop3A_140 = arith.index_cast %parallel_loop3A_123 : i32 to index
        %parallel_loop3A_141 = arith.constant 32 : index
        %parallel_loop3A_142 = tpu.vector_load %arg9[%parallel_loop3A_140, %parallel_loop3A_141] {strides = array<i32>} : memref<64x200xi32, #tpu.memory_space<vmem>>, vector<16xi32>,
        %parallel_loop3A_143 = arith.constant 0 : i32
        %parallel_loop3A_144 = arith.addi %parallel_loop3A_125, %parallel_loop3A_143 : i32
        %parallel_loop3A_145 = vector.broadcast %parallel_loop3A_144 : i32 to vector<16xi32>
        %parallel_loop3A_146 = arith.addi %parallel_loop3A_142, %parallel_loop3A_145 : vector<16xi32>
        tpu.vector_store_idx %arg13[%parallel_loop3A_146], %broadcast_in_dim3A_3 {add = true} : memref<3072xf32, #tpu.memory_space<vmem>>[vector<16xi32>], vector<16xf32>,
        %parallel_loop3A_147 = arith.index_cast %parallel_loop3A_123 : i32 to index
        %parallel_loop3A_148 = arith.constant 48 : index
        %parallel_loop3A_149 = tpu.vector_load %arg9[%parallel_loop3A_147, %parallel_loop3A_148] {strides = array<i32>} : memref<64x200xi32, #tpu.memory_space<vmem>>, vector<16xi32>,
        %parallel_loop3A_150 = arith.constant 0 : i32
        %parallel_loop3A_151 = arith.addi %parallel_loop3A_125, %parallel_loop3A_150 : i32
        %parallel_loop3A_152 = vector.broadcast %parallel_loop3A_151 : i32 to vector<16xi32>
        %parallel_loop3A_153 = arith.addi %parallel_loop3A_149, %parallel_loop3A_152 : vector<16xi32>
        tpu.vector_store_idx %arg13[%parallel_loop3A_153], %broadcast_in_dim3A_3 {add = true} : memref<3072xf32, #tpu.memory_space<vmem>>[vector<16xi32>], vector<16xf32>,
        %parallel_loop3A_154 = arith.index_cast %parallel_loop3A_123 : i32 to index
        %parallel_loop3A_155 = arith.constant 64 : index
        %parallel_loop3A_156 = tpu.vector_load %arg9[%parallel_loop3A_154, %parallel_loop3A_155] {strides = array<i32>} : memref<64x200xi32, #tpu.memory_space<vmem>>, vector<16xi32>,
        %parallel_loop3A_157 = arith.constant 0 : i32
        %parallel_loop3A_158 = arith.addi %parallel_loop3A_125, %parallel_loop3A_157 : i32
        %parallel_loop3A_159 = vector.broadcast %parallel_loop3A_158 : i32 to vector<16xi32>
        %parallel_loop3A_160 = arith.addi %parallel_loop3A_156, %parallel_loop3A_159 : vector<16xi32>
        tpu.vector_store_idx %arg13[%parallel_loop3A_160], %broadcast_in_dim3A_3 {add = true} : memref<3072xf32, #tpu.memory_space<vmem>>[vector<16xi32>], vector<16xf32>,
        %parallel_loop3A_161 = arith.index_cast %parallel_loop3A_123 : i32 to index
        %parallel_loop3A_162 = arith.constant 80 : index
        %parallel_loop3A_163 = tpu.vector_load %arg9[%parallel_loop3A_161, %parallel_loop3A_162] {strides = array<i32>} : memref<64x200xi32, #tpu.memory_space<vmem>>, vector<16xi32>,
        %parallel_loop3A_164 = arith.constant 0 : i32
        %parallel_loop3A_165 = arith.addi %parallel_loop3A_125, %parallel_loop3A_164 : i32
        %parallel_loop3A_166 = vector.broadcast %parallel_loop3A_165 : i32 to vector<16xi32>
        %parallel_loop3A_167 = arith.addi %parallel_loop3A_163, %parallel_loop3A_166 : vector<16xi32>
        tpu.vector_store_idx %arg13[%parallel_loop3A_167], %broadcast_in_dim3A_3 {add = true} : memref<3072xf32, #tpu.memory_space<vmem>>[vector<16xi32>], vector<16xf32>,
        %parallel_loop3A_168 = arith.index_cast %parallel_loop3A_123 : i32 to index
        %parallel_loop3A_169 = arith.constant 96 : index
        %parallel_loop3A_170 = tpu.vector_load %arg9[%parallel_loop3A_168, %parallel_loop3A_169] {strides = array<i32>} : memref<64x200xi32, #tpu.memory_space<vmem>>, vector<16xi32>,
        %parallel_loop3A_171 = arith.constant 0 : i32
        %parallel_loop3A_172 = arith.addi %parallel_loop3A_125, %parallel_loop3A_171 : i32
        %parallel_loop3A_173 = vector.broadcast %parallel_loop3A_172 : i32 to vector<16xi32>
        %parallel_loop3A_174 = arith.addi %parallel_loop3A_170, %parallel_loop3A_173 : vector<16xi32>
        tpu.vector_store_idx %arg13[%parallel_loop3A_174], %broadcast_in_dim3A_3 {add = true} : memref<3072xf32, #tpu.memory_space<vmem>>[vector<16xi32>], vector<16xf32>,
        %parallel_loop3A_175 = arith.index_cast %parallel_loop3A_123 : i32 to index
        %parallel_loop3A_176 = arith.constant 112 : index
        %parallel_loop3A_177 = tpu.vector_load %arg9[%parallel_loop3A_175, %parallel_loop3A_176] {strides = array<i32>} : memref<64x200xi32, #tpu.memory_space<vmem>>, vector<16xi32>,
        %parallel_loop3A_178 = arith.constant 0 : i32
        %parallel_loop3A_179 = arith.addi %parallel_loop3A_125, %parallel_loop3A_178 : i32
        %parallel_loop3A_180 = vector.broadcast %parallel_loop3A_179 : i32 to vector<16xi32>
        %parallel_loop3A_181 = arith.addi %parallel_loop3A_177, %parallel_loop3A_180 : vector<16xi32>
        tpu.vector_store_idx %arg13[%parallel_loop3A_181], %broadcast_in_dim3A_3 {add = true} : memref<3072xf32, #tpu.memory_space<vmem>>[vector<16xi32>], vector<16xf32>,
        %parallel_loop3A_182 = arith.index_cast %parallel_loop3A_123 : i32 to index
        %parallel_loop3A_183 = arith.constant 128 : index
        %parallel_loop3A_184 = tpu.vector_load %arg9[%parallel_loop3A_182, %parallel_loop3A_183] {strides = array<i32>} : memref<64x200xi32, #tpu.memory_space<vmem>>, vector<16xi32>,
        %parallel_loop3A_185 = arith.constant 0 : i32
        %parallel_loop3A_186 = arith.addi %parallel_loop3A_125, %parallel_loop3A_185 : i32
        %parallel_loop3A_187 = vector.broadcast %parallel_loop3A_186 : i32 to vector<16xi32>
        %parallel_loop3A_188 = arith.addi %parallel_loop3A_184, %parallel_loop3A_187 : vector<16xi32>
        tpu.vector_store_idx %arg13[%parallel_loop3A_188], %broadcast_in_dim3A_3 {add = true} : memref<3072xf32, #tpu.memory_space<vmem>>[vector<16xi32>], vector<16xf32>,
        %parallel_loop3A_189 = arith.index_cast %parallel_loop3A_123 : i32 to index
        %parallel_loop3A_190 = arith.constant 144 : index
        %parallel_loop3A_191 = tpu.vector_load %arg9[%parallel_loop3A_189, %parallel_loop3A_190] {strides = array<i32>} : memref<64x200xi32, #tpu.memory_space<vmem>>, vector<16xi32>,
        %parallel_loop3A_192 = arith.constant 0 : i32
        %parallel_loop3A_193 = arith.addi %parallel_loop3A_125, %parallel_loop3A_192 : i32
        %parallel_loop3A_194 = vector.broadcast %parallel_loop3A_193 : i32 to vector<16xi32>
        %parallel_loop3A_195 = arith.addi %parallel_loop3A_191, %parallel_loop3A_194 : vector<16xi32>
        tpu.vector_store_idx %arg13[%parallel_loop3A_195], %broadcast_in_dim3A_3 {add = true} : memref<3072xf32, #tpu.memory_space<vmem>>[vector<16xi32>], vector<16xf32>,
        %parallel_loop3A_196 = arith.index_cast %parallel_loop3A_123 : i32 to index
        %parallel_loop3A_197 = arith.constant 160 : index
        %parallel_loop3A_198 = tpu.vector_load %arg9[%parallel_loop3A_196, %parallel_loop3A_197] {strides = array<i32>} : memref<64x200xi32, #tpu.memory_space<vmem>>, vector<16xi32>,
        %parallel_loop3A_199 = arith.constant 0 : i32
        %parallel_loop3A_200 = arith.addi %parallel_loop3A_125, %parallel_loop3A_199 : i32
        %parallel_loop3A_201 = vector.broadcast %parallel_loop3A_200 : i32 to vector<16xi32>
        %parallel_loop3A_202 = arith.addi %parallel_loop3A_198, %parallel_loop3A_201 : vector<16xi32>
        tpu.vector_store_idx %arg13[%parallel_loop3A_202], %broadcast_in_dim3A_3 {add = true} : memref<3072xf32, #tpu.memory_space<vmem>>[vector<16xi32>], vector<16xf32>,
        %parallel_loop3A_203 = arith.index_cast %parallel_loop3A_123 : i32 to index
        %parallel_loop3A_204 = arith.constant 176 : index
        %parallel_loop3A_205 = tpu.vector_load %arg9[%parallel_loop3A_203, %parallel_loop3A_204] {strides = array<i32>} : memref<64x200xi32, #tpu.memory_space<vmem>>, vector<16xi32>,
        %parallel_loop3A_206 = arith.constant 0 : i32
        %parallel_loop3A_207 = arith.addi %parallel_loop3A_125, %parallel_loop3A_206 : i32
        %parallel_loop3A_208 = vector.broadcast %parallel_loop3A_207 : i32 to vector<16xi32>
        %parallel_loop3A_209 = arith.addi %parallel_loop3A_205, %parallel_loop3A_208 : vector<16xi32>
        tpu.vector_store_idx %arg13[%parallel_loop3A_209], %broadcast_in_dim3A_3 {add = true} : memref<3072xf32, #tpu.memory_space<vmem>>[vector<16xi32>], vector<16xf32>,
        %parallel_loop3A_210 = arith.index_cast %parallel_loop3A_123 : i32 to index
        %parallel_loop3A_211 = arith.constant 184 : index
        %parallel_loop3A_212 = tpu.vector_load %arg9[%parallel_loop3A_210, %parallel_loop3A_211] {strides = array<i32>} : memref<64x200xi32, #tpu.memory_space<vmem>>, vector<16xi32>,
        %parallel_loop3A_213 = arith.constant 0 : i32
        %parallel_loop3A_214 = arith.addi %parallel_loop3A_125, %parallel_loop3A_213 : i32
        %parallel_loop3A_215 = vector.broadcast %parallel_loop3A_214 : i32 to vector<16xi32>
        %parallel_loop3A_216 = arith.addi %parallel_loop3A_212, %parallel_loop3A_215 : vector<16xi32>
        tpu.vector_store_idx %arg13[%parallel_loop3A_216], %broadcast_in_dim3A_3 masked %ge3A_7 {add = true} : memref<3072xf32, #tpu.memory_space<vmem>>[vector<16xi32>], vector<16xf32>, vector<16xi1>
        %parallel_loop3A_217 = arith.index_cast %parallel_loop3A_123 : i32 to index
        %parallel_loop3A_218 = arith.constant 0 : index
        %parallel_loop3A_219 = tpu.vector_load %arg10[%parallel_loop3A_217, %parallel_loop3A_218] {strides = array<i32>} : memref<64x200xi32, #tpu.memory_space<vmem>>, vector<16xi32>,
        %parallel_loop3A_220 = arith.constant 20 : i32
        %parallel_loop3A_221 = arith.addi %parallel_loop3A_125, %parallel_loop3A_220 : i32
        %parallel_loop3A_222 = vector.broadcast %parallel_loop3A_221 : i32 to vector<16xi32>
        %parallel_loop3A_223 = arith.addi %parallel_loop3A_219, %parallel_loop3A_222 : vector<16xi32>
        tpu.vector_store_idx %arg13[%parallel_loop3A_223], %broadcast_in_dim3A_3 {add = true} : memref<3072xf32, #tpu.memory_space<vmem>>[vector<16xi32>], vector<16xf32>,
        %parallel_loop3A_224 = arith.index_cast %parallel_loop3A_123 : i32 to index
        %parallel_loop3A_225 = arith.constant 16 : index
        %parallel_loop3A_226 = tpu.vector_load %arg10[%parallel_loop3A_224, %parallel_loop3A_225] {strides = array<i32>} : memref<64x200xi32, #tpu.memory_space<vmem>>, vector<16xi32>,
        %parallel_loop3A_227 = arith.constant 20 : i32
        %parallel_loop3A_228 = arith.addi %parallel_loop3A_125, %parallel_loop3A_227 : i32
        %parallel_loop3A_229 = vector.broadcast %parallel_loop3A_228 : i32 to vector<16xi32>
        %parallel_loop3A_230 = arith.addi %parallel_loop3A_226, %parallel_loop3A_229 : vector<16xi32>
        tpu.vector_store_idx %arg13[%parallel_loop3A_230], %broadcast_in_dim3A_3 {add = true} : memref<3072xf32, #tpu.memory_space<vmem>>[vector<16xi32>], vector<16xf32>,
        %parallel_loop3A_231 = arith.index_cast %parallel_loop3A_123 : i32 to index
        %parallel_loop3A_232 = arith.constant 32 : index
        %parallel_loop3A_233 = tpu.vector_load %arg10[%parallel_loop3A_231, %parallel_loop3A_232] {strides = array<i32>} : memref<64x200xi32, #tpu.memory_space<vmem>>, vector<16xi32>,
        %parallel_loop3A_234 = arith.constant 20 : i32
        %parallel_loop3A_235 = arith.addi %parallel_loop3A_125, %parallel_loop3A_234 : i32
        %parallel_loop3A_236 = vector.broadcast %parallel_loop3A_235 : i32 to vector<16xi32>
        %parallel_loop3A_237 = arith.addi %parallel_loop3A_233, %parallel_loop3A_236 : vector<16xi32>
        tpu.vector_store_idx %arg13[%parallel_loop3A_237], %broadcast_in_dim3A_3 {add = true} : memref<3072xf32, #tpu.memory_space<vmem>>[vector<16xi32>], vector<16xf32>,
        %parallel_loop3A_238 = arith.index_cast %parallel_loop3A_123 : i32 to index
        %parallel_loop3A_239 = arith.constant 48 : index
        %parallel_loop3A_240 = tpu.vector_load %arg10[%parallel_loop3A_238, %parallel_loop3A_239] {strides = array<i32>} : memref<64x200xi32, #tpu.memory_space<vmem>>, vector<16xi32>,
        %parallel_loop3A_241 = arith.constant 20 : i32
        %parallel_loop3A_242 = arith.addi %parallel_loop3A_125, %parallel_loop3A_241 : i32
        %parallel_loop3A_243 = vector.broadcast %parallel_loop3A_242 : i32 to vector<16xi32>
        %parallel_loop3A_244 = arith.addi %parallel_loop3A_240, %parallel_loop3A_243 : vector<16xi32>
        tpu.vector_store_idx %arg13[%parallel_loop3A_244], %broadcast_in_dim3A_3 {add = true} : memref<3072xf32, #tpu.memory_space<vmem>>[vector<16xi32>], vector<16xf32>,
        %parallel_loop3A_245 = arith.index_cast %parallel_loop3A_123 : i32 to index
        %parallel_loop3A_246 = arith.constant 64 : index
        %parallel_loop3A_247 = tpu.vector_load %arg10[%parallel_loop3A_245, %parallel_loop3A_246] {strides = array<i32>} : memref<64x200xi32, #tpu.memory_space<vmem>>, vector<16xi32>,
        %parallel_loop3A_248 = arith.constant 20 : i32
        %parallel_loop3A_249 = arith.addi %parallel_loop3A_125, %parallel_loop3A_248 : i32
        %parallel_loop3A_250 = vector.broadcast %parallel_loop3A_249 : i32 to vector<16xi32>
        %parallel_loop3A_251 = arith.addi %parallel_loop3A_247, %parallel_loop3A_250 : vector<16xi32>
        tpu.vector_store_idx %arg13[%parallel_loop3A_251], %broadcast_in_dim3A_3 {add = true} : memref<3072xf32, #tpu.memory_space<vmem>>[vector<16xi32>], vector<16xf32>,
        %parallel_loop3A_252 = arith.index_cast %parallel_loop3A_123 : i32 to index
        %parallel_loop3A_253 = arith.constant 80 : index
        %parallel_loop3A_254 = tpu.vector_load %arg10[%parallel_loop3A_252, %parallel_loop3A_253] {strides = array<i32>} : memref<64x200xi32, #tpu.memory_space<vmem>>, vector<16xi32>,
        %parallel_loop3A_255 = arith.constant 20 : i32
        %parallel_loop3A_256 = arith.addi %parallel_loop3A_125, %parallel_loop3A_255 : i32
        %parallel_loop3A_257 = vector.broadcast %parallel_loop3A_256 : i32 to vector<16xi32>
        %parallel_loop3A_258 = arith.addi %parallel_loop3A_254, %parallel_loop3A_257 : vector<16xi32>
        tpu.vector_store_idx %arg13[%parallel_loop3A_258], %broadcast_in_dim3A_3 {add = true} : memref<3072xf32, #tpu.memory_space<vmem>>[vector<16xi32>], vector<16xf32>,
        %parallel_loop3A_259 = arith.index_cast %parallel_loop3A_123 : i32 to index
        %parallel_loop3A_260 = arith.constant 96 : index
        %parallel_loop3A_261 = tpu.vector_load %arg10[%parallel_loop3A_259, %parallel_loop3A_260] {strides = array<i32>} : memref<64x200xi32, #tpu.memory_space<vmem>>, vector<16xi32>,
        %parallel_loop3A_262 = arith.constant 20 : i32
        %parallel_loop3A_263 = arith.addi %parallel_loop3A_125, %parallel_loop3A_262 : i32
        %parallel_loop3A_264 = vector.broadcast %parallel_loop3A_263 : i32 to vector<16xi32>
        %parallel_loop3A_265 = arith.addi %parallel_loop3A_261, %parallel_loop3A_264 : vector<16xi32>
        tpu.vector_store_idx %arg13[%parallel_loop3A_265], %broadcast_in_dim3A_3 {add = true} : memref<3072xf32, #tpu.memory_space<vmem>>[vector<16xi32>], vector<16xf32>,
        %parallel_loop3A_266 = arith.index_cast %parallel_loop3A_123 : i32 to index
        %parallel_loop3A_267 = arith.constant 112 : index
        %parallel_loop3A_268 = tpu.vector_load %arg10[%parallel_loop3A_266, %parallel_loop3A_267] {strides = array<i32>} : memref<64x200xi32, #tpu.memory_space<vmem>>, vector<16xi32>,
        %parallel_loop3A_269 = arith.constant 20 : i32
        %parallel_loop3A_270 = arith.addi %parallel_loop3A_125, %parallel_loop3A_269 : i32
        %parallel_loop3A_271 = vector.broadcast %parallel_loop3A_270 : i32 to vector<16xi32>
        %parallel_loop3A_272 = arith.addi %parallel_loop3A_268, %parallel_loop3A_271 : vector<16xi32>
        tpu.vector_store_idx %arg13[%parallel_loop3A_272], %broadcast_in_dim3A_3 {add = true} : memref<3072xf32, #tpu.memory_space<vmem>>[vector<16xi32>], vector<16xf32>,
        %parallel_loop3A_273 = arith.index_cast %parallel_loop3A_123 : i32 to index
        %parallel_loop3A_274 = arith.constant 128 : index
        %parallel_loop3A_275 = tpu.vector_load %arg10[%parallel_loop3A_273, %parallel_loop3A_274] {strides = array<i32>} : memref<64x200xi32, #tpu.memory_space<vmem>>, vector<16xi32>,
        %parallel_loop3A_276 = arith.constant 20 : i32
        %parallel_loop3A_277 = arith.addi %parallel_loop3A_125, %parallel_loop3A_276 : i32
        %parallel_loop3A_278 = vector.broadcast %parallel_loop3A_277 : i32 to vector<16xi32>
        %parallel_loop3A_279 = arith.addi %parallel_loop3A_275, %parallel_loop3A_278 : vector<16xi32>
        tpu.vector_store_idx %arg13[%parallel_loop3A_279], %broadcast_in_dim3A_3 {add = true} : memref<3072xf32, #tpu.memory_space<vmem>>[vector<16xi32>], vector<16xf32>,
        %parallel_loop3A_280 = arith.index_cast %parallel_loop3A_123 : i32 to index
        %parallel_loop3A_281 = arith.constant 144 : index
        %parallel_loop3A_282 = tpu.vector_load %arg10[%parallel_loop3A_280, %parallel_loop3A_281] {strides = array<i32>} : memref<64x200xi32, #tpu.memory_space<vmem>>, vector<16xi32>,
        %parallel_loop3A_283 = arith.constant 20 : i32
        %parallel_loop3A_284 = arith.addi %parallel_loop3A_125, %parallel_loop3A_283 : i32
        %parallel_loop3A_285 = vector.broadcast %parallel_loop3A_284 : i32 to vector<16xi32>
        %parallel_loop3A_286 = arith.addi %parallel_loop3A_282, %parallel_loop3A_285 : vector<16xi32>
        tpu.vector_store_idx %arg13[%parallel_loop3A_286], %broadcast_in_dim3A_3 {add = true} : memref<3072xf32, #tpu.memory_space<vmem>>[vector<16xi32>], vector<16xf32>,
        %parallel_loop3A_287 = arith.index_cast %parallel_loop3A_123 : i32 to index
        %parallel_loop3A_288 = arith.constant 160 : index
        %parallel_loop3A_289 = tpu.vector_load %arg10[%parallel_loop3A_287, %parallel_loop3A_288] {strides = array<i32>} : memref<64x200xi32, #tpu.memory_space<vmem>>, vector<16xi32>,
        %parallel_loop3A_290 = arith.constant 20 : i32
        %parallel_loop3A_291 = arith.addi %parallel_loop3A_125, %parallel_loop3A_290 : i32
        %parallel_loop3A_292 = vector.broadcast %parallel_loop3A_291 : i32 to vector<16xi32>
        %parallel_loop3A_293 = arith.addi %parallel_loop3A_289, %parallel_loop3A_292 : vector<16xi32>
        tpu.vector_store_idx %arg13[%parallel_loop3A_293], %broadcast_in_dim3A_3 {add = true} : memref<3072xf32, #tpu.memory_space<vmem>>[vector<16xi32>], vector<16xf32>,
        %parallel_loop3A_294 = arith.index_cast %parallel_loop3A_123 : i32 to index
        %parallel_loop3A_295 = arith.constant 176 : index
        %parallel_loop3A_296 = tpu.vector_load %arg10[%parallel_loop3A_294, %parallel_loop3A_295] {strides = array<i32>} : memref<64x200xi32, #tpu.memory_space<vmem>>, vector<16xi32>,
        %parallel_loop3A_297 = arith.constant 20 : i32
        %parallel_loop3A_298 = arith.addi %parallel_loop3A_125, %parallel_loop3A_297 : i32
        %parallel_loop3A_299 = vector.broadcast %parallel_loop3A_298 : i32 to vector<16xi32>
        %parallel_loop3A_300 = arith.addi %parallel_loop3A_296, %parallel_loop3A_299 : vector<16xi32>
        tpu.vector_store_idx %arg13[%parallel_loop3A_300], %broadcast_in_dim3A_3 {add = true} : memref<3072xf32, #tpu.memory_space<vmem>>[vector<16xi32>], vector<16xf32>,
        %parallel_loop3A_301 = arith.index_cast %parallel_loop3A_123 : i32 to index
        %parallel_loop3A_302 = arith.constant 184 : index
        %parallel_loop3A_303 = tpu.vector_load %arg10[%parallel_loop3A_301, %parallel_loop3A_302] {strides = array<i32>} : memref<64x200xi32, #tpu.memory_space<vmem>>, vector<16xi32>,
        %parallel_loop3A_304 = arith.constant 20 : i32
        %parallel_loop3A_305 = arith.addi %parallel_loop3A_125, %parallel_loop3A_304 : i32
        %parallel_loop3A_306 = vector.broadcast %parallel_loop3A_305 : i32 to vector<16xi32>
        %parallel_loop3A_307 = arith.addi %parallel_loop3A_303, %parallel_loop3A_306 : vector<16xi32>
        tpu.vector_store_idx %arg13[%parallel_loop3A_307], %broadcast_in_dim3A_3 masked %ge3A_7 {add = true} : memref<3072xf32, #tpu.memory_space<vmem>>[vector<16xi32>], vector<16xf32>, vector<16xi1>
        %parallel_loop3A_308 = arith.index_cast %parallel_loop3A_123 : i32 to index
        %parallel_loop3A_309 = arith.constant 0 : index
        %parallel_loop3A_310 = tpu.vector_load %arg11[%parallel_loop3A_308, %parallel_loop3A_309] {strides = array<i32>} : memref<64x200xi32, #tpu.memory_space<vmem>>, vector<16xi32>,
        %parallel_loop3A_311 = arith.constant 35 : i32
        %parallel_loop3A_312 = arith.addi %parallel_loop3A_125, %parallel_loop3A_311 : i32
        %parallel_loop3A_313 = vector.broadcast %parallel_loop3A_312 : i32 to vector<16xi32>
        %parallel_loop3A_314 = arith.addi %parallel_loop3A_310, %parallel_loop3A_313 : vector<16xi32>
        tpu.vector_store_idx %arg13[%parallel_loop3A_314], %broadcast_in_dim3A_3 {add = true} : memref<3072xf32, #tpu.memory_space<vmem>>[vector<16xi32>], vector<16xf32>,
        %parallel_loop3A_315 = arith.index_cast %parallel_loop3A_123 : i32 to index
        %parallel_loop3A_316 = arith.constant 16 : index
        %parallel_loop3A_317 = tpu.vector_load %arg11[%parallel_loop3A_315, %parallel_loop3A_316] {strides = array<i32>} : memref<64x200xi32, #tpu.memory_space<vmem>>, vector<16xi32>,
        %parallel_loop3A_318 = arith.constant 35 : i32
        %parallel_loop3A_319 = arith.addi %parallel_loop3A_125, %parallel_loop3A_318 : i32
        %parallel_loop3A_320 = vector.broadcast %parallel_loop3A_319 : i32 to vector<16xi32>
        %parallel_loop3A_321 = arith.addi %parallel_loop3A_317, %parallel_loop3A_320 : vector<16xi32>
        tpu.vector_store_idx %arg13[%parallel_loop3A_321], %broadcast_in_dim3A_3 {add = true} : memref<3072xf32, #tpu.memory_space<vmem>>[vector<16xi32>], vector<16xf32>,
        %parallel_loop3A_322 = arith.index_cast %parallel_loop3A_123 : i32 to index
        %parallel_loop3A_323 = arith.constant 32 : index
        %parallel_loop3A_324 = tpu.vector_load %arg11[%parallel_loop3A_322, %parallel_loop3A_323] {strides = array<i32>} : memref<64x200xi32, #tpu.memory_space<vmem>>, vector<16xi32>,
        %parallel_loop3A_325 = arith.constant 35 : i32
        %parallel_loop3A_326 = arith.addi %parallel_loop3A_125, %parallel_loop3A_325 : i32
        %parallel_loop3A_327 = vector.broadcast %parallel_loop3A_326 : i32 to vector<16xi32>
        %parallel_loop3A_328 = arith.addi %parallel_loop3A_324, %parallel_loop3A_327 : vector<16xi32>
        tpu.vector_store_idx %arg13[%parallel_loop3A_328], %broadcast_in_dim3A_3 {add = true} : memref<3072xf32, #tpu.memory_space<vmem>>[vector<16xi32>], vector<16xf32>,
        %parallel_loop3A_329 = arith.index_cast %parallel_loop3A_123 : i32 to index
        %parallel_loop3A_330 = arith.constant 48 : index
        %parallel_loop3A_331 = tpu.vector_load %arg11[%parallel_loop3A_329, %parallel_loop3A_330] {strides = array<i32>} : memref<64x200xi32, #tpu.memory_space<vmem>>, vector<16xi32>,
        %parallel_loop3A_332 = arith.constant 35 : i32
        %parallel_loop3A_333 = arith.addi %parallel_loop3A_125, %parallel_loop3A_332 : i32
        %parallel_loop3A_334 = vector.broadcast %parallel_loop3A_333 : i32 to vector<16xi32>
        %parallel_loop3A_335 = arith.addi %parallel_loop3A_331, %parallel_loop3A_334 : vector<16xi32>
        tpu.vector_store_idx %arg13[%parallel_loop3A_335], %broadcast_in_dim3A_3 {add = true} : memref<3072xf32, #tpu.memory_space<vmem>>[vector<16xi32>], vector<16xf32>,
        %parallel_loop3A_336 = arith.index_cast %parallel_loop3A_123 : i32 to index
        %parallel_loop3A_337 = arith.constant 64 : index
        %parallel_loop3A_338 = tpu.vector_load %arg11[%parallel_loop3A_336, %parallel_loop3A_337] {strides = array<i32>} : memref<64x200xi32, #tpu.memory_space<vmem>>, vector<16xi32>,
        %parallel_loop3A_339 = arith.constant 35 : i32
        %parallel_loop3A_340 = arith.addi %parallel_loop3A_125, %parallel_loop3A_339 : i32
        %parallel_loop3A_341 = vector.broadcast %parallel_loop3A_340 : i32 to vector<16xi32>
        %parallel_loop3A_342 = arith.addi %parallel_loop3A_338, %parallel_loop3A_341 : vector<16xi32>
        tpu.vector_store_idx %arg13[%parallel_loop3A_342], %broadcast_in_dim3A_3 {add = true} : memref<3072xf32, #tpu.memory_space<vmem>>[vector<16xi32>], vector<16xf32>,
        %parallel_loop3A_343 = arith.index_cast %parallel_loop3A_123 : i32 to index
        %parallel_loop3A_344 = arith.constant 80 : index
        %parallel_loop3A_345 = tpu.vector_load %arg11[%parallel_loop3A_343, %parallel_loop3A_344] {strides = array<i32>} : memref<64x200xi32, #tpu.memory_space<vmem>>, vector<16xi32>,
        %parallel_loop3A_346 = arith.constant 35 : i32
        %parallel_loop3A_347 = arith.addi %parallel_loop3A_125, %parallel_loop3A_346 : i32
        %parallel_loop3A_348 = vector.broadcast %parallel_loop3A_347 : i32 to vector<16xi32>
        %parallel_loop3A_349 = arith.addi %parallel_loop3A_345, %parallel_loop3A_348 : vector<16xi32>
        tpu.vector_store_idx %arg13[%parallel_loop3A_349], %broadcast_in_dim3A_3 {add = true} : memref<3072xf32, #tpu.memory_space<vmem>>[vector<16xi32>], vector<16xf32>,
        %parallel_loop3A_350 = arith.index_cast %parallel_loop3A_123 : i32 to index
        %parallel_loop3A_351 = arith.constant 96 : index
        %parallel_loop3A_352 = tpu.vector_load %arg11[%parallel_loop3A_350, %parallel_loop3A_351] {strides = array<i32>} : memref<64x200xi32, #tpu.memory_space<vmem>>, vector<16xi32>,
        %parallel_loop3A_353 = arith.constant 35 : i32
        %parallel_loop3A_354 = arith.addi %parallel_loop3A_125, %parallel_loop3A_353 : i32
        %parallel_loop3A_355 = vector.broadcast %parallel_loop3A_354 : i32 to vector<16xi32>
        %parallel_loop3A_356 = arith.addi %parallel_loop3A_352, %parallel_loop3A_355 : vector<16xi32>
        tpu.vector_store_idx %arg13[%parallel_loop3A_356], %broadcast_in_dim3A_3 {add = true} : memref<3072xf32, #tpu.memory_space<vmem>>[vector<16xi32>], vector<16xf32>,
        %parallel_loop3A_357 = arith.index_cast %parallel_loop3A_123 : i32 to index
        %parallel_loop3A_358 = arith.constant 112 : index
        %parallel_loop3A_359 = tpu.vector_load %arg11[%parallel_loop3A_357, %parallel_loop3A_358] {strides = array<i32>} : memref<64x200xi32, #tpu.memory_space<vmem>>, vector<16xi32>,
        %parallel_loop3A_360 = arith.constant 35 : i32
        %parallel_loop3A_361 = arith.addi %parallel_loop3A_125, %parallel_loop3A_360 : i32
        %parallel_loop3A_362 = vector.broadcast %parallel_loop3A_361 : i32 to vector<16xi32>
        %parallel_loop3A_363 = arith.addi %parallel_loop3A_359, %parallel_loop3A_362 : vector<16xi32>
        tpu.vector_store_idx %arg13[%parallel_loop3A_363], %broadcast_in_dim3A_3 {add = true} : memref<3072xf32, #tpu.memory_space<vmem>>[vector<16xi32>], vector<16xf32>,
        %parallel_loop3A_364 = arith.index_cast %parallel_loop3A_123 : i32 to index
        %parallel_loop3A_365 = arith.constant 128 : index
        %parallel_loop3A_366 = tpu.vector_load %arg11[%parallel_loop3A_364, %parallel_loop3A_365] {strides = array<i32>} : memref<64x200xi32, #tpu.memory_space<vmem>>, vector<16xi32>,
        %parallel_loop3A_367 = arith.constant 35 : i32
        %parallel_loop3A_368 = arith.addi %parallel_loop3A_125, %parallel_loop3A_367 : i32
        %parallel_loop3A_369 = vector.broadcast %parallel_loop3A_368 : i32 to vector<16xi32>
        %parallel_loop3A_370 = arith.addi %parallel_loop3A_366, %parallel_loop3A_369 : vector<16xi32>
        tpu.vector_store_idx %arg13[%parallel_loop3A_370], %broadcast_in_dim3A_3 {add = true} : memref<3072xf32, #tpu.memory_space<vmem>>[vector<16xi32>], vector<16xf32>,
        %parallel_loop3A_371 = arith.index_cast %parallel_loop3A_123 : i32 to index
        %parallel_loop3A_372 = arith.constant 144 : index
        %parallel_loop3A_373 = tpu.vector_load %arg11[%parallel_loop3A_371, %parallel_loop3A_372] {strides = array<i32>} : memref<64x200xi32, #tpu.memory_space<vmem>>, vector<16xi32>,
        %parallel_loop3A_374 = arith.constant 35 : i32
        %parallel_loop3A_375 = arith.addi %parallel_loop3A_125, %parallel_loop3A_374 : i32
        %parallel_loop3A_376 = vector.broadcast %parallel_loop3A_375 : i32 to vector<16xi32>
        %parallel_loop3A_377 = arith.addi %parallel_loop3A_373, %parallel_loop3A_376 : vector<16xi32>
        tpu.vector_store_idx %arg13[%parallel_loop3A_377], %broadcast_in_dim3A_3 {add = true} : memref<3072xf32, #tpu.memory_space<vmem>>[vector<16xi32>], vector<16xf32>,
        %parallel_loop3A_378 = arith.index_cast %parallel_loop3A_123 : i32 to index
        %parallel_loop3A_379 = arith.constant 160 : index
        %parallel_loop3A_380 = tpu.vector_load %arg11[%parallel_loop3A_378, %parallel_loop3A_379] {strides = array<i32>} : memref<64x200xi32, #tpu.memory_space<vmem>>, vector<16xi32>,
        %parallel_loop3A_381 = arith.constant 35 : i32
        %parallel_loop3A_382 = arith.addi %parallel_loop3A_125, %parallel_loop3A_381 : i32
        %parallel_loop3A_383 = vector.broadcast %parallel_loop3A_382 : i32 to vector<16xi32>
        %parallel_loop3A_384 = arith.addi %parallel_loop3A_380, %parallel_loop3A_383 : vector<16xi32>
        tpu.vector_store_idx %arg13[%parallel_loop3A_384], %broadcast_in_dim3A_3 {add = true} : memref<3072xf32, #tpu.memory_space<vmem>>[vector<16xi32>], vector<16xf32>,
        %parallel_loop3A_385 = arith.index_cast %parallel_loop3A_123 : i32 to index
        %parallel_loop3A_386 = arith.constant 176 : index
        %parallel_loop3A_387 = tpu.vector_load %arg11[%parallel_loop3A_385, %parallel_loop3A_386] {strides = array<i32>} : memref<64x200xi32, #tpu.memory_space<vmem>>, vector<16xi32>,
        %parallel_loop3A_388 = arith.constant 35 : i32
        %parallel_loop3A_389 = arith.addi %parallel_loop3A_125, %parallel_loop3A_388 : i32
        %parallel_loop3A_390 = vector.broadcast %parallel_loop3A_389 : i32 to vector<16xi32>
        %parallel_loop3A_391 = arith.addi %parallel_loop3A_387, %parallel_loop3A_390 : vector<16xi32>
        tpu.vector_store_idx %arg13[%parallel_loop3A_391], %broadcast_in_dim3A_3 {add = true} : memref<3072xf32, #tpu.memory_space<vmem>>[vector<16xi32>], vector<16xf32>,
        %parallel_loop3A_392 = arith.index_cast %parallel_loop3A_123 : i32 to index
        %parallel_loop3A_393 = arith.constant 184 : index
        %parallel_loop3A_394 = tpu.vector_load %arg11[%parallel_loop3A_392, %parallel_loop3A_393] {strides = array<i32>} : memref<64x200xi32, #tpu.memory_space<vmem>>, vector<16xi32>,
        %parallel_loop3A_395 = arith.constant 35 : i32
        %parallel_loop3A_396 = arith.addi %parallel_loop3A_125, %parallel_loop3A_395 : i32
        %parallel_loop3A_397 = vector.broadcast %parallel_loop3A_396 : i32 to vector<16xi32>
        %parallel_loop3A_398 = arith.addi %parallel_loop3A_394, %parallel_loop3A_397 : vector<16xi32>
        tpu.vector_store_idx %arg13[%parallel_loop3A_398], %broadcast_in_dim3A_3 masked %ge3A_7 {add = true} : memref<3072xf32, #tpu.memory_space<vmem>>[vector<16xi32>], vector<16xf32>, vector<16xi1>
      } {sc.loop_unroll_factor = 4 : i64, sc.parallel_access}
      %mul3A_114 = arith.constant 48 : i32
      %mul3A_115 = arith.muli %add3A_90, %mul3A_114 : i32
      %dma_start3A_116 = tpu.memref_slice %arg5[%mul3A_115] : memref<786432xf32, #tpu.memory_space<hbm>> -> memref<3072xf32, #tpu.memory_space<hbm>>
      %dma_start3A_117 = tpu.memref_slice %arg5[%mul3A_115] : memref<786432xf32, #tpu.memory_space<hbm>> -> memref<3072xf32, #tpu.memory_space<hbm>>
      tpu.enqueue_dma source(%arg13 : memref<3072xf32, #tpu.memory_space<vmem>>) target(%dma_start3A_117 : memref<3072xf32, #tpu.memory_space<hbm>>) target_semaphore(%arg17 : memref<!tpu.dma_semaphore, #tpu.memory_space<semaphore_mem>>)
      %lt3A_118 = arith.constant 3 : i32
      %lt3A_119 = arith.cmpi slt, %scan3A_49, %lt3A_118 : i32
      %convert_element_type3A_120 = arith.extui %lt3A_119 : i1 to i32
      %cond3A_121 = arith.constant 0 : i32
      %cond3A_122 = arith.cmpi ne, %convert_element_type3A_120, %cond3A_121 : i32
      scf.if %cond3A_122 {
        %add3A_123 = arith.constant 128 : i32
        %add3A_124 = arith.addi %add3A_90, %add3A_123 : i32
        %dma_start3A_125 = arith.constant 0 : i32
        %dma_start3A_126 = tpu.memref_slice %arg2[%add3A_124, %dma_start3A_125] : memref<16384x200xi32, #tpu.memory_space<hbm>> -> memref<64x200xi32, #tpu.memory_space<hbm>>
        %dma_start3A_127 = arith.constant 0 : i32
        %dma_start3A_128 = tpu.memref_slice %arg2[%add3A_124, %dma_start3A_127] : memref<16384x200xi32, #tpu.memory_space<hbm>> -> memref<64x200xi32, #tpu.memory_space<hbm>>
        tpu.enqueue_dma source(%dma_start3A_128 : memref<64x200xi32, #tpu.memory_space<hbm>>) target(%arg9 : memref<64x200xi32, #tpu.memory_space<vmem>>) target_semaphore(%arg15 : memref<!tpu.dma_semaphore, #tpu.memory_space<semaphore_mem>>)
        %dma_start3A_129 = arith.constant 0 : i32
        %dma_start3A_130 = tpu.memref_slice %arg3[%add3A_124, %dma_start3A_129] : memref<16384x200xi32, #tpu.memory_space<hbm>> -> memref<64x200xi32, #tpu.memory_space<hbm>>
        %dma_start3A_131 = arith.constant 0 : i32
        %dma_start3A_132 = tpu.memref_slice %arg3[%add3A_124, %dma_start3A_131] : memref<16384x200xi32, #tpu.memory_space<hbm>> -> memref<64x200xi32, #tpu.memory_space<hbm>>
        tpu.enqueue_dma source(%dma_start3A_132 : memref<64x200xi32, #tpu.memory_space<hbm>>) target(%arg10 : memref<64x200xi32, #tpu.memory_space<vmem>>) target_semaphore(%arg15 : memref<!tpu.dma_semaphore, #tpu.memory_space<semaphore_mem>>)
        %dma_start3A_133 = arith.constant 0 : i32
        %dma_start3A_134 = tpu.memref_slice %arg4[%add3A_124, %dma_start3A_133] : memref<16384x200xi32, #tpu.memory_space<hbm>> -> memref<64x200xi32, #tpu.memory_space<hbm>>
        %dma_start3A_135 = arith.constant 0 : i32
        %dma_start3A_136 = tpu.memref_slice %arg4[%add3A_124, %dma_start3A_135] : memref<16384x200xi32, #tpu.memory_space<hbm>> -> memref<64x200xi32, #tpu.memory_space<hbm>>
        tpu.enqueue_dma source(%dma_start3A_136 : memref<64x200xi32, #tpu.memory_space<hbm>>) target(%arg11 : memref<64x200xi32, #tpu.memory_space<vmem>>) target_semaphore(%arg15 : memref<!tpu.dma_semaphore, #tpu.memory_space<semaphore_mem>>)
      } else {
      }
    }
    %scan3A_37 = arith.constant 4 : i32
    %add3A_38 = arith.constant 384 : i32
    %add3A_39 = arith.addi %mul3A_2, %add3A_38 : i32
    %mul3A_40 = arith.constant 48 : i32
    %mul3A_41 = arith.muli %add3A_39, %mul3A_40 : i32
    %dma_wait3A = tpu.memref_slice %arg5[%mul3A_41] : memref<786432xf32, #tpu.memory_space<hbm>> -> memref<3072xf32, #tpu.memory_space<hbm>>
    %dma_wait3A_42 = tpu.memref_slice %arg5[%mul3A_41] : memref<786432xf32, #tpu.memory_space<hbm>> -> memref<3072xf32, #tpu.memory_space<hbm>>
    tpu.wait_dma2 semaphore(%arg16 : memref<!tpu.dma_semaphore, #tpu.memory_space<semaphore_mem>>) src(%arg12 : memref<3072xf32, #tpu.memory_space<vmem>>) dst(%dma_wait3A_42 : memref<3072xf32, #tpu.memory_space<hbm>>)
    %add3A_43 = arith.constant 448 : i32
    %add3A_44 = arith.addi %mul3A_2, %add3A_43 : i32
    %mul3A_45 = arith.constant 48 : i32
    %mul3A_46 = arith.muli %add3A_44, %mul3A_45 : i32
    %dma_wait3A_47 = tpu.memref_slice %arg5[%mul3A_46] : memref<786432xf32, #tpu.memory_space<hbm>> -> memref<3072xf32, #tpu.memory_space<hbm>>
    %dma_wait3A_48 = tpu.memref_slice %arg5[%mul3A_46] : memref<786432xf32, #tpu.memory_space<hbm>> -> memref<3072xf32, #tpu.memory_space<hbm>>
    tpu.wait_dma2 semaphore(%arg17 : memref<!tpu.dma_semaphore, #tpu.memory_space<semaphore_mem>>) src(%arg13 : memref<3072xf32, #tpu.memory_space<vmem>>) dst(%dma_wait3A_48 : memref<3072xf32, #tpu.memory_space<hbm>>)
    return
  }
}

module attributes {stable_mosaic.version = 14 : i64} {
  func.func @_mlp_kernel_body(%arg0: i32, %arg1: memref<512x48xf32, #tpu.memory_space<vmem>>, %arg2: memref<48x256xf32, #tpu.memory_space<vmem>>, %arg3: memref<1x256xf32, #tpu.memory_space<vmem>>, %arg4: memref<256x256xf32, #tpu.memory_space<vmem>>, %arg5: memref<1x256xf32, #tpu.memory_space<vmem>>, %arg6: memref<256x256xf32, #tpu.memory_space<vmem>>, %arg7: memref<1x256xf32, #tpu.memory_space<vmem>>, %arg8: memref<512x256xf32, #tpu.memory_space<vmem>>) attributes {dimension_semantics = [#tpu.dimension_semantics<arbitrary>], iteration_bounds = array<i64: 32>, scalar_prefetch = 0 : i64, scratch_operands = 0 : i64, tpu.core_type = #tpu.core_type<tc>, window_params = [{transform_indices = @transform_0, window_bounds = array<i64: 512, 48>}, {pipeline_mode = #tpu.pipeline_mode<synchronous>, transform_indices = @transform_1, window_bounds = array<i64: 48, 256>}, {pipeline_mode = #tpu.pipeline_mode<synchronous>, transform_indices = @transform_2, window_bounds = array<i64: 1, 256>}, {pipeline_mode = #tpu.pipeline_mode<synchronous>, transform_indices = @transform_3, window_bounds = array<i64: 256, 256>}, {pipeline_mode = #tpu.pipeline_mode<synchronous>, transform_indices = @transform_4, window_bounds = array<i64: 1, 256>}, {pipeline_mode = #tpu.pipeline_mode<synchronous>, transform_indices = @transform_5, window_bounds = array<i64: 256, 256>}, {pipeline_mode = #tpu.pipeline_mode<synchronous>, transform_indices = @transform_6, window_bounds = array<i64: 1, 256>}, {transform_indices = @transform_7, window_bounds = array<i64: 512, 256>}]} {
    %get3A = arith.constant 0 : index
    %get3A_0 = arith.constant 0 : index
    %get3A_1 = vector.load %arg1[%get3A, %get3A_0] : memref<512x48xf32, #tpu.memory_space<vmem>>, vector<512x48xf32>
    %get3A_2 = arith.constant 0 : index
    %get3A_3 = arith.constant 0 : index
    %get3A_4 = vector.load %arg2[%get3A_2, %get3A_3] : memref<48x256xf32, #tpu.memory_space<vmem>>, vector<48x256xf32>
    %dot_general3A = arith.constant dense<0.000000e+00> : vector<512x256xf32>
    %dot_general3A_5 = tpu.matmul %get3A_1, %get3A_4, %dot_general3A {dimension_numbers = #tpu.dot_dimension_numbers<[1], [0], [0], [1], [0, 0, 1, 1], [], []>, transpose_lhs_hint = false} : vector<512x48xf32>, vector<48x256xf32>, vector<512x256xf32> -> vector<512x256xf32>
    %get3A_6 = arith.constant 0 : index
    %get3A_7 = arith.constant 0 : index
    %get3A_8 = vector.load %arg3[%get3A_6, %get3A_7] : memref<1x256xf32, #tpu.memory_space<vmem>>, vector<1x256xf32>
    %add3A = vector.broadcast %get3A_8 : vector<1x256xf32> to vector<512x256xf32>
    %add3A_9 = arith.addf %dot_general3A_5, %add3A : vector<512x256xf32>
    %max3A = arith.constant 0.000000e+00 : f32
    %max3A_10 = vector.broadcast %max3A : f32 to vector<512x256xf32>
    %max3A_11 = arith.maximumf %add3A_9, %max3A_10 : vector<512x256xf32>
    %get3A_12 = arith.constant 0 : index
    %get3A_13 = arith.constant 0 : index
    %get3A_14 = vector.load %arg4[%get3A_12, %get3A_13] : memref<256x256xf32, #tpu.memory_space<vmem>>, vector<256x256xf32>
    %dot_general3A_15 = arith.constant dense<0.000000e+00> : vector<512x256xf32>
    %dot_general3A_16 = tpu.matmul %max3A_11, %get3A_14, %dot_general3A_15 {dimension_numbers = #tpu.dot_dimension_numbers<[1], [0], [0], [1], [0, 0, 1, 1], [], []>, transpose_lhs_hint = false} : vector<512x256xf32>, vector<256x256xf32>, vector<512x256xf32> -> vector<512x256xf32>
    %get3A_17 = arith.constant 0 : index
    %get3A_18 = arith.constant 0 : index
    %get3A_19 = vector.load %arg5[%get3A_17, %get3A_18] : memref<1x256xf32, #tpu.memory_space<vmem>>, vector<1x256xf32>
    %add3A_20 = vector.broadcast %get3A_19 : vector<1x256xf32> to vector<512x256xf32>
    %add3A_21 = arith.addf %dot_general3A_16, %add3A_20 : vector<512x256xf32>
    %max3A_22 = arith.constant 0.000000e+00 : f32
    %max3A_23 = vector.broadcast %max3A_22 : f32 to vector<512x256xf32>
    %max3A_24 = arith.maximumf %add3A_21, %max3A_23 : vector<512x256xf32>
    %get3A_25 = arith.constant 0 : index
    %get3A_26 = arith.constant 0 : index
    %get3A_27 = vector.load %arg6[%get3A_25, %get3A_26] : memref<256x256xf32, #tpu.memory_space<vmem>>, vector<256x256xf32>
    %dot_general3A_28 = arith.constant dense<0.000000e+00> : vector<512x256xf32>
    %dot_general3A_29 = tpu.matmul %max3A_24, %get3A_27, %dot_general3A_28 {dimension_numbers = #tpu.dot_dimension_numbers<[1], [0], [0], [1], [0, 0, 1, 1], [], []>, transpose_lhs_hint = false} : vector<512x256xf32>, vector<256x256xf32>, vector<512x256xf32> -> vector<512x256xf32>
    %get3A_30 = arith.constant 0 : index
    %get3A_31 = arith.constant 0 : index
    %get3A_32 = vector.load %arg7[%get3A_30, %get3A_31] : memref<1x256xf32, #tpu.memory_space<vmem>>, vector<1x256xf32>
    %add3A_33 = vector.broadcast %get3A_32 : vector<1x256xf32> to vector<512x256xf32>
    %add3A_34 = arith.addf %dot_general3A_29, %add3A_33 : vector<512x256xf32>
    %swap3A = arith.constant 0 : index
    %swap3A_35 = arith.constant 0 : index
    %swap3A_36 = vector.load %arg8[%swap3A, %swap3A_35] : memref<512x256xf32, #tpu.memory_space<vmem>>, vector<512x256xf32>
    tpu.vector_store %arg8[%swap3A, %swap3A_35], %add3A_34 {strides = array<i32>} : memref<512x256xf32, #tpu.memory_space<vmem>>, vector<512x256xf32>,
    return
  }
  func.func @transform_0(%arg0: i32) -> (i32, i32) {
    %c0_i32 = arith.constant 0 : i32
    %c0_i32_0 = arith.constant 0 : i32
    return %arg0, %c0_i32 : i32, i32
  }
  func.func @transform_1(%arg0: i32) -> (i32, i32) {
    %c0_i32 = arith.constant 0 : i32
    %c0_i32_0 = arith.constant 0 : i32
    %c0_i32_1 = arith.constant 0 : i32
    return %c0_i32, %c0_i32_0 : i32, i32
  }
  func.func @transform_2(%arg0: i32) -> (i32, i32) {
    %c0_i32 = arith.constant 0 : i32
    %c0_i32_0 = arith.constant 0 : i32
    %c0_i32_1 = arith.constant 0 : i32
    return %c0_i32, %c0_i32_0 : i32, i32
  }
  func.func @transform_3(%arg0: i32) -> (i32, i32) {
    %c0_i32 = arith.constant 0 : i32
    %c0_i32_0 = arith.constant 0 : i32
    %c0_i32_1 = arith.constant 0 : i32
    return %c0_i32, %c0_i32_0 : i32, i32
  }
  func.func @transform_4(%arg0: i32) -> (i32, i32) {
    %c0_i32 = arith.constant 0 : i32
    %c0_i32_0 = arith.constant 0 : i32
    %c0_i32_1 = arith.constant 0 : i32
    return %c0_i32, %c0_i32_0 : i32, i32
  }
  func.func @transform_5(%arg0: i32) -> (i32, i32) {
    %c0_i32 = arith.constant 0 : i32
    %c0_i32_0 = arith.constant 0 : i32
    %c0_i32_1 = arith.constant 0 : i32
    return %c0_i32, %c0_i32_0 : i32, i32
  }
  func.func @transform_6(%arg0: i32) -> (i32, i32) {
    %c0_i32 = arith.constant 0 : i32
    %c0_i32_0 = arith.constant 0 : i32
    %c0_i32_1 = arith.constant 0 : i32
    return %c0_i32, %c0_i32_0 : i32, i32
  }
  func.func @transform_7(%arg0: i32) -> (i32, i32) {
    %c0_i32 = arith.constant 0 : i32
    %c0_i32_0 = arith.constant 0 : i32
    return %arg0, %c0_i32 : i32, i32
  }
}

</mosaic_0001>

<sc_bundles>
// kernel: kernel.4.cloned.1.call-start
scs
__scs_entry_jumppad:
0x0: {  	(pc) =	sbr.rel $0x88, $3  }
0x1: {  	(tag) =	ssettag $0x0;
	lr =	simm.s32 $0x1  }
0x2: {  	[smem:$0x3F95] =	sst lr;
	_ =	strace $0xD0000000  }
0x3: {  	_ = 	snop  }
0x4: {  	_ = 	snop  }
0x5: {  	_ = 	snop  }
0x6: {  	_ = 	snop  }
0x7: {  	_ = 	snop  }
__scs_overlays_trampoline_lowered:
0x8: {  	[smem:$0x3FA4] =	sst s0  }
0x9: {  	[smem:$0x3FA5] =	sst s1  }
0xa: {  	[smem:$0x3FA6] =	sst s2  }
0xb: {  	[smem:$0x3FA7] =	sst s3  }
0xc: {  	[smem:$0x3FA8] =	sst s4  }
0xd: {  	[smem:$0x3FA9] =	sst s5  }
0xe: {  	[smem:$0x3FAA] =	sst s6  }
0xf: {  	[smem:$0x3FAB] =	sst s7  }
0x10: {  	[smem:$0x3FAC] =	sst s8  }
0x11: {  	[smem:$0x3FAD] =	sst s9;
	s0 =	simm.s32 @!p0 $0x0  }
0x12: {  	s1 =	sld [smem:$0x3F93];
	s0 =	simm.s32 @p0 $0x1  }
0x13: {  	[smem:$0x3FAE] =	sst s0;
	s0 =	simm.s32 @!p1 $0x0  }
0x14: {  	s2 =	sld [smem:$0x3F92];
	s0 =	simm.s32 @p1 $0x1  }
0x15: {  	[smem:$0x3FAF] =	sst s0;
	s0 =	simm.s32 @!p2 $0x0  }
0x16: {  	s3 =	sld [smem:$0x3FDB];
	s0 =	simm.s32 @p2 $0x1  }
0x17: {  	s4 =	simm.s32 $0x1BF5;
	[smem:$0x3FB1] =	sst s0  }
0x18: {  	s0 =	sld [smem:$0x3F94];
	_ =	swait.ge [sflag:s4], $0x0  }
0x19: {  	s7 =	sld [smem:$0x3F95]  }
0x1a: {  	s8 =	sadd.s32 $0xFFFFE003, lr  }
0x1b: {  	s9 =	sadd.s32 $0xFFFFFEF7, lr;
	s5 =	simm.s32 $0xFFFFFFFF;
	p2 =	slt.u32 s8, $0xFFFFF086  }
0x1c: {  	p1 =	slt.u32 s9, $0xF7A;
	s5 =	simm.s32 @!p2 $0x0  }
0x1d: {  	s5 =	simm.s32 @p1 $0x1;
	p0 =	seq.s32 s7, s2  }
0x1e: {  	s7 =	smul.u32 @!p0 $0xF7A, s2;
	p2 =	seq.s32 @!p0 s5, $0x0  }
0x1f: {  	s9 =	smul.u32 $0xF7A, s1;
	s8 =	simm.s32 @!p0 $0x1BF5;
	p2 =	por !p2, p0  }
0x20: {  	[sflag:s8] =	ssyncset.s32 @!p0 $0xFFFFF086;
	s6 =	sadd.s32 @!p0 s3, s7;
	s7 =	simm.s32 @!p0 $0x108  }
0x21: {  	s3 =	sadd.s32 s3, s9;
	s6 =	sadd.s32 @!p0 $0x88, s6;
	s7 =	simm.s32 @p2 $0x1082  }
0x22: {  	[simem:s7], [sflag:s8] =	dma.local @!p0 [hbm:s6], $0xF7A  }
0x23: {  	s9 =	sor.u32 $0xD0000000, s2;
	s6 =	simm.s32 $0x108;
	_ =	swait.ge @!p0 [sflag:s8], $0x0  }
0x24: {  	s3 =	sadd.s32 $0x88, s3;
	s6 =	simm.s32 @!p1 $0x1082;
	[sflag:s4] =	ssyncset.s32 $0xFFFFF086  }
0x25: {  	[simem:s6], [sflag:s4] =	dma.local [hbm:s3], $0xF7A  }
0x26: {  	[smem:$0x3F95] =	sst s1;
	(tag) =	ssettag s2;
	_ =	strace s9  }
0x27: {  	s1 =	sld [smem:$0x3FA5]  }
0x28: {  	s2 =	sld [smem:$0x3FA6]  }
0x29: {  	s4 =	sld [smem:$0x3FA8]  }
0x2a: {  	p0 =	seq.s32 s5, $0x0;
	s5 =	sld [smem:$0x3FA9]  }
0x2b: {  	s6 =	sld [smem:$0x3FAA]  }
0x2c: {  	s7 =	sld [smem:$0x3FAB]  }
0x2d: {  	s3 =	simm.s32 $0x108;
	s8 =	sld [smem:$0x3FAC]  }
0x2e: {  	s3 =	simm.s32 @!p0 $0x1082;
	s9 =	sld [smem:$0x3FAD]  }
0x2f: {  	lr =	sadd.s32 s0, s3;
	s0 =	sld [smem:$0x3FA4]  }
0x30: {  	s3 =	sld [smem:$0x3FA7]  }
0x31: {  	[smem:$0x3FB0] =	sst s10  }
0x32: {  	s10 =	sld [smem:$0x3FAE];
	_ =	sdelay $0x3  }
0x33: {  	p0 =	seq.s32 s10, $0x1;
	s10 =	sld [smem:$0x3FB0];
	_ =	sdelay $0x3  }
0x34: {  	[smem:$0x3FB0] =	sst s10  }
0x35: {  	s10 =	sld [smem:$0x3FAF];
	_ =	sdelay $0x3  }
0x36: {  	p1 =	seq.s32 s10, $0x1;
	s10 =	sld [smem:$0x3FB0];
	_ =	sdelay $0x3  }
0x37: {  	[smem:$0x3FB0] =	sst s10  }
0x38: {  	s10 =	sld [smem:$0x3FB1]  }
0x39: {  	_ = 	snop;
	(pc) =	sbr.ind lr, $3  }
0x3a: {  	_ = 	snop  }
0x3b: {  	_ = 	snop  }
0x3c: {  	p2 =	seq.s32 s10, $0x1;
	s10 =	sld [smem:$0x3FB0]  }
0x3d: {  	_ =	shalt  }
0x3e: {  	_ =	shalt  }
0x3f: {  	_ =	shalt  }
0x40: {  	_ =	shalt  }
0x41: {  	_ =	shalt  }
0x42: {  	_ =	shalt  }
0x43: {  	_ =	shalt  }
0x44: {  	_ =	shalt  }
0x45: {  	_ =	shalt  }
0x46: {  	_ =	shalt  }
0x47: {  	_ =	shalt  }
0x48: {  	_ =	shalt  }
0x49: {  	_ =	shalt  }
0x4a: {  	_ =	shalt  }
0x4b: {  	_ =	shalt  }
0x4c: {  	_ =	shalt  }
0x4d: {  	_ =	shalt  }
0x4e: {  	_ =	shalt  }
0x4f: {  	_ =	shalt  }
0x50: {  	_ =	shalt  }
0x51: {  	_ =	shalt  }
0x52: {  	_ =	shalt  }
0x53: {  	_ =	shalt  }
0x54: {  	_ =	shalt  }
0x55: {  	_ =	shalt  }
0x56: {  	_ =	shalt  }
0x57: {  	_ =	shalt  }
0x58: {  	_ =	shalt  }
0x59: {  	_ =	shalt  }
0x5a: {  	_ =	shalt  }
0x5b: {  	_ =	shalt  }
0x5c: {  	_ =	shalt  }
0x5d: {  	_ =	shalt  }
0x5e: {  	_ =	shalt  }
0x5f: {  	_ =	shalt  }
0x60: {  	_ =	shalt  }
0x61: {  	_ =	shalt  }
0x62: {  	_ =	shalt  }
0x63: {  	_ =	shalt  }
0x64: {  	_ =	shalt  }
0x65: {  	_ =	shalt  }
0x66: {  	_ =	shalt  }
0x67: {  	_ =	shalt  }
0x68: {  	_ =	shalt  }
0x69: {  	_ =	shalt  }
0x6a: {  	_ =	shalt  }
0x6b: {  	_ =	shalt  }
0x6c: {  	_ =	shalt  }
0x6d: {  	_ =	shalt  }
0x6e: {  	_ =	shalt  }
0x6f: {  	_ =	shalt  }
0x70: {  	_ =	shalt  }
0x71: {  	_ =	shalt  }
0x72: {  	_ =	shalt  }
0x73: {  	_ =	shalt  }
0x74: {  	_ =	shalt  }
0x75: {  	_ =	shalt  }
0x76: {  	_ =	shalt  }
0x77: {  	_ =	shalt  }
0x78: {  	_ =	shalt  }
0x79: {  	_ =	shalt  }
0x7a: {  	_ =	shalt  }
0x7b: {  	_ =	shalt  }
0x7c: {  	_ =	shalt  }
0x7d: {  	_ =	shalt  }
0x7e: {  	_ =	shalt  }
0x7f: {  	_ =	shalt  }
0x80: {  	_ =	shalt  }
0x81: {  	_ =	shalt  }
0x82: {  	_ =	shalt  }
0x83: {  	_ =	shalt  }
0x84: {  	_ =	shalt  }
0x85: {  	_ =	shalt  }
0x86: {  	_ =	shalt  }
0x87: {  	_ =	shalt  }
.Lfunc_end0:
.L_simem_size_0:
called_computation_lowered:
.L_overlay_start_0:
0x88: {  	s2 =	sld [smem:$0x3FD9]  }
0x89: {  	s3 =	sld [smem:$0x3FFE];
	_ =	sdelay $0x1  }
0x8a: {  	s1 =	srdreg.scid  }
0x8b: {  	s0 =	sand.u32 $0x1, s1  }
0x8c: {  	s17 =	sshll.u32 s0, $0xA;
	s2 =	sadd.s32 s3, s2  }
0x8d: {  	s2 =	sadd.s32 s2, s17  }
0x8e: {  	[smem:$0x3FBC] =	sst s2  }
0x8f: {  	_ = 	snop  }
0x90: {  	s2 =	sld [smem:$0x3FD0];
	(tm) =	ssettm $0x1  }
0x91: {  	s18 =	sld [smem:$0x3FFB];
	_ =	sdelay $0x3  }
0x92: {  	_ =	strace s18  }
0x93: {  	s3 =	sld [smem:$0x3FFC];
	_ =	sdelay $0x3  }
0x94: {  	_ =	strace s3  }
0x95: {  	s3 =	sld [smem:$0x3FFD];
	_ =	sdelay $0x3  }
0x96: {  	_ =	strace s3  }
0x97: {  	_ =	strace $0x8FFFFFFF  }
0x98: {  	s19 =	sld [smem:$0x3FDB];
	_ =	sdelay $0x1  }
0x99: {  	s4 =	simm.s32 $_scs_section_size  }
0x9a: {  	s5 =	simm.s32 $_size__tile_overlayer_lowered;
	s6 =	simm.s32 $_tile_overlayer_lowered  }
0x9b: {  	s22 =	simm.s32 $0x1BFF;
	s21 =	sshll.u32 s6, $0x1;
	s3 =	sadd.s32 s4, s19  }
0x9c: {  	s7 =	simm.s32 $0x0;
	s20 =	sshll.u32 s5, $0x1;
	s5 =	sadd.s32 s21, s3  }
0x9d: {  	[timem:s7], [sflag:s22] =	dma.local [hbm:s5], s20  }
0x9e: {  	_ =	swait.ge [sflag:s22], s20  }
0x9f: {  	s4 =	ssub.s32 $0x0, s20;
	[sflag:s22] =	ssyncset.done $0x0  }
0xa0: {  	[sflag:s22] =	ssyncadd.s32 s4;
	_ =	sdelay $0x1  }
0xa1: {  	s23 =	simm.s32 $0x1B8B  }
0xa2: {  	_ =	swait.ge [sflag:s23], $0x1  }
0xa3: {  	[sflag:s23] =	ssyncset.done $0x0  }
0xa4: {  	s25 =	simm.s32 $0x1B8E;
	s24 =	sld [smem:$0x3FFE];
	[sflag:s23] =	ssyncadd.s32 $0xFFFFFFFF  }
0xa5: {  	s26 =	simm.s32 $execute0_lowered;
	[smem:$0x3FD2] =	sst s25  }
0xa6: {  	s5 =	sshll.u32 s26, $0x1;
	_ =	strace $0x80000046;
	[dreg:$0x1] =	wrdreg $0xFFFFFFFF  }
0xa7: {  	s28 =	simm.s32 $_size_execute0_lowered;
	s3 =	sadd.s32 s3, s5;
	[dreg:$0x0] =	wrdreg $0x0  }
0xa8: {  	s5 =	sshll.u32 s28, $0x1;
	[dreg:$0x2] =	wrdreg s3  }
0xa9: {  	[dreg:$0x3] =	wrdreg s5  }
0xaa: {  	[dreg:$0x4] =	wrdreg $0xC0  }
0xab: {  	_ =	task [dreg:s7], $0x5FFFF  }
0xac: {  	[dreg:$0x1] =	wrdreg $0xFFFFFFFF  }
0xad: {  	[dreg:$0x0] =	wrdreg $0x60  }
0xae: {  	[dreg:$0x2] =	wrdreg s2  }
0xaf: {  	[dreg:$0x3] =	wrdreg s24  }
0xb0: {  	[dreg:$0x4] =	wrdreg $0x9  }
0xb1: {  	_ =	task.clear_ibuf [dreg:s7], $0x5FFFF;
	_ =	strace $0x90000046  }
0xb2: {  	s29 =	simm.s32 $0x9;
	_ =	strace $0x80000048  }
0xb3: {  	_ =	swait.ge [sflag:s29], $0x1  }
0xb4: {  	[sflag:s29] =	ssyncadd.s32 $0xFFFFFFFF  }
0xb5: {  	_ =	strace $0x90000048  }
0xb6: {  	_ =	sfence  }
0xb7: {  	s30 =	sld [smem:$0x0];
	_ =	sdelay $0x2  }
0xb8: {  	s31 =	sshll.u32 s1, $0xD;
	s1 =	sshrl.u32 s1, $0x2  }
0xb9: {  	s3 =	sand.u32 $0x4000, s31;
	s1 =	sadd.s32 s1, s30  }
0xba: {  	s0 =	sor.u32 s3, s0;
	s1 =	sshll.u32 s1, $0x11  }
0xbb: {  	s0 =	sor.u32 s1, s0  }
0xbc: {  	s0 =	sadd.s32 $0x8F2B, s0  }
0xbd: {  	[sflag:s0] =	ssyncadd.remote.s32 $0x1  }
0xbe: {  	_ =	sfence.sel $0xFFFF  }
0xbf: {  	[dreg:$0x0] =	wrdreg $0xFFFFFFFF;
	(pc) =	sbr.abs _section_cstart, $3  }
0xc0: {  	[dreg:$0x1] =	wrdreg $0xFFFFFFFF  }
0xc1: {  	_ =	task.clear_ibuf [dreg:s7], $0x2FFFF;
	_ =	strace $0x9FFFFFFF  }
0xc2: {  	(tm) =	ssettm $0x7FFFFFFF  }
0xc3: {  	_ =	shalt  }
tec
execute0_lowered:
.L_overlay_start_1:
0x0: {  	(tag) =	ssettag $0x1  }
0x1: {  	s4 =	rddreg [dreg:$0x0]  }
0x2: {  	s0 =	rddreg [dreg:$0x1]  }
0x3: {  	s5 =	simm.s32 $0x0;
	s1 =	srdreg.scid;
	s2 =	stileid.u32  }
0x4: {  	[smem:$0x7FF] =	sst s5;
	s1 =	sand.u32 $0x1, s1;
	s6 =	sadd.s32 $0x2800, s0  }
0x5: {  	s2 =	sshll.u32 s2, $0xA;
	s7 =	sadd.s32 $0x82800, s0;
	s0 =	sadd.s32 $0x102800, s0  }
0x6: {  	_ =	strace $0x80000047;
	s3 =	sshll.u32 s1, $0x9;
	[smem:$0x7F3] =	sst s0  }
0x7: {  	[smem:$0x7F9] =	sst s6;
	s2 =	sor.u32 s3, s2  }
0x8: {  	s1 =	ssub.s32 $0x2, s1;
	[smem:$0x7F4] =	sst s2;
	s2 =	sshll.u32 s2, $0x5  }
0x9: {  	[smem:$0x7FB] =	sst s7;
	s25 =	sshrl.u32 s1, $0x1;
	s26 =	sadd.s32 s4, s2  }
0xa: {  	s0 =	ssub.s32 s1, s25;
	s29 =	sadd.s32 s6, s2;
	[smem:$0x7F5] =	sst s26  }
0xb: {  	s28 =	sor.u32 $0x800, s2;
	s2 =	sadd.s32 s7, s2;
	[smem:$0x7F6] =	sst s29  }
.Ltmp0:
0xc: {  	s0 =	smax.u32 s0, $0x1;
	[smem:$0x7F7] =	sst s2;
	(pc) =	sbr.rel .LBB2_1-.Ltmp0, $4  }
0xd: {  	s30 =	sadd.s32 s4, s28;
	[smem:$0x7FD] =	sst s0  }
0xe: {  	s31 =	sadd.s32 s6, s28;
	[smem:$0x7F8] =	sst s30  }
0xf: {  	s21 =	simm.s32 $0x18000;
	s1 =	sadd.s32 s7, s28;
	[smem:$0x7FA] =	sst s31  }
0x10: {  	s23 =	simm.s32 $0x18C00;
	v0 =	vimm.f32 $0.0e+00;
	v1 =	vimm.f32 $1.000000000e+00;
	vm0 =	vcmask $0x3F20;
	s2 =	simm.s32 $0x0;
	[smem:$0x7FC] =	sst s1  }
.LBB2_12:
0x11: {  	s0 =	simm.s32 $0x3  }
0x12: {  	_ =	swait.ge [sflag:s0], $0xC00  }
0x13: {  	[sflag:s0] =	ssyncset.done $0x0  }
0x14: {  	s1 =	simm.s32 $0x4;
	[sflag:s0] =	ssyncadd.s32 $0xFFFFF400  }
0x15: {  	_ =	swait.ge [sflag:s1], $0xC00  }
0x16: {  	s2 =	sld [smem:$0x7F2]  }
0x17: {  	s31 =	sld [smem:$0x7FD];
	_ =	sdelay $0x1  }
0x18: {  	s2 =	sadd.s32 $0x1, s2  }
0x19: {  	p0 =	sne.s32 s2, s31  }
.Ltmp1:
0x1a: {  	_ = 	snop;
	(pc) =	sbr.rel @!p0 .LBB2_13-.Ltmp1, $3  }
0x1b: {  	_ =	sdelay $0x1  }
0x1c: {  	[sflag:s1] =	ssyncset.done $0x0  }
0x1d: {  	[sflag:s1] =	ssyncadd.s32 $0xFFFFF400  }
.LBB2_1:
0x1e: {  	s0 =	sld [smem:$0x7F5];
	_ =	sdelay $0x1  }
0x1f: {  	s20 =	sld [smem:$0x7F6]  }
0x20: {  	[tilespmem:s5], [sflag:$0x1] =	stream.linear.gather [hbm4b:s0+s5], $0x4000, $0x38;
	[tilespmem:$0x19800] =	vst v63  }
0x21: {  	s1 =	simm.s32 $0x4000;
	s22 =	sld [smem:$0x7F7]  }
0x22: {  	[tilespmem:s1], [sflag:$0x1] =	stream.linear.gather [hbm4b:s20+s5], $0x4000, $0x38;
	[tilespmem:$0x19800] =	vst v63  }
0x23: {  	s24 =	simm.s32 $0x8000;
	s25 =	sld [smem:$0x7F8]  }
0x24: {  	[tilespmem:s24], [sflag:$0x1] =	stream.linear.gather [hbm4b:s22+s5], $0x4000, $0x38;
	[tilespmem:$0x19800] =	vst v63  }
0x25: {  	s26 =	simm.s32 $0xC000;
	s28 =	sld [smem:$0x7FA]  }
0x26: {  	[tilespmem:s26], [sflag:$0x2] =	stream.linear.gather [hbm4b:s25+s5], $0x4000, $0x38;
	[tilespmem:$0x19800] =	vst v63  }
0x27: {  	s29 =	simm.s32 $0x10000;
	s30 =	sld [smem:$0x7FC]  }
0x28: {  	[tilespmem:s29], [sflag:$0x2] =	stream.linear.gather [hbm4b:s28+s5], $0x4000, $0x38;
	[tilespmem:$0x19800] =	vst v63  }
0x29: {  	[smem:$0x7F2] =	sst s2;
	s31 =	simm.s32 $0x14000;
	s1 =	simm.s32 $0x0  }
0x2a: {  	[tilespmem:s31], [sflag:$0x2] =	stream.linear.gather [hbm4b:s30+s5], $0x4000, $0x38;
	[tilespmem:$0x19800] =	vst v63  }
.LBB2_2:
0x2b: {  	s0 =	simm.s32 $0x1  }
0x2c: {  	_ =	swait.ge [sflag:s0], $0x4000  }
0x2d: {  	[sflag:s0] =	ssyncset.done $0x0  }
0x2e: {  	[sflag:s0] =	ssyncadd.s32 $0xFFFFC000  }
0x2f: {  	_ =	swait.ge [sflag:s0], $0x4000  }
0x30: {  	[sflag:s0] =	ssyncset.done $0x0  }
0x31: {  	[sflag:s0] =	ssyncadd.s32 $0xFFFFC000  }
0x32: {  	_ =	swait.ge [sflag:s0], $0x4000  }
0x33: {  	p0 =	seq.s32 s1, $0x0;
	[sflag:s0] =	ssyncset.done $0x0  }
0x34: {  	[smem:$0x7F0] =	sst s1;
	[sflag:s0] =	ssyncadd.s32 $0xFFFFC000;
	s0 =	simm.s32 @!p0 $0x3  }
0x35: {  	_ =	swait.ge @!p0 [sflag:s0], $0xC00  }
0x36: {  	s2 =	sld [smem:$0x7F4];
	_ =	sdelay $0x1  }
0x37: {  	s31 =	sshll.u32 s1, $0x7;
	[sflag:s0] =	ssyncset.done @!p0 $0x0  }
0x38: {  	[sflag:s0] =	ssyncadd.s32 @!p0 $0xFFFFF400;
	s1 =	sor.u32 s2, s31  }
0x39: {  	s0 =	simm.s32 $0x0;
	[smem:$0x7F1] =	sst s1;
	s1 =	simm.s32 $0x0  }
.LBB2_3:
0x3a: {  	p1 =	sne.s32 s0, $0x2FC0  }
.Ltmp2:
0x3b: {  	_ = 	snop;
	(pc) =	sbr.rel @p1 .LBB2_3-.Ltmp2, $3  }
0x3c: {  	_ =	sdelay $0x1  }
0x3d: {  	s2 =	sshra.s32 s0, $0x2  }
0x3e: {  	s0 =	sadd.s32 $0x40, s0;
	[tilespmem:s2+$0x18000] =	vst v0  }
0x3f: {  	s0 =	simm.s32 $0x100  }
0x40: {  	s2 =	sand.u32 $0x3800, s1;
	s0 =	sand.u32 $0x300, s0  }
0x41: {  	s0 =	sor.u32 s2, s0  }
0x42: {  	v2 =	vld [tilespmem:s0+$0x0];
	_ =	sdelay $0x3  }
0x43: {  	s6 =	simm.s32 $0x60  }
0x44: {  	v2 =	vadd.s32 s6, v2;
	_ =	sdelay $0x4  }
0x45: {  	[tilespmem:v2+s21+$0x0] =	vst.idx.add.f32.msk $0xffff, v1  }
0x46: {  	v2 =	vld [tilespmem:s0+$0x10];
	_ =	sdelay $0x4  }
0x47: {  	v2 =	vadd.s32 s6, v2;
	_ =	sdelay $0x4  }
0x48: {  	[tilespmem:v2+s21+$0x0] =	vst.idx.add.f32.msk $0xffff, v1  }
0x49: {  	v2 =	vld [tilespmem:s0+$0x20];
	_ =	sdelay $0x4  }
0x4a: {  	v2 =	vadd.s32 s6, v2;
	_ =	sdelay $0x4  }
0x4b: {  	[tilespmem:v2+s21+$0x0] =	vst.idx.add.f32.msk $0xffff, v1  }
0x4c: {  	v2 =	vld [tilespmem:s0+$0x30];
	_ =	sdelay $0x4  }
0x4d: {  	v2 =	vadd.s32 s6, v2;
	_ =	sdelay $0x4  }
0x4e: {  	[tilespmem:v2+s21+$0x0] =	vst.idx.add.f32.msk $0xffff, v1  }
0x4f: {  	v2 =	vld [tilespmem:s0+$0x40];
	_ =	sdelay $0x4  }
0x50: {  	v2 =	vadd.s32 s6, v2;
	_ =	sdelay $0x4  }
0x51: {  	[tilespmem:v2+s21+$0x0] =	vst.idx.add.f32.msk $0xffff, v1  }
0x52: {  	v2 =	vld [tilespmem:s0+$0x50];
	_ =	sdelay $0x4  }
0x53: {  	v2 =	vadd.s32 s6, v2;
	_ =	sdelay $0x4  }
0x54: {  	s3 =	simm.s32 $0x0;
	[tilespmem:v2+s21+$0x0] =	vst.idx.add.f32.msk $0xffff, v1  }
0x55: {  	s3 =	sand.u32 $0x200, s3;
	v2 =	vld [tilespmem:s0+$0x60]  }
0x56: {  	s20 =	sor.u32 s3, s2  }
0x57: {  	v3 =	vld [tilespmem:s20+$0x0];
	_ =	sdelay $0x2  }
0x58: {  	v2 =	vadd.s32 s6, v2  }
0x59: {  	s5 =	simm.s32 $0x0  }
0x5a: {  	v3 =	vadd.s32 s5, v3;
	_ =	sdelay $0x2  }
0x5b: {  	[tilespmem:v2+s21+$0x0] =	vst.idx.add.f32.msk $0xffff, v1  }
0x5c: {  	v2 =	vld [tilespmem:s0+$0x70]  }
0x5d: {  	[tilespmem:v3+s21+$0x0] =	vst.idx.add.f32.msk $0xffff, v1  }
0x5e: {  	v3 =	vld [tilespmem:s20+$0x10];
	_ =	sdelay $0x2  }
0x5f: {  	s4 =	simm.s32 $0x80;
	s11 =	simm.s32 $0x180;
	v2 =	vadd.s32 s6, v2  }
0x60: {  	s13 =	sand.u32 $0x3, s1;
	s10 =	sand.u32 $0x280, s4;
	s12 =	sand.u32 $0x380, s11  }
0x61: {  	s17 =	sor.u32 s2, s10;
	s22 =	sor.u32 s2, s12;
	s2 =	sshll.u32 s13, $0x8;
	v3 =	vadd.s32 s5, v3  }
0x62: {  	s2 =	sadd.s32 $0x0, s2  }
0x63: {  	s2 =	sadd.s32 $0x100, s2  }
0x64: {  	s30 =	sor.u32 $0x400, s2;
	[tilespmem:v2+s21+$0x0] =	vst.idx.add.f32.msk $0xffff, v1  }
0x65: {  	v2 =	vld [tilespmem:s30+$0x0]  }
0x66: {  	[tilespmem:v3+s21+$0x0] =	vst.idx.add.f32.msk $0xffff, v1  }
0x67: {  	v3 =	vld [tilespmem:s20+$0x20];
	_ =	sdelay $0x2  }
0x68: {  	v2 =	vadd.s32 s6, v2;
	_ =	sdelay $0x1  }
0x69: {  	v3 =	vadd.s32 s5, v3;
	_ =	sdelay $0x2  }
0x6a: {  	s16 =	sor.u32 $0x410, s2;
	[tilespmem:v2+s21+$0x0] =	vst.idx.add.f32.msk $0xffff, v1  }
0x6b: {  	v2 =	vld [tilespmem:s16+$0x0]  }
0x6c: {  	[tilespmem:v3+s21+$0x0] =	vst.idx.add.f32.msk $0xffff, v1  }
0x6d: {  	v3 =	vld [tilespmem:s20+$0x30];
	_ =	sdelay $0x2  }
0x6e: {  	v2 =	vadd.s32 s6, v2;
	_ =	sdelay $0x1  }
0x6f: {  	v3 =	vadd.s32 s5, v3;
	_ =	sdelay $0x2  }
0x70: {  	s15 =	sor.u32 $0x420, s2;
	[tilespmem:v2+s21+$0x0] =	vst.idx.add.f32.msk $0xffff, v1  }
0x71: {  	v2 =	vld [tilespmem:s15+$0x0]  }
0x72: {  	[tilespmem:v3+s21+$0x0] =	vst.idx.add.f32.msk $0xffff, v1  }
0x73: {  	v3 =	vld [tilespmem:s20+$0x40];
	_ =	sdelay $0x2  }
0x74: {  	v2 =	vadd.s32 s6, v2;
	_ =	sdelay $0x1  }
0x75: {  	v3 =	vadd.s32 s5, v3;
	_ =	sdelay $0x2  }
0x76: {  	s3 =	sor.u32 $0x430, s2;
	[tilespmem:v2+s21+$0x0] =	vst.idx.add.f32.msk $0xffff, v1  }
0x77: {  	v2 =	vld [tilespmem:s3+$0x0]  }
0x78: {  	[tilespmem:v3+s21+$0x0] =	vst.idx.add.f32.msk $0xffff, v1  }
0x79: {  	v3 =	vld [tilespmem:s20+$0x50];
	_ =	sdelay $0x2  }
0x7a: {  	v4 =	vld [tilespmem:s17+$0x0];
	v2 =	vadd.s32 s6, v2  }
0x7b: {  	v5 =	vld [tilespmem:s22+$0x0]  }
0x7c: {  	v3 =	vadd.s32 s5, v3;
	_ =	sdelay $0x1  }
0x7d: {  	s29 =	simm.s32 $0x30  }
0x7e: {  	s4 =	simm.s32 $0x90;
	s18 =	sor.u32 $0x438, s2;
	v4 =	vadd.s32 s29, v4;
	[tilespmem:v2+s21+$0x0] =	vst.idx.add.f32.msk $0xffff, v1  }
0x7f: {  	v5 =	vadd.s32 s4, v5;
	v2 =	vld [tilespmem:s18+$0x0]  }
0x80: {  	[tilespmem:v3+s21+$0x0] =	vst.idx.add.f32.msk $0xffff, v1  }
0x81: {  	v3 =	vld [tilespmem:s20+$0x60];
	_ =	sdelay $0x1  }
0x82: {  	[tilespmem:v4+s21+$0x0] =	vst.idx.add.f32.msk $0xffff, v1  }
0x83: {  	[tilespmem:v5+s21+$0x0] =	vst.idx.add.f32.msk $0xffff, v1;
	v2 =	vadd.s32 s6, v2  }
0x84: {  	v4 =	vld [tilespmem:s17+$0x10]  }
0x85: {  	v5 =	vld [tilespmem:s22+$0x10];
	v3 =	vadd.s32 s5, v3;
	_ =	sdelay $0x2  }
0x86: {  	[tilespmem:v2+s21+$0x0] =	vst.idx.add.f32.msk vm0, v1  }
0x87: {  	v4 =	vadd.s32 s29, v4;
	v2 =	vld [tilespmem:s0+$0x4000]  }
0x88: {  	v5 =	vadd.s32 s4, v5;
	[tilespmem:v3+s21+$0x0] =	vst.idx.add.f32.msk $0xffff, v1  }
0x89: {  	v3 =	vld [tilespmem:s20+$0x70];
	_ =	sdelay $0x1  }
0x8a: {  	s14 =	simm.s32 $0x74  }
0x8b: {  	[tilespmem:v4+s21+$0x0] =	vst.idx.add.f32.msk $0xffff, v1;
	v2 =	vadd.s32 s14, v2  }
0x8c: {  	[tilespmem:v5+s21+$0x0] =	vst.idx.add.f32.msk $0xffff, v1  }
0x8d: {  	v4 =	vld [tilespmem:s17+$0x20];
	v3 =	vadd.s32 s5, v3  }
0x8e: {  	p1 =	por $0x0, $0x0;
	s7 =	simm.s32 $0x1;
	v5 =	vld [tilespmem:s22+$0x20]  }
0x8f: {  	s7 =	simm.s32 @!p1 $0x0  }
0x90: {  	s7 =	sshll.u32 s7, $0x9;
	[tilespmem:v2+s21+$0x0] =	vst.idx.add.f32.msk $0xffff, v1  }
0x91: {  	s7 =	sadd.s32 $0x0, s7;
	v2 =	vld [tilespmem:s0+$0x4010]  }
0x92: {  	s12 =	sor.u32 $0x400, s7;
	v4 =	vadd.s32 s29, v4;
	[tilespmem:v3+s21+$0x0] =	vst.idx.add.f32.msk $0xffff, v1  }
0x93: {  	v5 =	vadd.s32 s4, v5;
	v3 =	vld [tilespmem:s12+$0x0];
	_ =	sdelay $0x2  }
0x94: {  	v2 =	vadd.s32 s14, v2  }
0x95: {  	[tilespmem:v4+s21+$0x0] =	vst.idx.add.f32.msk $0xffff, v1  }
0x96: {  	[tilespmem:v5+s21+$0x0] =	vst.idx.add.f32.msk $0xffff, v1;
	v3 =	vadd.s32 s5, v3  }
0x97: {  	v4 =	vld [tilespmem:s17+$0x30]  }
0x98: {  	v5 =	vld [tilespmem:s22+$0x30];
	[smem:$0x7DF] =	sst s12  }
0x99: {  	[tilespmem:v2+s21+$0x0] =	vst.idx.add.f32.msk $0xffff, v1  }
0x9a: {  	v2 =	vld [tilespmem:s0+$0x4020]  }
0x9b: {  	s11 =	sor.u32 $0x410, s7;
	[tilespmem:v3+s21+$0x0] =	vst.idx.add.f32.msk $0xffff, v1  }
0x9c: {  	v3 =	vld [tilespmem:s11+$0x0];
	_ =	sdelay $0x2  }
0x9d: {  	v2 =	vadd.s32 s14, v2;
	_ =	sdelay $0x1  }
0x9e: {  	v3 =	vadd.s32 s5, v3;
	_ =	sdelay $0x1  }
0x9f: {  	[smem:$0x7E2] =	sst s11  }
0xa0: {  	[tilespmem:v2+s21+$0x0] =	vst.idx.add.f32.msk $0xffff, v1  }
0xa1: {  	v2 =	vld [tilespmem:s0+$0x4030]  }
0xa2: {  	s10 =	sor.u32 $0x420, s7;
	[tilespmem:v3+s21+$0x0] =	vst.idx.add.f32.msk $0xffff, v1  }
0xa3: {  	v3 =	vld [tilespmem:s10+$0x0];
	_ =	sdelay $0x2  }
0xa4: {  	v2 =	vadd.s32 s14, v2;
	_ =	sdelay $0x1  }
0xa5: {  	v3 =	vadd.s32 s5, v3;
	_ =	sdelay $0x1  }
0xa6: {  	[smem:$0x7E5] =	sst s10  }
0xa7: {  	[tilespmem:v2+s21+$0x0] =	vst.idx.add.f32.msk $0xffff, v1  }
0xa8: {  	v2 =	vld [tilespmem:s0+$0x4040]  }
0xa9: {  	s9 =	sor.u32 $0x430, s7;
	[tilespmem:v3+s21+$0x0] =	vst.idx.add.f32.msk $0xffff, v1  }
0xaa: {  	v3 =	vld [tilespmem:s9+$0x0];
	_ =	sdelay $0x2  }
0xab: {  	v2 =	vadd.s32 s14, v2;
	_ =	sdelay $0x1  }
0xac: {  	v3 =	vadd.s32 s5, v3;
	_ =	sdelay $0x1  }
0xad: {  	[smem:$0x7E9] =	sst s9  }
0xae: {  	[tilespmem:v2+s21+$0x0] =	vst.idx.add.f32.msk $0xffff, v1  }
0xaf: {  	v2 =	vld [tilespmem:s0+$0x4050]  }
0xb0: {  	s8 =	sor.u32 $0x438, s7;
	[tilespmem:v3+s21+$0x0] =	vst.idx.add.f32.msk $0xffff, v1  }
0xb1: {  	v3 =	vld [tilespmem:s8+$0x0];
	_ =	sdelay $0x2  }
0xb2: {  	v2 =	vadd.s32 s14, v2;
	_ =	sdelay $0x1  }
0xb3: {  	v3 =	vadd.s32 s5, v3;
	_ =	sdelay $0x1  }
0xb4: {  	[smem:$0x7ED] =	sst s8  }
0xb5: {  	[tilespmem:v2+s21+$0x0] =	vst.idx.add.f32.msk $0xffff, v1  }
0xb6: {  	v2 =	vld [tilespmem:s0+$0x4060]  }
0xb7: {  	[tilespmem:v3+s21+$0x0] =	vst.idx.add.f32.msk vm0, v1  }
0xb8: {  	v3 =	vld [tilespmem:s20+$0x4000];
	_ =	sdelay $0x2  }
0xb9: {  	v2 =	vadd.s32 s14, v2  }
0xba: {  	s5 =	simm.s32 $0x14  }
0xbb: {  	v3 =	vadd.s32 s5, v3;
	_ =	sdelay $0x2  }
0xbc: {  	[tilespmem:v2+s21+$0x0] =	vst.idx.add.f32.msk $0xffff, v1  }
0xbd: {  	v2 =	vld [tilespmem:s0+$0x4070]  }
0xbe: {  	[tilespmem:v3+s21+$0x0] =	vst.idx.add.f32.msk $0xffff, v1  }
0xbf: {  	v3 =	vld [tilespmem:s20+$0x4010]  }
0xc0: {  	v4 =	vadd.s32 s29, v4;
	_ =	sdelay $0x1  }
0xc1: {  	v2 =	vadd.s32 s14, v2;
	_ =	sdelay $0x1  }
0xc2: {  	v3 =	vadd.s32 s5, v3  }
0xc3: {  	[tilespmem:v4+s21+$0x0] =	vst.idx.add.f32.msk $0xffff, v1  }
0xc4: {  	v4 =	vld [tilespmem:s17+$0x40]  }
0xc5: {  	[tilespmem:v2+s21+$0x0] =	vst.idx.add.f32.msk $0xffff, v1  }
0xc6: {  	v2 =	vld [tilespmem:s30+$0x4000]  }
0xc7: {  	[tilespmem:v3+s21+$0x0] =	vst.idx.add.f32.msk $0xffff, v1;
	v3 =	vadd.s32 s4, v5  }
0xc8: {  	v5 =	vld [tilespmem:s20+$0x4020]  }
0xc9: {  	v4 =	vadd.s32 s29, v4;
	_ =	sdelay $0x1  }
0xca: {  	v2 =	vadd.s32 s14, v2  }
0xcb: {  	[tilespmem:v3+s21+$0x0] =	vst.idx.add.f32.msk $0xffff, v1  }
0xcc: {  	v3 =	vadd.s32 s5, v5;
	v5 =	vld [tilespmem:s22+$0x40]  }
0xcd: {  	[tilespmem:v4+s21+$0x0] =	vst.idx.add.f32.msk $0xffff, v1  }
0xce: {  	v4 =	vld [tilespmem:s17+$0x50]  }
0xcf: {  	[tilespmem:v2+s21+$0x0] =	vst.idx.add.f32.msk $0xffff, v1  }
0xd0: {  	v2 =	vld [tilespmem:s16+$0x4000]  }
0xd1: {  	[tilespmem:v3+s21+$0x0] =	vst.idx.add.f32.msk $0xffff, v1;
	v3 =	vadd.s32 s4, v5  }
0xd2: {  	v5 =	vld [tilespmem:s20+$0x4030]  }
0xd3: {  	v4 =	vadd.s32 s29, v4;
	_ =	sdelay $0x1  }
0xd4: {  	v2 =	vadd.s32 s14, v2  }
0xd5: {  	[tilespmem:v3+s21+$0x0] =	vst.idx.add.f32.msk $0xffff, v1  }
0xd6: {  	v3 =	vadd.s32 s5, v5;
	v5 =	vld [tilespmem:s22+$0x50]  }
0xd7: {  	[tilespmem:v4+s21+$0x0] =	vst.idx.add.f32.msk $0xffff, v1  }
0xd8: {  	v4 =	vld [tilespmem:s17+$0x60]  }
0xd9: {  	[tilespmem:v2+s21+$0x0] =	vst.idx.add.f32.msk $0xffff, v1  }
0xda: {  	v2 =	vld [tilespmem:s15+$0x4000]  }
0xdb: {  	[tilespmem:v3+s21+$0x0] =	vst.idx.add.f32.msk $0xffff, v1;
	v3 =	vadd.s32 s4, v5  }
0xdc: {  	v5 =	vld [tilespmem:s20+$0x4040]  }
0xdd: {  	v4 =	vadd.s32 s29, v4;
	_ =	sdelay $0x1  }
0xde: {  	v2 =	vadd.s32 s14, v2  }
0xdf: {  	[tilespmem:v3+s21+$0x0] =	vst.idx.add.f32.msk $0xffff, v1  }
0xe0: {  	v3 =	vadd.s32 s5, v5;
	v5 =	vld [tilespmem:s22+$0x60]  }
0xe1: {  	[tilespmem:v4+s21+$0x0] =	vst.idx.add.f32.msk $0xffff, v1  }
0xe2: {  	v4 =	vld [tilespmem:s17+$0x70]  }
0xe3: {  	[tilespmem:v2+s21+$0x0] =	vst.idx.add.f32.msk $0xffff, v1  }
0xe4: {  	v2 =	vld [tilespmem:s3+$0x4000]  }
0xe5: {  	[tilespmem:v3+s21+$0x0] =	vst.idx.add.f32.msk $0xffff, v1;
	v3 =	vadd.s32 s4, v5  }
0xe6: {  	v5 =	vld [tilespmem:s20+$0x4050]  }
0xe7: {  	v4 =	vadd.s32 s29, v4  }
0xe8: {  	s19 =	sand.u32 $0x7, s1  }
0xe9: {  	s1 =	sshll.u32 s19, $0x7;
	v2 =	vadd.s32 s14, v2  }
0xea: {  	s1 =	sadd.s32 $0x0, s1;
	[tilespmem:v3+s21+$0x0] =	vst.idx.add.f32.msk $0xffff, v1  }
0xeb: {  	s24 =	sadd.s32 $0x80, s1;
	v3 =	vadd.s32 s5, v5;
	v5 =	vld [tilespmem:s22+$0x70]  }
0xec: {  	s31 =	sor.u32 $0x400, s24;
	[tilespmem:v4+s21+$0x0] =	vst.idx.add.f32.msk $0xffff, v1  }
0xed: {  	v4 =	vld [tilespmem:s31+$0x0]  }
0xee: {  	[tilespmem:v2+s21+$0x0] =	vst.idx.add.f32.msk $0xffff, v1  }
0xef: {  	v2 =	vld [tilespmem:s18+$0x4000]  }
0xf0: {  	[tilespmem:v3+s21+$0x0] =	vst.idx.add.f32.msk $0xffff, v1;
	v3 =	vadd.s32 s4, v5  }
0xf1: {  	v5 =	vld [tilespmem:s20+$0x4060]  }
0xf2: {  	v4 =	vadd.s32 s29, v4;
	_ =	sdelay $0x1  }
0xf3: {  	s1 =	sadd.s32 $0x180, s1;
	[smem:$0x7E0] =	sst s31;
	v2 =	vadd.s32 s14, v2  }
0xf4: {  	s2 =	sor.u32 $0x400, s1;
	[tilespmem:v3+s21+$0x0] =	vst.idx.add.f32.msk $0xffff, v1  }
0xf5: {  	v3 =	vadd.s32 s5, v5;
	v5 =	vld [tilespmem:s2+$0x0];
	[smem:$0x7E1] =	sst s2  }
0xf6: {  	s25 =	sor.u32 $0x410, s24;
	[tilespmem:v4+s21+$0x0] =	vst.idx.add.f32.msk $0xffff, v1  }
0xf7: {  	v4 =	vld [tilespmem:s25+$0x0]  }
0xf8: {  	[tilespmem:v2+s21+$0x0] =	vst.idx.add.f32.msk vm0, v1  }
0xf9: {  	v2 =	vld [tilespmem:s0+$0x8000]  }
0xfa: {  	[tilespmem:v3+s21+$0x0] =	vst.idx.add.f32.msk $0xffff, v1  }
0xfb: {  	v3 =	vadd.s32 s4, v5;
	v5 =	vld [tilespmem:s20+$0x4070];
	_ =	sdelay $0x2  }
0xfc: {  	v4 =	vadd.s32 s29, v4  }
0xfd: {  	s26 =	simm.s32 $0x83;
	[smem:$0x7E3] =	sst s25  }
0xfe: {  	v2 =	vadd.s32 s26, v2;
	s26 =	sor.u32 $0x410, s1;
	[tilespmem:v3+s21+$0x0] =	vst.idx.add.f32.msk $0xffff, v1;
	v3 =	vadd.s32 s5, v5  }
0xff: {  	v5 =	vld [tilespmem:s26+$0x0]  }
0x100: {  	[smem:$0x7E4] =	sst s26  }
0x101: {  	s19 =	sor.u32 $0x420, s24;
	[tilespmem:v4+s21+$0x0] =	vst.idx.add.f32.msk $0xffff, v1  }
0x102: {  	v4 =	vld [tilespmem:s19+$0x0]  }
0x103: {  	[tilespmem:v3+s21+$0x0] =	vst.idx.add.f32.msk $0xffff, v1  }
0x104: {  	v3 =	vadd.s32 s4, v5;
	v5 =	vld [tilespmem:s12+$0x4000]  }
0x105: {  	[tilespmem:v2+s21+$0x0] =	vst.idx.add.f32.msk $0xffff, v1  }
0x106: {  	v2 =	vld [tilespmem:s0+$0x8010]  }
0x107: {  	v4 =	vadd.s32 s29, v4  }
0x108: {  	[smem:$0x7E6] =	sst s19  }
0x109: {  	s28 =	sor.u32 $0x420, s1;
	[tilespmem:v3+s21+$0x0] =	vst.idx.add.f32.msk $0xffff, v1;
	v3 =	vadd.s32 s5, v5  }
0x10a: {  	s6 =	simm.s32 $0x83;
	v5 =	vld [tilespmem:s28+$0x0]  }
0x10b: {  	v2 =	vadd.s32 s6, v2;
	[smem:$0x7E7] =	sst s28  }
0x10c: {  	s13 =	sor.u32 $0x430, s24;
	[tilespmem:v4+s21+$0x0] =	vst.idx.add.f32.msk $0xffff, v1  }
0x10d: {  	v4 =	vld [tilespmem:s13+$0x0]  }
0x10e: {  	[tilespmem:v3+s21+$0x0] =	vst.idx.add.f32.msk $0xffff, v1  }
0x10f: {  	v3 =	vadd.s32 s4, v5;
	v5 =	vld [tilespmem:s11+$0x4000]  }
0x110: {  	[tilespmem:v2+s21+$0x0] =	vst.idx.add.f32.msk $0xffff, v1  }
0x111: {  	v2 =	vld [tilespmem:s0+$0x8020]  }
0x112: {  	v4 =	vadd.s32 s29, v4  }
0x113: {  	[smem:$0x7EB] =	sst s13  }
0x114: {  	s14 =	sor.u32 $0x430, s1;
	[tilespmem:v3+s21+$0x0] =	vst.idx.add.f32.msk $0xffff, v1;
	v3 =	vadd.s32 s5, v5  }
0x115: {  	v5 =	vld [tilespmem:s14+$0x0]  }
0x116: {  	v2 =	vadd.s32 s6, v2;
	[smem:$0x7EC] =	sst s14  }
0x117: {  	s12 =	sor.u32 $0x438, s24;
	[tilespmem:v4+s21+$0x0] =	vst.idx.add.f32.msk $0xffff, v1  }
0x118: {  	v4 =	vld [tilespmem:s12+$0x0]  }
0x119: {  	[tilespmem:v3+s21+$0x0] =	vst.idx.add.f32.msk $0xffff, v1  }
0x11a: {  	v3 =	vadd.s32 s4, v5;
	v5 =	vld [tilespmem:s10+$0x4000]  }
0x11b: {  	[tilespmem:v2+s21+$0x0] =	vst.idx.add.f32.msk $0xffff, v1  }
0x11c: {  	v2 =	vld [tilespmem:s0+$0x8030]  }
0x11d: {  	v4 =	vadd.s32 s29, v4  }
0x11e: {  	[smem:$0x7EE] =	sst s12  }
0x11f: {  	s10 =	sor.u32 $0x438, s1;
	[tilespmem:v3+s21+$0x0] =	vst.idx.add.f32.msk $0xffff, v1;
	v3 =	vadd.s32 s5, v5  }
0x120: {  	v5 =	vld [tilespmem:s10+$0x0]  }
0x121: {  	v2 =	vadd.s32 s6, v2;
	[smem:$0x7EF] =	sst s10  }
0x122: {  	[tilespmem:v4+s21+$0x0] =	vst.idx.add.f32.msk vm0, v1  }
0x123: {  	v4 =	vld [tilespmem:s17+$0x4000]  }
0x124: {  	[tilespmem:v3+s21+$0x0] =	vst.idx.add.f32.msk $0xffff, v1  }
0x125: {  	v3 =	vadd.s32 s4, v5;
	v5 =	vld [tilespmem:s9+$0x4000]  }
0x126: {  	[tilespmem:v2+s21+$0x0] =	vst.idx.add.f32.msk $0xffff, v1  }
0x127: {  	s24 =	simm.s32 $0x44;
	v2 =	vld [tilespmem:s0+$0x8040]  }
0x128: {  	v4 =	vadd.s32 s24, v4;
	_ =	sdelay $0x1  }
0x129: {  	[tilespmem:v3+s21+$0x0] =	vst.idx.add.f32.msk vm0, v1;
	v3 =	vadd.s32 s5, v5  }
0x12a: {  	v5 =	vld [tilespmem:s22+$0x4000]  }
0x12b: {  	v2 =	vadd.s32 s6, v2  }
0x12c: {  	[tilespmem:v4+s21+$0x0] =	vst.idx.add.f32.msk $0xffff, v1  }
0x12d: {  	v4 =	vld [tilespmem:s17+$0x4010]  }
0x12e: {  	s9 =	simm.s32 $0xA4;
	[tilespmem:v3+s21+$0x0] =	vst.idx.add.f32.msk $0xffff, v1  }
0x12f: {  	v3 =	vadd.s32 s9, v5;
	v5 =	vld [tilespmem:s8+$0x4000]  }
0x130: {  	[tilespmem:v2+s21+$0x0] =	vst.idx.add.f32.msk $0xffff, v1  }
0x131: {  	v2 =	vld [tilespmem:s0+$0x8050]  }
0x132: {  	v4 =	vadd.s32 s24, v4;
	_ =	sdelay $0x1  }
0x133: {  	[tilespmem:v3+s21+$0x0] =	vst.idx.add.f32.msk $0xffff, v1;
	v5 =	vadd.s32 s5, v5  }
0x134: {  	v3 =	vld [tilespmem:s22+$0x4010]  }
0x135: {  	v2 =	vadd.s32 s6, v2  }
0x136: {  	[tilespmem:v4+s21+$0x0] =	vst.idx.add.f32.msk $0xffff, v1  }
0x137: {  	v4 =	vld [tilespmem:s17+$0x4020]  }
0x138: {  	[tilespmem:v5+s21+$0x0] =	vst.idx.add.f32.msk vm0, v1  }
0x139: {  	v3 =	vadd.s32 s9, v3;
	v5 =	vld [tilespmem:s20+$0x8000]  }
0x13a: {  	[tilespmem:v2+s21+$0x0] =	vst.idx.add.f32.msk $0xffff, v1  }
0x13b: {  	v2 =	vld [tilespmem:s0+$0x8060]  }
0x13c: {  	v4 =	vadd.s32 s24, v4  }
0x13d: {  	s5 =	simm.s32 $0x23  }
0x13e: {  	[tilespmem:v3+s21+$0x0] =	vst.idx.add.f32.msk $0xffff, v1;
	v3 =	vadd.s32 s5, v5  }
0x13f: {  	v5 =	vld [tilespmem:s22+$0x4020]  }
0x140: {  	v2 =	vadd.s32 s6, v2  }
0x141: {  	[tilespmem:v4+s21+$0x0] =	vst.idx.add.f32.msk $0xffff, v1  }
0x142: {  	v4 =	vld [tilespmem:s17+$0x4030]  }
0x143: {  	[tilespmem:v3+s21+$0x0] =	vst.idx.add.f32.msk $0xffff, v1  }
0x144: {  	v3 =	vadd.s32 s9, v5;
	v5 =	vld [tilespmem:s20+$0x8010]  }
0x145: {  	[tilespmem:v2+s21+$0x0] =	vst.idx.add.f32.msk $0xffff, v1  }
0x146: {  	v2 =	vld [tilespmem:s0+$0x8070]  }
0x147: {  	v4 =	vadd.s32 s24, v4  }
0x148: {  	s7 =	simm.s32 $0x23  }
0x149: {  	[tilespmem:v3+s21+$0x0] =	vst.idx.add.f32.msk $0xffff, v1;
	v3 =	vadd.s32 s7, v5  }
0x14a: {  	v5 =	vld [tilespmem:s22+$0x4030]  }
0x14b: {  	v2 =	vadd.s32 s6, v2  }
0x14c: {  	[tilespmem:v4+s21+$0x0] =	vst.idx.add.f32.msk $0xffff, v1  }
0x14d: {  	v4 =	vld [tilespmem:s17+$0x4040]  }
0x14e: {  	[tilespmem:v3+s21+$0x0] =	vst.idx.add.f32.msk $0xffff, v1  }
0x14f: {  	v3 =	vadd.s32 s9, v5;
	v5 =	vld [tilespmem:s20+$0x8020]  }
0x150: {  	[tilespmem:v2+s21+$0x0] =	vst.idx.add.f32.msk $0xffff, v1  }
0x151: {  	v2 =	vld [tilespmem:s30+$0x8000]  }
0x152: {  	v4 =	vadd.s32 s24, v4;
	_ =	sdelay $0x1  }
0x153: {  	[tilespmem:v3+s21+$0x0] =	vst.idx.add.f32.msk $0xffff, v1;
	v3 =	vadd.s32 s7, v5  }
0x154: {  	v5 =	vld [tilespmem:s22+$0x4040]  }
0x155: {  	v2 =	vadd.s32 s6, v2  }
0x156: {  	[tilespmem:v4+s21+$0x0] =	vst.idx.add.f32.msk $0xffff, v1  }
0x157: {  	v4 =	vld [tilespmem:s17+$0x4050]  }
0x158: {  	[tilespmem:v3+s21+$0x0] =	vst.idx.add.f32.msk $0xffff, v1  }
0x159: {  	v3 =	vadd.s32 s9, v5;
	v5 =	vld [tilespmem:s20+$0x8030]  }
0x15a: {  	[tilespmem:v2+s21+$0x0] =	vst.idx.add.f32.msk $0xffff, v1  }
0x15b: {  	v2 =	vld [tilespmem:s16+$0x8000]  }
0x15c: {  	v4 =	vadd.s32 s24, v4;
	_ =	sdelay $0x1  }
0x15d: {  	[tilespmem:v3+s21+$0x0] =	vst.idx.add.f32.msk $0xffff, v1;
	v3 =	vadd.s32 s7, v5  }
0x15e: {  	v5 =	vld [tilespmem:s22+$0x4050]  }
0x15f: {  	v2 =	vadd.s32 s6, v2  }
0x160: {  	[tilespmem:v4+s21+$0x0] =	vst.idx.add.f32.msk $0xffff, v1  }
0x161: {  	v4 =	vld [tilespmem:s17+$0x4060]  }
0x162: {  	[tilespmem:v3+s21+$0x0] =	vst.idx.add.f32.msk $0xffff, v1  }
0x163: {  	v3 =	vadd.s32 s9, v5;
	v5 =	vld [tilespmem:s20+$0x8040]  }
0x164: {  	[tilespmem:v2+s21+$0x0] =	vst.idx.add.f32.msk $0xffff, v1  }
0x165: {  	v2 =	vld [tilespmem:s15+$0x8000]  }
0x166: {  	v4 =	vadd.s32 s24, v4;
	_ =	sdelay $0x1  }
0x167: {  	[tilespmem:v3+s21+$0x0] =	vst.idx.add.f32.msk $0xffff, v1;
	v3 =	vadd.s32 s7, v5  }
0x168: {  	v5 =	vld [tilespmem:s22+$0x4060]  }
0x169: {  	v2 =	vadd.s32 s6, v2  }
0x16a: {  	[tilespmem:v4+s21+$0x0] =	vst.idx.add.f32.msk $0xffff, v1  }
0x16b: {  	v4 =	vld [tilespmem:s17+$0x4070]  }
0x16c: {  	[tilespmem:v3+s21+$0x0] =	vst.idx.add.f32.msk $0xffff, v1  }
0x16d: {  	v3 =	vadd.s32 s9, v5;
	v5 =	vld [tilespmem:s20+$0x8050]  }
0x16e: {  	[tilespmem:v2+s21+$0x0] =	vst.idx.add.f32.msk $0xffff, v1  }
0x16f: {  	v2 =	vld [tilespmem:s3+$0x8000];
	_ =	sdelay $0x1  }
0x170: {  	v4 =	vadd.s32 s24, v4  }
0x171: {  	s11 =	simm.s32 $0x400;
	s8 =	simm.s32 $0x300;
	[tilespmem:v3+s21+$0x0] =	vst.idx.add.f32.msk $0xffff, v1;
	v3 =	vadd.s32 s7, v5  }
0x172: {  	s5 =	sand.u32 $0x3800, s11;
	s0 =	sand.u32 $0x300, s8;
	s16 =	simm.s32 $0x400;
	v5 =	vld [tilespmem:s22+$0x4070]  }
0x173: {  	s30 =	sor.u32 s5, s0;
	v2 =	vadd.s32 s6, v2;
	[dreg:$0x15] =	wrdreg s16  }
0x174: {  	v6 =	vld [tilespmem:s30+$0x0]  }
0x175: {  	[tilespmem:v4+s21+$0x0] =	vst.idx.add.f32.msk $0xffff, v1  }
0x176: {  	[tilespmem:v3+s21+$0x0] =	vst.idx.add.f32.msk $0xffff, v1  }
0x177: {  	s6 =	simm.s32 $0x200;
	v3 =	vadd.s32 s9, v5;
	v5 =	vld [tilespmem:s20+$0x8060]  }
0x178: {  	s29 =	simm.s32 $0x120;
	s0 =	sand.u32 $0x200, s6;
	[tilespmem:v2+s21+$0x0] =	vst.idx.add.f32.msk $0xffff, v1  }
0x179: {  	v2 =	vld [tilespmem:s18+$0x8000];
	s18 =	sor.u32 s0, s5;
	v6 =	vadd.s32 s29, v6  }
0x17a: {  	v4 =	vld [tilespmem:s18+$0x0]  }
0x17b: {  	s15 =	simm.s32 $0x23;
	v7 =	vld [tilespmem:s31+$0x4000]  }
0x17c: {  	[tilespmem:v3+s21+$0x0] =	vst.idx.add.f32.msk $0xffff, v1;
	v3 =	vadd.s32 s15, v5  }
0x17d: {  	s7 =	simm.s32 $0x280;
	v5 =	vld [tilespmem:s2+$0x4000]  }
0x17e: {  	s0 =	sand.u32 $0x280, s7;
	s7 =	simm.s32 $0xC0;
	[tilespmem:v6+s21+$0x0] =	vst.idx.add.f32.msk $0xffff, v1  }
0x17f: {  	s0 =	sor.u32 s5, s0;
	v4 =	vadd.s32 s7, v4;
	v6 =	vld [tilespmem:s30+$0x10]  }
0x180: {  	s8 =	simm.s32 $0x380;
	v8 =	vld [tilespmem:s0+$0x0];
	v7 =	vadd.s32 s24, v7  }
0x181: {  	s11 =	simm.s32 $0x380;
	s15 =	sand.u32 $0x380, s8;
	[tilespmem:v3+s21+$0x0] =	vst.idx.add.f32.msk $0xffff, v1  }
0x182: {  	s2 =	sor.u32 s5, s15;
	[dreg:$0x18] =	wrdreg s11  }
0x183: {  	v5 =	vadd.s32 s9, v5;
	v9 =	vld [tilespmem:s2+$0x0]  }
0x184: {  	s11 =	simm.s32 $0xF0;
	v6 =	vadd.s32 s29, v6;
	[tilespmem:v4+s21+$0x0] =	vst.idx.add.f32.msk $0xffff, v1  }
0x185: {  	v8 =	vadd.s32 s11, v8;
	[tilespmem:v7+s21+$0x0] =	vst.idx.add.f32.msk $0xffff, v1  }
0x186: {  	v4 =	vld [tilespmem:s18+$0x10]  }
0x187: {  	v7 =	vld [tilespmem:s25+$0x4000]  }
0x188: {  	[tilespmem:v5+s21+$0x0] =	vst.idx.add.f32.msk $0xffff, v1  }
0x189: {  	s8 =	simm.s32 $0x150;
	[tilespmem:v6+s21+$0x0] =	vst.idx.add.f32.msk $0xffff, v1  }
0x18a: {  	v5 =	vadd.s32 s8, v9;
	[tilespmem:v8+s21+$0x0] =	vst.idx.add.f32.msk $0xffff, v1  }
0x18b: {  	v6 =	vld [tilespmem:s30+$0x20]  }
0x18c: {  	v8 =	vld [tilespmem:s0+$0x10];
	v4 =	vadd.s32 s7, v4  }
0x18d: {  	v7 =	vadd.s32 s24, v7  }
0x18e: {  	v36 =	vld [tilespmem:s26+$0x4000]  }
0x18f: {  	[tilespmem:v5+s21+$0x0] =	vst.idx.add.f32.msk $0xffff, v1  }
0x190: {  	v6 =	vadd.s32 s29, v6;
	v5 =	vld [tilespmem:s2+$0x10]  }
0x191: {  	v8 =	vadd.s32 s11, v8;
	[tilespmem:v4+s21+$0x0] =	vst.idx.add.f32.msk $0xffff, v1  }
0x192: {  	[tilespmem:v7+s21+$0x0] =	vst.idx.add.f32.msk $0xffff, v1  }
0x193: {  	v4 =	vld [tilespmem:s18+$0x20]  }
0x194: {  	v7 =	vld [tilespmem:s19+$0x4000]  }
0x195: {  	[tilespmem:v6+s21+$0x0] =	vst.idx.add.f32.msk $0xffff, v1;
	v6 =	vadd.s32 s9, v36  }
0x196: {  	v5 =	vadd.s32 s8, v5;
	[tilespmem:v8+s21+$0x0] =	vst.idx.add.f32.msk $0xffff, v1  }
0x197: {  	v37 =	vld [tilespmem:s30+$0x30]  }
0x198: {  	v8 =	vld [tilespmem:s0+$0x20]  }
0x199: {  	v4 =	vadd.s32 s7, v4  }
0x19a: {  	[tilespmem:v6+s21+$0x0] =	vst.idx.add.f32.msk $0xffff, v1  }
0x19b: {  	[tilespmem:v5+s21+$0x0] =	vst.idx.add.f32.msk $0xffff, v1;
	v5 =	vadd.s32 s24, v7  }
0x19c: {  	v6 =	vadd.s32 s29, v37;
	v38 =	vld [tilespmem:s28+$0x4000]  }
0x19d: {  	v7 =	vld [tilespmem:s2+$0x20];
	v8 =	vadd.s32 s11, v8  }
0x19e: {  	[tilespmem:v4+s21+$0x0] =	vst.idx.add.f32.msk $0xffff, v1  }
0x19f: {  	v4 =	vld [tilespmem:s18+$0x30]  }
0x1a0: {  	[tilespmem:v5+s21+$0x0] =	vst.idx.add.f32.msk $0xffff, v1  }
0x1a1: {  	[tilespmem:v6+s21+$0x0] =	vst.idx.add.f32.msk $0xffff, v1  }
0x1a2: {  	v5 =	vadd.s32 s8, v7;
	[tilespmem:v8+s21+$0x0] =	vst.idx.add.f32.msk $0xffff, v1  }
0x1a3: {  	v6 =	vld [tilespmem:s30+$0x40];
	v8 =	vadd.s32 s9, v38  }
0x1a4: {  	v7 =	vld [tilespmem:s0+$0x30]  }
0x1a5: {  	v4 =	vadd.s32 s7, v4  }
0x1a6: {  	v39 =	vld [tilespmem:s13+$0x4000]  }
0x1a7: {  	[tilespmem:v5+s21+$0x0] =	vst.idx.add.f32.msk $0xffff, v1  }
0x1a8: {  	v6 =	vadd.s32 s29, v6;
	[tilespmem:v8+s21+$0x0] =	vst.idx.add.f32.msk $0xffff, v1  }
0x1a9: {  	v5 =	vld [tilespmem:s2+$0x30];
	v7 =	vadd.s32 s11, v7  }
0x1aa: {  	[tilespmem:v4+s21+$0x0] =	vst.idx.add.f32.msk $0xffff, v1  }
0x1ab: {  	v8 =	vld [tilespmem:s14+$0x4000]  }
0x1ac: {  	v4 =	vld [tilespmem:s18+$0x40]  }
0x1ad: {  	[tilespmem:v6+s21+$0x0] =	vst.idx.add.f32.msk $0xffff, v1;
	v6 =	vadd.s32 s24, v39  }
0x1ae: {  	v5 =	vadd.s32 s8, v5;
	[tilespmem:v7+s21+$0x0] =	vst.idx.add.f32.msk $0xffff, v1  }
0x1af: {  	v40 =	vld [tilespmem:s30+$0x50]  }
0x1b0: {  	v7 =	vld [tilespmem:s0+$0x40]  }
0x1b1: {  	v4 =	vadd.s32 s7, v4  }
0x1b2: {  	[tilespmem:v6+s21+$0x0] =	vst.idx.add.f32.msk $0xffff, v1  }
0x1b3: {  	[tilespmem:v5+s21+$0x0] =	vst.idx.add.f32.msk $0xffff, v1;
	v5 =	vadd.s32 s9, v8  }
0x1b4: {  	v6 =	vadd.s32 s29, v40;
	v41 =	vld [tilespmem:s12+$0x4000]  }
0x1b5: {  	v8 =	vld [tilespmem:s2+$0x40];
	v7 =	vadd.s32 s11, v7  }
0x1b6: {  	[tilespmem:v4+s21+$0x0] =	vst.idx.add.f32.msk $0xffff, v1  }
0x1b7: {  	v4 =	vld [tilespmem:s18+$0x50]  }
0x1b8: {  	[tilespmem:v5+s21+$0x0] =	vst.idx.add.f32.msk $0xffff, v1  }
0x1b9: {  	[tilespmem:v6+s21+$0x0] =	vst.idx.add.f32.msk $0xffff, v1  }
0x1ba: {  	v5 =	vadd.s32 s8, v8;
	[tilespmem:v7+s21+$0x0] =	vst.idx.add.f32.msk $0xffff, v1  }
0x1bb: {  	v6 =	vld [tilespmem:s30+$0x60];
	v8 =	vadd.s32 s24, v41  }
0x1bc: {  	v7 =	vld [tilespmem:s0+$0x50]  }
0x1bd: {  	v4 =	vadd.s32 s7, v4  }
0x1be: {  	v42 =	vld [tilespmem:s10+$0x4000]  }
0x1bf: {  	[tilespmem:v5+s21+$0x0] =	vst.idx.add.f32.msk $0xffff, v1  }
0x1c0: {  	v6 =	vadd.s32 s29, v6;
	[tilespmem:v8+s21+$0x0] =	vst.idx.add.f32.msk vm0, v1  }
0x1c1: {  	v5 =	vld [tilespmem:s2+$0x50];
	v7 =	vadd.s32 s11, v7  }
0x1c2: {  	[tilespmem:v4+s21+$0x0] =	vst.idx.add.f32.msk $0xffff, v1  }
0x1c3: {  	v8 =	vld [tilespmem:s17+$0x8000]  }
0x1c4: {  	v4 =	vld [tilespmem:s18+$0x60]  }
0x1c5: {  	[tilespmem:v6+s21+$0x0] =	vst.idx.add.f32.msk $0xffff, v1;
	v6 =	vadd.s32 s9, v42  }
0x1c6: {  	v5 =	vadd.s32 s8, v5;
	[tilespmem:v7+s21+$0x0] =	vst.idx.add.f32.msk $0xffff, v1  }
0x1c7: {  	v43 =	vld [tilespmem:s30+$0x70]  }
0x1c8: {  	v7 =	vld [tilespmem:s0+$0x60]  }
0x1c9: {  	v3 =	vld [tilespmem:s20+$0x8070];
	v4 =	vadd.s32 s7, v4  }
0x1ca: {  	s20 =	simm.s32 $0x53;
	[tilespmem:v6+s21+$0x0] =	vst.idx.add.f32.msk vm0, v1  }
0x1cb: {  	[tilespmem:v5+s21+$0x0] =	vst.idx.add.f32.msk $0xffff, v1;
	v5 =	vadd.s32 s20, v8  }
0x1cc: {  	v6 =	vadd.s32 s29, v43;
	v44 =	vld [tilespmem:s22+$0x8000]  }
0x1cd: {  	v8 =	vld [tilespmem:s2+$0x60];
	v7 =	vadd.s32 s11, v7  }
0x1ce: {  	s16 =	simm.s32 $0x2;
	s19 =	simm.s32 $0x2;
	[tilespmem:v4+s21+$0x0] =	vst.idx.add.f32.msk $0xffff, v1  }
0x1cf: {  	s24 =	sand.u32 $0x3, s16;
	v4 =	vld [tilespmem:s18+$0x70];
	[dreg:$0xf] =	wrdreg s19  }
0x1d0: {  	s1 =	sshll.u32 s24, $0x8;
	[tilespmem:v5+s21+$0x0] =	vst.idx.add.f32.msk $0xffff, v1  }
0x1d1: {  	s1 =	sadd.s32 $0x400, s1;
	[tilespmem:v6+s21+$0x0] =	vst.idx.add.f32.msk $0xffff, v1  }
0x1d2: {  	s9 =	sadd.s32 $0x100, s1;
	v5 =	vadd.s32 s8, v8;
	[tilespmem:v7+s21+$0x0] =	vst.idx.add.f32.msk $0xffff, v1  }
0x1d3: {  	s25 =	sor.u32 $0x400, s9;
	v7 =	vld [tilespmem:s0+$0x70]  }
0x1d4: {  	v4 =	vadd.s32 s7, v4;
	[dreg:$0x11] =	wrdreg s25  }
0x1d5: {  	p1 =	por !p1, !p1;
	s24 =	simm.s32 $0xB3;
	s1 =	simm.s32 $0x1;
	v6 =	vld [tilespmem:s25+$0x0]  }
0x1d6: {  	s1 =	simm.s32 @!p1 $0x0;
	v8 =	vadd.s32 s24, v44;
	v45 =	vld [tilespmem:s17+$0x8010]  }
0x1d7: {  	s1 =	sshll.u32 s1, $0x9;
	[tilespmem:v5+s21+$0x0] =	vst.idx.add.f32.msk $0xffff, v1  }
0x1d8: {  	s26 =	simm.s32 $0x4;
	s4 =	sadd.s32 $0x400, s1;
	v5 =	vld [tilespmem:s2+$0x70];
	v7 =	vadd.s32 s11, v7  }
0x1d9: {  	s1 =	sand.u32 $0x7, s26;
	s12 =	sor.u32 $0x400, s4;
	[tilespmem:v4+s21+$0x0] =	vst.idx.add.f32.msk $0xffff, v1  }
0x1da: {  	s1 =	sshll.u32 s1, $0x7;
	v4 =	vld [tilespmem:s12+$0x0];
	v6 =	vadd.s32 s29, v6  }
0x1db: {  	s1 =	sadd.s32 $0x400, s1;
	[tilespmem:v8+s21+$0x0] =	vst.idx.add.f32.msk $0xffff, v1  }
0x1dc: {  	s3 =	sadd.s32 $0x80, s1;
	v8 =	vld [tilespmem:s22+$0x8010]  }
0x1dd: {  	s6 =	sor.u32 $0x400, s3;
	v5 =	vadd.s32 s8, v5;
	[tilespmem:v7+s21+$0x0] =	vst.idx.add.f32.msk $0xffff, v1  }
0x1de: {  	v7 =	vld [tilespmem:s6+$0x0]  }
0x1df: {  	s10 =	sor.u32 $0x410, s9;
	v4 =	vadd.s32 s7, v4;
	[tilespmem:v6+s21+$0x0] =	vst.idx.add.f32.msk $0xffff, v1  }
0x1e0: {  	v6 =	vadd.s32 s20, v45;
	v46 =	vld [tilespmem:s10+$0x0]  }
0x1e1: {  	s1 =	sadd.s32 $0x180, s1  }
0x1e2: {  	s14 =	sor.u32 $0x400, s1;
	v8 =	vadd.s32 s24, v8;
	[tilespmem:v5+s21+$0x0] =	vst.idx.add.f32.msk $0xffff, v1  }
0x1e3: {  	v5 =	vld [tilespmem:s14+$0x0]  }
0x1e4: {  	v7 =	vadd.s32 s11, v7;
	[tilespmem:v4+s21+$0x0] =	vst.idx.add.f32.msk $0xffff, v1  }
0x1e5: {  	s5 =	sor.u32 $0x410, s4;
	[tilespmem:v6+s21+$0x0] =	vst.idx.add.f32.msk $0xffff, v1;
	v6 =	vadd.s32 s29, v46  }
0x1e6: {  	v4 =	vld [tilespmem:s5+$0x0]  }
0x1e7: {  	[tilespmem:v8+s21+$0x0] =	vst.idx.add.f32.msk $0xffff, v1  }
0x1e8: {  	v8 =	vld [tilespmem:s17+$0x8020];
	v5 =	vadd.s32 s8, v5  }
0x1e9: {  	[tilespmem:v7+s21+$0x0] =	vst.idx.add.f32.msk $0xffff, v1  }
0x1ea: {  	s31 =	sor.u32 $0x420, s9;
	s13 =	sor.u32 $0x410, s3;
	[tilespmem:v6+s21+$0x0] =	vst.idx.add.f32.msk $0xffff, v1  }
0x1eb: {  	v7 =	vld [tilespmem:s13+$0x0];
	v4 =	vadd.s32 s7, v4;
	[dreg:$0x12] =	wrdreg s31  }
0x1ec: {  	v6 =	vld [tilespmem:s31+$0x0]  }
0x1ed: {  	s16 =	sor.u32 $0x410, s1;
	[tilespmem:v5+s21+$0x0] =	vst.idx.add.f32.msk $0xffff, v1  }
0x1ee: {  	v8 =	vadd.s32 s20, v8;
	[dreg:$0x5] =	wrdreg s16  }
0x1ef: {  	v5 =	vld [tilespmem:s16+$0x0]  }
0x1f0: {  	s26 =	sor.u32 $0x420, s4;
	v7 =	vadd.s32 s11, v7;
	[tilespmem:v4+s21+$0x0] =	vst.idx.add.f32.msk $0xffff, v1  }
0x1f1: {  	v4 =	vld [tilespmem:s26+$0x0]  }
0x1f2: {  	v47 =	vld [tilespmem:s22+$0x8020];
	v6 =	vadd.s32 s29, v6  }
0x1f3: {  	[tilespmem:v8+s21+$0x0] =	vst.idx.add.f32.msk $0xffff, v1  }
0x1f4: {  	v8 =	vld [tilespmem:s17+$0x8030];
	v5 =	vadd.s32 s8, v5  }
0x1f5: {  	s28 =	sor.u32 $0x420, s3;
	[tilespmem:v7+s21+$0x0] =	vst.idx.add.f32.msk $0xffff, v1  }
0x1f6: {  	v7 =	vld [tilespmem:s28+$0x0];
	v4 =	vadd.s32 s7, v4  }
0x1f7: {  	s15 =	sor.u32 $0x430, s9;
	[tilespmem:v6+s21+$0x0] =	vst.idx.add.f32.msk $0xffff, v1;
	v6 =	vadd.s32 s24, v47  }
0x1f8: {  	v48 =	vld [tilespmem:s15+$0x0]  }
0x1f9: {  	s25 =	sor.u32 $0x420, s1;
	[tilespmem:v5+s21+$0x0] =	vst.idx.add.f32.msk $0xffff, v1  }
0x1fa: {  	v5 =	vadd.s32 s20, v8;
	v8 =	vld [tilespmem:s25+$0x0]  }
0x1fb: {  	v7 =	vadd.s32 s11, v7;
	[tilespmem:v4+s21+$0x0] =	vst.idx.add.f32.msk $0xffff, v1  }
0x1fc: {  	s31 =	sor.u32 $0x430, s4;
	[tilespmem:v6+s21+$0x0] =	vst.idx.add.f32.msk $0xffff, v1  }
0x1fd: {  	v4 =	vld [tilespmem:s31+$0x0]  }
0x1fe: {  	v6 =	vadd.s32 s29, v48;
	v49 =	vld [tilespmem:s22+$0x8030]  }
0x1ff: {  	[tilespmem:v5+s21+$0x0] =	vst.idx.add.f32.msk $0xffff, v1  }
0x200: {  	s19 =	sor.u32 $0x430, s3;
	[tilespmem:v7+s21+$0x0] =	vst.idx.add.f32.msk $0xffff, v1;
	v5 =	vadd.s32 s8, v8  }
0x201: {  	[smem:$0x7E8] =	sst s19  }
0x202: {  	v7 =	vld [tilespmem:s19+$0x0];
	v4 =	vadd.s32 s7, v4  }
0x203: {  	s16 =	sor.u32 $0x438, s9;
	[tilespmem:v6+s21+$0x0] =	vst.idx.add.f32.msk $0xffff, v1  }
0x204: {  	v6 =	vadd.s32 s24, v49;
	v8 =	vld [tilespmem:s16+$0x0]  }
0x205: {  	s19 =	sor.u32 $0x430, s1;
	[tilespmem:v5+s21+$0x0] =	vst.idx.add.f32.msk $0xffff, v1  }
0x206: {  	v5 =	vld [tilespmem:s19+$0x0]  }
0x207: {  	s9 =	smov.u32 s6;
	s6 =	sor.u32 $0x438, s4;
	v7 =	vadd.s32 s11, v7;
	[tilespmem:v4+s21+$0x0] =	vst.idx.add.f32.msk $0xffff, v1  }
0x208: {  	v4 =	vld [tilespmem:s6+$0x0]  }
0x209: {  	[tilespmem:v6+s21+$0x0] =	vst.idx.add.f32.msk $0xffff, v1;
	v8 =	vadd.s32 s29, v8  }
0x20a: {  	v6 =	vld [tilespmem:s17+$0x8040]  }
0x20b: {  	v50 =	vld [tilespmem:s22+$0x8040];
	v5 =	vadd.s32 s8, v5  }
0x20c: {  	s3 =	sor.u32 $0x438, s3;
	[tilespmem:v7+s21+$0x0] =	vst.idx.add.f32.msk $0xffff, v1  }
0x20d: {  	v4 =	vadd.s32 s7, v4;
	v7 =	vld [tilespmem:s3+$0x0]  }
0x20e: {  	[tilespmem:v8+s21+$0x0] =	vst.idx.add.f32.msk vm0, v1  }
0x20f: {  	v6 =	vadd.s32 s20, v6;
	v8 =	vld [tilespmem:s30+$0x4000]  }
0x210: {  	s7 =	smov.u32 s12;
	s12 =	sor.u32 $0x438, s1;
	v9 =	vadd.s32 s24, v50;
	[tilespmem:v5+s21+$0x0] =	vst.idx.add.f32.msk $0xffff, v1  }
0x211: {  	v5 =	vld [tilespmem:s12+$0x0]  }
0x212: {  	v7 =	vadd.s32 s11, v7;
	[tilespmem:v4+s21+$0x0] =	vst.idx.add.f32.msk vm0, v1  }
0x213: {  	s1 =	simm.s32 $0x134;
	v4 =	vld [tilespmem:s18+$0x4000]  }
0x214: {  	[tilespmem:v6+s21+$0x0] =	vst.idx.add.f32.msk $0xffff, v1;
	v6 =	vadd.s32 s1, v8  }
0x215: {  	[tilespmem:v9+s21+$0x0] =	vst.idx.add.f32.msk $0xffff, v1  }
0x216: {  	v8 =	vld [tilespmem:s17+$0x8050];
	v5 =	vadd.s32 s8, v5  }
0x217: {  	s11 =	smov.u32 s3;
	s3 =	simm.s32 $0xD4;
	[tilespmem:v7+s21+$0x0] =	vst.idx.add.f32.msk vm0, v1  }
0x218: {  	v7 =	vld [tilespmem:s0+$0x4000];
	v4 =	vadd.s32 s3, v4  }
0x219: {  	[tilespmem:v6+s21+$0x0] =	vst.idx.add.f32.msk $0xffff, v1  }
0x21a: {  	v6 =	vld [tilespmem:s30+$0x4010]  }
0x21b: {  	v8 =	vadd.s32 s20, v8;
	[tilespmem:v5+s21+$0x0] =	vst.idx.add.f32.msk vm0, v1  }
0x21c: {  	s29 =	simm.s32 $0x104;
	v5 =	vld [tilespmem:s2+$0x4000]  }
0x21d: {  	v7 =	vadd.s32 s29, v7;
	[tilespmem:v4+s21+$0x0] =	vst.idx.add.f32.msk $0xffff, v1  }
0x21e: {  	v4 =	vld [tilespmem:s18+$0x4010]  }
0x21f: {  	v9 =	vld [tilespmem:s22+$0x8050];
	v6 =	vadd.s32 s1, v6  }
0x220: {  	s4 =	simm.s32 $0x164;
	[tilespmem:v8+s21+$0x0] =	vst.idx.add.f32.msk $0xffff, v1  }
0x221: {  	v8 =	vld [tilespmem:s17+$0x8060];
	v5 =	vadd.s32 s4, v5  }
0x222: {  	[tilespmem:v7+s21+$0x0] =	vst.idx.add.f32.msk $0xffff, v1  }
0x223: {  	v7 =	vld [tilespmem:s0+$0x4010];
	v4 =	vadd.s32 s3, v4  }
0x224: {  	[tilespmem:v6+s21+$0x0] =	vst.idx.add.f32.msk $0xffff, v1  }
0x225: {  	v6 =	vadd.s32 s24, v9;
	v51 =	vld [tilespmem:s30+$0x4020]  }
0x226: {  	[tilespmem:v5+s21+$0x0] =	vst.idx.add.f32.msk $0xffff, v1  }
0x227: {  	v5 =	vadd.s32 s20, v8;
	v8 =	vld [tilespmem:s2+$0x4010]  }
0x228: {  	v7 =	vadd.s32 s29, v7;
	[tilespmem:v4+s21+$0x0] =	vst.idx.add.f32.msk $0xffff, v1  }
0x229: {  	v4 =	vld [tilespmem:s18+$0x4020]  }
0x22a: {  	[tilespmem:v6+s21+$0x0] =	vst.idx.add.f32.msk $0xffff, v1;
	v6 =	vadd.s32 s1, v51  }
0x22b: {  	v52 =	vld [tilespmem:s22+$0x8060]  }
0x22c: {  	[tilespmem:v5+s21+$0x0] =	vst.idx.add.f32.msk $0xffff, v1;
	v8 =	vadd.s32 s4, v8  }
0x22d: {  	[tilespmem:v7+s21+$0x0] =	vst.idx.add.f32.msk $0xffff, v1  }
0x22e: {  	v5 =	vld [tilespmem:s0+$0x4020];
	v4 =	vadd.s32 s3, v4  }
0x22f: {  	s8 =	simm.s32 $0x23;
	[tilespmem:v6+s21+$0x0] =	vst.idx.add.f32.msk $0xffff, v1  }
0x230: {  	v3 =	vadd.s32 s8, v3;
	v6 =	vld [tilespmem:s30+$0x4030]  }
0x231: {  	[tilespmem:v8+s21+$0x0] =	vst.idx.add.f32.msk $0xffff, v1  }
0x232: {  	v7 =	vadd.s32 s24, v52;
	v8 =	vld [tilespmem:s2+$0x4020]  }
0x233: {  	v5 =	vadd.s32 s29, v5;
	[tilespmem:v4+s21+$0x0] =	vst.idx.add.f32.msk $0xffff, v1  }
0x234: {  	v4 =	vld [tilespmem:s18+$0x4030]  }
0x235: {  	[tilespmem:v3+s21+$0x0] =	vst.idx.add.f32.msk $0xffff, v1;
	v6 =	vadd.s32 s1, v6  }
0x236: {  	v53 =	vld [tilespmem:s17+$0x8070]  }
0x237: {  	[tilespmem:v7+s21+$0x0] =	vst.idx.add.f32.msk $0xffff, v1;
	v8 =	vadd.s32 s4, v8  }
0x238: {  	[tilespmem:v5+s21+$0x0] =	vst.idx.add.f32.msk $0xffff, v1  }
0x239: {  	v5 =	vld [tilespmem:s0+$0x4030];
	v4 =	vadd.s32 s3, v4  }
0x23a: {  	[tilespmem:v6+s21+$0x0] =	vst.idx.add.f32.msk $0xffff, v1  }
0x23b: {  	v6 =	vld [tilespmem:s30+$0x4040]  }
0x23c: {  	[tilespmem:v8+s21+$0x0] =	vst.idx.add.f32.msk $0xffff, v1  }
0x23d: {  	v54 =	vld [tilespmem:s2+$0x4030]  }
0x23e: {  	v8 =	vadd.s32 s20, v53;
	[tilespmem:v4+s21+$0x0] =	vst.idx.add.f32.msk $0xffff, v1  }
0x23f: {  	s17 =	smov.u32 s14;
	s14 =	smov.u32 s10;
	v5 =	vadd.s32 s29, v5;
	s10 =	sld [smem:$0x7DF]  }
0x240: {  	v4 =	vld [tilespmem:s18+$0x4040]  }
0x241: {  	v7 =	vld [tilespmem:s22+$0x8070];
	v6 =	vadd.s32 s1, v6  }
0x242: {  	v3 =	vld [tilespmem:s10+$0x8000]  }
0x243: {  	[tilespmem:v8+s21+$0x0] =	vst.idx.add.f32.msk $0xffff, v1;
	v9 =	vadd.s32 s4, v54  }
0x244: {  	[tilespmem:v5+s21+$0x0] =	vst.idx.add.f32.msk $0xffff, v1  }
0x245: {  	v5 =	vld [tilespmem:s0+$0x4040];
	v4 =	vadd.s32 s3, v4  }
0x246: {  	[tilespmem:v6+s21+$0x0] =	vst.idx.add.f32.msk $0xffff, v1  }
0x247: {  	v6 =	vld [tilespmem:s30+$0x4050]  }
0x248: {  	v7 =	vadd.s32 s24, v7;
	[tilespmem:v9+s21+$0x0] =	vst.idx.add.f32.msk $0xffff, v1  }
0x249: {  	v8 =	vld [tilespmem:s2+$0x4040]  }
0x24a: {  	v5 =	vadd.s32 s29, v5;
	[tilespmem:v4+s21+$0x0] =	vst.idx.add.f32.msk $0xffff, v1  }
0x24b: {  	v4 =	vld [tilespmem:s18+$0x4050];
	s10 =	sld [smem:$0x7E0]  }
0x24c: {  	v6 =	vadd.s32 s1, v6  }
0x24d: {  	[tilespmem:v7+s21+$0x0] =	vst.idx.add.f32.msk $0xffff, v1  }
0x24e: {  	v55 =	vld [tilespmem:s10+$0x8000];
	v8 =	vadd.s32 s4, v8  }
0x24f: {  	s10 =	sld [smem:$0x7E1];
	[tilespmem:v5+s21+$0x0] =	vst.idx.add.f32.msk $0xffff, v1  }
0x250: {  	v5 =	vld [tilespmem:s0+$0x4050];
	v4 =	vadd.s32 s3, v4  }
0x251: {  	[tilespmem:v6+s21+$0x0] =	vst.idx.add.f32.msk $0xffff, v1  }
0x252: {  	v3 =	vadd.s32 s8, v3;
	v6 =	vld [tilespmem:s30+$0x4060]  }
0x253: {  	[tilespmem:v8+s21+$0x0] =	vst.idx.add.f32.msk $0xffff, v1  }
0x254: {  	v8 =	vadd.s32 s20, v55;
	v56 =	vld [tilespmem:s2+$0x4050]  }
0x255: {  	v5 =	vadd.s32 s29, v5;
	[tilespmem:v4+s21+$0x0] =	vst.idx.add.f32.msk $0xffff, v1  }
0x256: {  	v4 =	vld [tilespmem:s18+$0x4060]  }
0x257: {  	[tilespmem:v3+s21+$0x0] =	vst.idx.add.f32.msk $0xffff, v1;
	v6 =	vadd.s32 s1, v6  }
0x258: {  	v7 =	vld [tilespmem:s10+$0x8000]  }
0x259: {  	s8 =	sld [smem:$0x7E2];
	[tilespmem:v8+s21+$0x0] =	vst.idx.add.f32.msk $0xffff, v1;
	v9 =	vadd.s32 s4, v56  }
0x25a: {  	[tilespmem:v5+s21+$0x0] =	vst.idx.add.f32.msk $0xffff, v1  }
0x25b: {  	v5 =	vld [tilespmem:s0+$0x4060];
	v4 =	vadd.s32 s3, v4  }
0x25c: {  	[tilespmem:v6+s21+$0x0] =	vst.idx.add.f32.msk $0xffff, v1  }
0x25d: {  	v6 =	vld [tilespmem:s30+$0x4070]  }
0x25e: {  	v7 =	vadd.s32 s24, v7;
	[tilespmem:v9+s21+$0x0] =	vst.idx.add.f32.msk $0xffff, v1  }
0x25f: {  	v8 =	vld [tilespmem:s2+$0x4060]  }
0x260: {  	v5 =	vadd.s32 s29, v5;
	[tilespmem:v4+s21+$0x0] =	vst.idx.add.f32.msk $0xffff, v1  }
0x261: {  	v3 =	vld [tilespmem:s8+$0x8000];
	s8 =	sld [smem:$0x7E3]  }
0x262: {  	v4 =	vld [tilespmem:s18+$0x4070];
	v6 =	vadd.s32 s1, v6  }
0x263: {  	[tilespmem:v7+s21+$0x0] =	vst.idx.add.f32.msk $0xffff, v1  }
0x264: {  	v57 =	vld [tilespmem:s8+$0x8000]  }
0x265: {  	s8 =	sld [smem:$0x7E4];
	v8 =	vadd.s32 s4, v8;
	[tilespmem:v5+s21+$0x0] =	vst.idx.add.f32.msk $0xffff, v1  }
0x266: {  	v5 =	vld [tilespmem:s0+$0x4070]  }
0x267: {  	v4 =	vadd.s32 s3, v4;
	[tilespmem:v6+s21+$0x0] =	vst.idx.add.f32.msk $0xffff, v1  }
0x268: {  	v7 =	vld [tilespmem:s8+$0x8000];
	s8 =	rddreg [dreg:$0x11]  }
0x269: {  	s10 =	simm.s32 $0x23;
	v6 =	vld [tilespmem:s8+$0x4000]  }
0x26a: {  	v3 =	vadd.s32 s10, v3;
	[tilespmem:v8+s21+$0x0] =	vst.idx.add.f32.msk $0xffff, v1  }
0x26b: {  	v8 =	vadd.s32 s20, v57;
	v58 =	vld [tilespmem:s2+$0x4070]  }
0x26c: {  	v5 =	vadd.s32 s29, v5;
	[tilespmem:v4+s21+$0x0] =	vst.idx.add.f32.msk $0xffff, v1  }
0x26d: {  	v4 =	vld [tilespmem:s7+$0x4000]  }
0x26e: {  	v6 =	vadd.s32 s1, v6  }
0x26f: {  	[tilespmem:v3+s21+$0x0] =	vst.idx.add.f32.msk $0xffff, v1  }
0x270: {  	s8 =	sld [smem:$0x7E5];
	[tilespmem:v8+s21+$0x0] =	vst.idx.add.f32.msk $0xffff, v1;
	v9 =	vadd.s32 s4, v58  }
0x271: {  	[tilespmem:v5+s21+$0x0] =	vst.idx.add.f32.msk $0xffff, v1  }
0x272: {  	v5 =	vld [tilespmem:s9+$0x4000];
	v4 =	vadd.s32 s3, v4  }
0x273: {  	[tilespmem:v6+s21+$0x0] =	vst.idx.add.f32.msk $0xffff, v1  }
0x274: {  	v6 =	vld [tilespmem:s14+$0x4000]  }
0x275: {  	[tilespmem:v9+s21+$0x0] =	vst.idx.add.f32.msk $0xffff, v1  }
0x276: {  	v7 =	vadd.s32 s24, v7;
	v8 =	vld [tilespmem:s17+$0x4000]  }
0x277: {  	[tilespmem:v4+s21+$0x0] =	vst.idx.add.f32.msk $0xffff, v1  }
0x278: {  	v5 =	vadd.s32 s29, v5;
	v4 =	vld [tilespmem:s5+$0x4000]  }
0x279: {  	v3 =	vld [tilespmem:s8+$0x8000];
	s8 =	sld [smem:$0x7E6];
	v6 =	vadd.s32 s1, v6;
	_ =	sdelay $0x1  }
0x27a: {  	[tilespmem:v7+s21+$0x0] =	vst.idx.add.f32.msk $0xffff, v1  }
0x27b: {  	v59 =	vld [tilespmem:s8+$0x8000];
	v8 =	vadd.s32 s4, v8  }
0x27c: {  	s8 =	sld [smem:$0x7E7];
	[tilespmem:v5+s21+$0x0] =	vst.idx.add.f32.msk $0xffff, v1;
	v4 =	vadd.s32 s3, v4  }
0x27d: {  	[tilespmem:v6+s21+$0x0] =	vst.idx.add.f32.msk $0xffff, v1  }
0x27e: {  	s22 =	smov.u32 s13;
	v5 =	vld [tilespmem:s13+$0x4000];
	s13 =	rddreg [dreg:$0x12]  }
0x27f: {  	v6 =	vld [tilespmem:s13+$0x4000]  }
0x280: {  	v3 =	vadd.s32 s10, v3;
	[tilespmem:v8+s21+$0x0] =	vst.idx.add.f32.msk $0xffff, v1  }
0x281: {  	s13 =	rddreg [dreg:$0x5];
	[tilespmem:v4+s21+$0x0] =	vst.idx.add.f32.msk $0xffff, v1  }
0x282: {  	v8 =	vadd.s32 s20, v59;
	v60 =	vld [tilespmem:s13+$0x4000]  }
0x283: {  	v7 =	vld [tilespmem:s8+$0x8000];
	v5 =	vadd.s32 s29, v5;
	[dreg:$0x3] =	wrdreg s26  }
0x284: {  	v4 =	vld [tilespmem:s26+$0x4000]  }
0x285: {  	s26 =	sld [smem:$0x7E8];
	[tilespmem:v3+s21+$0x0] =	vst.idx.add.f32.msk $0xffff, v1;
	v6 =	vadd.s32 s1, v6  }
0x286: {  	s13 =	sld [smem:$0x7E9]  }
0x287: {  	[tilespmem:v8+s21+$0x0] =	vst.idx.add.f32.msk $0xffff, v1;
	v9 =	vadd.s32 s4, v60  }
0x288: {  	[tilespmem:v5+s21+$0x0] =	vst.idx.add.f32.msk $0xffff, v1  }
0x289: {  	v3 =	vld [tilespmem:s13+$0x8000];
	[dreg:$0x7] =	wrdreg s28  }
0x28a: {  	v4 =	vadd.s32 s3, v4;
	[tilespmem:v6+s21+$0x0] =	vst.idx.add.f32.msk $0xffff, v1  }
0x28b: {  	v5 =	vld [tilespmem:s28+$0x4000];
	[smem:$0x7EA] =	sst s15  }
0x28c: {  	[tilespmem:v9+s21+$0x0] =	vst.idx.add.f32.msk $0xffff, v1  }
0x28d: {  	v6 =	vld [tilespmem:s15+$0x4000];
	[dreg:$0xb] =	wrdreg s25  }
0x28e: {  	v7 =	vadd.s32 s24, v7;
	v8 =	vld [tilespmem:s25+$0x4000]  }
0x28f: {  	[tilespmem:v4+s21+$0x0] =	vst.idx.add.f32.msk $0xffff, v1  }
0x290: {  	v5 =	vadd.s32 s29, v5;
	[dreg:$0x9] =	wrdreg s31  }
0x291: {  	s13 =	sld [smem:$0x7EB]  }
0x292: {  	v4 =	vld [tilespmem:s31+$0x4000];
	v6 =	vadd.s32 s1, v6  }
0x293: {  	[tilespmem:v7+s21+$0x0] =	vst.idx.add.f32.msk $0xffff, v1  }
0x294: {  	v61 =	vld [tilespmem:s13+$0x8000];
	v8 =	vadd.s32 s4, v8  }
0x295: {  	s15 =	sld [smem:$0x7EC];
	[tilespmem:v5+s21+$0x0] =	vst.idx.add.f32.msk $0xffff, v1  }
0x296: {  	v5 =	vld [tilespmem:s26+$0x4000]  }
0x297: {  	v4 =	vadd.s32 s3, v4;
	[tilespmem:v6+s21+$0x0] =	vst.idx.add.f32.msk $0xffff, v1  }
0x298: {  	v3 =	vadd.s32 s10, v3;
	v7 =	vld [tilespmem:s15+$0x8000];
	[dreg:$0x17] =	wrdreg s16  }
0x299: {  	[tilespmem:v8+s21+$0x0] =	vst.idx.add.f32.msk $0xffff, v1  }
0x29a: {  	v6 =	vld [tilespmem:s16+$0x4000];
	v8 =	vadd.s32 s20, v61;
	[dreg:$0xd] =	wrdreg s19  }
0x29b: {  	v5 =	vadd.s32 s29, v5;
	v62 =	vld [tilespmem:s19+$0x4000]  }
0x29c: {  	[tilespmem:v4+s21+$0x0] =	vst.idx.add.f32.msk $0xffff, v1  }
0x29d: {  	[tilespmem:v3+s21+$0x0] =	vst.idx.add.f32.msk $0xffff, v1  }
0x29e: {  	v4 =	vld [tilespmem:s6+$0x4000]  }
0x29f: {  	s16 =	sld [smem:$0x7ED];
	[tilespmem:v8+s21+$0x0] =	vst.idx.add.f32.msk $0xffff, v1  }
0x2a0: {  	v3 =	vadd.s32 s1, v6;
	[tilespmem:v5+s21+$0x0] =	vst.idx.add.f32.msk $0xffff, v1  }
0x2a1: {  	s19 =	sld [smem:$0x7EE]  }
0x2a2: {  	v6 =	vld [tilespmem:s16+$0x8000];
	v8 =	vadd.s32 s4, v62  }
0x2a3: {  	v5 =	vld [tilespmem:s11+$0x4000]  }
0x2a4: {  	v4 =	vadd.s32 s3, v4;
	v63 =	vld [tilespmem:s19+$0x8000]  }
0x2a5: {  	[tilespmem:v3+s21+$0x0] =	vst.idx.add.f32.msk vm0, v1  }
0x2a6: {  	s25 =	simm.s32 $0x83;
	v3 =	vadd.s32 s24, v7;
	v7 =	vld [tilespmem:s30+$0x8000]  }
0x2a7: {  	v2 =	vadd.s32 s25, v2;
	[tilespmem:v8+s21+$0x0] =	vst.idx.add.f32.msk $0xffff, v1  }
0x2a8: {  	v5 =	vadd.s32 s29, v5;
	v8 =	vld [tilespmem:s12+$0x4000]  }
0x2a9: {  	[tilespmem:v4+s21+$0x0] =	vst.idx.add.f32.msk vm0, v1  }
0x2aa: {  	v4 =	vld [tilespmem:s18+$0x8000]  }
0x2ab: {  	s8 =	simm.s32 $0x143;
	[tilespmem:v3+s21+$0x0] =	vst.idx.add.f32.msk $0xffff, v1;
	v9 =	vadd.s32 s20, v63  }
0x2ac: {  	v3 =	vadd.s32 s8, v7;
	s31 =	sld [smem:$0x7EF];
	[tilespmem:v2+s21+$0x0] =	vst.idx.add.f32.msk vm0, v1  }
0x2ad: {  	[tilespmem:v5+s21+$0x0] =	vst.idx.add.f32.msk vm0, v1  }
0x2ae: {  	v5 =	vld [tilespmem:s0+$0x8000];
	v8 =	vadd.s32 s4, v8  }
0x2af: {  	s28 =	simm.s32 $0xE3;
	v7 =	vld [tilespmem:s31+$0x8000]  }
0x2b0: {  	v2 =	vadd.s32 s28, v4;
	[tilespmem:v9+s21+$0x0] =	vst.idx.add.f32.msk vm0, v1  }
0x2b1: {  	[tilespmem:v3+s21+$0x0] =	vst.idx.add.f32.msk $0xffff, v1  }
0x2b2: {  	s29 =	simm.s32 $0x113;
	v3 =	vadd.s32 s10, v6;
	v6 =	vld [tilespmem:s30+$0x8010]  }
0x2b3: {  	v5 =	vadd.s32 s29, v5;
	[tilespmem:v8+s21+$0x0] =	vst.idx.add.f32.msk vm0, v1  }
0x2b4: {  	v8 =	vld [tilespmem:s2+$0x8000]  }
0x2b5: {  	[tilespmem:v2+s21+$0x0] =	vst.idx.add.f32.msk $0xffff, v1  }
0x2b6: {  	v4 =	vld [tilespmem:s18+$0x8010]  }
0x2b7: {  	[tilespmem:v3+s21+$0x0] =	vst.idx.add.f32.msk vm0, v1  }
0x2b8: {  	p1 =	por !p1, !p1;
	s25 =	simm.s32 $0x173;
	[tilespmem:v5+s21+$0x0] =	vst.idx.add.f32.msk $0xffff, v1  }
0x2b9: {  	s1 =	simm.s32 $0x173;
	s16 =	simm.s32 $0x4;
	s3 =	simm.s32 $0x8;
	v2 =	vadd.s32 s24, v7;
	v5 =	vadd.s32 s8, v6;
	v3 =	vld [tilespmem:s0+$0x8010];
	v6 =	vadd.s32 s25, v8  }
.LBB2_5:
0x2ba: {  	[smem:$0x7CF] =	sst s17  }
0x2bb: {  	[smem:$0x7CD] =	sst s9  }
0x2bc: {  	[smem:$0x7D2] =	sst s22  }
0x2bd: {  	[smem:$0x7E8] =	sst s26  }
0x2be: {  	s4 =	simm.s32 $0x1;
	[tilespmem:v5+s21+$0x0] =	vst.idx.add.f32.msk $0xffff, v1;
	s13 =	rddreg [dreg:$0x18]  }
0x2bf: {  	[tilespmem:v6+s21+$0x0] =	vst.idx.add.f32.msk $0xffff, v1;
	s15 =	rddreg [dreg:$0x15];
	s4 =	simm.s32 @!p1 $0x0  }
0x2c0: {  	s13 =	sadd.s32 $0x200, s13;
	s15 =	sadd.s32 $0x400, s15;
	v6 =	vld [tilespmem:s2+$0x8010];
	s17 =	sshll.u32 s4, $0x9  }
0x2c1: {  	v5 =	vld [tilespmem:s30+$0x8020];
	s19 =	sadd.s32 $0xFFFFFF80, s13;
	s20 =	sand.u32 $0x3800, s15;
	s22 =	sadd.s32 $0xFFFFFE80, s13;
	v4 =	vadd.s32 s28, v4  }
0x2c2: {  	s24 =	sadd.s32 $0xFFFFFF00, s13;
	s10 =	sand.u32 $0x380, s13;
	s4 =	sand.u32 $0x300, s19  }
0x2c3: {  	[tilespmem:v2+s21+$0x0] =	vst.idx.add.f32.msk vm0, v1;
	s26 =	sand.u32 $0x200, s22;
	s31 =	sand.u32 $0x280, s24;
	s9 =	sor.u32 s20, s4  }
0x2c4: {  	v3 =	vadd.s32 s29, v3;
	s4 =	sor.u32 s26, s20;
	s22 =	sor.u32 s20, s31;
	s20 =	sor.u32 s20, s10;
	v2 =	vld [tilespmem:s9+$0x0]  }
0x2c5: {  	v8 =	vld [tilespmem:s20+$0x0];
	v6 =	vadd.s32 s25, v6  }
0x2c6: {  	[tilespmem:v4+s21+$0x0] =	vst.idx.add.f32.msk $0xffff, v1;
	v4 =	vadd.s32 s8, v5  }
0x2c7: {  	s1 =	sadd.s32 $0xC0, s1;
	v5 =	vld [tilespmem:s4+$0x0]  }
0x2c8: {  	[smem:$0x7CB] =	sst s7;
	s7 =	sadd.s32 $0xFFFFFFAD, s1;
	v7 =	vld [tilespmem:s22+$0x0]  }
0x2c9: {  	[tilespmem:v3+s21+$0x0] =	vst.idx.add.f32.msk $0xffff, v1;
	v2 =	vadd.s32 s7, v2  }
0x2ca: {  	s24 =	sadd.s32 $0xFFFFFFDD, s1;
	[tilespmem:v6+s21+$0x0] =	vst.idx.add.f32.msk $0xffff, v1  }
0x2cb: {  	[dreg:$0x1b] =	wrdreg s6;
	s6 =	sadd.s32 $0xFFFFFF4D, s1;
	v6 =	vadd.s32 s24, v8;
	[tilespmem:v4+s21+$0x0] =	vst.idx.add.f32.msk $0xffff, v1  }
0x2cc: {  	[dreg:$0x1d] =	wrdreg s11;
	s11 =	sadd.s32 s17, s15;
	s17 =	sadd.s32 $0xFFFFFF7D, s1;
	v3 =	vadd.s32 s6, v5;
	v4 =	vld [tilespmem:s30+$0x8030]  }
0x2cd: {  	v5 =	vadd.s32 s17, v7;
	v7 =	vld [tilespmem:s18+$0x8020]  }
0x2ce: {  	[tilespmem:v2+s21+$0x0] =	vst.idx.add.f32.msk $0xffff, v1  }
0x2cf: {  	v2 =	vld [tilespmem:s9+$0x10]  }
0x2d0: {  	[tilespmem:v6+s21+$0x0] =	vst.idx.add.f32.msk $0xffff, v1  }
0x2d1: {  	[tilespmem:v3+s21+$0x0] =	vst.idx.add.f32.msk $0xffff, v1  }
0x2d2: {  	[tilespmem:v5+s21+$0x0] =	vst.idx.add.f32.msk $0xffff, v1  }
0x2d3: {  	v3 =	vadd.s32 s8, v4;
	v4 =	vadd.s32 s28, v7;
	v7 =	vld [tilespmem:s20+$0x10]  }
0x2d4: {  	v5 =	vld [tilespmem:s4+$0x10]  }
0x2d5: {  	v6 =	vld [tilespmem:s22+$0x10]  }
0x2d6: {  	v9 =	vld [tilespmem:s2+$0x8020];
	v2 =	vadd.s32 s7, v2  }
0x2d7: {  	v8 =	vld [tilespmem:s0+$0x8020]  }
0x2d8: {  	[tilespmem:v3+s21+$0x0] =	vst.idx.add.f32.msk $0xffff, v1;
	v7 =	vadd.s32 s24, v7  }
0x2d9: {  	[tilespmem:v4+s21+$0x0] =	vst.idx.add.f32.msk $0xffff, v1;
	v5 =	vadd.s32 s6, v5  }
0x2da: {  	v3 =	vld [tilespmem:s30+$0x8040];
	v6 =	vadd.s32 s17, v6  }
0x2db: {  	[tilespmem:v2+s21+$0x0] =	vst.idx.add.f32.msk $0xffff, v1  }
0x2dc: {  	v2 =	vld [tilespmem:s9+$0x20]  }
0x2dd: {  	[tilespmem:v7+s21+$0x0] =	vst.idx.add.f32.msk $0xffff, v1  }
0x2de: {  	[tilespmem:v5+s21+$0x0] =	vst.idx.add.f32.msk $0xffff, v1  }
0x2df: {  	v3 =	vadd.s32 s8, v3;
	[tilespmem:v6+s21+$0x0] =	vst.idx.add.f32.msk $0xffff, v1  }
0x2e0: {  	v5 =	vld [tilespmem:s4+$0x20]  }
0x2e1: {  	v4 =	vadd.s32 s29, v8;
	v7 =	vld [tilespmem:s22+$0x20]  }
0x2e2: {  	v2 =	vadd.s32 s7, v2  }
0x2e3: {  	v8 =	vld [tilespmem:s20+$0x20]  }
0x2e4: {  	[tilespmem:v3+s21+$0x0] =	vst.idx.add.f32.msk $0xffff, v1;
	v3 =	vadd.s32 s25, v9  }
0x2e5: {  	v6 =	vld [tilespmem:s30+$0x8050];
	v5 =	vadd.s32 s6, v5  }
0x2e6: {  	[tilespmem:v4+s21+$0x0] =	vst.idx.add.f32.msk $0xffff, v1;
	v4 =	vadd.s32 s17, v7  }
0x2e7: {  	[tilespmem:v2+s21+$0x0] =	vst.idx.add.f32.msk $0xffff, v1  }
0x2e8: {  	v2 =	vld [tilespmem:s9+$0x30]  }
0x2e9: {  	[tilespmem:v3+s21+$0x0] =	vst.idx.add.f32.msk $0xffff, v1  }
0x2ea: {  	v6 =	vadd.s32 s8, v6;
	[tilespmem:v5+s21+$0x0] =	vst.idx.add.f32.msk $0xffff, v1  }
0x2eb: {  	[tilespmem:v4+s21+$0x0] =	vst.idx.add.f32.msk $0xffff, v1  }
0x2ec: {  	v3 =	vld [tilespmem:s4+$0x30]  }
0x2ed: {  	v5 =	vadd.s32 s24, v8;
	v4 =	vld [tilespmem:s22+$0x30]  }
0x2ee: {  	v2 =	vadd.s32 s7, v2  }
0x2ef: {  	[tilespmem:v6+s21+$0x0] =	vst.idx.add.f32.msk $0xffff, v1  }
0x2f0: {  	v6 =	vld [tilespmem:s30+$0x8060]  }
0x2f1: {  	v7 =	vld [tilespmem:s18+$0x8030];
	v3 =	vadd.s32 s6, v3  }
0x2f2: {  	[tilespmem:v5+s21+$0x0] =	vst.idx.add.f32.msk $0xffff, v1;
	v4 =	vadd.s32 s17, v4  }
0x2f3: {  	[tilespmem:v2+s21+$0x0] =	vst.idx.add.f32.msk $0xffff, v1  }
0x2f4: {  	v2 =	vld [tilespmem:s9+$0x40]  }
0x2f5: {  	v5 =	vadd.s32 s8, v6;
	v6 =	vld [tilespmem:s20+$0x30]  }
0x2f6: {  	[tilespmem:v3+s21+$0x0] =	vst.idx.add.f32.msk $0xffff, v1  }
0x2f7: {  	[tilespmem:v4+s21+$0x0] =	vst.idx.add.f32.msk $0xffff, v1  }
0x2f8: {  	v3 =	vld [tilespmem:s4+$0x40]  }
0x2f9: {  	v4 =	vadd.s32 s28, v7;
	v2 =	vadd.s32 s7, v2;
	v7 =	vld [tilespmem:s22+$0x40];
	_ =	sdelay $0x1  }
0x2fa: {  	[tilespmem:v5+s21+$0x0] =	vst.idx.add.f32.msk $0xffff, v1;
	v5 =	vadd.s32 s24, v6  }
0x2fb: {  	v6 =	vld [tilespmem:s30+$0x8070]  }
0x2fc: {  	v8 =	vld [tilespmem:s0+$0x8030];
	v3 =	vadd.s32 s6, v3  }
0x2fd: {  	s30 =	smov.u32 s9;
	[tilespmem:v2+s21+$0x0] =	vst.idx.add.f32.msk $0xffff, v1;
	v7 =	vadd.s32 s17, v7  }
0x2fe: {  	v2 =	vld [tilespmem:s30+$0x50]  }
0x2ff: {  	[tilespmem:v5+s21+$0x0] =	vst.idx.add.f32.msk $0xffff, v1  }
0x300: {  	v5 =	vadd.s32 s8, v6;
	v6 =	vld [tilespmem:s20+$0x40]  }
0x301: {  	[tilespmem:v3+s21+$0x0] =	vst.idx.add.f32.msk $0xffff, v1  }
0x302: {  	[tilespmem:v7+s21+$0x0] =	vst.idx.add.f32.msk $0xffff, v1  }
0x303: {  	v3 =	vld [tilespmem:s4+$0x50];
	v2 =	vadd.s32 s7, v2  }
0x304: {  	v7 =	vadd.s32 s29, v8;
	v8 =	vld [tilespmem:s22+$0x50]  }
0x305: {  	s9 =	rddreg [dreg:$0x11];
	[tilespmem:v5+s21+$0x0] =	vst.idx.add.f32.msk $0xffff, v1;
	v5 =	vadd.s32 s24, v6  }
0x306: {  	v6 =	vld [tilespmem:s9+$0x8000];
	_ =	sdelay $0x1  }
0x307: {  	v3 =	vadd.s32 s6, v3;
	[tilespmem:v2+s21+$0x0] =	vst.idx.add.f32.msk $0xffff, v1  }
0x308: {  	[smem:$0x7DE] =	sst s3;
	v2 =	vld [tilespmem:s30+$0x60]  }
0x309: {  	s3 =	sld [smem:$0x7DE];
	v8 =	vadd.s32 s17, v8;
	[tilespmem:v5+s21+$0x0] =	vst.idx.add.f32.msk $0xffff, v1  }
0x30a: {  	v5 =	vadd.s32 s8, v6;
	v6 =	vld [tilespmem:s20+$0x50]  }
0x30b: {  	v61 =	vld [tilespmem:s2+$0x8030]  }
0x30c: {  	s3 =	sand.u32 $0x7, s3;
	[tilespmem:v3+s21+$0x0] =	vst.idx.add.f32.msk $0xffff, v1  }
0x30d: {  	s3 =	sshll.u32 s3, $0x7;
	v3 =	vld [tilespmem:s4+$0x60]  }
0x30e: {  	s3 =	sadd.s32 s15, s3;
	[tilespmem:v8+s21+$0x0] =	vst.idx.add.f32.msk $0xffff, v1;
	v2 =	vadd.s32 s7, v2  }
0x30f: {  	[dreg:$0x18] =	wrdreg s13;
	s13 =	sadd.s32 $0x180, s3;
	[tilespmem:v5+s21+$0x0] =	vst.idx.add.f32.msk $0xffff, v1  }
0x310: {  	[dreg:$0x1f] =	wrdreg s12;
	s12 =	sadd.s32 $0x80, s3;
	s3 =	sor.u32 $0x400, s13;
	v5 =	vadd.s32 s24, v6;
	v6 =	vld [tilespmem:s14+$0x8000]  }
0x311: {  	[smem:$0x7C8] =	sst s3;
	s3 =	sor.u32 $0x420, s13;
	v62 =	vld [tilespmem:s22+$0x60]  }
0x312: {  	[smem:$0x7D5] =	sst s3;
	s3 =	sor.u32 $0x420, s11;
	[tilespmem:v4+s21+$0x0] =	vst.idx.add.f32.msk $0xffff, v1;
	v3 =	vadd.s32 s6, v3  }
0x313: {  	[smem:$0x7C9] =	sst s3;
	s3 =	sor.u32 $0x430, s12;
	[tilespmem:v2+s21+$0x0] =	vst.idx.add.f32.msk $0xffff, v1  }
0x314: {  	[smem:$0x7D7] =	sst s3;
	s3 =	sor.u32 $0x430, s13;
	v2 =	vld [tilespmem:s30+$0x70]  }
0x315: {  	[smem:$0x7D8] =	sst s3;
	s3 =	sor.u32 $0x430, s11;
	[tilespmem:v5+s21+$0x0] =	vst.idx.add.f32.msk $0xffff, v1;
	v5 =	vadd.s32 s8, v6  }
0x316: {  	[smem:$0x7D6] =	sst s3;
	v6 =	vld [tilespmem:s20+$0x60]  }
0x317: {  	s3 =	rddreg [dreg:$0xf];
	v9 =	vadd.s32 s17, v62;
	[tilespmem:v3+s21+$0x0] =	vst.idx.add.f32.msk $0xffff, v1  }
0x318: {  	s9 =	sadd.s32 $0x2, s3;
	v3 =	vld [tilespmem:s4+$0x70]  }
0x319: {  	[dreg:$0xf] =	wrdreg s9;
	v2 =	vadd.s32 s7, v2  }
0x31a: {  	s9 =	sand.u32 $0x3, s9;
	s14 =	rddreg [dreg:$0x12];
	[tilespmem:v5+s21+$0x0] =	vst.idx.add.f32.msk $0xffff, v1  }
0x31b: {  	s9 =	sshll.u32 s9, $0x8;
	v4 =	vadd.s32 s24, v6;
	v5 =	vld [tilespmem:s14+$0x8000]  }
0x31c: {  	s9 =	sadd.s32 s15, s9;
	[tilespmem:v9+s21+$0x0] =	vst.idx.add.f32.msk $0xffff, v1  }
0x31d: {  	s9 =	sadd.s32 $0x100, s9;
	v6 =	vld [tilespmem:s22+$0x70];
	v3 =	vadd.s32 s6, v3  }
0x31e: {  	[tilespmem:v2+s21+$0x0] =	vst.idx.add.f32.msk $0xffff, v1;
	s14 =	sor.u32 $0x400, s9  }
0x31f: {  	v2 =	vld [tilespmem:s14+$0x0]  }
0x320: {  	[tilespmem:v4+s21+$0x0] =	vst.idx.add.f32.msk $0xffff, v1;
	v4 =	vadd.s32 s8, v5  }
0x321: {  	s19 =	sor.u32 $0x400, s11;
	v5 =	vld [tilespmem:s20+$0x70]  }
0x322: {  	[smem:$0x7CC] =	sst s19;
	v6 =	vadd.s32 s17, v6;
	[tilespmem:v3+s21+$0x0] =	vst.idx.add.f32.msk $0xffff, v1  }
0x323: {  	v3 =	vld [tilespmem:s19+$0x0];
	s19 =	sld [smem:$0x7EA]  }
0x324: {  	[tilespmem:v7+s21+$0x0] =	vst.idx.add.f32.msk $0xffff, v1;
	v2 =	vadd.s32 s7, v2  }
0x325: {  	[tilespmem:v4+s21+$0x0] =	vst.idx.add.f32.msk $0xffff, v1  }
0x326: {  	v4 =	vadd.s32 s24, v5;
	v5 =	vld [tilespmem:s19+$0x8000]  }
0x327: {  	s31 =	sor.u32 $0x400, s12;
	[tilespmem:v6+s21+$0x0] =	vst.idx.add.f32.msk $0xffff, v1  }
0x328: {  	[dreg:$0x15] =	wrdreg s15;
	v8 =	vadd.s32 s25, v61;
	v6 =	vld [tilespmem:s31+$0x0]  }
0x329: {  	s15 =	sld [smem:$0x7C8];
	s3 =	sor.u32 $0x410, s9;
	v3 =	vadd.s32 s6, v3;
	[tilespmem:v2+s21+$0x0] =	vst.idx.add.f32.msk $0xffff, v1  }
0x32a: {  	v2 =	vld [tilespmem:s3+$0x0]  }
0x32b: {  	[tilespmem:v4+s21+$0x0] =	vst.idx.add.f32.msk $0xffff, v1;
	v4 =	vadd.s32 s8, v5  }
0x32c: {  	v5 =	vld [tilespmem:s15+$0x0]  }
0x32d: {  	v6 =	vadd.s32 s17, v6;
	[tilespmem:v8+s21+$0x0] =	vst.idx.add.f32.msk $0xffff, v1  }
0x32e: {  	s10 =	sor.u32 $0x410, s11;
	[tilespmem:v3+s21+$0x0] =	vst.idx.add.f32.msk $0xffff, v1  }
0x32f: {  	[smem:$0x7CE] =	sst s31;
	v3 =	vld [tilespmem:s10+$0x0];
	v2 =	vadd.s32 s7, v2  }
0x330: {  	s31 =	rddreg [dreg:$0x17];
	[tilespmem:v4+s21+$0x0] =	vst.idx.add.f32.msk $0xffff, v1  }
0x331: {  	v4 =	vadd.s32 s24, v5;
	v5 =	vld [tilespmem:s31+$0x8000]  }
0x332: {  	[smem:$0x7D0] =	sst s5;
	s5 =	sor.u32 $0x410, s12;
	[tilespmem:v6+s21+$0x0] =	vst.idx.add.f32.msk $0xffff, v1  }
0x333: {  	v6 =	vld [tilespmem:s5+$0x0]  }
0x334: {  	[smem:$0x7D1] =	sst s10;
	s10 =	sor.u32 $0x420, s9;
	v3 =	vadd.s32 s6, v3;
	[tilespmem:v2+s21+$0x0] =	vst.idx.add.f32.msk $0xffff, v1  }
0x335: {  	s16 =	sadd.s32 $0x4, s16;
	v2 =	vld [tilespmem:s10+$0x0]  }
0x336: {  	[smem:$0x7DB] =	sst s16;
	p2 =	slt.u32 s16, $0x3C;
	s16 =	sor.u32 $0x410, s13;
	[tilespmem:v4+s21+$0x0] =	vst.idx.add.f32.msk $0xffff, v1;
	v4 =	vadd.s32 s8, v5  }
0x337: {  	v5 =	vld [tilespmem:s16+$0x0];
	s8 =	sld [smem:$0x7C9]  }
0x338: {  	v7 =	vld [tilespmem:s18+$0x8040];
	v6 =	vadd.s32 s17, v6  }
0x339: {  	[tilespmem:v3+s21+$0x0] =	vst.idx.add.f32.msk $0xffff, v1  }
0x33a: {  	v2 =	vadd.s32 s7, v2;
	v3 =	vld [tilespmem:s8+$0x0]  }
0x33b: {  	[tilespmem:v4+s21+$0x0] =	vst.idx.add.f32.msk vm0, v1  }
0x33c: {  	v4 =	vadd.s32 s24, v5;
	v5 =	vld [tilespmem:s0+$0x8040]  }
0x33d: {  	s26 =	sor.u32 $0x420, s12;
	[tilespmem:v6+s21+$0x0] =	vst.idx.add.f32.msk $0xffff, v1  }
0x33e: {  	[smem:$0x7D4] =	sst s16;
	v6 =	vadd.s32 s28, v7;
	v7 =	vld [tilespmem:s26+$0x0]  }
0x33f: {  	s19 =	sor.u32 $0x430, s9;
	s16 =	sld [smem:$0x7D5];
	[tilespmem:v2+s21+$0x0] =	vst.idx.add.f32.msk $0xffff, v1;
	v3 =	vadd.s32 s6, v3  }
0x340: {  	v2 =	vld [tilespmem:s19+$0x0]  }
0x341: {  	[tilespmem:v4+s21+$0x0] =	vst.idx.add.f32.msk $0xffff, v1  }
0x342: {  	s31 =	sld [smem:$0x7D6];
	v4 =	vadd.s32 s29, v5;
	v5 =	vld [tilespmem:s16+$0x0]  }
0x343: {  	v7 =	vadd.s32 s17, v7;
	v8 =	vld [tilespmem:s2+$0x8040]  }
0x344: {  	[tilespmem:v3+s21+$0x0] =	vst.idx.add.f32.msk $0xffff, v1  }
0x345: {  	v2 =	vadd.s32 s7, v2;
	v3 =	vld [tilespmem:s31+$0x0]  }
0x346: {  	s16 =	sld [smem:$0x7D7];
	[tilespmem:v6+s21+$0x0] =	vst.idx.add.f32.msk $0xffff, v1  }
0x347: {  	[tilespmem:v4+s21+$0x0] =	vst.idx.add.f32.msk $0xffff, v1;
	v5 =	vadd.s32 s24, v5  }
0x348: {  	[tilespmem:v7+s21+$0x0] =	vst.idx.add.f32.msk $0xffff, v1  }
0x349: {  	v6 =	vld [tilespmem:s16+$0x0]  }
0x34a: {  	s12 =	sor.u32 $0x438, s12;
	s31 =	sld [smem:$0x7D8];
	[tilespmem:v2+s21+$0x0] =	vst.idx.add.f32.msk $0xffff, v1;
	s16 =	sor.u32 $0x438, s9;
	v3 =	vadd.s32 s6, v3  }
0x34b: {  	[smem:$0x7D9] =	sst s12;
	s12 =	sor.u32 $0x438, s13;
	s13 =	sor.u32 $0x438, s11;
	v2 =	vld [tilespmem:s16+$0x0]  }
0x34c: {  	[smem:$0x7CA] =	sst s13;
	v4 =	vadd.s32 s25, v8;
	[tilespmem:v5+s21+$0x0] =	vst.idx.add.f32.msk $0xffff, v1  }
0x34d: {  	v5 =	vld [tilespmem:s31+$0x0];
	s31 =	sld [smem:$0x7CA]  }
0x34e: {  	v7 =	vld [tilespmem:s0+$0x8050];
	v6 =	vadd.s32 s17, v6  }
0x34f: {  	[tilespmem:v3+s21+$0x0] =	vst.idx.add.f32.msk $0xffff, v1  }
0x350: {  	v2 =	vadd.s32 s7, v2;
	v3 =	vld [tilespmem:s31+$0x0]  }
0x351: {  	[tilespmem:v4+s21+$0x0] =	vst.idx.add.f32.msk $0xffff, v1;
	s7 =	sld [smem:$0x7D9]  }
0x352: {  	v4 =	vld [tilespmem:s18+$0x8050];
	v5 =	vadd.s32 s24, v5  }
0x353: {  	[tilespmem:v6+s21+$0x0] =	vst.idx.add.f32.msk $0xffff, v1  }
0x354: {  	[smem:$0x7DA] =	sst s12;
	v6 =	vld [tilespmem:s7+$0x0]  }
0x355: {  	s9 =	sld [smem:$0x7DA];
	[tilespmem:v2+s21+$0x0] =	vst.idx.add.f32.msk vm0, v1;
	v3 =	vadd.s32 s6, v3  }
0x356: {  	v2 =	vld [tilespmem:s30+$0x4000]  }
0x357: {  	v4 =	vadd.s32 s28, v4;
	[tilespmem:v5+s21+$0x0] =	vst.idx.add.f32.msk $0xffff, v1  }
0x358: {  	v5 =	vadd.s32 s29, v7;
	v7 =	vld [tilespmem:s9+$0x0]  }
0x359: {  	v6 =	vadd.s32 s17, v6;
	v8 =	vld [tilespmem:s2+$0x8050]  }
0x35a: {  	s6 =	sadd.s32 $0xFFFFFFC1, s1;
	[tilespmem:v3+s21+$0x0] =	vst.idx.add.f32.msk vm0, v1  }
0x35b: {  	v2 =	vadd.s32 s6, v2;
	v3 =	vld [tilespmem:s4+$0x4000]  }
0x35c: {  	[tilespmem:v4+s21+$0x0] =	vst.idx.add.f32.msk $0xffff, v1  }
0x35d: {  	[tilespmem:v5+s21+$0x0] =	vst.idx.add.f32.msk $0xffff, v1;
	v4 =	vadd.s32 s24, v7  }
0x35e: {  	[tilespmem:v6+s21+$0x0] =	vst.idx.add.f32.msk vm0, v1  }
0x35f: {  	s13 =	sadd.s32 $0xFFFFFF61, s1;
	v6 =	vld [tilespmem:s22+$0x4000]  }
0x360: {  	[tilespmem:v2+s21+$0x0] =	vst.idx.add.f32.msk $0xffff, v1;
	v3 =	vadd.s32 s13, v3  }
0x361: {  	v2 =	vld [tilespmem:s30+$0x4010]  }
0x362: {  	v5 =	vadd.s32 s25, v8;
	[tilespmem:v4+s21+$0x0] =	vst.idx.add.f32.msk vm0, v1  }
0x363: {  	s12 =	sadd.s32 $0xFFFFFF91, s1;
	v4 =	vld [tilespmem:s20+$0x4000]  }
0x364: {  	v7 =	vld [tilespmem:s0+$0x8060];
	v6 =	vadd.s32 s12, v6  }
0x365: {  	s11 =	sadd.s32 $0xFFFFFF70, s1;
	[tilespmem:v3+s21+$0x0] =	vst.idx.add.f32.msk $0xffff, v1  }
0x366: {  	[smem:$0x7DC] =	sst s11;
	s11 =	sadd.s32 $0xFFFFFFA0, s1;
	v2 =	vadd.s32 s6, v2;
	v3 =	vld [tilespmem:s4+$0x4010]  }
0x367: {  	[smem:$0x7DD] =	sst s11;
	s11 =	sadd.s32 $0xFFFFFFF1, s1;
	[tilespmem:v5+s21+$0x0] =	vst.idx.add.f32.msk $0xffff, v1  }
0x368: {  	v5 =	vld [tilespmem:s18+$0x8060];
	v4 =	vadd.s32 s11, v4  }
0x369: {  	[tilespmem:v6+s21+$0x0] =	vst.idx.add.f32.msk $0xffff, v1  }
0x36a: {  	v6 =	vld [tilespmem:s22+$0x4010]  }
0x36b: {  	[tilespmem:v2+s21+$0x0] =	vst.idx.add.f32.msk $0xffff, v1;
	v3 =	vadd.s32 s13, v3  }
0x36c: {  	v2 =	vld [tilespmem:s30+$0x4020]  }
0x36d: {  	v5 =	vadd.s32 s28, v5;
	[tilespmem:v4+s21+$0x0] =	vst.idx.add.f32.msk $0xffff, v1  }
0x36e: {  	v4 =	vadd.s32 s29, v7;
	v7 =	vld [tilespmem:s20+$0x4010]  }
0x36f: {  	v6 =	vadd.s32 s12, v6;
	v8 =	vld [tilespmem:s2+$0x8060]  }
0x370: {  	[tilespmem:v3+s21+$0x0] =	vst.idx.add.f32.msk $0xffff, v1  }
0x371: {  	v2 =	vadd.s32 s6, v2;
	v3 =	vld [tilespmem:s4+$0x4020]  }
0x372: {  	[tilespmem:v5+s21+$0x0] =	vst.idx.add.f32.msk $0xffff, v1  }
0x373: {  	[tilespmem:v4+s21+$0x0] =	vst.idx.add.f32.msk $0xffff, v1;
	v5 =	vadd.s32 s11, v7  }
0x374: {  	[tilespmem:v6+s21+$0x0] =	vst.idx.add.f32.msk $0xffff, v1  }
0x375: {  	v6 =	vld [tilespmem:s22+$0x4020]  }
0x376: {  	[tilespmem:v2+s21+$0x0] =	vst.idx.add.f32.msk $0xffff, v1;
	v3 =	vadd.s32 s13, v3  }
0x377: {  	v2 =	vld [tilespmem:s30+$0x4030]  }
0x378: {  	v4 =	vadd.s32 s25, v8;
	[tilespmem:v5+s21+$0x0] =	vst.idx.add.f32.msk $0xffff, v1  }
0x379: {  	v5 =	vld [tilespmem:s20+$0x4020]  }
0x37a: {  	v7 =	vld [tilespmem:s0+$0x8070];
	v6 =	vadd.s32 s12, v6  }
0x37b: {  	[tilespmem:v3+s21+$0x0] =	vst.idx.add.f32.msk $0xffff, v1  }
0x37c: {  	v2 =	vadd.s32 s6, v2;
	v3 =	vld [tilespmem:s4+$0x4030]  }
0x37d: {  	[tilespmem:v4+s21+$0x0] =	vst.idx.add.f32.msk $0xffff, v1  }
0x37e: {  	v4 =	vld [tilespmem:s18+$0x8070];
	v5 =	vadd.s32 s11, v5  }
0x37f: {  	s0 =	smov.u32 s22;
	[tilespmem:v6+s21+$0x0] =	vst.idx.add.f32.msk $0xffff, v1  }
0x380: {  	v6 =	vld [tilespmem:s0+$0x4030]  }
0x381: {  	[tilespmem:v2+s21+$0x0] =	vst.idx.add.f32.msk $0xffff, v1;
	v3 =	vadd.s32 s13, v3  }
0x382: {  	v2 =	vld [tilespmem:s30+$0x4040]  }
0x383: {  	v4 =	vadd.s32 s28, v4;
	[tilespmem:v5+s21+$0x0] =	vst.idx.add.f32.msk $0xffff, v1  }
0x384: {  	v5 =	vadd.s32 s29, v7;
	v7 =	vld [tilespmem:s20+$0x4030]  }
0x385: {  	v6 =	vadd.s32 s12, v6;
	v8 =	vld [tilespmem:s2+$0x8070]  }
0x386: {  	s18 =	smov.u32 s4;
	[tilespmem:v3+s21+$0x0] =	vst.idx.add.f32.msk $0xffff, v1  }
0x387: {  	v2 =	vadd.s32 s6, v2;
	v3 =	vld [tilespmem:s18+$0x4040]  }
0x388: {  	[tilespmem:v4+s21+$0x0] =	vst.idx.add.f32.msk $0xffff, v1  }
0x389: {  	[tilespmem:v5+s21+$0x0] =	vst.idx.add.f32.msk $0xffff, v1;
	v4 =	vadd.s32 s11, v7  }
0x38a: {  	[tilespmem:v6+s21+$0x0] =	vst.idx.add.f32.msk $0xffff, v1  }
0x38b: {  	v6 =	vld [tilespmem:s0+$0x4040]  }
0x38c: {  	[tilespmem:v2+s21+$0x0] =	vst.idx.add.f32.msk $0xffff, v1;
	v3 =	vadd.s32 s13, v3  }
0x38d: {  	s24 =	sld [smem:$0x7CD];
	v2 =	vld [tilespmem:s30+$0x4050]  }
0x38e: {  	s2 =	smov.u32 s20;
	v5 =	vadd.s32 s25, v8;
	[tilespmem:v4+s21+$0x0] =	vst.idx.add.f32.msk $0xffff, v1  }
0x38f: {  	v4 =	vld [tilespmem:s2+$0x4040]  }
0x390: {  	v7 =	vld [tilespmem:s24+$0x8000];
	v6 =	vadd.s32 s12, v6  }
0x391: {  	s20 =	sld [smem:$0x7CB];
	[tilespmem:v3+s21+$0x0] =	vst.idx.add.f32.msk $0xffff, v1  }
0x392: {  	v2 =	vadd.s32 s6, v2;
	v3 =	vld [tilespmem:s18+$0x4050]  }
0x393: {  	[tilespmem:v5+s21+$0x0] =	vst.idx.add.f32.msk $0xffff, v1  }
0x394: {  	v5 =	vld [tilespmem:s20+$0x8000];
	v4 =	vadd.s32 s11, v4  }
0x395: {  	[tilespmem:v6+s21+$0x0] =	vst.idx.add.f32.msk $0xffff, v1  }
0x396: {  	v6 =	vld [tilespmem:s0+$0x4050]  }
0x397: {  	[tilespmem:v2+s21+$0x0] =	vst.idx.add.f32.msk $0xffff, v1;
	v3 =	vadd.s32 s13, v3  }
0x398: {  	s17 =	sld [smem:$0x7CF];
	v2 =	vld [tilespmem:s30+$0x4060]  }
0x399: {  	v5 =	vadd.s32 s28, v5;
	[tilespmem:v4+s21+$0x0] =	vst.idx.add.f32.msk $0xffff, v1  }
0x39a: {  	v4 =	vadd.s32 s29, v7;
	v7 =	vld [tilespmem:s2+$0x4050]  }
0x39b: {  	v6 =	vadd.s32 s12, v6;
	v8 =	vld [tilespmem:s17+$0x8000]  }
0x39c: {  	[tilespmem:v3+s21+$0x0] =	vst.idx.add.f32.msk $0xffff, v1  }
0x39d: {  	v2 =	vadd.s32 s6, v2;
	v3 =	vld [tilespmem:s18+$0x4060]  }
0x39e: {  	[tilespmem:v5+s21+$0x0] =	vst.idx.add.f32.msk $0xffff, v1  }
0x39f: {  	[tilespmem:v4+s21+$0x0] =	vst.idx.add.f32.msk $0xffff, v1;
	v5 =	vadd.s32 s11, v7  }
0x3a0: {  	[tilespmem:v6+s21+$0x0] =	vst.idx.add.f32.msk $0xffff, v1  }
0x3a1: {  	v6 =	vld [tilespmem:s0+$0x4060]  }
0x3a2: {  	[tilespmem:v2+s21+$0x0] =	vst.idx.add.f32.msk $0xffff, v1;
	v3 =	vadd.s32 s13, v3  }
0x3a3: {  	s24 =	sld [smem:$0x7D2];
	v2 =	vld [tilespmem:s30+$0x4070]  }
0x3a4: {  	v4 =	vadd.s32 s25, v8;
	[tilespmem:v5+s21+$0x0] =	vst.idx.add.f32.msk $0xffff, v1  }
0x3a5: {  	v5 =	vld [tilespmem:s2+$0x4060]  }
0x3a6: {  	v7 =	vld [tilespmem:s24+$0x8000];
	v6 =	vadd.s32 s12, v6  }
0x3a7: {  	s20 =	sld [smem:$0x7D0];
	[tilespmem:v3+s21+$0x0] =	vst.idx.add.f32.msk $0xffff, v1  }
0x3a8: {  	v2 =	vadd.s32 s6, v2;
	v3 =	vld [tilespmem:s18+$0x4070]  }
0x3a9: {  	[tilespmem:v4+s21+$0x0] =	vst.idx.add.f32.msk $0xffff, v1  }
0x3aa: {  	v4 =	vld [tilespmem:s20+$0x8000];
	v5 =	vadd.s32 s11, v5  }
0x3ab: {  	[tilespmem:v6+s21+$0x0] =	vst.idx.add.f32.msk $0xffff, v1  }
0x3ac: {  	v6 =	vld [tilespmem:s0+$0x4070]  }
0x3ad: {  	[tilespmem:v2+s21+$0x0] =	vst.idx.add.f32.msk $0xffff, v1;
	v3 =	vadd.s32 s13, v3  }
0x3ae: {  	v2 =	vld [tilespmem:s14+$0x4000]  }
0x3af: {  	s22 =	sld [smem:$0x7CC];
	v4 =	vadd.s32 s28, v4;
	[tilespmem:v5+s21+$0x0] =	vst.idx.add.f32.msk $0xffff, v1  }
0x3b0: {  	s20 =	rddreg [dreg:$0x5];
	v5 =	vadd.s32 s29, v7;
	v7 =	vld [tilespmem:s2+$0x4070]  }
0x3b1: {  	v6 =	vadd.s32 s12, v6;
	v8 =	vld [tilespmem:s20+$0x8000]  }
0x3b2: {  	[smem:$0x7D3] =	sst s5;
	s7 =	smov.u32 s22;
	[tilespmem:v3+s21+$0x0] =	vst.idx.add.f32.msk $0xffff, v1  }
0x3b3: {  	s5 =	sld [smem:$0x7CE];
	v2 =	vadd.s32 s6, v2;
	v3 =	vld [tilespmem:s7+$0x4000]  }
0x3b4: {  	[tilespmem:v4+s21+$0x0] =	vst.idx.add.f32.msk $0xffff, v1  }
0x3b5: {  	[tilespmem:v5+s21+$0x0] =	vst.idx.add.f32.msk $0xffff, v1;
	v4 =	vadd.s32 s11, v7  }
0x3b6: {  	s9 =	smov.u32 s5;
	[tilespmem:v6+s21+$0x0] =	vst.idx.add.f32.msk $0xffff, v1  }
0x3b7: {  	v6 =	vld [tilespmem:s9+$0x4000]  }
0x3b8: {  	[dreg:$0x11] =	wrdreg s14;
	s14 =	smov.u32 s3;
	[tilespmem:v2+s21+$0x0] =	vst.idx.add.f32.msk $0xffff, v1;
	v3 =	vadd.s32 s13, v3  }
0x3b9: {  	v2 =	vld [tilespmem:s14+$0x4000]  }
0x3ba: {  	s22 =	sld [smem:$0x7D1];
	s17 =	smov.u32 s15;
	v5 =	vadd.s32 s25, v8;
	[tilespmem:v4+s21+$0x0] =	vst.idx.add.f32.msk $0xffff, v1  }
0x3bb: {  	s20 =	rddreg [dreg:$0x7];
	v4 =	vld [tilespmem:s17+$0x4000]  }
0x3bc: {  	s15 =	sld [smem:$0x7D3];
	v7 =	vld [tilespmem:s20+$0x8000];
	v6 =	vadd.s32 s12, v6  }
0x3bd: {  	s5 =	smov.u32 s22;
	[tilespmem:v3+s21+$0x0] =	vst.idx.add.f32.msk $0xffff, v1  }
0x3be: {  	v2 =	vadd.s32 s6, v2;
	v3 =	vld [tilespmem:s5+$0x4000]  }
0x3bf: {  	s22 =	smov.u32 s15;
	s15 =	rddreg [dreg:$0x3];
	[tilespmem:v5+s21+$0x0] =	vst.idx.add.f32.msk $0xffff, v1  }
0x3c0: {  	v5 =	vld [tilespmem:s15+$0x8000];
	v4 =	vadd.s32 s11, v4  }
0x3c1: {  	[tilespmem:v6+s21+$0x0] =	vst.idx.add.f32.msk $0xffff, v1  }
0x3c2: {  	s24 =	sld [smem:$0x7D4];
	v6 =	vld [tilespmem:s22+$0x4000]  }
0x3c3: {  	[tilespmem:v2+s21+$0x0] =	vst.idx.add.f32.msk $0xffff, v1;
	v3 =	vadd.s32 s13, v3  }
0x3c4: {  	v2 =	vld [tilespmem:s10+$0x4000]  }
0x3c5: {  	[dreg:$0x12] =	wrdreg s10;
	s4 =	smov.u32 s24;
	v5 =	vadd.s32 s28, v5;
	[tilespmem:v4+s21+$0x0] =	vst.idx.add.f32.msk $0xffff, v1  }
0x3c6: {  	s10 =	rddreg [dreg:$0xb];
	v4 =	vadd.s32 s29, v7;
	v7 =	vld [tilespmem:s4+$0x4000]  }
0x3c7: {  	v6 =	vadd.s32 s12, v6;
	v8 =	vld [tilespmem:s10+$0x8000]  }
0x3c8: {  	s3 =	smov.u32 s8;
	[tilespmem:v3+s21+$0x0] =	vst.idx.add.f32.msk $0xffff, v1  }
0x3c9: {  	v2 =	vadd.s32 s6, v2;
	v3 =	vld [tilespmem:s3+$0x4000]  }
0x3ca: {  	[tilespmem:v5+s21+$0x0] =	vst.idx.add.f32.msk $0xffff, v1  }
0x3cb: {  	[tilespmem:v4+s21+$0x0] =	vst.idx.add.f32.msk $0xffff, v1;
	v5 =	vadd.s32 s11, v7  }
0x3cc: {  	s24 =	smov.u32 s26;
	[tilespmem:v6+s21+$0x0] =	vst.idx.add.f32.msk $0xffff, v1  }
0x3cd: {  	s15 =	sld [smem:$0x7D5];
	v6 =	vld [tilespmem:s24+$0x4000]  }
0x3ce: {  	[tilespmem:v2+s21+$0x0] =	vst.idx.add.f32.msk $0xffff, v1;
	v3 =	vadd.s32 s13, v3  }
0x3cf: {  	s10 =	sld [smem:$0x7E8];
	v2 =	vld [tilespmem:s19+$0x4000]  }
0x3d0: {  	[dreg:$0x7] =	wrdreg s24;
	s20 =	smov.u32 s15;
	v4 =	vadd.s32 s25, v8;
	[tilespmem:v5+s21+$0x0] =	vst.idx.add.f32.msk $0xffff, v1  }
0x3d1: {  	s24 =	sld [smem:$0x7D6];
	v5 =	vld [tilespmem:s20+$0x4000]  }
0x3d2: {  	v7 =	vld [tilespmem:s10+$0x8000];
	v6 =	vadd.s32 s12, v6  }
0x3d3: {  	[tilespmem:v3+s21+$0x0] =	vst.idx.add.f32.msk $0xffff, v1  }
0x3d4: {  	s15 =	sld [smem:$0x7D7];
	v2 =	vadd.s32 s6, v2;
	v3 =	vld [tilespmem:s24+$0x4000]  }
0x3d5: {  	s26 =	rddreg [dreg:$0x9];
	[tilespmem:v4+s21+$0x0] =	vst.idx.add.f32.msk $0xffff, v1  }
0x3d6: {  	v4 =	vld [tilespmem:s26+$0x8000];
	v5 =	vadd.s32 s11, v5  }
0x3d7: {  	s26 =	smov.u32 s15;
	[tilespmem:v6+s21+$0x0] =	vst.idx.add.f32.msk $0xffff, v1  }
0x3d8: {  	[smem:$0x7EA] =	sst s19;
	v6 =	vld [tilespmem:s26+$0x4000]  }
0x3d9: {  	s19 =	sld [smem:$0x7D8];
	[tilespmem:v2+s21+$0x0] =	vst.idx.add.f32.msk $0xffff, v1;
	v3 =	vadd.s32 s13, v3  }
0x3da: {  	v2 =	vld [tilespmem:s16+$0x4000]  }
0x3db: {  	[dreg:$0xb] =	wrdreg s20;
	v4 =	vadd.s32 s28, v4;
	[tilespmem:v5+s21+$0x0] =	vst.idx.add.f32.msk $0xffff, v1  }
0x3dc: {  	s20 =	rddreg [dreg:$0xd];
	v5 =	vadd.s32 s29, v7;
	v7 =	vld [tilespmem:s19+$0x4000]  }
0x3dd: {  	v6 =	vadd.s32 s12, v6;
	v8 =	vld [tilespmem:s20+$0x8000]  }
0x3de: {  	[tilespmem:v3+s21+$0x0] =	vst.idx.add.f32.msk $0xffff, v1  }
0x3df: {  	[dreg:$0x5] =	wrdreg s4;
	v2 =	vadd.s32 s6, v2;
	v3 =	vld [tilespmem:s31+$0x4000]  }
0x3e0: {  	s4 =	sld [smem:$0x7D9];
	[tilespmem:v4+s21+$0x0] =	vst.idx.add.f32.msk $0xffff, v1  }
0x3e1: {  	[tilespmem:v5+s21+$0x0] =	vst.idx.add.f32.msk $0xffff, v1  }
0x3e2: {  	v4 =	vadd.s32 s11, v7;
	[tilespmem:v6+s21+$0x0] =	vst.idx.add.f32.msk $0xffff, v1  }
0x3e3: {  	v6 =	vld [tilespmem:s4+$0x4000]  }
0x3e4: {  	s10 =	sld [smem:$0x7DA];
	v5 =	vadd.s32 s25, v8;
	[tilespmem:v2+s21+$0x0] =	vst.idx.add.f32.msk vm0, v1  }
0x3e5: {  	v2 =	vld [tilespmem:s30+$0x8000];
	v3 =	vadd.s32 s13, v3;
	s13 =	rddreg [dreg:$0x1d]  }
0x3e6: {  	v7 =	vld [tilespmem:s13+$0x8000]  }
0x3e7: {  	[tilespmem:v4+s21+$0x0] =	vst.idx.add.f32.msk $0xffff, v1  }
0x3e8: {  	s8 =	smov.u32 s24;
	v4 =	vld [tilespmem:s10+$0x4000];
	v6 =	vadd.s32 s12, v6  }
0x3e9: {  	[dreg:$0x9] =	wrdreg s8;
	s8 =	sadd.s32 $0xFFFFFFD0, s1;
	[tilespmem:v5+s21+$0x0] =	vst.idx.add.f32.msk $0xffff, v1  }
0x3ea: {  	v2 =	vadd.s32 s8, v2;
	[tilespmem:v3+s21+$0x0] =	vst.idx.add.f32.msk vm0, v1  }
0x3eb: {  	s12 =	rddreg [dreg:$0x1b];
	v3 =	vld [tilespmem:s18+$0x8000]  }
0x3ec: {  	v5 =	vld [tilespmem:s12+$0x8000];
	v7 =	vadd.s32 s29, v7  }
0x3ed: {  	s24 =	smov.u32 s19;
	s19 =	sld [smem:$0x7DC];
	v4 =	vadd.s32 s11, v4;
	[tilespmem:v6+s21+$0x0] =	vst.idx.add.f32.msk vm0, v1  }
0x3ee: {  	v6 =	vld [tilespmem:s0+$0x8000]  }
0x3ef: {  	s20 =	sld [smem:$0x7DD];
	[tilespmem:v2+s21+$0x0] =	vst.idx.add.f32.msk $0xffff, v1  }
0x3f0: {  	v2 =	vld [tilespmem:s30+$0x8010];
	v3 =	vadd.s32 s19, v3  }
0x3f1: {  	[tilespmem:v7+s21+$0x0] =	vst.idx.add.f32.msk vm0, v1  }
0x3f2: {  	[dreg:$0xd] =	wrdreg s24;
	s29 =	smov.u32 s20;
	v8 =	vadd.s32 s28, v5;
	[tilespmem:v4+s21+$0x0] =	vst.idx.add.f32.msk vm0, v1  }
0x3f3: {  	s24 =	rddreg [dreg:$0x1f];
	v63 =	vld [tilespmem:s2+$0x8000];
	v10 =	vadd.s32 s29, v6  }
0x3f4: {  	v11 =	vld [tilespmem:s24+$0x8000]  }
.Ltmp3:
0x3f5: {  	s6 =	smov.u32 s31;
	s31 =	sld [smem:$0x7DE];
	[tilespmem:v3+s21+$0x0] =	vst.idx.add.f32.msk $0xffff, v1;
	(pc) =	sbr.rel @p2 .LBB2_5-.Ltmp3, $4  }
0x3f6: {  	[dreg:$0x17] =	wrdreg s16;
	v4 =	vld [tilespmem:s18+$0x8010]  }
0x3f7: {  	p1 =	por !p1, !p1;
	[dreg:$0x3] =	wrdreg s3;
	[tilespmem:v8+s21+$0x0] =	vst.idx.add.f32.msk vm0, v1  }
0x3f8: {  	s16 =	sld [smem:$0x7DB];
	s3 =	sadd.s32 $0x4, s31;
	s12 =	smov.u32 s10;
	[tilespmem:v10+s21+$0x0] =	vst.idx.add.f32.msk $0xffff, v1  }
0x3f9: {  	s11 =	smov.u32 s4;
	s28 =	smov.u32 s19;
	v5 =	vadd.s32 s8, v2;
	v6 =	vadd.s32 s1, v63;
	v2 =	vadd.s32 s25, v11;
	s25 =	smov.u32 s1;
	v3 =	vld [tilespmem:s0+$0x8010]  }
0x3fa: {  	_ =	sdelay $0x3  }
0x3fb: {  	[tilespmem:v6+s21+$0x0] =	vst.idx.add.f32.msk $0xffff, v1  }
0x3fc: {  	[tilespmem:v5+s21+$0x0] =	vst.idx.add.f32.msk $0xffff, v1  }
0x3fd: {  	v6 =	vld [tilespmem:s2+$0x8010]  }
0x3fe: {  	v4 =	vadd.s32 s28, v4;
	v5 =	vld [tilespmem:s30+$0x8020];
	_ =	sdelay $0x1  }
0x3ff: {  	v3 =	vadd.s32 s29, v3;
	_ =	sdelay $0x1  }
0x400: {  	v6 =	vadd.s32 s25, v6  }
0x401: {  	[tilespmem:v4+s21+$0x0] =	vst.idx.add.f32.msk $0xffff, v1;
	v5 =	vadd.s32 s8, v5  }
0x402: {  	v4 =	vld [tilespmem:s18+$0x8020]  }
0x403: {  	[tilespmem:v3+s21+$0x0] =	vst.idx.add.f32.msk $0xffff, v1  }
0x404: {  	v3 =	vld [tilespmem:s0+$0x8020]  }
0x405: {  	[tilespmem:v6+s21+$0x0] =	vst.idx.add.f32.msk $0xffff, v1  }
0x406: {  	[tilespmem:v5+s21+$0x0] =	vst.idx.add.f32.msk $0xffff, v1  }
0x407: {  	v6 =	vld [tilespmem:s2+$0x8020]  }
0x408: {  	v4 =	vadd.s32 s28, v4;
	v5 =	vld [tilespmem:s30+$0x8030];
	_ =	sdelay $0x1  }
0x409: {  	v3 =	vadd.s32 s29, v3;
	_ =	sdelay $0x1  }
0x40a: {  	v6 =	vadd.s32 s25, v6  }
0x40b: {  	[tilespmem:v4+s21+$0x0] =	vst.idx.add.f32.msk $0xffff, v1;
	v5 =	vadd.s32 s8, v5  }
0x40c: {  	v4 =	vld [tilespmem:s18+$0x8030]  }
0x40d: {  	[tilespmem:v3+s21+$0x0] =	vst.idx.add.f32.msk $0xffff, v1  }
0x40e: {  	v3 =	vld [tilespmem:s0+$0x8030]  }
0x40f: {  	[tilespmem:v6+s21+$0x0] =	vst.idx.add.f32.msk $0xffff, v1  }
0x410: {  	[tilespmem:v5+s21+$0x0] =	vst.idx.add.f32.msk $0xffff, v1  }
0x411: {  	v6 =	vld [tilespmem:s2+$0x8030]  }
0x412: {  	v4 =	vadd.s32 s28, v4;
	v5 =	vld [tilespmem:s30+$0x8040];
	_ =	sdelay $0x1  }
0x413: {  	v3 =	vadd.s32 s29, v3;
	_ =	sdelay $0x1  }
0x414: {  	v6 =	vadd.s32 s25, v6  }
0x415: {  	[tilespmem:v4+s21+$0x0] =	vst.idx.add.f32.msk $0xffff, v1;
	v5 =	vadd.s32 s8, v5  }
0x416: {  	v4 =	vld [tilespmem:s18+$0x8040]  }
0x417: {  	[tilespmem:v3+s21+$0x0] =	vst.idx.add.f32.msk $0xffff, v1  }
0x418: {  	v3 =	vld [tilespmem:s0+$0x8040]  }
0x419: {  	[tilespmem:v6+s21+$0x0] =	vst.idx.add.f32.msk $0xffff, v1  }
0x41a: {  	[tilespmem:v5+s21+$0x0] =	vst.idx.add.f32.msk $0xffff, v1  }
0x41b: {  	v6 =	vld [tilespmem:s2+$0x8040]  }
0x41c: {  	v4 =	vadd.s32 s28, v4;
	v5 =	vld [tilespmem:s30+$0x8050];
	_ =	sdelay $0x1  }
0x41d: {  	v3 =	vadd.s32 s29, v3;
	_ =	sdelay $0x1  }
0x41e: {  	v6 =	vadd.s32 s25, v6  }
0x41f: {  	[tilespmem:v4+s21+$0x0] =	vst.idx.add.f32.msk $0xffff, v1;
	v5 =	vadd.s32 s8, v5  }
0x420: {  	v4 =	vld [tilespmem:s18+$0x8050]  }
0x421: {  	[tilespmem:v3+s21+$0x0] =	vst.idx.add.f32.msk $0xffff, v1  }
0x422: {  	v3 =	vld [tilespmem:s0+$0x8050]  }
0x423: {  	[tilespmem:v6+s21+$0x0] =	vst.idx.add.f32.msk $0xffff, v1  }
0x424: {  	[tilespmem:v5+s21+$0x0] =	vst.idx.add.f32.msk $0xffff, v1  }
0x425: {  	v6 =	vld [tilespmem:s2+$0x8050]  }
0x426: {  	v4 =	vadd.s32 s28, v4;
	v5 =	vld [tilespmem:s30+$0x8060];
	_ =	sdelay $0x1  }
0x427: {  	v3 =	vadd.s32 s29, v3;
	_ =	sdelay $0x1  }
0x428: {  	v6 =	vadd.s32 s25, v6  }
0x429: {  	[tilespmem:v4+s21+$0x0] =	vst.idx.add.f32.msk $0xffff, v1;
	v5 =	vadd.s32 s8, v5  }
0x42a: {  	v4 =	vld [tilespmem:s18+$0x8060]  }
0x42b: {  	[tilespmem:v3+s21+$0x0] =	vst.idx.add.f32.msk $0xffff, v1  }
0x42c: {  	v3 =	vld [tilespmem:s0+$0x8060]  }
0x42d: {  	[tilespmem:v6+s21+$0x0] =	vst.idx.add.f32.msk $0xffff, v1  }
0x42e: {  	[tilespmem:v5+s21+$0x0] =	vst.idx.add.f32.msk $0xffff, v1  }
0x42f: {  	v6 =	vld [tilespmem:s2+$0x8060]  }
0x430: {  	v4 =	vadd.s32 s28, v4;
	v5 =	vld [tilespmem:s30+$0x8070];
	_ =	sdelay $0x1  }
0x431: {  	v3 =	vadd.s32 s29, v3;
	_ =	sdelay $0x1  }
0x432: {  	v6 =	vadd.s32 s25, v6  }
0x433: {  	[tilespmem:v4+s21+$0x0] =	vst.idx.add.f32.msk $0xffff, v1;
	v5 =	vadd.s32 s8, v5  }
0x434: {  	v4 =	vld [tilespmem:s18+$0x8070]  }
0x435: {  	[tilespmem:v3+s21+$0x0] =	vst.idx.add.f32.msk $0xffff, v1  }
0x436: {  	v3 =	vld [tilespmem:s0+$0x8070]  }
0x437: {  	[tilespmem:v6+s21+$0x0] =	vst.idx.add.f32.msk $0xffff, v1  }
0x438: {  	[tilespmem:v5+s21+$0x0] =	vst.idx.add.f32.msk $0xffff, v1  }
0x439: {  	v6 =	vld [tilespmem:s2+$0x8070]  }
0x43a: {  	v4 =	vadd.s32 s28, v4;
	s13 =	rddreg [dreg:$0x11]  }
0x43b: {  	v5 =	vld [tilespmem:s13+$0x8000]  }
0x43c: {  	v3 =	vadd.s32 s29, v3;
	_ =	sdelay $0x1  }
0x43d: {  	v6 =	vadd.s32 s25, v6  }
0x43e: {  	[tilespmem:v4+s21+$0x0] =	vst.idx.add.f32.msk $0xffff, v1  }
0x43f: {  	v4 =	vld [tilespmem:s7+$0x8000];
	v5 =	vadd.s32 s8, v5  }
0x440: {  	[tilespmem:v3+s21+$0x0] =	vst.idx.add.f32.msk $0xffff, v1  }
0x441: {  	v3 =	vld [tilespmem:s9+$0x8000]  }
0x442: {  	[tilespmem:v6+s21+$0x0] =	vst.idx.add.f32.msk $0xffff, v1  }
0x443: {  	v6 =	vld [tilespmem:s17+$0x8000]  }
0x444: {  	v4 =	vadd.s32 s28, v4;
	[tilespmem:v5+s21+$0x0] =	vst.idx.add.f32.msk $0xffff, v1  }
0x445: {  	v5 =	vld [tilespmem:s14+$0x8000];
	_ =	sdelay $0x1  }
0x446: {  	v3 =	vadd.s32 s29, v3;
	_ =	sdelay $0x1  }
0x447: {  	v6 =	vadd.s32 s25, v6;
	[tilespmem:v4+s21+$0x0] =	vst.idx.add.f32.msk $0xffff, v1  }
0x448: {  	v4 =	vld [tilespmem:s5+$0x8000];
	v5 =	vadd.s32 s8, v5;
	_ =	sdelay $0x1  }
0x449: {  	[tilespmem:v3+s21+$0x0] =	vst.idx.add.f32.msk $0xffff, v1  }
0x44a: {  	v3 =	vld [tilespmem:s22+$0x8000]  }
0x44b: {  	[tilespmem:v6+s21+$0x0] =	vst.idx.add.f32.msk $0xffff, v1  }
0x44c: {  	s14 =	rddreg [dreg:$0x5];
	v4 =	vadd.s32 s28, v4;
	[tilespmem:v5+s21+$0x0] =	vst.idx.add.f32.msk $0xffff, v1  }
0x44d: {  	v6 =	vld [tilespmem:s14+$0x8000];
	s15 =	rddreg [dreg:$0x12]  }
0x44e: {  	v5 =	vld [tilespmem:s15+$0x8000]  }
0x44f: {  	v3 =	vadd.s32 s29, v3;
	_ =	sdelay $0x1  }
0x450: {  	[tilespmem:v4+s21+$0x0] =	vst.idx.add.f32.msk $0xffff, v1  }
0x451: {  	v6 =	vadd.s32 s25, v6;
	s16 =	rddreg [dreg:$0x3]  }
0x452: {  	v4 =	vld [tilespmem:s16+$0x8000];
	v5 =	vadd.s32 s8, v5  }
0x453: {  	[tilespmem:v3+s21+$0x0] =	vst.idx.add.f32.msk $0xffff, v1  }
0x454: {  	s17 =	rddreg [dreg:$0x7]  }
0x455: {  	v3 =	vld [tilespmem:s17+$0x8000]  }
0x456: {  	[tilespmem:v6+s21+$0x0] =	vst.idx.add.f32.msk $0xffff, v1  }
0x457: {  	s18 =	rddreg [dreg:$0xb];
	[tilespmem:v5+s21+$0x0] =	vst.idx.add.f32.msk $0xffff, v1  }
0x458: {  	v4 =	vadd.s32 s28, v4;
	v6 =	vld [tilespmem:s18+$0x8000]  }
0x459: {  	s19 =	sld [smem:$0x7EA];
	_ =	sdelay $0x1  }
0x45a: {  	v3 =	vadd.s32 s29, v3  }
0x45b: {  	v5 =	vld [tilespmem:s19+$0x8000]  }
0x45c: {  	[tilespmem:v4+s21+$0x0] =	vst.idx.add.f32.msk $0xffff, v1;
	v6 =	vadd.s32 s25, v6  }
0x45d: {  	s20 =	rddreg [dreg:$0x9]  }
0x45e: {  	v4 =	vld [tilespmem:s20+$0x8000]  }
0x45f: {  	[tilespmem:v3+s21+$0x0] =	vst.idx.add.f32.msk $0xffff, v1  }
0x460: {  	v3 =	vld [tilespmem:s26+$0x8000]  }
0x461: {  	v5 =	vadd.s32 s8, v5;
	[tilespmem:v6+s21+$0x0] =	vst.idx.add.f32.msk $0xffff, v1  }
0x462: {  	s22 =	rddreg [dreg:$0xd]  }
0x463: {  	v6 =	vld [tilespmem:s22+$0x8000]  }
0x464: {  	v4 =	vadd.s32 s28, v4;
	_ =	sdelay $0x1  }
0x465: {  	v3 =	vadd.s32 s29, v3;
	[tilespmem:v5+s21+$0x0] =	vst.idx.add.f32.msk $0xffff, v1  }
0x466: {  	s24 =	rddreg [dreg:$0x17]  }
0x467: {  	v5 =	vld [tilespmem:s24+$0x8000];
	v6 =	vadd.s32 s25, v6  }
0x468: {  	[tilespmem:v4+s21+$0x0] =	vst.idx.add.f32.msk $0xffff, v1  }
0x469: {  	v4 =	vld [tilespmem:s6+$0x8000]  }
0x46a: {  	[tilespmem:v3+s21+$0x0] =	vst.idx.add.f32.msk $0xffff, v1  }
0x46b: {  	v3 =	vld [tilespmem:s11+$0x8000]  }
0x46c: {  	[tilespmem:v6+s21+$0x0] =	vst.idx.add.f32.msk $0xffff, v1  }
0x46d: {  	v6 =	vld [tilespmem:s12+$0x8000];
	_ =	sdelay $0x1  }
0x46e: {  	v5 =	vadd.s32 s8, v5  }
0x46f: {  	v4 =	vadd.s32 s28, v4  }
0x470: {  	v3 =	vadd.s32 s29, v3  }
0x471: {  	v6 =	vadd.s32 s25, v6  }
0x472: {  	[tilespmem:v2+s21+$0x0] =	vst.idx.add.f32.msk vm0, v1  }
0x473: {  	[tilespmem:v5+s21+$0x0] =	vst.idx.add.f32.msk vm0, v1  }
0x474: {  	[tilespmem:v4+s21+$0x0] =	vst.idx.add.f32.msk vm0, v1  }
0x475: {  	s4 =	sld [smem:$0x7F1];
	[tilespmem:v3+s21+$0x0] =	vst.idx.add.f32.msk vm0, v1  }
0x476: {  	[tilespmem:v6+s21+$0x0] =	vst.idx.add.f32.msk vm0, v1  }
0x477: {  	s1 =	sld [smem:$0x7F3]  }
0x478: {  	s29 =	sld [smem:$0x7F0]  }
0x479: {  	s26 =	smul.u32 $0x6, s4;
	_ =	sdelay $0x1  }
0x47a: {  	s28 =	simm.s32 $0x0;
	s0 =	sadd.s32 s1, s26;
	p1 =	seq.s32 s29, $0x3  }
0x47b: {  	[hbm4b:s0+s28] =	stream.linear.scatter [tilespmem:s21], [sflag:$0x3], $0xC00, $0x38;
	[tilespmem:$0x19800] =	vst v63  }
0x47c: {  	s0 =	sshll.u32 @!p1 s4, $0x5  }
0x47d: {  	s1 =	rddreg [dreg:$0x0];
	s0 =	sadd.s32 @!p1 $0x1000, s0  }
0x47e: {  	s2 =	simm.s32 @!p1 $0x0;
	s1 =	sadd.s32 @!p1 s1, s0  }
0x47f: {  	[tilespmem:s2], [sflag:$0x1] =	stream.linear.gather @!p1 [hbm4b:s1+s2], $0x4000, $0x38;
	[tilespmem:$0x19800] =	vst v63  }
0x480: {  	s1 =	sld [smem:$0x7F9];
	_ =	sdelay $0x2  }
0x481: {  	s3 =	simm.s32 @!p1 $0x4000;
	s1 =	sadd.s32 @!p1 s1, s0  }
0x482: {  	[tilespmem:s3], [sflag:$0x1] =	stream.linear.gather @!p1 [hbm4b:s1+s2], $0x4000, $0x38;
	[tilespmem:$0x19800] =	vst v63  }
0x483: {  	s1 =	sld [smem:$0x7FB];
	_ =	sdelay $0x2  }
0x484: {  	s30 =	simm.s32 $0x2;
	s0 =	sadd.s32 @!p1 s1, s0;
	s1 =	simm.s32 @!p1 $0x8000  }
0x485: {  	[tilespmem:s1], [sflag:$0x1] =	stream.linear.gather @!p1 [hbm4b:s0+s2], $0x4000, $0x38;
	[tilespmem:$0x19800] =	vst v63  }
0x486: {  	_ =	swait.ge [sflag:s30], $0x4000  }
0x487: {  	[sflag:s30] =	ssyncset.done $0x0  }
0x488: {  	[sflag:s30] =	ssyncadd.s32 $0xFFFFC000  }
0x489: {  	_ =	swait.ge [sflag:s30], $0x4000  }
0x48a: {  	[sflag:s30] =	ssyncset.done $0x0  }
0x48b: {  	[sflag:s30] =	ssyncadd.s32 $0xFFFFC000  }
0x48c: {  	_ =	swait.ge [sflag:s30], $0x4000  }
0x48d: {  	[sflag:s30] =	ssyncset.done $0x0  }
0x48e: {  	s0 =	simm.s32 @!p0 $0x4;
	[sflag:s30] =	ssyncadd.s32 $0xFFFFC000  }
0x48f: {  	_ =	swait.ge @!p0 [sflag:s0], $0xC00  }
0x490: {  	s31 =	sor.u32 $0x40, s4;
	s1 =	simm.s32 $0x0;
	[sflag:s0] =	ssyncset.done @!p0 $0x0  }
0x491: {  	[smem:$0x7C7] =	sst s31;
	[sflag:s0] =	ssyncadd.s32 @!p0 $0xFFFFF400;
	s0 =	simm.s32 $0x0  }
.LBB2_7:
0x492: {  	p0 =	sne.s32 s0, $0x2FC0  }
.Ltmp4:
0x493: {  	_ = 	snop;
	(pc) =	sbr.rel @p0 .LBB2_7-.Ltmp4, $3  }
0x494: {  	_ =	sdelay $0x1  }
0x495: {  	s2 =	sshra.s32 s0, $0x2  }
0x496: {  	s0 =	sadd.s32 $0x40, s0;
	[tilespmem:s2+$0x18C00] =	vst v0  }
0x497: {  	s0 =	simm.s32 $0x100  }
0x498: {  	s2 =	sand.u32 $0x3800, s1;
	s0 =	sand.u32 $0x300, s0  }
0x499: {  	s0 =	sor.u32 s2, s0  }
0x49a: {  	v2 =	vld [tilespmem:s0+$0xC000];
	_ =	sdelay $0x3  }
0x49b: {  	s6 =	simm.s32 $0x60  }
0x49c: {  	v2 =	vadd.s32 s6, v2;
	_ =	sdelay $0x4  }
0x49d: {  	[tilespmem:v2+s23+$0x0] =	vst.idx.add.f32.msk $0xffff, v1  }
0x49e: {  	v2 =	vld [tilespmem:s0+$0xC010];
	_ =	sdelay $0x4  }
0x49f: {  	v2 =	vadd.s32 s6, v2;
	_ =	sdelay $0x4  }
0x4a0: {  	[tilespmem:v2+s23+$0x0] =	vst.idx.add.f32.msk $0xffff, v1  }
0x4a1: {  	v2 =	vld [tilespmem:s0+$0xC020];
	_ =	sdelay $0x4  }
0x4a2: {  	v2 =	vadd.s32 s6, v2;
	_ =	sdelay $0x4  }
0x4a3: {  	[tilespmem:v2+s23+$0x0] =	vst.idx.add.f32.msk $0xffff, v1  }
0x4a4: {  	v2 =	vld [tilespmem:s0+$0xC030];
	_ =	sdelay $0x4  }
0x4a5: {  	v2 =	vadd.s32 s6, v2;
	_ =	sdelay $0x4  }
0x4a6: {  	[tilespmem:v2+s23+$0x0] =	vst.idx.add.f32.msk $0xffff, v1  }
0x4a7: {  	v2 =	vld [tilespmem:s0+$0xC040];
	_ =	sdelay $0x4  }
0x4a8: {  	v2 =	vadd.s32 s6, v2;
	_ =	sdelay $0x4  }
0x4a9: {  	[tilespmem:v2+s23+$0x0] =	vst.idx.add.f32.msk $0xffff, v1  }
0x4aa: {  	v2 =	vld [tilespmem:s0+$0xC050];
	_ =	sdelay $0x4  }
0x4ab: {  	v2 =	vadd.s32 s6, v2;
	_ =	sdelay $0x4  }
0x4ac: {  	s3 =	simm.s32 $0x0;
	[tilespmem:v2+s23+$0x0] =	vst.idx.add.f32.msk $0xffff, v1  }
0x4ad: {  	s3 =	sand.u32 $0x200, s3;
	v2 =	vld [tilespmem:s0+$0xC060]  }
0x4ae: {  	s20 =	sor.u32 s3, s2  }
0x4af: {  	v3 =	vld [tilespmem:s20+$0xC000];
	_ =	sdelay $0x2  }
0x4b0: {  	v2 =	vadd.s32 s6, v2  }
0x4b1: {  	s5 =	simm.s32 $0x0  }
0x4b2: {  	v3 =	vadd.s32 s5, v3;
	_ =	sdelay $0x2  }
0x4b3: {  	[tilespmem:v2+s23+$0x0] =	vst.idx.add.f32.msk $0xffff, v1  }
0x4b4: {  	v2 =	vld [tilespmem:s0+$0xC070]  }
0x4b5: {  	[tilespmem:v3+s23+$0x0] =	vst.idx.add.f32.msk $0xffff, v1  }
0x4b6: {  	v3 =	vld [tilespmem:s20+$0xC010];
	_ =	sdelay $0x2  }
0x4b7: {  	s4 =	simm.s32 $0x80;
	s11 =	simm.s32 $0x180;
	v2 =	vadd.s32 s6, v2  }
0x4b8: {  	s13 =	sand.u32 $0x3, s1;
	s10 =	sand.u32 $0x280, s4;
	s12 =	sand.u32 $0x380, s11  }
0x4b9: {  	s17 =	sor.u32 s2, s10;
	s22 =	sor.u32 s2, s12;
	s2 =	sshll.u32 s13, $0x8;
	v3 =	vadd.s32 s5, v3  }
0x4ba: {  	s2 =	sadd.s32 $0x0, s2  }
0x4bb: {  	s2 =	sadd.s32 $0x100, s2  }
0x4bc: {  	s30 =	sor.u32 $0x400, s2;
	[tilespmem:v2+s23+$0x0] =	vst.idx.add.f32.msk $0xffff, v1  }
0x4bd: {  	v2 =	vld [tilespmem:s30+$0xC000]  }
0x4be: {  	[tilespmem:v3+s23+$0x0] =	vst.idx.add.f32.msk $0xffff, v1  }
0x4bf: {  	v3 =	vld [tilespmem:s20+$0xC020];
	_ =	sdelay $0x2  }
0x4c0: {  	v2 =	vadd.s32 s6, v2;
	_ =	sdelay $0x1  }
0x4c1: {  	v3 =	vadd.s32 s5, v3;
	_ =	sdelay $0x2  }
0x4c2: {  	s16 =	sor.u32 $0x410, s2;
	[tilespmem:v2+s23+$0x0] =	vst.idx.add.f32.msk $0xffff, v1  }
0x4c3: {  	v2 =	vld [tilespmem:s16+$0xC000]  }
0x4c4: {  	[tilespmem:v3+s23+$0x0] =	vst.idx.add.f32.msk $0xffff, v1  }
0x4c5: {  	v3 =	vld [tilespmem:s20+$0xC030];
	_ =	sdelay $0x2  }
0x4c6: {  	v2 =	vadd.s32 s6, v2;
	_ =	sdelay $0x1  }
0x4c7: {  	v3 =	vadd.s32 s5, v3;
	_ =	sdelay $0x2  }
0x4c8: {  	s15 =	sor.u32 $0x420, s2;
	[tilespmem:v2+s23+$0x0] =	vst.idx.add.f32.msk $0xffff, v1  }
0x4c9: {  	v2 =	vld [tilespmem:s15+$0xC000]  }
0x4ca: {  	[tilespmem:v3+s23+$0x0] =	vst.idx.add.f32.msk $0xffff, v1  }
0x4cb: {  	v3 =	vld [tilespmem:s20+$0xC040];
	_ =	sdelay $0x2  }
0x4cc: {  	v2 =	vadd.s32 s6, v2;
	_ =	sdelay $0x1  }
0x4cd: {  	v3 =	vadd.s32 s5, v3;
	_ =	sdelay $0x2  }
0x4ce: {  	s3 =	sor.u32 $0x430, s2;
	[tilespmem:v2+s23+$0x0] =	vst.idx.add.f32.msk $0xffff, v1  }
0x4cf: {  	v2 =	vld [tilespmem:s3+$0xC000]  }
0x4d0: {  	[tilespmem:v3+s23+$0x0] =	vst.idx.add.f32.msk $0xffff, v1  }
0x4d1: {  	v3 =	vld [tilespmem:s20+$0xC050];
	_ =	sdelay $0x2  }
0x4d2: {  	v4 =	vld [tilespmem:s17+$0xC000];
	v2 =	vadd.s32 s6, v2  }
0x4d3: {  	v5 =	vld [tilespmem:s22+$0xC000]  }
0x4d4: {  	v3 =	vadd.s32 s5, v3;
	_ =	sdelay $0x1  }
0x4d5: {  	s29 =	simm.s32 $0x30  }
0x4d6: {  	s4 =	simm.s32 $0x90;
	s18 =	sor.u32 $0x438, s2;
	v4 =	vadd.s32 s29, v4;
	[tilespmem:v2+s23+$0x0] =	vst.idx.add.f32.msk $0xffff, v1  }
0x4d7: {  	v5 =	vadd.s32 s4, v5;
	v2 =	vld [tilespmem:s18+$0xC000]  }
0x4d8: {  	[tilespmem:v3+s23+$0x0] =	vst.idx.add.f32.msk $0xffff, v1  }
0x4d9: {  	v3 =	vld [tilespmem:s20+$0xC060];
	_ =	sdelay $0x1  }
0x4da: {  	[tilespmem:v4+s23+$0x0] =	vst.idx.add.f32.msk $0xffff, v1  }
0x4db: {  	[tilespmem:v5+s23+$0x0] =	vst.idx.add.f32.msk $0xffff, v1;
	v2 =	vadd.s32 s6, v2  }
0x4dc: {  	v4 =	vld [tilespmem:s17+$0xC010]  }
0x4dd: {  	v5 =	vld [tilespmem:s22+$0xC010];
	v3 =	vadd.s32 s5, v3;
	_ =	sdelay $0x2  }
0x4de: {  	[tilespmem:v2+s23+$0x0] =	vst.idx.add.f32.msk vm0, v1  }
0x4df: {  	v4 =	vadd.s32 s29, v4;
	v2 =	vld [tilespmem:s0+$0x10000]  }
0x4e0: {  	v5 =	vadd.s32 s4, v5;
	[tilespmem:v3+s23+$0x0] =	vst.idx.add.f32.msk $0xffff, v1  }
0x4e1: {  	v3 =	vld [tilespmem:s20+$0xC070];
	_ =	sdelay $0x1  }
0x4e2: {  	s14 =	simm.s32 $0x74  }
0x4e3: {  	[tilespmem:v4+s23+$0x0] =	vst.idx.add.f32.msk $0xffff, v1;
	v2 =	vadd.s32 s14, v2  }
0x4e4: {  	[tilespmem:v5+s23+$0x0] =	vst.idx.add.f32.msk $0xffff, v1  }
0x4e5: {  	v4 =	vld [tilespmem:s17+$0xC020];
	v3 =	vadd.s32 s5, v3  }
0x4e6: {  	p0 =	por $0x0, $0x0;
	s7 =	simm.s32 $0x1;
	v5 =	vld [tilespmem:s22+$0xC020]  }
0x4e7: {  	s7 =	simm.s32 @!p0 $0x0  }
0x4e8: {  	s7 =	sshll.u32 s7, $0x9;
	[tilespmem:v2+s23+$0x0] =	vst.idx.add.f32.msk $0xffff, v1  }
0x4e9: {  	s7 =	sadd.s32 $0x0, s7;
	v2 =	vld [tilespmem:s0+$0x10010]  }
0x4ea: {  	s12 =	sor.u32 $0x400, s7;
	v4 =	vadd.s32 s29, v4;
	[tilespmem:v3+s23+$0x0] =	vst.idx.add.f32.msk $0xffff, v1  }
0x4eb: {  	v5 =	vadd.s32 s4, v5;
	v3 =	vld [tilespmem:s12+$0xC000];
	_ =	sdelay $0x2  }
0x4ec: {  	v2 =	vadd.s32 s14, v2  }
0x4ed: {  	[tilespmem:v4+s23+$0x0] =	vst.idx.add.f32.msk $0xffff, v1  }
0x4ee: {  	[tilespmem:v5+s23+$0x0] =	vst.idx.add.f32.msk $0xffff, v1;
	v3 =	vadd.s32 s5, v3  }
0x4ef: {  	v4 =	vld [tilespmem:s17+$0xC030]  }
0x4f0: {  	v5 =	vld [tilespmem:s22+$0xC030];
	[smem:$0x7B6] =	sst s12  }
0x4f1: {  	[tilespmem:v2+s23+$0x0] =	vst.idx.add.f32.msk $0xffff, v1  }
0x4f2: {  	v2 =	vld [tilespmem:s0+$0x10020]  }
0x4f3: {  	s11 =	sor.u32 $0x410, s7;
	[tilespmem:v3+s23+$0x0] =	vst.idx.add.f32.msk $0xffff, v1  }
0x4f4: {  	v3 =	vld [tilespmem:s11+$0xC000];
	_ =	sdelay $0x2  }
0x4f5: {  	v2 =	vadd.s32 s14, v2;
	_ =	sdelay $0x1  }
0x4f6: {  	v3 =	vadd.s32 s5, v3;
	_ =	sdelay $0x1  }
0x4f7: {  	[smem:$0x7B9] =	sst s11  }
0x4f8: {  	[tilespmem:v2+s23+$0x0] =	vst.idx.add.f32.msk $0xffff, v1  }
0x4f9: {  	v2 =	vld [tilespmem:s0+$0x10030]  }
0x4fa: {  	s10 =	sor.u32 $0x420, s7;
	[tilespmem:v3+s23+$0x0] =	vst.idx.add.f32.msk $0xffff, v1  }
0x4fb: {  	v3 =	vld [tilespmem:s10+$0xC000];
	_ =	sdelay $0x2  }
0x4fc: {  	v2 =	vadd.s32 s14, v2;
	_ =	sdelay $0x1  }
0x4fd: {  	v3 =	vadd.s32 s5, v3;
	_ =	sdelay $0x1  }
0x4fe: {  	[smem:$0x7BC] =	sst s10  }
0x4ff: {  	[tilespmem:v2+s23+$0x0] =	vst.idx.add.f32.msk $0xffff, v1  }
0x500: {  	v2 =	vld [tilespmem:s0+$0x10040]  }
0x501: {  	s9 =	sor.u32 $0x430, s7;
	[tilespmem:v3+s23+$0x0] =	vst.idx.add.f32.msk $0xffff, v1  }
0x502: {  	v3 =	vld [tilespmem:s9+$0xC000];
	_ =	sdelay $0x2  }
0x503: {  	v2 =	vadd.s32 s14, v2;
	_ =	sdelay $0x1  }
0x504: {  	v3 =	vadd.s32 s5, v3;
	_ =	sdelay $0x1  }
0x505: {  	[smem:$0x7C0] =	sst s9  }
0x506: {  	[tilespmem:v2+s23+$0x0] =	vst.idx.add.f32.msk $0xffff, v1  }
0x507: {  	v2 =	vld [tilespmem:s0+$0x10050]  }
0x508: {  	s8 =	sor.u32 $0x438, s7;
	[tilespmem:v3+s23+$0x0] =	vst.idx.add.f32.msk $0xffff, v1  }
0x509: {  	v3 =	vld [tilespmem:s8+$0xC000];
	_ =	sdelay $0x2  }
0x50a: {  	v2 =	vadd.s32 s14, v2;
	_ =	sdelay $0x1  }
0x50b: {  	v3 =	vadd.s32 s5, v3;
	_ =	sdelay $0x1  }
0x50c: {  	[smem:$0x7C4] =	sst s8  }
0x50d: {  	[tilespmem:v2+s23+$0x0] =	vst.idx.add.f32.msk $0xffff, v1  }
0x50e: {  	v2 =	vld [tilespmem:s0+$0x10060]  }
0x50f: {  	[tilespmem:v3+s23+$0x0] =	vst.idx.add.f32.msk vm0, v1  }
0x510: {  	v3 =	vld [tilespmem:s20+$0x10000];
	_ =	sdelay $0x2  }
0x511: {  	v2 =	vadd.s32 s14, v2  }
0x512: {  	s5 =	simm.s32 $0x14  }
0x513: {  	v3 =	vadd.s32 s5, v3;
	_ =	sdelay $0x2  }
0x514: {  	[tilespmem:v2+s23+$0x0] =	vst.idx.add.f32.msk $0xffff, v1  }
0x515: {  	v2 =	vld [tilespmem:s0+$0x10070]  }
0x516: {  	[tilespmem:v3+s23+$0x0] =	vst.idx.add.f32.msk $0xffff, v1  }
0x517: {  	v3 =	vld [tilespmem:s20+$0x10010]  }
0x518: {  	v4 =	vadd.s32 s29, v4;
	_ =	sdelay $0x1  }
0x519: {  	v2 =	vadd.s32 s14, v2;
	_ =	sdelay $0x1  }
0x51a: {  	v3 =	vadd.s32 s5, v3  }
0x51b: {  	[tilespmem:v4+s23+$0x0] =	vst.idx.add.f32.msk $0xffff, v1  }
0x51c: {  	v4 =	vld [tilespmem:s17+$0xC040]  }
0x51d: {  	[tilespmem:v2+s23+$0x0] =	vst.idx.add.f32.msk $0xffff, v1  }
0x51e: {  	v2 =	vld [tilespmem:s30+$0x10000]  }
0x51f: {  	[tilespmem:v3+s23+$0x0] =	vst.idx.add.f32.msk $0xffff, v1;
	v3 =	vadd.s32 s4, v5  }
0x520: {  	v5 =	vld [tilespmem:s20+$0x10020]  }
0x521: {  	v4 =	vadd.s32 s29, v4;
	_ =	sdelay $0x1  }
0x522: {  	v2 =	vadd.s32 s14, v2  }
0x523: {  	[tilespmem:v3+s23+$0x0] =	vst.idx.add.f32.msk $0xffff, v1  }
0x524: {  	v3 =	vadd.s32 s5, v5;
	v5 =	vld [tilespmem:s22+$0xC040]  }
0x525: {  	[tilespmem:v4+s23+$0x0] =	vst.idx.add.f32.msk $0xffff, v1  }
0x526: {  	v4 =	vld [tilespmem:s17+$0xC050]  }
0x527: {  	[tilespmem:v2+s23+$0x0] =	vst.idx.add.f32.msk $0xffff, v1  }
0x528: {  	v2 =	vld [tilespmem:s16+$0x10000]  }
0x529: {  	[tilespmem:v3+s23+$0x0] =	vst.idx.add.f32.msk $0xffff, v1;
	v3 =	vadd.s32 s4, v5  }
0x52a: {  	v5 =	vld [tilespmem:s20+$0x10030]  }
0x52b: {  	v4 =	vadd.s32 s29, v4;
	_ =	sdelay $0x1  }
0x52c: {  	v2 =	vadd.s32 s14, v2  }
0x52d: {  	[tilespmem:v3+s23+$0x0] =	vst.idx.add.f32.msk $0xffff, v1  }
0x52e: {  	v3 =	vadd.s32 s5, v5;
	v5 =	vld [tilespmem:s22+$0xC050]  }
0x52f: {  	[tilespmem:v4+s23+$0x0] =	vst.idx.add.f32.msk $0xffff, v1  }
0x530: {  	v4 =	vld [tilespmem:s17+$0xC060]  }
0x531: {  	[tilespmem:v2+s23+$0x0] =	vst.idx.add.f32.msk $0xffff, v1  }
0x532: {  	v2 =	vld [tilespmem:s15+$0x10000]  }
0x533: {  	[tilespmem:v3+s23+$0x0] =	vst.idx.add.f32.msk $0xffff, v1;
	v3 =	vadd.s32 s4, v5  }
0x534: {  	v5 =	vld [tilespmem:s20+$0x10040]  }
0x535: {  	v4 =	vadd.s32 s29, v4;
	_ =	sdelay $0x1  }
0x536: {  	v2 =	vadd.s32 s14, v2  }
0x537: {  	[tilespmem:v3+s23+$0x0] =	vst.idx.add.f32.msk $0xffff, v1  }
0x538: {  	v3 =	vadd.s32 s5, v5;
	v5 =	vld [tilespmem:s22+$0xC060]  }
0x539: {  	[tilespmem:v4+s23+$0x0] =	vst.idx.add.f32.msk $0xffff, v1  }
0x53a: {  	v4 =	vld [tilespmem:s17+$0xC070]  }
0x53b: {  	[tilespmem:v2+s23+$0x0] =	vst.idx.add.f32.msk $0xffff, v1  }
0x53c: {  	v2 =	vld [tilespmem:s3+$0x10000]  }
0x53d: {  	[tilespmem:v3+s23+$0x0] =	vst.idx.add.f32.msk $0xffff, v1;
	v3 =	vadd.s32 s4, v5  }
0x53e: {  	v5 =	vld [tilespmem:s20+$0x10050]  }
0x53f: {  	v4 =	vadd.s32 s29, v4  }
0x540: {  	s19 =	sand.u32 $0x7, s1  }
0x541: {  	s1 =	sshll.u32 s19, $0x7;
	v2 =	vadd.s32 s14, v2  }
0x542: {  	s1 =	sadd.s32 $0x0, s1;
	[tilespmem:v3+s23+$0x0] =	vst.idx.add.f32.msk $0xffff, v1  }
0x543: {  	s24 =	sadd.s32 $0x80, s1;
	v3 =	vadd.s32 s5, v5;
	v5 =	vld [tilespmem:s22+$0xC070]  }
0x544: {  	s31 =	sor.u32 $0x400, s24;
	[tilespmem:v4+s23+$0x0] =	vst.idx.add.f32.msk $0xffff, v1  }
0x545: {  	v4 =	vld [tilespmem:s31+$0xC000]  }
0x546: {  	[tilespmem:v2+s23+$0x0] =	vst.idx.add.f32.msk $0xffff, v1  }
0x547: {  	v2 =	vld [tilespmem:s18+$0x10000]  }
0x548: {  	[tilespmem:v3+s23+$0x0] =	vst.idx.add.f32.msk $0xffff, v1;
	v3 =	vadd.s32 s4, v5  }
0x549: {  	v5 =	vld [tilespmem:s20+$0x10060]  }
0x54a: {  	v4 =	vadd.s32 s29, v4;
	_ =	sdelay $0x1  }
0x54b: {  	s1 =	sadd.s32 $0x180, s1;
	[smem:$0x7B7] =	sst s31;
	v2 =	vadd.s32 s14, v2  }
0x54c: {  	s2 =	sor.u32 $0x400, s1;
	[tilespmem:v3+s23+$0x0] =	vst.idx.add.f32.msk $0xffff, v1  }
0x54d: {  	v3 =	vadd.s32 s5, v5;
	v5 =	vld [tilespmem:s2+$0xC000];
	[smem:$0x7B8] =	sst s2  }
0x54e: {  	s25 =	sor.u32 $0x410, s24;
	[tilespmem:v4+s23+$0x0] =	vst.idx.add.f32.msk $0xffff, v1  }
0x54f: {  	v4 =	vld [tilespmem:s25+$0xC000]  }
0x550: {  	[tilespmem:v2+s23+$0x0] =	vst.idx.add.f32.msk vm0, v1  }
0x551: {  	v2 =	vld [tilespmem:s0+$0x14000]  }
0x552: {  	[tilespmem:v3+s23+$0x0] =	vst.idx.add.f32.msk $0xffff, v1  }
0x553: {  	v3 =	vadd.s32 s4, v5;
	v5 =	vld [tilespmem:s20+$0x10070];
	_ =	sdelay $0x2  }
0x554: {  	v4 =	vadd.s32 s29, v4  }
0x555: {  	s26 =	simm.s32 $0x83;
	[smem:$0x7BA] =	sst s25  }
0x556: {  	v2 =	vadd.s32 s26, v2;
	s26 =	sor.u32 $0x410, s1;
	[tilespmem:v3+s23+$0x0] =	vst.idx.add.f32.msk $0xffff, v1;
	v3 =	vadd.s32 s5, v5  }
0x557: {  	v5 =	vld [tilespmem:s26+$0xC000]  }
0x558: {  	[smem:$0x7BB] =	sst s26  }
0x559: {  	s19 =	sor.u32 $0x420, s24;
	[tilespmem:v4+s23+$0x0] =	vst.idx.add.f32.msk $0xffff, v1  }
0x55a: {  	v4 =	vld [tilespmem:s19+$0xC000]  }
0x55b: {  	[tilespmem:v3+s23+$0x0] =	vst.idx.add.f32.msk $0xffff, v1  }
0x55c: {  	v3 =	vadd.s32 s4, v5;
	v5 =	vld [tilespmem:s12+$0x10000]  }
0x55d: {  	[tilespmem:v2+s23+$0x0] =	vst.idx.add.f32.msk $0xffff, v1  }
0x55e: {  	v2 =	vld [tilespmem:s0+$0x14010]  }
0x55f: {  	v4 =	vadd.s32 s29, v4  }
0x560: {  	[smem:$0x7BD] =	sst s19  }
0x561: {  	s28 =	sor.u32 $0x420, s1;
	[tilespmem:v3+s23+$0x0] =	vst.idx.add.f32.msk $0xffff, v1;
	v3 =	vadd.s32 s5, v5  }
0x562: {  	s6 =	simm.s32 $0x83;
	v5 =	vld [tilespmem:s28+$0xC000]  }
0x563: {  	v2 =	vadd.s32 s6, v2;
	[smem:$0x7BE] =	sst s28  }
0x564: {  	s13 =	sor.u32 $0x430, s24;
	[tilespmem:v4+s23+$0x0] =	vst.idx.add.f32.msk $0xffff, v1  }
0x565: {  	v4 =	vld [tilespmem:s13+$0xC000]  }
0x566: {  	[tilespmem:v3+s23+$0x0] =	vst.idx.add.f32.msk $0xffff, v1  }
0x567: {  	v3 =	vadd.s32 s4, v5;
	v5 =	vld [tilespmem:s11+$0x10000]  }
0x568: {  	[tilespmem:v2+s23+$0x0] =	vst.idx.add.f32.msk $0xffff, v1  }
0x569: {  	v2 =	vld [tilespmem:s0+$0x14020]  }
0x56a: {  	v4 =	vadd.s32 s29, v4  }
0x56b: {  	[smem:$0x7C2] =	sst s13  }
0x56c: {  	s14 =	sor.u32 $0x430, s1;
	[tilespmem:v3+s23+$0x0] =	vst.idx.add.f32.msk $0xffff, v1;
	v3 =	vadd.s32 s5, v5  }
0x56d: {  	v5 =	vld [tilespmem:s14+$0xC000]  }
0x56e: {  	v2 =	vadd.s32 s6, v2;
	[smem:$0x7C3] =	sst s14  }
0x56f: {  	s12 =	sor.u32 $0x438, s24;
	[tilespmem:v4+s23+$0x0] =	vst.idx.add.f32.msk $0xffff, v1  }
0x570: {  	v4 =	vld [tilespmem:s12+$0xC000]  }
0x571: {  	[tilespmem:v3+s23+$0x0] =	vst.idx.add.f32.msk $0xffff, v1  }
0x572: {  	v3 =	vadd.s32 s4, v5;
	v5 =	vld [tilespmem:s10+$0x10000]  }
0x573: {  	[tilespmem:v2+s23+$0x0] =	vst.idx.add.f32.msk $0xffff, v1  }
0x574: {  	v2 =	vld [tilespmem:s0+$0x14030]  }
0x575: {  	v4 =	vadd.s32 s29, v4  }
0x576: {  	[smem:$0x7C5] =	sst s12  }
0x577: {  	s10 =	sor.u32 $0x438, s1;
	[tilespmem:v3+s23+$0x0] =	vst.idx.add.f32.msk $0xffff, v1;
	v3 =	vadd.s32 s5, v5  }
0x578: {  	v5 =	vld [tilespmem:s10+$0xC000]  }
0x579: {  	v2 =	vadd.s32 s6, v2;
	[smem:$0x7C6] =	sst s10  }
0x57a: {  	[tilespmem:v4+s23+$0x0] =	vst.idx.add.f32.msk vm0, v1  }
0x57b: {  	v4 =	vld [tilespmem:s17+$0x10000]  }
0x57c: {  	[tilespmem:v3+s23+$0x0] =	vst.idx.add.f32.msk $0xffff, v1  }
0x57d: {  	v3 =	vadd.s32 s4, v5;
	v5 =	vld [tilespmem:s9+$0x10000]  }
0x57e: {  	[tilespmem:v2+s23+$0x0] =	vst.idx.add.f32.msk $0xffff, v1  }
0x57f: {  	s24 =	simm.s32 $0x44;
	v2 =	vld [tilespmem:s0+$0x14040]  }
0x580: {  	v4 =	vadd.s32 s24, v4;
	_ =	sdelay $0x1  }
0x581: {  	[tilespmem:v3+s23+$0x0] =	vst.idx.add.f32.msk vm0, v1;
	v3 =	vadd.s32 s5, v5  }
0x582: {  	v5 =	vld [tilespmem:s22+$0x10000]  }
0x583: {  	v2 =	vadd.s32 s6, v2  }
0x584: {  	[tilespmem:v4+s23+$0x0] =	vst.idx.add.f32.msk $0xffff, v1  }
0x585: {  	v4 =	vld [tilespmem:s17+$0x10010]  }
0x586: {  	s9 =	simm.s32 $0xA4;
	[tilespmem:v3+s23+$0x0] =	vst.idx.add.f32.msk $0xffff, v1  }
0x587: {  	v3 =	vadd.s32 s9, v5;
	v5 =	vld [tilespmem:s8+$0x10000]  }
0x588: {  	[tilespmem:v2+s23+$0x0] =	vst.idx.add.f32.msk $0xffff, v1  }
0x589: {  	v2 =	vld [tilespmem:s0+$0x14050]  }
0x58a: {  	v4 =	vadd.s32 s24, v4;
	_ =	sdelay $0x1  }
0x58b: {  	[tilespmem:v3+s23+$0x0] =	vst.idx.add.f32.msk $0xffff, v1;
	v5 =	vadd.s32 s5, v5  }
0x58c: {  	v3 =	vld [tilespmem:s22+$0x10010]  }
0x58d: {  	v2 =	vadd.s32 s6, v2  }
0x58e: {  	[tilespmem:v4+s23+$0x0] =	vst.idx.add.f32.msk $0xffff, v1  }
0x58f: {  	v4 =	vld [tilespmem:s17+$0x10020]  }
0x590: {  	[tilespmem:v5+s23+$0x0] =	vst.idx.add.f32.msk vm0, v1  }
0x591: {  	v3 =	vadd.s32 s9, v3;
	v5 =	vld [tilespmem:s20+$0x14000]  }
0x592: {  	[tilespmem:v2+s23+$0x0] =	vst.idx.add.f32.msk $0xffff, v1  }
0x593: {  	v2 =	vld [tilespmem:s0+$0x14060]  }
0x594: {  	v4 =	vadd.s32 s24, v4  }
0x595: {  	s5 =	simm.s32 $0x23  }
0x596: {  	[tilespmem:v3+s23+$0x0] =	vst.idx.add.f32.msk $0xffff, v1;
	v3 =	vadd.s32 s5, v5  }
0x597: {  	v5 =	vld [tilespmem:s22+$0x10020]  }
0x598: {  	v2 =	vadd.s32 s6, v2  }
0x599: {  	[tilespmem:v4+s23+$0x0] =	vst.idx.add.f32.msk $0xffff, v1  }
0x59a: {  	v4 =	vld [tilespmem:s17+$0x10030]  }
0x59b: {  	[tilespmem:v3+s23+$0x0] =	vst.idx.add.f32.msk $0xffff, v1  }
0x59c: {  	v3 =	vadd.s32 s9, v5;
	v5 =	vld [tilespmem:s20+$0x14010]  }
0x59d: {  	[tilespmem:v2+s23+$0x0] =	vst.idx.add.f32.msk $0xffff, v1  }
0x59e: {  	v2 =	vld [tilespmem:s0+$0x14070]  }
0x59f: {  	v4 =	vadd.s32 s24, v4  }
0x5a0: {  	s7 =	simm.s32 $0x23  }
0x5a1: {  	[tilespmem:v3+s23+$0x0] =	vst.idx.add.f32.msk $0xffff, v1;
	v3 =	vadd.s32 s7, v5  }
0x5a2: {  	v5 =	vld [tilespmem:s22+$0x10030]  }
0x5a3: {  	v2 =	vadd.s32 s6, v2  }
0x5a4: {  	[tilespmem:v4+s23+$0x0] =	vst.idx.add.f32.msk $0xffff, v1  }
0x5a5: {  	v4 =	vld [tilespmem:s17+$0x10040]  }
0x5a6: {  	[tilespmem:v3+s23+$0x0] =	vst.idx.add.f32.msk $0xffff, v1  }
0x5a7: {  	v3 =	vadd.s32 s9, v5;
	v5 =	vld [tilespmem:s20+$0x14020]  }
0x5a8: {  	[tilespmem:v2+s23+$0x0] =	vst.idx.add.f32.msk $0xffff, v1  }
0x5a9: {  	v2 =	vld [tilespmem:s30+$0x14000]  }
0x5aa: {  	v4 =	vadd.s32 s24, v4;
	_ =	sdelay $0x1  }
0x5ab: {  	[tilespmem:v3+s23+$0x0] =	vst.idx.add.f32.msk $0xffff, v1;
	v3 =	vadd.s32 s7, v5  }
0x5ac: {  	v5 =	vld [tilespmem:s22+$0x10040]  }
0x5ad: {  	v2 =	vadd.s32 s6, v2  }
0x5ae: {  	[tilespmem:v4+s23+$0x0] =	vst.idx.add.f32.msk $0xffff, v1  }
0x5af: {  	v4 =	vld [tilespmem:s17+$0x10050]  }
0x5b0: {  	[tilespmem:v3+s23+$0x0] =	vst.idx.add.f32.msk $0xffff, v1  }
0x5b1: {  	v3 =	vadd.s32 s9, v5;
	v5 =	vld [tilespmem:s20+$0x14030]  }
0x5b2: {  	[tilespmem:v2+s23+$0x0] =	vst.idx.add.f32.msk $0xffff, v1  }
0x5b3: {  	v2 =	vld [tilespmem:s16+$0x14000]  }
0x5b4: {  	v4 =	vadd.s32 s24, v4;
	_ =	sdelay $0x1  }
0x5b5: {  	[tilespmem:v3+s23+$0x0] =	vst.idx.add.f32.msk $0xffff, v1;
	v3 =	vadd.s32 s7, v5  }
0x5b6: {  	v5 =	vld [tilespmem:s22+$0x10050]  }
0x5b7: {  	v2 =	vadd.s32 s6, v2  }
0x5b8: {  	[tilespmem:v4+s23+$0x0] =	vst.idx.add.f32.msk $0xffff, v1  }
0x5b9: {  	v4 =	vld [tilespmem:s17+$0x10060]  }
0x5ba: {  	[tilespmem:v3+s23+$0x0] =	vst.idx.add.f32.msk $0xffff, v1  }
0x5bb: {  	v3 =	vadd.s32 s9, v5;
	v5 =	vld [tilespmem:s20+$0x14040]  }
0x5bc: {  	[tilespmem:v2+s23+$0x0] =	vst.idx.add.f32.msk $0xffff, v1  }
0x5bd: {  	v2 =	vld [tilespmem:s15+$0x14000]  }
0x5be: {  	v4 =	vadd.s32 s24, v4;
	_ =	sdelay $0x1  }
0x5bf: {  	[tilespmem:v3+s23+$0x0] =	vst.idx.add.f32.msk $0xffff, v1;
	v3 =	vadd.s32 s7, v5  }
0x5c0: {  	v5 =	vld [tilespmem:s22+$0x10060]  }
0x5c1: {  	v2 =	vadd.s32 s6, v2  }
0x5c2: {  	[tilespmem:v4+s23+$0x0] =	vst.idx.add.f32.msk $0xffff, v1  }
0x5c3: {  	v4 =	vld [tilespmem:s17+$0x10070]  }
0x5c4: {  	[tilespmem:v3+s23+$0x0] =	vst.idx.add.f32.msk $0xffff, v1  }
0x5c5: {  	v3 =	vadd.s32 s9, v5;
	v5 =	vld [tilespmem:s20+$0x14050]  }
0x5c6: {  	[tilespmem:v2+s23+$0x0] =	vst.idx.add.f32.msk $0xffff, v1  }
0x5c7: {  	v2 =	vld [tilespmem:s3+$0x14000];
	_ =	sdelay $0x1  }
0x5c8: {  	v4 =	vadd.s32 s24, v4  }
0x5c9: {  	s11 =	simm.s32 $0x400;
	s8 =	simm.s32 $0x300;
	[tilespmem:v3+s23+$0x0] =	vst.idx.add.f32.msk $0xffff, v1;
	v3 =	vadd.s32 s7, v5  }
0x5ca: {  	s5 =	sand.u32 $0x3800, s11;
	s0 =	sand.u32 $0x300, s8;
	s16 =	simm.s32 $0x400;
	v5 =	vld [tilespmem:s22+$0x10070]  }
0x5cb: {  	s30 =	sor.u32 s5, s0;
	v2 =	vadd.s32 s6, v2;
	[dreg:$0x16] =	wrdreg s16  }
0x5cc: {  	v6 =	vld [tilespmem:s30+$0xC000]  }
0x5cd: {  	[tilespmem:v4+s23+$0x0] =	vst.idx.add.f32.msk $0xffff, v1  }
0x5ce: {  	[tilespmem:v3+s23+$0x0] =	vst.idx.add.f32.msk $0xffff, v1  }
0x5cf: {  	s6 =	simm.s32 $0x200;
	v3 =	vadd.s32 s9, v5;
	v5 =	vld [tilespmem:s20+$0x14060]  }
0x5d0: {  	s29 =	simm.s32 $0x120;
	s0 =	sand.u32 $0x200, s6;
	[tilespmem:v2+s23+$0x0] =	vst.idx.add.f32.msk $0xffff, v1  }
0x5d1: {  	v2 =	vld [tilespmem:s18+$0x14000];
	s18 =	sor.u32 s0, s5;
	v6 =	vadd.s32 s29, v6  }
0x5d2: {  	v4 =	vld [tilespmem:s18+$0xC000]  }
0x5d3: {  	s15 =	simm.s32 $0x23;
	v7 =	vld [tilespmem:s31+$0x10000]  }
0x5d4: {  	[tilespmem:v3+s23+$0x0] =	vst.idx.add.f32.msk $0xffff, v1;
	v3 =	vadd.s32 s15, v5  }
0x5d5: {  	s7 =	simm.s32 $0x280;
	v5 =	vld [tilespmem:s2+$0x10000]  }
0x5d6: {  	s0 =	sand.u32 $0x280, s7;
	s7 =	simm.s32 $0xC0;
	[tilespmem:v6+s23+$0x0] =	vst.idx.add.f32.msk $0xffff, v1  }
0x5d7: {  	s0 =	sor.u32 s5, s0;
	v4 =	vadd.s32 s7, v4;
	v6 =	vld [tilespmem:s30+$0xC010]  }
0x5d8: {  	s8 =	simm.s32 $0x380;
	v8 =	vld [tilespmem:s0+$0xC000];
	v7 =	vadd.s32 s24, v7  }
0x5d9: {  	s11 =	simm.s32 $0x380;
	s15 =	sand.u32 $0x380, s8;
	[tilespmem:v3+s23+$0x0] =	vst.idx.add.f32.msk $0xffff, v1  }
0x5da: {  	s2 =	sor.u32 s5, s15;
	[dreg:$0x1a] =	wrdreg s11  }
0x5db: {  	v5 =	vadd.s32 s9, v5;
	v9 =	vld [tilespmem:s2+$0xC000]  }
0x5dc: {  	s11 =	simm.s32 $0xF0;
	v6 =	vadd.s32 s29, v6;
	[tilespmem:v4+s23+$0x0] =	vst.idx.add.f32.msk $0xffff, v1  }
0x5dd: {  	v8 =	vadd.s32 s11, v8;
	[tilespmem:v7+s23+$0x0] =	vst.idx.add.f32.msk $0xffff, v1  }
0x5de: {  	v4 =	vld [tilespmem:s18+$0xC010]  }
0x5df: {  	v7 =	vld [tilespmem:s25+$0x10000]  }
0x5e0: {  	[tilespmem:v5+s23+$0x0] =	vst.idx.add.f32.msk $0xffff, v1  }
0x5e1: {  	s8 =	simm.s32 $0x150;
	[tilespmem:v6+s23+$0x0] =	vst.idx.add.f32.msk $0xffff, v1  }
0x5e2: {  	v5 =	vadd.s32 s8, v9;
	[tilespmem:v8+s23+$0x0] =	vst.idx.add.f32.msk $0xffff, v1  }
0x5e3: {  	v6 =	vld [tilespmem:s30+$0xC020]  }
0x5e4: {  	v8 =	vld [tilespmem:s0+$0xC010];
	v4 =	vadd.s32 s7, v4  }
0x5e5: {  	v7 =	vadd.s32 s24, v7  }
0x5e6: {  	v36 =	vld [tilespmem:s26+$0x10000]  }
0x5e7: {  	[tilespmem:v5+s23+$0x0] =	vst.idx.add.f32.msk $0xffff, v1  }
0x5e8: {  	v6 =	vadd.s32 s29, v6;
	v5 =	vld [tilespmem:s2+$0xC010]  }
0x5e9: {  	v8 =	vadd.s32 s11, v8;
	[tilespmem:v4+s23+$0x0] =	vst.idx.add.f32.msk $0xffff, v1  }
0x5ea: {  	[tilespmem:v7+s23+$0x0] =	vst.idx.add.f32.msk $0xffff, v1  }
0x5eb: {  	v4 =	vld [tilespmem:s18+$0xC020]  }
0x5ec: {  	v7 =	vld [tilespmem:s19+$0x10000]  }
0x5ed: {  	[tilespmem:v6+s23+$0x0] =	vst.idx.add.f32.msk $0xffff, v1;
	v6 =	vadd.s32 s9, v36  }
0x5ee: {  	v5 =	vadd.s32 s8, v5;
	[tilespmem:v8+s23+$0x0] =	vst.idx.add.f32.msk $0xffff, v1  }
0x5ef: {  	v37 =	vld [tilespmem:s30+$0xC030]  }
0x5f0: {  	v8 =	vld [tilespmem:s0+$0xC020]  }
0x5f1: {  	v4 =	vadd.s32 s7, v4  }
0x5f2: {  	[tilespmem:v6+s23+$0x0] =	vst.idx.add.f32.msk $0xffff, v1  }
0x5f3: {  	[tilespmem:v5+s23+$0x0] =	vst.idx.add.f32.msk $0xffff, v1;
	v5 =	vadd.s32 s24, v7  }
0x5f4: {  	v6 =	vadd.s32 s29, v37;
	v38 =	vld [tilespmem:s28+$0x10000]  }
0x5f5: {  	v7 =	vld [tilespmem:s2+$0xC020];
	v8 =	vadd.s32 s11, v8  }
0x5f6: {  	[tilespmem:v4+s23+$0x0] =	vst.idx.add.f32.msk $0xffff, v1  }
0x5f7: {  	v4 =	vld [tilespmem:s18+$0xC030]  }
0x5f8: {  	[tilespmem:v5+s23+$0x0] =	vst.idx.add.f32.msk $0xffff, v1  }
0x5f9: {  	[tilespmem:v6+s23+$0x0] =	vst.idx.add.f32.msk $0xffff, v1  }
0x5fa: {  	v5 =	vadd.s32 s8, v7;
	[tilespmem:v8+s23+$0x0] =	vst.idx.add.f32.msk $0xffff, v1  }
0x5fb: {  	v6 =	vld [tilespmem:s30+$0xC040];
	v8 =	vadd.s32 s9, v38  }
0x5fc: {  	v7 =	vld [tilespmem:s0+$0xC030]  }
0x5fd: {  	v4 =	vadd.s32 s7, v4  }
0x5fe: {  	v39 =	vld [tilespmem:s13+$0x10000]  }
0x5ff: {  	[tilespmem:v5+s23+$0x0] =	vst.idx.add.f32.msk $0xffff, v1  }
0x600: {  	v6 =	vadd.s32 s29, v6;
	[tilespmem:v8+s23+$0x0] =	vst.idx.add.f32.msk $0xffff, v1  }
0x601: {  	v5 =	vld [tilespmem:s2+$0xC030];
	v7 =	vadd.s32 s11, v7  }
0x602: {  	[tilespmem:v4+s23+$0x0] =	vst.idx.add.f32.msk $0xffff, v1  }
0x603: {  	v8 =	vld [tilespmem:s14+$0x10000]  }
0x604: {  	v4 =	vld [tilespmem:s18+$0xC040]  }
0x605: {  	[tilespmem:v6+s23+$0x0] =	vst.idx.add.f32.msk $0xffff, v1;
	v6 =	vadd.s32 s24, v39  }
0x606: {  	v5 =	vadd.s32 s8, v5;
	[tilespmem:v7+s23+$0x0] =	vst.idx.add.f32.msk $0xffff, v1  }
0x607: {  	v40 =	vld [tilespmem:s30+$0xC050]  }
0x608: {  	v7 =	vld [tilespmem:s0+$0xC040]  }
0x609: {  	v4 =	vadd.s32 s7, v4  }
0x60a: {  	[tilespmem:v6+s23+$0x0] =	vst.idx.add.f32.msk $0xffff, v1  }
0x60b: {  	[tilespmem:v5+s23+$0x0] =	vst.idx.add.f32.msk $0xffff, v1;
	v5 =	vadd.s32 s9, v8  }
0x60c: {  	v6 =	vadd.s32 s29, v40;
	v41 =	vld [tilespmem:s12+$0x10000]  }
0x60d: {  	v8 =	vld [tilespmem:s2+$0xC040];
	v7 =	vadd.s32 s11, v7  }
0x60e: {  	[tilespmem:v4+s23+$0x0] =	vst.idx.add.f32.msk $0xffff, v1  }
0x60f: {  	v4 =	vld [tilespmem:s18+$0xC050]  }
0x610: {  	[tilespmem:v5+s23+$0x0] =	vst.idx.add.f32.msk $0xffff, v1  }
0x611: {  	[tilespmem:v6+s23+$0x0] =	vst.idx.add.f32.msk $0xffff, v1  }
0x612: {  	v5 =	vadd.s32 s8, v8;
	[tilespmem:v7+s23+$0x0] =	vst.idx.add.f32.msk $0xffff, v1  }
0x613: {  	v6 =	vld [tilespmem:s30+$0xC060];
	v8 =	vadd.s32 s24, v41  }
0x614: {  	v7 =	vld [tilespmem:s0+$0xC050]  }
0x615: {  	v4 =	vadd.s32 s7, v4  }
0x616: {  	v42 =	vld [tilespmem:s10+$0x10000]  }
0x617: {  	[tilespmem:v5+s23+$0x0] =	vst.idx.add.f32.msk $0xffff, v1  }
0x618: {  	v6 =	vadd.s32 s29, v6;
	[tilespmem:v8+s23+$0x0] =	vst.idx.add.f32.msk vm0, v1  }
0x619: {  	v5 =	vld [tilespmem:s2+$0xC050];
	v7 =	vadd.s32 s11, v7  }
0x61a: {  	[tilespmem:v4+s23+$0x0] =	vst.idx.add.f32.msk $0xffff, v1  }
0x61b: {  	v8 =	vld [tilespmem:s17+$0x14000]  }
0x61c: {  	v4 =	vld [tilespmem:s18+$0xC060]  }
0x61d: {  	[tilespmem:v6+s23+$0x0] =	vst.idx.add.f32.msk $0xffff, v1;
	v6 =	vadd.s32 s9, v42  }
0x61e: {  	v5 =	vadd.s32 s8, v5;
	[tilespmem:v7+s23+$0x0] =	vst.idx.add.f32.msk $0xffff, v1  }
0x61f: {  	v43 =	vld [tilespmem:s30+$0xC070]  }
0x620: {  	v7 =	vld [tilespmem:s0+$0xC060]  }
0x621: {  	v3 =	vld [tilespmem:s20+$0x14070];
	v4 =	vadd.s32 s7, v4  }
0x622: {  	s20 =	simm.s32 $0x53;
	[tilespmem:v6+s23+$0x0] =	vst.idx.add.f32.msk vm0, v1  }
0x623: {  	[tilespmem:v5+s23+$0x0] =	vst.idx.add.f32.msk $0xffff, v1;
	v5 =	vadd.s32 s20, v8  }
0x624: {  	v6 =	vadd.s32 s29, v43;
	v44 =	vld [tilespmem:s22+$0x14000]  }
0x625: {  	v8 =	vld [tilespmem:s2+$0xC060];
	v7 =	vadd.s32 s11, v7  }
0x626: {  	s16 =	simm.s32 $0x2;
	s19 =	simm.s32 $0x2;
	[tilespmem:v4+s23+$0x0] =	vst.idx.add.f32.msk $0xffff, v1  }
0x627: {  	s24 =	sand.u32 $0x3, s16;
	v4 =	vld [tilespmem:s18+$0xC070];
	[dreg:$0x10] =	wrdreg s19  }
0x628: {  	s1 =	sshll.u32 s24, $0x8;
	[tilespmem:v5+s23+$0x0] =	vst.idx.add.f32.msk $0xffff, v1  }
0x629: {  	s1 =	sadd.s32 $0x400, s1;
	[tilespmem:v6+s23+$0x0] =	vst.idx.add.f32.msk $0xffff, v1  }
0x62a: {  	s9 =	sadd.s32 $0x100, s1;
	v5 =	vadd.s32 s8, v8;
	[tilespmem:v7+s23+$0x0] =	vst.idx.add.f32.msk $0xffff, v1  }
0x62b: {  	s25 =	sor.u32 $0x400, s9;
	v7 =	vld [tilespmem:s0+$0xC070]  }
0x62c: {  	v4 =	vadd.s32 s7, v4;
	[dreg:$0x13] =	wrdreg s25  }
0x62d: {  	p0 =	por !p0, !p0;
	s24 =	simm.s32 $0xB3;
	s1 =	simm.s32 $0x1;
	v6 =	vld [tilespmem:s25+$0xC000]  }
0x62e: {  	s1 =	simm.s32 @!p0 $0x0;
	v8 =	vadd.s32 s24, v44;
	v45 =	vld [tilespmem:s17+$0x14010]  }
0x62f: {  	s1 =	sshll.u32 s1, $0x9;
	[tilespmem:v5+s23+$0x0] =	vst.idx.add.f32.msk $0xffff, v1  }
0x630: {  	s26 =	simm.s32 $0x4;
	s4 =	sadd.s32 $0x400, s1;
	v5 =	vld [tilespmem:s2+$0xC070];
	v7 =	vadd.s32 s11, v7  }
0x631: {  	s1 =	sand.u32 $0x7, s26;
	s12 =	sor.u32 $0x400, s4;
	[tilespmem:v4+s23+$0x0] =	vst.idx.add.f32.msk $0xffff, v1  }
0x632: {  	s1 =	sshll.u32 s1, $0x7;
	v4 =	vld [tilespmem:s12+$0xC000];
	v6 =	vadd.s32 s29, v6  }
0x633: {  	s1 =	sadd.s32 $0x400, s1;
	[tilespmem:v8+s23+$0x0] =	vst.idx.add.f32.msk $0xffff, v1  }
0x634: {  	s3 =	sadd.s32 $0x80, s1;
	v8 =	vld [tilespmem:s22+$0x14010]  }
0x635: {  	s6 =	sor.u32 $0x400, s3;
	v5 =	vadd.s32 s8, v5;
	[tilespmem:v7+s23+$0x0] =	vst.idx.add.f32.msk $0xffff, v1  }
0x636: {  	v7 =	vld [tilespmem:s6+$0xC000]  }
0x637: {  	s10 =	sor.u32 $0x410, s9;
	v4 =	vadd.s32 s7, v4;
	[tilespmem:v6+s23+$0x0] =	vst.idx.add.f32.msk $0xffff, v1  }
0x638: {  	v6 =	vadd.s32 s20, v45;
	v46 =	vld [tilespmem:s10+$0xC000]  }
0x639: {  	s1 =	sadd.s32 $0x180, s1  }
0x63a: {  	s14 =	sor.u32 $0x400, s1;
	v8 =	vadd.s32 s24, v8;
	[tilespmem:v5+s23+$0x0] =	vst.idx.add.f32.msk $0xffff, v1  }
0x63b: {  	v5 =	vld [tilespmem:s14+$0xC000]  }
0x63c: {  	v7 =	vadd.s32 s11, v7;
	[tilespmem:v4+s23+$0x0] =	vst.idx.add.f32.msk $0xffff, v1  }
0x63d: {  	s5 =	sor.u32 $0x410, s4;
	[tilespmem:v6+s23+$0x0] =	vst.idx.add.f32.msk $0xffff, v1;
	v6 =	vadd.s32 s29, v46  }
0x63e: {  	v4 =	vld [tilespmem:s5+$0xC000]  }
0x63f: {  	[tilespmem:v8+s23+$0x0] =	vst.idx.add.f32.msk $0xffff, v1  }
0x640: {  	v8 =	vld [tilespmem:s17+$0x14020];
	v5 =	vadd.s32 s8, v5  }
0x641: {  	[tilespmem:v7+s23+$0x0] =	vst.idx.add.f32.msk $0xffff, v1  }
0x642: {  	s31 =	sor.u32 $0x420, s9;
	s13 =	sor.u32 $0x410, s3;
	[tilespmem:v6+s23+$0x0] =	vst.idx.add.f32.msk $0xffff, v1  }
0x643: {  	v7 =	vld [tilespmem:s13+$0xC000];
	v4 =	vadd.s32 s7, v4;
	[dreg:$0x14] =	wrdreg s31  }
0x644: {  	v6 =	vld [tilespmem:s31+$0xC000]  }
0x645: {  	s16 =	sor.u32 $0x410, s1;
	[tilespmem:v5+s23+$0x0] =	vst.idx.add.f32.msk $0xffff, v1  }
0x646: {  	v8 =	vadd.s32 s20, v8;
	[dreg:$0x6] =	wrdreg s16  }
0x647: {  	v5 =	vld [tilespmem:s16+$0xC000]  }
0x648: {  	s26 =	sor.u32 $0x420, s4;
	v7 =	vadd.s32 s11, v7;
	[tilespmem:v4+s23+$0x0] =	vst.idx.add.f32.msk $0xffff, v1  }
0x649: {  	v4 =	vld [tilespmem:s26+$0xC000]  }
0x64a: {  	v47 =	vld [tilespmem:s22+$0x14020];
	v6 =	vadd.s32 s29, v6  }
0x64b: {  	[tilespmem:v8+s23+$0x0] =	vst.idx.add.f32.msk $0xffff, v1  }
0x64c: {  	v8 =	vld [tilespmem:s17+$0x14030];
	v5 =	vadd.s32 s8, v5  }
0x64d: {  	s28 =	sor.u32 $0x420, s3;
	[tilespmem:v7+s23+$0x0] =	vst.idx.add.f32.msk $0xffff, v1  }
0x64e: {  	v7 =	vld [tilespmem:s28+$0xC000];
	v4 =	vadd.s32 s7, v4  }
0x64f: {  	s15 =	sor.u32 $0x430, s9;
	[tilespmem:v6+s23+$0x0] =	vst.idx.add.f32.msk $0xffff, v1;
	v6 =	vadd.s32 s24, v47  }
0x650: {  	v48 =	vld [tilespmem:s15+$0xC000]  }
0x651: {  	s25 =	sor.u32 $0x420, s1;
	[tilespmem:v5+s23+$0x0] =	vst.idx.add.f32.msk $0xffff, v1  }
0x652: {  	v5 =	vadd.s32 s20, v8;
	v8 =	vld [tilespmem:s25+$0xC000]  }
0x653: {  	v7 =	vadd.s32 s11, v7;
	[tilespmem:v4+s23+$0x0] =	vst.idx.add.f32.msk $0xffff, v1  }
0x654: {  	s31 =	sor.u32 $0x430, s4;
	[tilespmem:v6+s23+$0x0] =	vst.idx.add.f32.msk $0xffff, v1  }
0x655: {  	v4 =	vld [tilespmem:s31+$0xC000]  }
0x656: {  	v6 =	vadd.s32 s29, v48;
	v49 =	vld [tilespmem:s22+$0x14030]  }
0x657: {  	[tilespmem:v5+s23+$0x0] =	vst.idx.add.f32.msk $0xffff, v1  }
0x658: {  	s19 =	sor.u32 $0x430, s3;
	[tilespmem:v7+s23+$0x0] =	vst.idx.add.f32.msk $0xffff, v1;
	v5 =	vadd.s32 s8, v8  }
0x659: {  	[smem:$0x7BF] =	sst s19  }
0x65a: {  	v7 =	vld [tilespmem:s19+$0xC000];
	v4 =	vadd.s32 s7, v4  }
0x65b: {  	s16 =	sor.u32 $0x438, s9;
	[tilespmem:v6+s23+$0x0] =	vst.idx.add.f32.msk $0xffff, v1  }
0x65c: {  	v6 =	vadd.s32 s24, v49;
	v8 =	vld [tilespmem:s16+$0xC000]  }
0x65d: {  	s19 =	sor.u32 $0x430, s1;
	[tilespmem:v5+s23+$0x0] =	vst.idx.add.f32.msk $0xffff, v1  }
0x65e: {  	v5 =	vld [tilespmem:s19+$0xC000]  }
0x65f: {  	s9 =	smov.u32 s6;
	s6 =	sor.u32 $0x438, s4;
	v7 =	vadd.s32 s11, v7;
	[tilespmem:v4+s23+$0x0] =	vst.idx.add.f32.msk $0xffff, v1  }
0x660: {  	v4 =	vld [tilespmem:s6+$0xC000]  }
0x661: {  	[tilespmem:v6+s23+$0x0] =	vst.idx.add.f32.msk $0xffff, v1;
	v8 =	vadd.s32 s29, v8  }
0x662: {  	v6 =	vld [tilespmem:s17+$0x14040]  }
0x663: {  	v50 =	vld [tilespmem:s22+$0x14040];
	v5 =	vadd.s32 s8, v5  }
0x664: {  	s3 =	sor.u32 $0x438, s3;
	[tilespmem:v7+s23+$0x0] =	vst.idx.add.f32.msk $0xffff, v1  }
0x665: {  	v4 =	vadd.s32 s7, v4;
	v7 =	vld [tilespmem:s3+$0xC000]  }
0x666: {  	[tilespmem:v8+s23+$0x0] =	vst.idx.add.f32.msk vm0, v1  }
0x667: {  	v6 =	vadd.s32 s20, v6;
	v8 =	vld [tilespmem:s30+$0x10000]  }
0x668: {  	s7 =	smov.u32 s12;
	s12 =	sor.u32 $0x438, s1;
	v9 =	vadd.s32 s24, v50;
	[tilespmem:v5+s23+$0x0] =	vst.idx.add.f32.msk $0xffff, v1  }
0x669: {  	v5 =	vld [tilespmem:s12+$0xC000]  }
0x66a: {  	v7 =	vadd.s32 s11, v7;
	[tilespmem:v4+s23+$0x0] =	vst.idx.add.f32.msk vm0, v1  }
0x66b: {  	s1 =	simm.s32 $0x134;
	v4 =	vld [tilespmem:s18+$0x10000]  }
0x66c: {  	[tilespmem:v6+s23+$0x0] =	vst.idx.add.f32.msk $0xffff, v1;
	v6 =	vadd.s32 s1, v8  }
0x66d: {  	[tilespmem:v9+s23+$0x0] =	vst.idx.add.f32.msk $0xffff, v1  }
0x66e: {  	v8 =	vld [tilespmem:s17+$0x14050];
	v5 =	vadd.s32 s8, v5  }
0x66f: {  	s11 =	smov.u32 s3;
	s3 =	simm.s32 $0xD4;
	[tilespmem:v7+s23+$0x0] =	vst.idx.add.f32.msk vm0, v1  }
0x670: {  	v7 =	vld [tilespmem:s0+$0x10000];
	v4 =	vadd.s32 s3, v4  }
0x671: {  	[tilespmem:v6+s23+$0x0] =	vst.idx.add.f32.msk $0xffff, v1  }
0x672: {  	v6 =	vld [tilespmem:s30+$0x10010]  }
0x673: {  	v8 =	vadd.s32 s20, v8;
	[tilespmem:v5+s23+$0x0] =	vst.idx.add.f32.msk vm0, v1  }
0x674: {  	s29 =	simm.s32 $0x104;
	v5 =	vld [tilespmem:s2+$0x10000]  }
0x675: {  	v7 =	vadd.s32 s29, v7;
	[tilespmem:v4+s23+$0x0] =	vst.idx.add.f32.msk $0xffff, v1  }
0x676: {  	v4 =	vld [tilespmem:s18+$0x10010]  }
0x677: {  	v9 =	vld [tilespmem:s22+$0x14050];
	v6 =	vadd.s32 s1, v6  }
0x678: {  	s4 =	simm.s32 $0x164;
	[tilespmem:v8+s23+$0x0] =	vst.idx.add.f32.msk $0xffff, v1  }
0x679: {  	v8 =	vld [tilespmem:s17+$0x14060];
	v5 =	vadd.s32 s4, v5  }
0x67a: {  	[tilespmem:v7+s23+$0x0] =	vst.idx.add.f32.msk $0xffff, v1  }
0x67b: {  	v7 =	vld [tilespmem:s0+$0x10010];
	v4 =	vadd.s32 s3, v4  }
0x67c: {  	[tilespmem:v6+s23+$0x0] =	vst.idx.add.f32.msk $0xffff, v1  }
0x67d: {  	v6 =	vadd.s32 s24, v9;
	v51 =	vld [tilespmem:s30+$0x10020]  }
0x67e: {  	[tilespmem:v5+s23+$0x0] =	vst.idx.add.f32.msk $0xffff, v1  }
0x67f: {  	v5 =	vadd.s32 s20, v8;
	v8 =	vld [tilespmem:s2+$0x10010]  }
0x680: {  	v7 =	vadd.s32 s29, v7;
	[tilespmem:v4+s23+$0x0] =	vst.idx.add.f32.msk $0xffff, v1  }
0x681: {  	v4 =	vld [tilespmem:s18+$0x10020]  }
0x682: {  	[tilespmem:v6+s23+$0x0] =	vst.idx.add.f32.msk $0xffff, v1;
	v6 =	vadd.s32 s1, v51  }
0x683: {  	v52 =	vld [tilespmem:s22+$0x14060]  }
0x684: {  	[tilespmem:v5+s23+$0x0] =	vst.idx.add.f32.msk $0xffff, v1;
	v8 =	vadd.s32 s4, v8  }
0x685: {  	[tilespmem:v7+s23+$0x0] =	vst.idx.add.f32.msk $0xffff, v1  }
0x686: {  	v5 =	vld [tilespmem:s0+$0x10020];
	v4 =	vadd.s32 s3, v4  }
0x687: {  	s8 =	simm.s32 $0x23;
	[tilespmem:v6+s23+$0x0] =	vst.idx.add.f32.msk $0xffff, v1  }
0x688: {  	v3 =	vadd.s32 s8, v3;
	v6 =	vld [tilespmem:s30+$0x10030]  }
0x689: {  	[tilespmem:v8+s23+$0x0] =	vst.idx.add.f32.msk $0xffff, v1  }
0x68a: {  	v7 =	vadd.s32 s24, v52;
	v8 =	vld [tilespmem:s2+$0x10020]  }
0x68b: {  	v5 =	vadd.s32 s29, v5;
	[tilespmem:v4+s23+$0x0] =	vst.idx.add.f32.msk $0xffff, v1  }
0x68c: {  	v4 =	vld [tilespmem:s18+$0x10030]  }
0x68d: {  	[tilespmem:v3+s23+$0x0] =	vst.idx.add.f32.msk $0xffff, v1;
	v6 =	vadd.s32 s1, v6  }
0x68e: {  	v53 =	vld [tilespmem:s17+$0x14070]  }
0x68f: {  	[tilespmem:v7+s23+$0x0] =	vst.idx.add.f32.msk $0xffff, v1;
	v8 =	vadd.s32 s4, v8  }
0x690: {  	[tilespmem:v5+s23+$0x0] =	vst.idx.add.f32.msk $0xffff, v1  }
0x691: {  	v5 =	vld [tilespmem:s0+$0x10030];
	v4 =	vadd.s32 s3, v4  }
0x692: {  	[tilespmem:v6+s23+$0x0] =	vst.idx.add.f32.msk $0xffff, v1  }
0x693: {  	v6 =	vld [tilespmem:s30+$0x10040]  }
0x694: {  	[tilespmem:v8+s23+$0x0] =	vst.idx.add.f32.msk $0xffff, v1  }
0x695: {  	v54 =	vld [tilespmem:s2+$0x10030]  }
0x696: {  	v8 =	vadd.s32 s20, v53;
	[tilespmem:v4+s23+$0x0] =	vst.idx.add.f32.msk $0xffff, v1  }
0x697: {  	s17 =	smov.u32 s14;
	s14 =	smov.u32 s10;
	v5 =	vadd.s32 s29, v5;
	s10 =	sld [smem:$0x7B6]  }
0x698: {  	v4 =	vld [tilespmem:s18+$0x10040]  }
0x699: {  	v7 =	vld [tilespmem:s22+$0x14070];
	v6 =	vadd.s32 s1, v6  }
0x69a: {  	v3 =	vld [tilespmem:s10+$0x14000]  }
0x69b: {  	[tilespmem:v8+s23+$0x0] =	vst.idx.add.f32.msk $0xffff, v1;
	v9 =	vadd.s32 s4, v54  }
0x69c: {  	[tilespmem:v5+s23+$0x0] =	vst.idx.add.f32.msk $0xffff, v1  }
0x69d: {  	v5 =	vld [tilespmem:s0+$0x10040];
	v4 =	vadd.s32 s3, v4  }
0x69e: {  	[tilespmem:v6+s23+$0x0] =	vst.idx.add.f32.msk $0xffff, v1  }
0x69f: {  	v6 =	vld [tilespmem:s30+$0x10050]  }
0x6a0: {  	v7 =	vadd.s32 s24, v7;
	[tilespmem:v9+s23+$0x0] =	vst.idx.add.f32.msk $0xffff, v1  }
0x6a1: {  	v8 =	vld [tilespmem:s2+$0x10040]  }
0x6a2: {  	v5 =	vadd.s32 s29, v5;
	[tilespmem:v4+s23+$0x0] =	vst.idx.add.f32.msk $0xffff, v1  }
0x6a3: {  	v4 =	vld [tilespmem:s18+$0x10050];
	s10 =	sld [smem:$0x7B7]  }
0x6a4: {  	v6 =	vadd.s32 s1, v6  }
0x6a5: {  	[tilespmem:v7+s23+$0x0] =	vst.idx.add.f32.msk $0xffff, v1  }
0x6a6: {  	v55 =	vld [tilespmem:s10+$0x14000];
	v8 =	vadd.s32 s4, v8  }
0x6a7: {  	s10 =	sld [smem:$0x7B8];
	[tilespmem:v5+s23+$0x0] =	vst.idx.add.f32.msk $0xffff, v1  }
0x6a8: {  	v5 =	vld [tilespmem:s0+$0x10050];
	v4 =	vadd.s32 s3, v4  }
0x6a9: {  	[tilespmem:v6+s23+$0x0] =	vst.idx.add.f32.msk $0xffff, v1  }
0x6aa: {  	v3 =	vadd.s32 s8, v3;
	v6 =	vld [tilespmem:s30+$0x10060]  }
0x6ab: {  	[tilespmem:v8+s23+$0x0] =	vst.idx.add.f32.msk $0xffff, v1  }
0x6ac: {  	v8 =	vadd.s32 s20, v55;
	v56 =	vld [tilespmem:s2+$0x10050]  }
0x6ad: {  	v5 =	vadd.s32 s29, v5;
	[tilespmem:v4+s23+$0x0] =	vst.idx.add.f32.msk $0xffff, v1  }
0x6ae: {  	v4 =	vld [tilespmem:s18+$0x10060]  }
0x6af: {  	[tilespmem:v3+s23+$0x0] =	vst.idx.add.f32.msk $0xffff, v1;
	v6 =	vadd.s32 s1, v6  }
0x6b0: {  	v7 =	vld [tilespmem:s10+$0x14000]  }
0x6b1: {  	s8 =	sld [smem:$0x7B9];
	[tilespmem:v8+s23+$0x0] =	vst.idx.add.f32.msk $0xffff, v1;
	v9 =	vadd.s32 s4, v56  }
0x6b2: {  	[tilespmem:v5+s23+$0x0] =	vst.idx.add.f32.msk $0xffff, v1  }
0x6b3: {  	v5 =	vld [tilespmem:s0+$0x10060];
	v4 =	vadd.s32 s3, v4  }
0x6b4: {  	[tilespmem:v6+s23+$0x0] =	vst.idx.add.f32.msk $0xffff, v1  }
0x6b5: {  	v6 =	vld [tilespmem:s30+$0x10070]  }
0x6b6: {  	v7 =	vadd.s32 s24, v7;
	[tilespmem:v9+s23+$0x0] =	vst.idx.add.f32.msk $0xffff, v1  }
0x6b7: {  	v8 =	vld [tilespmem:s2+$0x10060]  }
0x6b8: {  	v5 =	vadd.s32 s29, v5;
	[tilespmem:v4+s23+$0x0] =	vst.idx.add.f32.msk $0xffff, v1  }
0x6b9: {  	v3 =	vld [tilespmem:s8+$0x14000];
	s8 =	sld [smem:$0x7BA]  }
0x6ba: {  	v4 =	vld [tilespmem:s18+$0x10070];
	v6 =	vadd.s32 s1, v6  }
0x6bb: {  	[tilespmem:v7+s23+$0x0] =	vst.idx.add.f32.msk $0xffff, v1  }
0x6bc: {  	v57 =	vld [tilespmem:s8+$0x14000]  }
0x6bd: {  	s8 =	sld [smem:$0x7BB];
	v8 =	vadd.s32 s4, v8;
	[tilespmem:v5+s23+$0x0] =	vst.idx.add.f32.msk $0xffff, v1  }
0x6be: {  	v5 =	vld [tilespmem:s0+$0x10070]  }
0x6bf: {  	v4 =	vadd.s32 s3, v4;
	[tilespmem:v6+s23+$0x0] =	vst.idx.add.f32.msk $0xffff, v1  }
0x6c0: {  	v7 =	vld [tilespmem:s8+$0x14000];
	s8 =	rddreg [dreg:$0x13]  }
0x6c1: {  	s10 =	simm.s32 $0x23;
	v6 =	vld [tilespmem:s8+$0x10000]  }
0x6c2: {  	v3 =	vadd.s32 s10, v3;
	[tilespmem:v8+s23+$0x0] =	vst.idx.add.f32.msk $0xffff, v1  }
0x6c3: {  	v8 =	vadd.s32 s20, v57;
	v58 =	vld [tilespmem:s2+$0x10070]  }
0x6c4: {  	v5 =	vadd.s32 s29, v5;
	[tilespmem:v4+s23+$0x0] =	vst.idx.add.f32.msk $0xffff, v1  }
0x6c5: {  	v4 =	vld [tilespmem:s7+$0x10000]  }
0x6c6: {  	v6 =	vadd.s32 s1, v6  }
0x6c7: {  	[tilespmem:v3+s23+$0x0] =	vst.idx.add.f32.msk $0xffff, v1  }
0x6c8: {  	s8 =	sld [smem:$0x7BC];
	[tilespmem:v8+s23+$0x0] =	vst.idx.add.f32.msk $0xffff, v1;
	v9 =	vadd.s32 s4, v58  }
0x6c9: {  	[tilespmem:v5+s23+$0x0] =	vst.idx.add.f32.msk $0xffff, v1  }
0x6ca: {  	v5 =	vld [tilespmem:s9+$0x10000];
	v4 =	vadd.s32 s3, v4  }
0x6cb: {  	[tilespmem:v6+s23+$0x0] =	vst.idx.add.f32.msk $0xffff, v1  }
0x6cc: {  	v6 =	vld [tilespmem:s14+$0x10000]  }
0x6cd: {  	[tilespmem:v9+s23+$0x0] =	vst.idx.add.f32.msk $0xffff, v1  }
0x6ce: {  	v7 =	vadd.s32 s24, v7;
	v8 =	vld [tilespmem:s17+$0x10000]  }
0x6cf: {  	[tilespmem:v4+s23+$0x0] =	vst.idx.add.f32.msk $0xffff, v1  }
0x6d0: {  	v5 =	vadd.s32 s29, v5;
	v4 =	vld [tilespmem:s5+$0x10000]  }
0x6d1: {  	v3 =	vld [tilespmem:s8+$0x14000];
	s8 =	sld [smem:$0x7BD];
	v6 =	vadd.s32 s1, v6;
	_ =	sdelay $0x1  }
0x6d2: {  	[tilespmem:v7+s23+$0x0] =	vst.idx.add.f32.msk $0xffff, v1  }
0x6d3: {  	v59 =	vld [tilespmem:s8+$0x14000];
	v8 =	vadd.s32 s4, v8  }
0x6d4: {  	s8 =	sld [smem:$0x7BE];
	[tilespmem:v5+s23+$0x0] =	vst.idx.add.f32.msk $0xffff, v1;
	v4 =	vadd.s32 s3, v4  }
0x6d5: {  	[tilespmem:v6+s23+$0x0] =	vst.idx.add.f32.msk $0xffff, v1  }
0x6d6: {  	s22 =	smov.u32 s13;
	v5 =	vld [tilespmem:s13+$0x10000];
	s13 =	rddreg [dreg:$0x14]  }
0x6d7: {  	v6 =	vld [tilespmem:s13+$0x10000]  }
0x6d8: {  	v3 =	vadd.s32 s10, v3;
	[tilespmem:v8+s23+$0x0] =	vst.idx.add.f32.msk $0xffff, v1  }
0x6d9: {  	s13 =	rddreg [dreg:$0x6];
	[tilespmem:v4+s23+$0x0] =	vst.idx.add.f32.msk $0xffff, v1  }
0x6da: {  	v8 =	vadd.s32 s20, v59;
	v60 =	vld [tilespmem:s13+$0x10000]  }
0x6db: {  	v7 =	vld [tilespmem:s8+$0x14000];
	v5 =	vadd.s32 s29, v5;
	[dreg:$0x4] =	wrdreg s26  }
0x6dc: {  	v4 =	vld [tilespmem:s26+$0x10000]  }
0x6dd: {  	s26 =	sld [smem:$0x7BF];
	[tilespmem:v3+s23+$0x0] =	vst.idx.add.f32.msk $0xffff, v1;
	v6 =	vadd.s32 s1, v6  }
0x6de: {  	s13 =	sld [smem:$0x7C0]  }
0x6df: {  	[tilespmem:v8+s23+$0x0] =	vst.idx.add.f32.msk $0xffff, v1;
	v9 =	vadd.s32 s4, v60  }
0x6e0: {  	[tilespmem:v5+s23+$0x0] =	vst.idx.add.f32.msk $0xffff, v1  }
0x6e1: {  	v3 =	vld [tilespmem:s13+$0x14000];
	[dreg:$0x8] =	wrdreg s28  }
0x6e2: {  	v4 =	vadd.s32 s3, v4;
	[tilespmem:v6+s23+$0x0] =	vst.idx.add.f32.msk $0xffff, v1  }
0x6e3: {  	v5 =	vld [tilespmem:s28+$0x10000];
	[smem:$0x7C1] =	sst s15  }
0x6e4: {  	[tilespmem:v9+s23+$0x0] =	vst.idx.add.f32.msk $0xffff, v1  }
0x6e5: {  	v6 =	vld [tilespmem:s15+$0x10000];
	[dreg:$0xc] =	wrdreg s25  }
0x6e6: {  	v7 =	vadd.s32 s24, v7;
	v8 =	vld [tilespmem:s25+$0x10000]  }
0x6e7: {  	[tilespmem:v4+s23+$0x0] =	vst.idx.add.f32.msk $0xffff, v1  }
0x6e8: {  	v5 =	vadd.s32 s29, v5;
	[dreg:$0xa] =	wrdreg s31  }
0x6e9: {  	s13 =	sld [smem:$0x7C2]  }
0x6ea: {  	v4 =	vld [tilespmem:s31+$0x10000];
	v6 =	vadd.s32 s1, v6  }
0x6eb: {  	[tilespmem:v7+s23+$0x0] =	vst.idx.add.f32.msk $0xffff, v1  }
0x6ec: {  	v61 =	vld [tilespmem:s13+$0x14000];
	v8 =	vadd.s32 s4, v8  }
0x6ed: {  	s15 =	sld [smem:$0x7C3];
	[tilespmem:v5+s23+$0x0] =	vst.idx.add.f32.msk $0xffff, v1  }
0x6ee: {  	v5 =	vld [tilespmem:s26+$0x10000]  }
0x6ef: {  	v4 =	vadd.s32 s3, v4;
	[tilespmem:v6+s23+$0x0] =	vst.idx.add.f32.msk $0xffff, v1  }
0x6f0: {  	v3 =	vadd.s32 s10, v3;
	v7 =	vld [tilespmem:s15+$0x14000];
	[dreg:$0x19] =	wrdreg s16  }
0x6f1: {  	[tilespmem:v8+s23+$0x0] =	vst.idx.add.f32.msk $0xffff, v1  }
0x6f2: {  	v6 =	vld [tilespmem:s16+$0x10000];
	v8 =	vadd.s32 s20, v61;
	[dreg:$0xe] =	wrdreg s19  }
0x6f3: {  	v5 =	vadd.s32 s29, v5;
	v62 =	vld [tilespmem:s19+$0x10000]  }
0x6f4: {  	[tilespmem:v4+s23+$0x0] =	vst.idx.add.f32.msk $0xffff, v1  }
0x6f5: {  	[tilespmem:v3+s23+$0x0] =	vst.idx.add.f32.msk $0xffff, v1  }
0x6f6: {  	v4 =	vld [tilespmem:s6+$0x10000]  }
0x6f7: {  	s16 =	sld [smem:$0x7C4];
	[tilespmem:v8+s23+$0x0] =	vst.idx.add.f32.msk $0xffff, v1  }
0x6f8: {  	v3 =	vadd.s32 s1, v6;
	[tilespmem:v5+s23+$0x0] =	vst.idx.add.f32.msk $0xffff, v1  }
0x6f9: {  	s19 =	sld [smem:$0x7C5]  }
0x6fa: {  	v6 =	vld [tilespmem:s16+$0x14000];
	v8 =	vadd.s32 s4, v62  }
0x6fb: {  	v5 =	vld [tilespmem:s11+$0x10000]  }
0x6fc: {  	v4 =	vadd.s32 s3, v4;
	v63 =	vld [tilespmem:s19+$0x14000]  }
0x6fd: {  	[tilespmem:v3+s23+$0x0] =	vst.idx.add.f32.msk vm0, v1  }
0x6fe: {  	s25 =	simm.s32 $0x83;
	v3 =	vadd.s32 s24, v7;
	v7 =	vld [tilespmem:s30+$0x14000]  }
0x6ff: {  	v2 =	vadd.s32 s25, v2;
	[tilespmem:v8+s23+$0x0] =	vst.idx.add.f32.msk $0xffff, v1  }
0x700: {  	v5 =	vadd.s32 s29, v5;
	v8 =	vld [tilespmem:s12+$0x10000]  }
0x701: {  	[tilespmem:v4+s23+$0x0] =	vst.idx.add.f32.msk vm0, v1  }
0x702: {  	v4 =	vld [tilespmem:s18+$0x14000]  }
0x703: {  	s8 =	simm.s32 $0x143;
	[tilespmem:v3+s23+$0x0] =	vst.idx.add.f32.msk $0xffff, v1;
	v9 =	vadd.s32 s20, v63  }
0x704: {  	v3 =	vadd.s32 s8, v7;
	s31 =	sld [smem:$0x7C6];
	[tilespmem:v2+s23+$0x0] =	vst.idx.add.f32.msk vm0, v1  }
0x705: {  	[tilespmem:v5+s23+$0x0] =	vst.idx.add.f32.msk vm0, v1  }
0x706: {  	v5 =	vld [tilespmem:s0+$0x14000];
	v8 =	vadd.s32 s4, v8  }
0x707: {  	s28 =	simm.s32 $0xE3;
	v7 =	vld [tilespmem:s31+$0x14000]  }
0x708: {  	v2 =	vadd.s32 s28, v4;
	[tilespmem:v9+s23+$0x0] =	vst.idx.add.f32.msk vm0, v1  }
0x709: {  	[tilespmem:v3+s23+$0x0] =	vst.idx.add.f32.msk $0xffff, v1  }
0x70a: {  	s29 =	simm.s32 $0x113;
	v3 =	vadd.s32 s10, v6;
	v6 =	vld [tilespmem:s30+$0x14010]  }
0x70b: {  	v5 =	vadd.s32 s29, v5;
	[tilespmem:v8+s23+$0x0] =	vst.idx.add.f32.msk vm0, v1  }
0x70c: {  	v8 =	vld [tilespmem:s2+$0x14000]  }
0x70d: {  	[tilespmem:v2+s23+$0x0] =	vst.idx.add.f32.msk $0xffff, v1  }
0x70e: {  	v4 =	vld [tilespmem:s18+$0x14010]  }
0x70f: {  	[tilespmem:v3+s23+$0x0] =	vst.idx.add.f32.msk vm0, v1  }
0x710: {  	p0 =	por !p0, !p0;
	s25 =	simm.s32 $0x173;
	[tilespmem:v5+s23+$0x0] =	vst.idx.add.f32.msk $0xffff, v1  }
0x711: {  	s1 =	simm.s32 $0x173;
	s16 =	simm.s32 $0x4;
	s3 =	simm.s32 $0x8;
	v2 =	vadd.s32 s24, v7;
	v5 =	vadd.s32 s8, v6;
	v3 =	vld [tilespmem:s0+$0x14010];
	v6 =	vadd.s32 s25, v8  }
.LBB2_9:
0x712: {  	[smem:$0x7A5] =	sst s17  }
0x713: {  	[smem:$0x7A3] =	sst s9  }
0x714: {  	[smem:$0x7A8] =	sst s22  }
0x715: {  	[smem:$0x7BF] =	sst s26  }
0x716: {  	s4 =	simm.s32 $0x1;
	[tilespmem:v5+s23+$0x0] =	vst.idx.add.f32.msk $0xffff, v1;
	s13 =	rddreg [dreg:$0x1a]  }
0x717: {  	[tilespmem:v6+s23+$0x0] =	vst.idx.add.f32.msk $0xffff, v1;
	s15 =	rddreg [dreg:$0x16];
	s4 =	simm.s32 @!p0 $0x0  }
0x718: {  	s13 =	sadd.s32 $0x200, s13;
	s15 =	sadd.s32 $0x400, s15;
	v6 =	vld [tilespmem:s2+$0x14010];
	s17 =	sshll.u32 s4, $0x9  }
0x719: {  	v5 =	vld [tilespmem:s30+$0x14020];
	s19 =	sadd.s32 $0xFFFFFF80, s13;
	s20 =	sand.u32 $0x3800, s15;
	s22 =	sadd.s32 $0xFFFFFE80, s13;
	v4 =	vadd.s32 s28, v4  }
0x71a: {  	s24 =	sadd.s32 $0xFFFFFF00, s13;
	s10 =	sand.u32 $0x380, s13;
	s4 =	sand.u32 $0x300, s19  }
0x71b: {  	[tilespmem:v2+s23+$0x0] =	vst.idx.add.f32.msk vm0, v1;
	s26 =	sand.u32 $0x200, s22;
	s31 =	sand.u32 $0x280, s24;
	s9 =	sor.u32 s20, s4  }
0x71c: {  	v3 =	vadd.s32 s29, v3;
	s4 =	sor.u32 s26, s20;
	s22 =	sor.u32 s20, s31;
	s20 =	sor.u32 s20, s10;
	v2 =	vld [tilespmem:s9+$0xC000]  }
0x71d: {  	v8 =	vld [tilespmem:s20+$0xC000];
	v6 =	vadd.s32 s25, v6  }
0x71e: {  	[tilespmem:v4+s23+$0x0] =	vst.idx.add.f32.msk $0xffff, v1;
	v4 =	vadd.s32 s8, v5  }
0x71f: {  	s1 =	sadd.s32 $0xC0, s1;
	v5 =	vld [tilespmem:s4+$0xC000]  }
0x720: {  	[smem:$0x7A1] =	sst s7;
	s7 =	sadd.s32 $0xFFFFFFAD, s1;
	v7 =	vld [tilespmem:s22+$0xC000]  }
0x721: {  	[tilespmem:v3+s23+$0x0] =	vst.idx.add.f32.msk $0xffff, v1;
	v2 =	vadd.s32 s7, v2  }
0x722: {  	s24 =	sadd.s32 $0xFFFFFFDD, s1;
	[tilespmem:v6+s23+$0x0] =	vst.idx.add.f32.msk $0xffff, v1  }
0x723: {  	[dreg:$0x1c] =	wrdreg s6;
	s6 =	sadd.s32 $0xFFFFFF4D, s1;
	v6 =	vadd.s32 s24, v8;
	[tilespmem:v4+s23+$0x0] =	vst.idx.add.f32.msk $0xffff, v1  }
0x724: {  	[dreg:$0x1e] =	wrdreg s11;
	s11 =	sadd.s32 s17, s15;
	s17 =	sadd.s32 $0xFFFFFF7D, s1;
	v3 =	vadd.s32 s6, v5;
	v4 =	vld [tilespmem:s30+$0x14030]  }
0x725: {  	v5 =	vadd.s32 s17, v7;
	v7 =	vld [tilespmem:s18+$0x14020]  }
0x726: {  	[tilespmem:v2+s23+$0x0] =	vst.idx.add.f32.msk $0xffff, v1  }
0x727: {  	v2 =	vld [tilespmem:s9+$0xC010]  }
0x728: {  	[tilespmem:v6+s23+$0x0] =	vst.idx.add.f32.msk $0xffff, v1  }
0x729: {  	[tilespmem:v3+s23+$0x0] =	vst.idx.add.f32.msk $0xffff, v1  }
0x72a: {  	[tilespmem:v5+s23+$0x0] =	vst.idx.add.f32.msk $0xffff, v1  }
0x72b: {  	v3 =	vadd.s32 s8, v4;
	v4 =	vadd.s32 s28, v7;
	v7 =	vld [tilespmem:s20+$0xC010]  }
0x72c: {  	v5 =	vld [tilespmem:s4+$0xC010]  }
0x72d: {  	v6 =	vld [tilespmem:s22+$0xC010]  }
0x72e: {  	v9 =	vld [tilespmem:s2+$0x14020];
	v2 =	vadd.s32 s7, v2  }
0x72f: {  	v8 =	vld [tilespmem:s0+$0x14020]  }
0x730: {  	[tilespmem:v3+s23+$0x0] =	vst.idx.add.f32.msk $0xffff, v1;
	v7 =	vadd.s32 s24, v7  }
0x731: {  	[tilespmem:v4+s23+$0x0] =	vst.idx.add.f32.msk $0xffff, v1;
	v5 =	vadd.s32 s6, v5  }
0x732: {  	v3 =	vld [tilespmem:s30+$0x14040];
	v6 =	vadd.s32 s17, v6  }
0x733: {  	[tilespmem:v2+s23+$0x0] =	vst.idx.add.f32.msk $0xffff, v1  }
0x734: {  	v2 =	vld [tilespmem:s9+$0xC020]  }
0x735: {  	[tilespmem:v7+s23+$0x0] =	vst.idx.add.f32.msk $0xffff, v1  }
0x736: {  	[tilespmem:v5+s23+$0x0] =	vst.idx.add.f32.msk $0xffff, v1  }
0x737: {  	v3 =	vadd.s32 s8, v3;
	[tilespmem:v6+s23+$0x0] =	vst.idx.add.f32.msk $0xffff, v1  }
0x738: {  	v5 =	vld [tilespmem:s4+$0xC020]  }
0x739: {  	v4 =	vadd.s32 s29, v8;
	v7 =	vld [tilespmem:s22+$0xC020]  }
0x73a: {  	v2 =	vadd.s32 s7, v2  }
0x73b: {  	v8 =	vld [tilespmem:s20+$0xC020]  }
0x73c: {  	[tilespmem:v3+s23+$0x0] =	vst.idx.add.f32.msk $0xffff, v1;
	v3 =	vadd.s32 s25, v9  }
0x73d: {  	v6 =	vld [tilespmem:s30+$0x14050];
	v5 =	vadd.s32 s6, v5  }
0x73e: {  	[tilespmem:v4+s23+$0x0] =	vst.idx.add.f32.msk $0xffff, v1;
	v4 =	vadd.s32 s17, v7  }
0x73f: {  	[tilespmem:v2+s23+$0x0] =	vst.idx.add.f32.msk $0xffff, v1  }
0x740: {  	v2 =	vld [tilespmem:s9+$0xC030]  }
0x741: {  	[tilespmem:v3+s23+$0x0] =	vst.idx.add.f32.msk $0xffff, v1  }
0x742: {  	v6 =	vadd.s32 s8, v6;
	[tilespmem:v5+s23+$0x0] =	vst.idx.add.f32.msk $0xffff, v1  }
0x743: {  	[tilespmem:v4+s23+$0x0] =	vst.idx.add.f32.msk $0xffff, v1  }
0x744: {  	v3 =	vld [tilespmem:s4+$0xC030]  }
0x745: {  	v5 =	vadd.s32 s24, v8;
	v4 =	vld [tilespmem:s22+$0xC030]  }
0x746: {  	v2 =	vadd.s32 s7, v2  }
0x747: {  	[tilespmem:v6+s23+$0x0] =	vst.idx.add.f32.msk $0xffff, v1  }
0x748: {  	v6 =	vld [tilespmem:s30+$0x14060]  }
0x749: {  	v7 =	vld [tilespmem:s18+$0x14030];
	v3 =	vadd.s32 s6, v3  }
0x74a: {  	[tilespmem:v5+s23+$0x0] =	vst.idx.add.f32.msk $0xffff, v1;
	v4 =	vadd.s32 s17, v4  }
0x74b: {  	[tilespmem:v2+s23+$0x0] =	vst.idx.add.f32.msk $0xffff, v1  }
0x74c: {  	v2 =	vld [tilespmem:s9+$0xC040]  }
0x74d: {  	v5 =	vadd.s32 s8, v6;
	v6 =	vld [tilespmem:s20+$0xC030]  }
0x74e: {  	[tilespmem:v3+s23+$0x0] =	vst.idx.add.f32.msk $0xffff, v1  }
0x74f: {  	[tilespmem:v4+s23+$0x0] =	vst.idx.add.f32.msk $0xffff, v1  }
0x750: {  	v3 =	vld [tilespmem:s4+$0xC040]  }
0x751: {  	v4 =	vadd.s32 s28, v7;
	v2 =	vadd.s32 s7, v2;
	v7 =	vld [tilespmem:s22+$0xC040];
	_ =	sdelay $0x1  }
0x752: {  	[tilespmem:v5+s23+$0x0] =	vst.idx.add.f32.msk $0xffff, v1;
	v5 =	vadd.s32 s24, v6  }
0x753: {  	v6 =	vld [tilespmem:s30+$0x14070]  }
0x754: {  	v8 =	vld [tilespmem:s0+$0x14030];
	v3 =	vadd.s32 s6, v3  }
0x755: {  	s30 =	smov.u32 s9;
	[tilespmem:v2+s23+$0x0] =	vst.idx.add.f32.msk $0xffff, v1;
	v7 =	vadd.s32 s17, v7  }
0x756: {  	v2 =	vld [tilespmem:s30+$0xC050]  }
0x757: {  	[tilespmem:v5+s23+$0x0] =	vst.idx.add.f32.msk $0xffff, v1  }
0x758: {  	v5 =	vadd.s32 s8, v6;
	v6 =	vld [tilespmem:s20+$0xC040]  }
0x759: {  	[tilespmem:v3+s23+$0x0] =	vst.idx.add.f32.msk $0xffff, v1  }
0x75a: {  	[tilespmem:v7+s23+$0x0] =	vst.idx.add.f32.msk $0xffff, v1  }
0x75b: {  	v3 =	vld [tilespmem:s4+$0xC050];
	v2 =	vadd.s32 s7, v2  }
0x75c: {  	v7 =	vadd.s32 s29, v8;
	v8 =	vld [tilespmem:s22+$0xC050]  }
0x75d: {  	s9 =	rddreg [dreg:$0x13];
	[tilespmem:v5+s23+$0x0] =	vst.idx.add.f32.msk $0xffff, v1;
	v5 =	vadd.s32 s24, v6  }
0x75e: {  	v6 =	vld [tilespmem:s9+$0x14000];
	_ =	sdelay $0x1  }
0x75f: {  	v3 =	vadd.s32 s6, v3;
	[tilespmem:v2+s23+$0x0] =	vst.idx.add.f32.msk $0xffff, v1  }
0x760: {  	[smem:$0x7B5] =	sst s3;
	v2 =	vld [tilespmem:s30+$0xC060]  }
0x761: {  	s3 =	sld [smem:$0x7B5];
	v8 =	vadd.s32 s17, v8;
	[tilespmem:v5+s23+$0x0] =	vst.idx.add.f32.msk $0xffff, v1  }
0x762: {  	v5 =	vadd.s32 s8, v6;
	v6 =	vld [tilespmem:s20+$0xC050]  }
0x763: {  	v61 =	vld [tilespmem:s2+$0x14030]  }
0x764: {  	s3 =	sand.u32 $0x7, s3;
	[tilespmem:v3+s23+$0x0] =	vst.idx.add.f32.msk $0xffff, v1  }
0x765: {  	s3 =	sshll.u32 s3, $0x7;
	v3 =	vld [tilespmem:s4+$0xC060]  }
0x766: {  	s3 =	sadd.s32 s15, s3;
	[tilespmem:v8+s23+$0x0] =	vst.idx.add.f32.msk $0xffff, v1;
	v2 =	vadd.s32 s7, v2  }
0x767: {  	[dreg:$0x1a] =	wrdreg s13;
	s13 =	sadd.s32 $0x180, s3;
	[tilespmem:v5+s23+$0x0] =	vst.idx.add.f32.msk $0xffff, v1  }
0x768: {  	[smem:$0x7B4] =	sst s12;
	s12 =	sadd.s32 $0x80, s3;
	s3 =	sor.u32 $0x400, s13;
	v5 =	vadd.s32 s24, v6;
	v6 =	vld [tilespmem:s14+$0x14000]  }
0x769: {  	[smem:$0x79E] =	sst s3;
	s3 =	sor.u32 $0x420, s13;
	v62 =	vld [tilespmem:s22+$0xC060]  }
0x76a: {  	[smem:$0x7AB] =	sst s3;
	s3 =	sor.u32 $0x420, s11;
	[tilespmem:v4+s23+$0x0] =	vst.idx.add.f32.msk $0xffff, v1;
	v3 =	vadd.s32 s6, v3  }
0x76b: {  	[smem:$0x79F] =	sst s3;
	s3 =	sor.u32 $0x430, s12;
	[tilespmem:v2+s23+$0x0] =	vst.idx.add.f32.msk $0xffff, v1  }
0x76c: {  	[smem:$0x7AD] =	sst s3;
	s3 =	sor.u32 $0x430, s13;
	v2 =	vld [tilespmem:s30+$0xC070]  }
0x76d: {  	[smem:$0x7AE] =	sst s3;
	s3 =	sor.u32 $0x430, s11;
	[tilespmem:v5+s23+$0x0] =	vst.idx.add.f32.msk $0xffff, v1;
	v5 =	vadd.s32 s8, v6  }
0x76e: {  	[smem:$0x7AC] =	sst s3;
	v6 =	vld [tilespmem:s20+$0xC060]  }
0x76f: {  	s3 =	rddreg [dreg:$0x10];
	v9 =	vadd.s32 s17, v62;
	[tilespmem:v3+s23+$0x0] =	vst.idx.add.f32.msk $0xffff, v1  }
0x770: {  	s9 =	sadd.s32 $0x2, s3;
	v3 =	vld [tilespmem:s4+$0xC070]  }
0x771: {  	[dreg:$0x10] =	wrdreg s9;
	v2 =	vadd.s32 s7, v2  }
0x772: {  	s9 =	sand.u32 $0x3, s9;
	s14 =	rddreg [dreg:$0x14];
	[tilespmem:v5+s23+$0x0] =	vst.idx.add.f32.msk $0xffff, v1  }
0x773: {  	s9 =	sshll.u32 s9, $0x8;
	v4 =	vadd.s32 s24, v6;
	v5 =	vld [tilespmem:s14+$0x14000]  }
0x774: {  	s9 =	sadd.s32 s15, s9;
	[tilespmem:v9+s23+$0x0] =	vst.idx.add.f32.msk $0xffff, v1  }
0x775: {  	s9 =	sadd.s32 $0x100, s9;
	v6 =	vld [tilespmem:s22+$0xC070];
	v3 =	vadd.s32 s6, v3  }
0x776: {  	[tilespmem:v2+s23+$0x0] =	vst.idx.add.f32.msk $0xffff, v1;
	s14 =	sor.u32 $0x400, s9  }
0x777: {  	v2 =	vld [tilespmem:s14+$0xC000]  }
0x778: {  	[tilespmem:v4+s23+$0x0] =	vst.idx.add.f32.msk $0xffff, v1;
	v4 =	vadd.s32 s8, v5  }
0x779: {  	s19 =	sor.u32 $0x400, s11;
	v5 =	vld [tilespmem:s20+$0xC070]  }
0x77a: {  	[smem:$0x7A2] =	sst s19;
	v6 =	vadd.s32 s17, v6;
	[tilespmem:v3+s23+$0x0] =	vst.idx.add.f32.msk $0xffff, v1  }
0x77b: {  	v3 =	vld [tilespmem:s19+$0xC000];
	s19 =	sld [smem:$0x7C1]  }
0x77c: {  	[tilespmem:v7+s23+$0x0] =	vst.idx.add.f32.msk $0xffff, v1;
	v2 =	vadd.s32 s7, v2  }
0x77d: {  	[tilespmem:v4+s23+$0x0] =	vst.idx.add.f32.msk $0xffff, v1  }
0x77e: {  	v4 =	vadd.s32 s24, v5;
	v5 =	vld [tilespmem:s19+$0x14000]  }
0x77f: {  	s31 =	sor.u32 $0x400, s12;
	[tilespmem:v6+s23+$0x0] =	vst.idx.add.f32.msk $0xffff, v1  }
0x780: {  	[dreg:$0x16] =	wrdreg s15;
	v8 =	vadd.s32 s25, v61;
	v6 =	vld [tilespmem:s31+$0xC000]  }
0x781: {  	s15 =	sld [smem:$0x79E];
	s3 =	sor.u32 $0x410, s9;
	v3 =	vadd.s32 s6, v3;
	[tilespmem:v2+s23+$0x0] =	vst.idx.add.f32.msk $0xffff, v1  }
0x782: {  	v2 =	vld [tilespmem:s3+$0xC000]  }
0x783: {  	[tilespmem:v4+s23+$0x0] =	vst.idx.add.f32.msk $0xffff, v1;
	v4 =	vadd.s32 s8, v5  }
0x784: {  	v5 =	vld [tilespmem:s15+$0xC000]  }
0x785: {  	v6 =	vadd.s32 s17, v6;
	[tilespmem:v8+s23+$0x0] =	vst.idx.add.f32.msk $0xffff, v1  }
0x786: {  	s10 =	sor.u32 $0x410, s11;
	[tilespmem:v3+s23+$0x0] =	vst.idx.add.f32.msk $0xffff, v1  }
0x787: {  	[smem:$0x7A4] =	sst s31;
	v3 =	vld [tilespmem:s10+$0xC000];
	v2 =	vadd.s32 s7, v2  }
0x788: {  	s31 =	rddreg [dreg:$0x19];
	[tilespmem:v4+s23+$0x0] =	vst.idx.add.f32.msk $0xffff, v1  }
0x789: {  	v4 =	vadd.s32 s24, v5;
	v5 =	vld [tilespmem:s31+$0x14000]  }
0x78a: {  	[smem:$0x7A6] =	sst s5;
	s5 =	sor.u32 $0x410, s12;
	[tilespmem:v6+s23+$0x0] =	vst.idx.add.f32.msk $0xffff, v1  }
0x78b: {  	v6 =	vld [tilespmem:s5+$0xC000]  }
0x78c: {  	[smem:$0x7A7] =	sst s10;
	s10 =	sor.u32 $0x420, s9;
	v3 =	vadd.s32 s6, v3;
	[tilespmem:v2+s23+$0x0] =	vst.idx.add.f32.msk $0xffff, v1  }
0x78d: {  	s16 =	sadd.s32 $0x4, s16;
	v2 =	vld [tilespmem:s10+$0xC000]  }
0x78e: {  	[smem:$0x7B1] =	sst s16;
	p2 =	slt.u32 s16, $0x3C;
	s16 =	sor.u32 $0x410, s13;
	[tilespmem:v4+s23+$0x0] =	vst.idx.add.f32.msk $0xffff, v1;
	v4 =	vadd.s32 s8, v5  }
0x78f: {  	v5 =	vld [tilespmem:s16+$0xC000];
	s8 =	sld [smem:$0x79F]  }
0x790: {  	v7 =	vld [tilespmem:s18+$0x14040];
	v6 =	vadd.s32 s17, v6  }
0x791: {  	[tilespmem:v3+s23+$0x0] =	vst.idx.add.f32.msk $0xffff, v1  }
0x792: {  	v2 =	vadd.s32 s7, v2;
	v3 =	vld [tilespmem:s8+$0xC000]  }
0x793: {  	[tilespmem:v4+s23+$0x0] =	vst.idx.add.f32.msk vm0, v1  }
0x794: {  	v4 =	vadd.s32 s24, v5;
	v5 =	vld [tilespmem:s0+$0x14040]  }
0x795: {  	s26 =	sor.u32 $0x420, s12;
	[tilespmem:v6+s23+$0x0] =	vst.idx.add.f32.msk $0xffff, v1  }
0x796: {  	[smem:$0x7AA] =	sst s16;
	v6 =	vadd.s32 s28, v7;
	v7 =	vld [tilespmem:s26+$0xC000]  }
0x797: {  	s19 =	sor.u32 $0x430, s9;
	s16 =	sld [smem:$0x7AB];
	[tilespmem:v2+s23+$0x0] =	vst.idx.add.f32.msk $0xffff, v1;
	v3 =	vadd.s32 s6, v3  }
0x798: {  	v2 =	vld [tilespmem:s19+$0xC000]  }
0x799: {  	[tilespmem:v4+s23+$0x0] =	vst.idx.add.f32.msk $0xffff, v1  }
0x79a: {  	s31 =	sld [smem:$0x7AC];
	v4 =	vadd.s32 s29, v5;
	v5 =	vld [tilespmem:s16+$0xC000]  }
0x79b: {  	v7 =	vadd.s32 s17, v7;
	v8 =	vld [tilespmem:s2+$0x14040]  }
0x79c: {  	[tilespmem:v3+s23+$0x0] =	vst.idx.add.f32.msk $0xffff, v1  }
0x79d: {  	v2 =	vadd.s32 s7, v2;
	v3 =	vld [tilespmem:s31+$0xC000]  }
0x79e: {  	s16 =	sld [smem:$0x7AD];
	[tilespmem:v6+s23+$0x0] =	vst.idx.add.f32.msk $0xffff, v1  }
0x79f: {  	[tilespmem:v4+s23+$0x0] =	vst.idx.add.f32.msk $0xffff, v1;
	v5 =	vadd.s32 s24, v5  }
0x7a0: {  	[tilespmem:v7+s23+$0x0] =	vst.idx.add.f32.msk $0xffff, v1  }
0x7a1: {  	v6 =	vld [tilespmem:s16+$0xC000]  }
0x7a2: {  	s12 =	sor.u32 $0x438, s12;
	s31 =	sld [smem:$0x7AE];
	[tilespmem:v2+s23+$0x0] =	vst.idx.add.f32.msk $0xffff, v1;
	s16 =	sor.u32 $0x438, s9;
	v3 =	vadd.s32 s6, v3  }
0x7a3: {  	[smem:$0x7AF] =	sst s12;
	s12 =	sor.u32 $0x438, s13;
	s13 =	sor.u32 $0x438, s11;
	v2 =	vld [tilespmem:s16+$0xC000]  }
0x7a4: {  	[smem:$0x7A0] =	sst s13;
	v4 =	vadd.s32 s25, v8;
	[tilespmem:v5+s23+$0x0] =	vst.idx.add.f32.msk $0xffff, v1  }
0x7a5: {  	v5 =	vld [tilespmem:s31+$0xC000];
	s31 =	sld [smem:$0x7A0]  }
0x7a6: {  	v7 =	vld [tilespmem:s0+$0x14050];
	v6 =	vadd.s32 s17, v6  }
0x7a7: {  	[tilespmem:v3+s23+$0x0] =	vst.idx.add.f32.msk $0xffff, v1  }
0x7a8: {  	v2 =	vadd.s32 s7, v2;
	v3 =	vld [tilespmem:s31+$0xC000]  }
0x7a9: {  	[tilespmem:v4+s23+$0x0] =	vst.idx.add.f32.msk $0xffff, v1;
	s7 =	sld [smem:$0x7AF]  }
0x7aa: {  	v4 =	vld [tilespmem:s18+$0x14050];
	v5 =	vadd.s32 s24, v5  }
0x7ab: {  	[tilespmem:v6+s23+$0x0] =	vst.idx.add.f32.msk $0xffff, v1  }
0x7ac: {  	[smem:$0x7B0] =	sst s12;
	v6 =	vld [tilespmem:s7+$0xC000]  }
0x7ad: {  	s9 =	sld [smem:$0x7B0];
	[tilespmem:v2+s23+$0x0] =	vst.idx.add.f32.msk vm0, v1;
	v3 =	vadd.s32 s6, v3  }
0x7ae: {  	v2 =	vld [tilespmem:s30+$0x10000]  }
0x7af: {  	v4 =	vadd.s32 s28, v4;
	[tilespmem:v5+s23+$0x0] =	vst.idx.add.f32.msk $0xffff, v1  }
0x7b0: {  	v5 =	vadd.s32 s29, v7;
	v7 =	vld [tilespmem:s9+$0xC000]  }
0x7b1: {  	v6 =	vadd.s32 s17, v6;
	v8 =	vld [tilespmem:s2+$0x14050]  }
0x7b2: {  	s6 =	sadd.s32 $0xFFFFFFC1, s1;
	[tilespmem:v3+s23+$0x0] =	vst.idx.add.f32.msk vm0, v1  }
0x7b3: {  	v2 =	vadd.s32 s6, v2;
	v3 =	vld [tilespmem:s4+$0x10000]  }
0x7b4: {  	[tilespmem:v4+s23+$0x0] =	vst.idx.add.f32.msk $0xffff, v1  }
0x7b5: {  	[tilespmem:v5+s23+$0x0] =	vst.idx.add.f32.msk $0xffff, v1;
	v4 =	vadd.s32 s24, v7  }
0x7b6: {  	[tilespmem:v6+s23+$0x0] =	vst.idx.add.f32.msk vm0, v1  }
0x7b7: {  	s13 =	sadd.s32 $0xFFFFFF61, s1;
	v6 =	vld [tilespmem:s22+$0x10000]  }
0x7b8: {  	[tilespmem:v2+s23+$0x0] =	vst.idx.add.f32.msk $0xffff, v1;
	v3 =	vadd.s32 s13, v3  }
0x7b9: {  	v2 =	vld [tilespmem:s30+$0x10010]  }
0x7ba: {  	v5 =	vadd.s32 s25, v8;
	[tilespmem:v4+s23+$0x0] =	vst.idx.add.f32.msk vm0, v1  }
0x7bb: {  	s12 =	sadd.s32 $0xFFFFFF91, s1;
	v4 =	vld [tilespmem:s20+$0x10000]  }
0x7bc: {  	v7 =	vld [tilespmem:s0+$0x14060];
	v6 =	vadd.s32 s12, v6  }
0x7bd: {  	s11 =	sadd.s32 $0xFFFFFF70, s1;
	[tilespmem:v3+s23+$0x0] =	vst.idx.add.f32.msk $0xffff, v1  }
0x7be: {  	[smem:$0x7B2] =	sst s11;
	s11 =	sadd.s32 $0xFFFFFFA0, s1;
	v2 =	vadd.s32 s6, v2;
	v3 =	vld [tilespmem:s4+$0x10010]  }
0x7bf: {  	[smem:$0x7B3] =	sst s11;
	s11 =	sadd.s32 $0xFFFFFFF1, s1;
	[tilespmem:v5+s23+$0x0] =	vst.idx.add.f32.msk $0xffff, v1  }
0x7c0: {  	v5 =	vld [tilespmem:s18+$0x14060];
	v4 =	vadd.s32 s11, v4  }
0x7c1: {  	[tilespmem:v6+s23+$0x0] =	vst.idx.add.f32.msk $0xffff, v1  }
0x7c2: {  	v6 =	vld [tilespmem:s22+$0x10010]  }
0x7c3: {  	[tilespmem:v2+s23+$0x0] =	vst.idx.add.f32.msk $0xffff, v1;
	v3 =	vadd.s32 s13, v3  }
0x7c4: {  	v2 =	vld [tilespmem:s30+$0x10020]  }
0x7c5: {  	v5 =	vadd.s32 s28, v5;
	[tilespmem:v4+s23+$0x0] =	vst.idx.add.f32.msk $0xffff, v1  }
0x7c6: {  	v4 =	vadd.s32 s29, v7;
	v7 =	vld [tilespmem:s20+$0x10010]  }
0x7c7: {  	v6 =	vadd.s32 s12, v6;
	v8 =	vld [tilespmem:s2+$0x14060]  }
0x7c8: {  	[tilespmem:v3+s23+$0x0] =	vst.idx.add.f32.msk $0xffff, v1  }
0x7c9: {  	v2 =	vadd.s32 s6, v2;
	v3 =	vld [tilespmem:s4+$0x10020]  }
0x7ca: {  	[tilespmem:v5+s23+$0x0] =	vst.idx.add.f32.msk $0xffff, v1  }
0x7cb: {  	[tilespmem:v4+s23+$0x0] =	vst.idx.add.f32.msk $0xffff, v1;
	v5 =	vadd.s32 s11, v7  }
0x7cc: {  	[tilespmem:v6+s23+$0x0] =	vst.idx.add.f32.msk $0xffff, v1  }
0x7cd: {  	v6 =	vld [tilespmem:s22+$0x10020]  }
0x7ce: {  	[tilespmem:v2+s23+$0x0] =	vst.idx.add.f32.msk $0xffff, v1;
	v3 =	vadd.s32 s13, v3  }
0x7cf: {  	v2 =	vld [tilespmem:s30+$0x10030]  }
0x7d0: {  	v4 =	vadd.s32 s25, v8;
	[tilespmem:v5+s23+$0x0] =	vst.idx.add.f32.msk $0xffff, v1  }
0x7d1: {  	v5 =	vld [tilespmem:s20+$0x10020]  }
0x7d2: {  	v7 =	vld [tilespmem:s0+$0x14070];
	v6 =	vadd.s32 s12, v6  }
0x7d3: {  	[tilespmem:v3+s23+$0x0] =	vst.idx.add.f32.msk $0xffff, v1  }
0x7d4: {  	v2 =	vadd.s32 s6, v2;
	v3 =	vld [tilespmem:s4+$0x10030]  }
0x7d5: {  	[tilespmem:v4+s23+$0x0] =	vst.idx.add.f32.msk $0xffff, v1  }
0x7d6: {  	v4 =	vld [tilespmem:s18+$0x14070];
	v5 =	vadd.s32 s11, v5  }
0x7d7: {  	s0 =	smov.u32 s22;
	[tilespmem:v6+s23+$0x0] =	vst.idx.add.f32.msk $0xffff, v1  }
0x7d8: {  	v6 =	vld [tilespmem:s0+$0x10030]  }
0x7d9: {  	[tilespmem:v2+s23+$0x0] =	vst.idx.add.f32.msk $0xffff, v1;
	v3 =	vadd.s32 s13, v3  }
0x7da: {  	v2 =	vld [tilespmem:s30+$0x10040]  }
0x7db: {  	v4 =	vadd.s32 s28, v4;
	[tilespmem:v5+s23+$0x0] =	vst.idx.add.f32.msk $0xffff, v1  }
0x7dc: {  	v5 =	vadd.s32 s29, v7;
	v7 =	vld [tilespmem:s20+$0x10030]  }
0x7dd: {  	v6 =	vadd.s32 s12, v6;
	v8 =	vld [tilespmem:s2+$0x14070]  }
0x7de: {  	s18 =	smov.u32 s4;
	[tilespmem:v3+s23+$0x0] =	vst.idx.add.f32.msk $0xffff, v1  }
0x7df: {  	v2 =	vadd.s32 s6, v2;
	v3 =	vld [tilespmem:s18+$0x10040]  }
0x7e0: {  	[tilespmem:v4+s23+$0x0] =	vst.idx.add.f32.msk $0xffff, v1  }
0x7e1: {  	[tilespmem:v5+s23+$0x0] =	vst.idx.add.f32.msk $0xffff, v1;
	v4 =	vadd.s32 s11, v7  }
0x7e2: {  	[tilespmem:v6+s23+$0x0] =	vst.idx.add.f32.msk $0xffff, v1  }
0x7e3: {  	v6 =	vld [tilespmem:s0+$0x10040]  }
0x7e4: {  	[tilespmem:v2+s23+$0x0] =	vst.idx.add.f32.msk $0xffff, v1;
	v3 =	vadd.s32 s13, v3  }
0x7e5: {  	s24 =	sld [smem:$0x7A3];
	v2 =	vld [tilespmem:s30+$0x10050]  }
0x7e6: {  	s2 =	smov.u32 s20;
	v5 =	vadd.s32 s25, v8;
	[tilespmem:v4+s23+$0x0] =	vst.idx.add.f32.msk $0xffff, v1  }
0x7e7: {  	v4 =	vld [tilespmem:s2+$0x10040]  }
0x7e8: {  	v7 =	vld [tilespmem:s24+$0x14000];
	v6 =	vadd.s32 s12, v6  }
0x7e9: {  	s20 =	sld [smem:$0x7A1];
	[tilespmem:v3+s23+$0x0] =	vst.idx.add.f32.msk $0xffff, v1  }
0x7ea: {  	v2 =	vadd.s32 s6, v2;
	v3 =	vld [tilespmem:s18+$0x10050]  }
0x7eb: {  	[tilespmem:v5+s23+$0x0] =	vst.idx.add.f32.msk $0xffff, v1  }
0x7ec: {  	v5 =	vld [tilespmem:s20+$0x14000];
	v4 =	vadd.s32 s11, v4  }
0x7ed: {  	[tilespmem:v6+s23+$0x0] =	vst.idx.add.f32.msk $0xffff, v1  }
0x7ee: {  	v6 =	vld [tilespmem:s0+$0x10050]  }
0x7ef: {  	[tilespmem:v2+s23+$0x0] =	vst.idx.add.f32.msk $0xffff, v1;
	v3 =	vadd.s32 s13, v3  }
0x7f0: {  	s17 =	sld [smem:$0x7A5];
	v2 =	vld [tilespmem:s30+$0x10060]  }
0x7f1: {  	v5 =	vadd.s32 s28, v5;
	[tilespmem:v4+s23+$0x0] =	vst.idx.add.f32.msk $0xffff, v1  }
0x7f2: {  	v4 =	vadd.s32 s29, v7;
	v7 =	vld [tilespmem:s2+$0x10050]  }
0x7f3: {  	v6 =	vadd.s32 s12, v6;
	v8 =	vld [tilespmem:s17+$0x14000]  }
0x7f4: {  	[tilespmem:v3+s23+$0x0] =	vst.idx.add.f32.msk $0xffff, v1  }
0x7f5: {  	v2 =	vadd.s32 s6, v2;
	v3 =	vld [tilespmem:s18+$0x10060]  }
0x7f6: {  	[tilespmem:v5+s23+$0x0] =	vst.idx.add.f32.msk $0xffff, v1  }
0x7f7: {  	[tilespmem:v4+s23+$0x0] =	vst.idx.add.f32.msk $0xffff, v1;
	v5 =	vadd.s32 s11, v7  }
0x7f8: {  	[tilespmem:v6+s23+$0x0] =	vst.idx.add.f32.msk $0xffff, v1  }
0x7f9: {  	v6 =	vld [tilespmem:s0+$0x10060]  }
0x7fa: {  	[tilespmem:v2+s23+$0x0] =	vst.idx.add.f32.msk $0xffff, v1;
	v3 =	vadd.s32 s13, v3  }
0x7fb: {  	s24 =	sld [smem:$0x7A8];
	v2 =	vld [tilespmem:s30+$0x10070]  }
0x7fc: {  	v4 =	vadd.s32 s25, v8;
	[tilespmem:v5+s23+$0x0] =	vst.idx.add.f32.msk $0xffff, v1  }
0x7fd: {  	v5 =	vld [tilespmem:s2+$0x10060]  }
0x7fe: {  	v7 =	vld [tilespmem:s24+$0x14000];
	v6 =	vadd.s32 s12, v6  }
0x7ff: {  	s20 =	sld [smem:$0x7A6];
	[tilespmem:v3+s23+$0x0] =	vst.idx.add.f32.msk $0xffff, v1  }
0x800: {  	v2 =	vadd.s32 s6, v2;
	v3 =	vld [tilespmem:s18+$0x10070]  }
0x801: {  	[tilespmem:v4+s23+$0x0] =	vst.idx.add.f32.msk $0xffff, v1  }
0x802: {  	v4 =	vld [tilespmem:s20+$0x14000];
	v5 =	vadd.s32 s11, v5  }
0x803: {  	[tilespmem:v6+s23+$0x0] =	vst.idx.add.f32.msk $0xffff, v1  }
0x804: {  	v6 =	vld [tilespmem:s0+$0x10070]  }
0x805: {  	[tilespmem:v2+s23+$0x0] =	vst.idx.add.f32.msk $0xffff, v1;
	v3 =	vadd.s32 s13, v3  }
0x806: {  	v2 =	vld [tilespmem:s14+$0x10000]  }
0x807: {  	s22 =	sld [smem:$0x7A2];
	v4 =	vadd.s32 s28, v4;
	[tilespmem:v5+s23+$0x0] =	vst.idx.add.f32.msk $0xffff, v1  }
0x808: {  	s20 =	rddreg [dreg:$0x6];
	v5 =	vadd.s32 s29, v7;
	v7 =	vld [tilespmem:s2+$0x10070]  }
0x809: {  	v6 =	vadd.s32 s12, v6;
	v8 =	vld [tilespmem:s20+$0x14000]  }
0x80a: {  	[smem:$0x7A9] =	sst s5;
	s7 =	smov.u32 s22;
	[tilespmem:v3+s23+$0x0] =	vst.idx.add.f32.msk $0xffff, v1  }
0x80b: {  	s5 =	sld [smem:$0x7A4];
	v2 =	vadd.s32 s6, v2;
	v3 =	vld [tilespmem:s7+$0x10000]  }
0x80c: {  	[tilespmem:v4+s23+$0x0] =	vst.idx.add.f32.msk $0xffff, v1  }
0x80d: {  	[tilespmem:v5+s23+$0x0] =	vst.idx.add.f32.msk $0xffff, v1;
	v4 =	vadd.s32 s11, v7  }
0x80e: {  	s9 =	smov.u32 s5;
	[tilespmem:v6+s23+$0x0] =	vst.idx.add.f32.msk $0xffff, v1  }
0x80f: {  	v6 =	vld [tilespmem:s9+$0x10000]  }
0x810: {  	[dreg:$0x13] =	wrdreg s14;
	s14 =	smov.u32 s3;
	[tilespmem:v2+s23+$0x0] =	vst.idx.add.f32.msk $0xffff, v1;
	v3 =	vadd.s32 s13, v3  }
0x811: {  	v2 =	vld [tilespmem:s14+$0x10000]  }
0x812: {  	s22 =	sld [smem:$0x7A7];
	s17 =	smov.u32 s15;
	v5 =	vadd.s32 s25, v8;
	[tilespmem:v4+s23+$0x0] =	vst.idx.add.f32.msk $0xffff, v1  }
0x813: {  	s20 =	rddreg [dreg:$0x8];
	v4 =	vld [tilespmem:s17+$0x10000]  }
0x814: {  	s15 =	sld [smem:$0x7A9];
	v7 =	vld [tilespmem:s20+$0x14000];
	v6 =	vadd.s32 s12, v6  }
0x815: {  	s5 =	smov.u32 s22;
	[tilespmem:v3+s23+$0x0] =	vst.idx.add.f32.msk $0xffff, v1  }
0x816: {  	v2 =	vadd.s32 s6, v2;
	v3 =	vld [tilespmem:s5+$0x10000]  }
0x817: {  	s22 =	smov.u32 s15;
	s15 =	rddreg [dreg:$0x4];
	[tilespmem:v5+s23+$0x0] =	vst.idx.add.f32.msk $0xffff, v1  }
0x818: {  	v5 =	vld [tilespmem:s15+$0x14000];
	v4 =	vadd.s32 s11, v4  }
0x819: {  	[tilespmem:v6+s23+$0x0] =	vst.idx.add.f32.msk $0xffff, v1  }
0x81a: {  	s24 =	sld [smem:$0x7AA];
	v6 =	vld [tilespmem:s22+$0x10000]  }
0x81b: {  	[tilespmem:v2+s23+$0x0] =	vst.idx.add.f32.msk $0xffff, v1;
	v3 =	vadd.s32 s13, v3  }
0x81c: {  	v2 =	vld [tilespmem:s10+$0x10000]  }
0x81d: {  	[dreg:$0x14] =	wrdreg s10;
	s4 =	smov.u32 s24;
	v5 =	vadd.s32 s28, v5;
	[tilespmem:v4+s23+$0x0] =	vst.idx.add.f32.msk $0xffff, v1  }
0x81e: {  	s10 =	rddreg [dreg:$0xc];
	v4 =	vadd.s32 s29, v7;
	v7 =	vld [tilespmem:s4+$0x10000]  }
0x81f: {  	v6 =	vadd.s32 s12, v6;
	v8 =	vld [tilespmem:s10+$0x14000]  }
0x820: {  	s3 =	smov.u32 s8;
	[tilespmem:v3+s23+$0x0] =	vst.idx.add.f32.msk $0xffff, v1  }
0x821: {  	v2 =	vadd.s32 s6, v2;
	v3 =	vld [tilespmem:s3+$0x10000]  }
0x822: {  	[tilespmem:v5+s23+$0x0] =	vst.idx.add.f32.msk $0xffff, v1  }
0x823: {  	[tilespmem:v4+s23+$0x0] =	vst.idx.add.f32.msk $0xffff, v1;
	v5 =	vadd.s32 s11, v7  }
0x824: {  	s24 =	smov.u32 s26;
	[tilespmem:v6+s23+$0x0] =	vst.idx.add.f32.msk $0xffff, v1  }
0x825: {  	s15 =	sld [smem:$0x7AB];
	v6 =	vld [tilespmem:s24+$0x10000]  }
0x826: {  	[tilespmem:v2+s23+$0x0] =	vst.idx.add.f32.msk $0xffff, v1;
	v3 =	vadd.s32 s13, v3  }
0x827: {  	s10 =	sld [smem:$0x7BF];
	v2 =	vld [tilespmem:s19+$0x10000]  }
0x828: {  	[dreg:$0x8] =	wrdreg s24;
	s20 =	smov.u32 s15;
	v4 =	vadd.s32 s25, v8;
	[tilespmem:v5+s23+$0x0] =	vst.idx.add.f32.msk $0xffff, v1  }
0x829: {  	s24 =	sld [smem:$0x7AC];
	v5 =	vld [tilespmem:s20+$0x10000]  }
0x82a: {  	v7 =	vld [tilespmem:s10+$0x14000];
	v6 =	vadd.s32 s12, v6  }
0x82b: {  	[tilespmem:v3+s23+$0x0] =	vst.idx.add.f32.msk $0xffff, v1  }
0x82c: {  	s15 =	sld [smem:$0x7AD];
	v2 =	vadd.s32 s6, v2;
	v3 =	vld [tilespmem:s24+$0x10000]  }
0x82d: {  	s26 =	rddreg [dreg:$0xa];
	[tilespmem:v4+s23+$0x0] =	vst.idx.add.f32.msk $0xffff, v1  }
0x82e: {  	v4 =	vld [tilespmem:s26+$0x14000];
	v5 =	vadd.s32 s11, v5  }
0x82f: {  	s26 =	smov.u32 s15;
	[tilespmem:v6+s23+$0x0] =	vst.idx.add.f32.msk $0xffff, v1  }
0x830: {  	[smem:$0x7C1] =	sst s19;
	v6 =	vld [tilespmem:s26+$0x10000]  }
0x831: {  	s19 =	sld [smem:$0x7AE];
	[tilespmem:v2+s23+$0x0] =	vst.idx.add.f32.msk $0xffff, v1;
	v3 =	vadd.s32 s13, v3  }
0x832: {  	v2 =	vld [tilespmem:s16+$0x10000]  }
0x833: {  	[dreg:$0xc] =	wrdreg s20;
	v4 =	vadd.s32 s28, v4;
	[tilespmem:v5+s23+$0x0] =	vst.idx.add.f32.msk $0xffff, v1  }
0x834: {  	s20 =	rddreg [dreg:$0xe];
	v5 =	vadd.s32 s29, v7;
	v7 =	vld [tilespmem:s19+$0x10000]  }
0x835: {  	v6 =	vadd.s32 s12, v6;
	v8 =	vld [tilespmem:s20+$0x14000]  }
0x836: {  	[tilespmem:v3+s23+$0x0] =	vst.idx.add.f32.msk $0xffff, v1  }
0x837: {  	[dreg:$0x6] =	wrdreg s4;
	v2 =	vadd.s32 s6, v2;
	v3 =	vld [tilespmem:s31+$0x10000]  }
0x838: {  	s4 =	sld [smem:$0x7AF];
	[tilespmem:v4+s23+$0x0] =	vst.idx.add.f32.msk $0xffff, v1  }
0x839: {  	[tilespmem:v5+s23+$0x0] =	vst.idx.add.f32.msk $0xffff, v1  }
0x83a: {  	v4 =	vadd.s32 s11, v7;
	[tilespmem:v6+s23+$0x0] =	vst.idx.add.f32.msk $0xffff, v1  }
0x83b: {  	v6 =	vld [tilespmem:s4+$0x10000]  }
0x83c: {  	s10 =	sld [smem:$0x7B0];
	v5 =	vadd.s32 s25, v8;
	[tilespmem:v2+s23+$0x0] =	vst.idx.add.f32.msk vm0, v1  }
0x83d: {  	v2 =	vld [tilespmem:s30+$0x14000];
	v3 =	vadd.s32 s13, v3;
	s13 =	rddreg [dreg:$0x1e]  }
0x83e: {  	v7 =	vld [tilespmem:s13+$0x14000]  }
0x83f: {  	[tilespmem:v4+s23+$0x0] =	vst.idx.add.f32.msk $0xffff, v1  }
0x840: {  	s8 =	smov.u32 s24;
	v4 =	vld [tilespmem:s10+$0x10000];
	v6 =	vadd.s32 s12, v6  }
0x841: {  	[dreg:$0xa] =	wrdreg s8;
	s8 =	sadd.s32 $0xFFFFFFD0, s1;
	[tilespmem:v5+s23+$0x0] =	vst.idx.add.f32.msk $0xffff, v1  }
0x842: {  	v2 =	vadd.s32 s8, v2;
	[tilespmem:v3+s23+$0x0] =	vst.idx.add.f32.msk vm0, v1  }
0x843: {  	s12 =	rddreg [dreg:$0x1c];
	v3 =	vld [tilespmem:s18+$0x14000]  }
0x844: {  	v5 =	vld [tilespmem:s12+$0x14000];
	v7 =	vadd.s32 s29, v7  }
0x845: {  	s24 =	smov.u32 s19;
	s19 =	sld [smem:$0x7B2];
	v4 =	vadd.s32 s11, v4;
	[tilespmem:v6+s23+$0x0] =	vst.idx.add.f32.msk vm0, v1  }
0x846: {  	v6 =	vld [tilespmem:s0+$0x14000]  }
0x847: {  	s20 =	sld [smem:$0x7B3];
	[tilespmem:v2+s23+$0x0] =	vst.idx.add.f32.msk $0xffff, v1  }
0x848: {  	[dreg:$0xe] =	wrdreg s24;
	v2 =	vld [tilespmem:s30+$0x14010];
	v3 =	vadd.s32 s19, v3  }
0x849: {  	s24 =	sld [smem:$0x7B4];
	[tilespmem:v7+s23+$0x0] =	vst.idx.add.f32.msk vm0, v1  }
0x84a: {  	s29 =	smov.u32 s20;
	v8 =	vadd.s32 s28, v5;
	[tilespmem:v4+s23+$0x0] =	vst.idx.add.f32.msk vm0, v1  }
0x84b: {  	v63 =	vld [tilespmem:s2+$0x14000];
	v10 =	vadd.s32 s29, v6  }
0x84c: {  	v11 =	vld [tilespmem:s24+$0x14000]  }
.Ltmp5:
0x84d: {  	s6 =	smov.u32 s31;
	s31 =	sld [smem:$0x7B5];
	[tilespmem:v3+s23+$0x0] =	vst.idx.add.f32.msk $0xffff, v1;
	(pc) =	sbr.rel @p2 .LBB2_9-.Ltmp5, $4  }
0x84e: {  	[dreg:$0x19] =	wrdreg s16;
	v4 =	vld [tilespmem:s18+$0x14010]  }
0x84f: {  	p0 =	por !p0, !p0;
	[dreg:$0x4] =	wrdreg s3;
	[tilespmem:v8+s23+$0x0] =	vst.idx.add.f32.msk vm0, v1  }
0x850: {  	s16 =	sld [smem:$0x7B1];
	s3 =	sadd.s32 $0x4, s31;
	s12 =	smov.u32 s10;
	[tilespmem:v10+s23+$0x0] =	vst.idx.add.f32.msk $0xffff, v1  }
0x851: {  	s11 =	smov.u32 s4;
	s28 =	smov.u32 s19;
	v5 =	vadd.s32 s8, v2;
	v6 =	vadd.s32 s1, v63;
	v2 =	vadd.s32 s25, v11;
	s25 =	smov.u32 s1;
	v3 =	vld [tilespmem:s0+$0x14010]  }
0x852: {  	_ =	sdelay $0x3  }
0x853: {  	[tilespmem:v6+s23+$0x0] =	vst.idx.add.f32.msk $0xffff, v1  }
0x854: {  	[tilespmem:v5+s23+$0x0] =	vst.idx.add.f32.msk $0xffff, v1  }
0x855: {  	v6 =	vld [tilespmem:s2+$0x14010]  }
0x856: {  	v4 =	vadd.s32 s28, v4;
	v5 =	vld [tilespmem:s30+$0x14020];
	_ =	sdelay $0x1  }
0x857: {  	v3 =	vadd.s32 s29, v3;
	_ =	sdelay $0x1  }
0x858: {  	v6 =	vadd.s32 s25, v6  }
0x859: {  	[tilespmem:v4+s23+$0x0] =	vst.idx.add.f32.msk $0xffff, v1;
	v5 =	vadd.s32 s8, v5  }
0x85a: {  	v4 =	vld [tilespmem:s18+$0x14020]  }
0x85b: {  	[tilespmem:v3+s23+$0x0] =	vst.idx.add.f32.msk $0xffff, v1  }
0x85c: {  	v3 =	vld [tilespmem:s0+$0x14020]  }
0x85d: {  	[tilespmem:v6+s23+$0x0] =	vst.idx.add.f32.msk $0xffff, v1  }
0x85e: {  	[tilespmem:v5+s23+$0x0] =	vst.idx.add.f32.msk $0xffff, v1  }
0x85f: {  	v6 =	vld [tilespmem:s2+$0x14020]  }
0x860: {  	v4 =	vadd.s32 s28, v4;
	v5 =	vld [tilespmem:s30+$0x14030];
	_ =	sdelay $0x1  }
0x861: {  	v3 =	vadd.s32 s29, v3;
	_ =	sdelay $0x1  }
0x862: {  	v6 =	vadd.s32 s25, v6  }
0x863: {  	[tilespmem:v4+s23+$0x0] =	vst.idx.add.f32.msk $0xffff, v1;
	v5 =	vadd.s32 s8, v5  }
0x864: {  	v4 =	vld [tilespmem:s18+$0x14030]  }
0x865: {  	[tilespmem:v3+s23+$0x0] =	vst.idx.add.f32.msk $0xffff, v1  }
0x866: {  	v3 =	vld [tilespmem:s0+$0x14030]  }
0x867: {  	[tilespmem:v6+s23+$0x0] =	vst.idx.add.f32.msk $0xffff, v1  }
0x868: {  	[tilespmem:v5+s23+$0x0] =	vst.idx.add.f32.msk $0xffff, v1  }
0x869: {  	v6 =	vld [tilespmem:s2+$0x14030]  }
0x86a: {  	v4 =	vadd.s32 s28, v4;
	v5 =	vld [tilespmem:s30+$0x14040];
	_ =	sdelay $0x1  }
0x86b: {  	v3 =	vadd.s32 s29, v3;
	_ =	sdelay $0x1  }
0x86c: {  	v6 =	vadd.s32 s25, v6  }
0x86d: {  	[tilespmem:v4+s23+$0x0] =	vst.idx.add.f32.msk $0xffff, v1;
	v5 =	vadd.s32 s8, v5  }
0x86e: {  	v4 =	vld [tilespmem:s18+$0x14040]  }
0x86f: {  	[tilespmem:v3+s23+$0x0] =	vst.idx.add.f32.msk $0xffff, v1  }
0x870: {  	v3 =	vld [tilespmem:s0+$0x14040]  }
0x871: {  	[tilespmem:v6+s23+$0x0] =	vst.idx.add.f32.msk $0xffff, v1  }
0x872: {  	[tilespmem:v5+s23+$0x0] =	vst.idx.add.f32.msk $0xffff, v1  }
0x873: {  	v6 =	vld [tilespmem:s2+$0x14040]  }
0x874: {  	v4 =	vadd.s32 s28, v4;
	v5 =	vld [tilespmem:s30+$0x14050];
	_ =	sdelay $0x1  }
0x875: {  	v3 =	vadd.s32 s29, v3;
	_ =	sdelay $0x1  }
0x876: {  	v6 =	vadd.s32 s25, v6  }
0x877: {  	[tilespmem:v4+s23+$0x0] =	vst.idx.add.f32.msk $0xffff, v1;
	v5 =	vadd.s32 s8, v5  }
0x878: {  	v4 =	vld [tilespmem:s18+$0x14050]  }
0x879: {  	[tilespmem:v3+s23+$0x0] =	vst.idx.add.f32.msk $0xffff, v1  }
0x87a: {  	v3 =	vld [tilespmem:s0+$0x14050]  }
0x87b: {  	[tilespmem:v6+s23+$0x0] =	vst.idx.add.f32.msk $0xffff, v1  }
0x87c: {  	[tilespmem:v5+s23+$0x0] =	vst.idx.add.f32.msk $0xffff, v1  }
0x87d: {  	v6 =	vld [tilespmem:s2+$0x14050]  }
0x87e: {  	v4 =	vadd.s32 s28, v4;
	v5 =	vld [tilespmem:s30+$0x14060];
	_ =	sdelay $0x1  }
0x87f: {  	v3 =	vadd.s32 s29, v3;
	_ =	sdelay $0x1  }
0x880: {  	v6 =	vadd.s32 s25, v6  }
0x881: {  	[tilespmem:v4+s23+$0x0] =	vst.idx.add.f32.msk $0xffff, v1;
	v5 =	vadd.s32 s8, v5  }
0x882: {  	v4 =	vld [tilespmem:s18+$0x14060]  }
0x883: {  	[tilespmem:v3+s23+$0x0] =	vst.idx.add.f32.msk $0xffff, v1  }
0x884: {  	v3 =	vld [tilespmem:s0+$0x14060]  }
0x885: {  	[tilespmem:v6+s23+$0x0] =	vst.idx.add.f32.msk $0xffff, v1  }
0x886: {  	[tilespmem:v5+s23+$0x0] =	vst.idx.add.f32.msk $0xffff, v1  }
0x887: {  	v6 =	vld [tilespmem:s2+$0x14060]  }
0x888: {  	v4 =	vadd.s32 s28, v4;
	v5 =	vld [tilespmem:s30+$0x14070];
	_ =	sdelay $0x1  }
0x889: {  	v3 =	vadd.s32 s29, v3;
	_ =	sdelay $0x1  }
0x88a: {  	v6 =	vadd.s32 s25, v6  }
0x88b: {  	[tilespmem:v4+s23+$0x0] =	vst.idx.add.f32.msk $0xffff, v1;
	v5 =	vadd.s32 s8, v5  }
0x88c: {  	v4 =	vld [tilespmem:s18+$0x14070]  }
0x88d: {  	[tilespmem:v3+s23+$0x0] =	vst.idx.add.f32.msk $0xffff, v1  }
0x88e: {  	v3 =	vld [tilespmem:s0+$0x14070]  }
0x88f: {  	[tilespmem:v6+s23+$0x0] =	vst.idx.add.f32.msk $0xffff, v1  }
0x890: {  	[tilespmem:v5+s23+$0x0] =	vst.idx.add.f32.msk $0xffff, v1  }
0x891: {  	v6 =	vld [tilespmem:s2+$0x14070]  }
0x892: {  	v4 =	vadd.s32 s28, v4;
	s15 =	rddreg [dreg:$0x13]  }
0x893: {  	v5 =	vld [tilespmem:s15+$0x14000]  }
0x894: {  	v3 =	vadd.s32 s29, v3;
	_ =	sdelay $0x1  }
0x895: {  	v6 =	vadd.s32 s25, v6  }
0x896: {  	[tilespmem:v4+s23+$0x0] =	vst.idx.add.f32.msk $0xffff, v1  }
0x897: {  	v4 =	vld [tilespmem:s7+$0x14000];
	v5 =	vadd.s32 s8, v5  }
0x898: {  	[tilespmem:v3+s23+$0x0] =	vst.idx.add.f32.msk $0xffff, v1  }
0x899: {  	v3 =	vld [tilespmem:s9+$0x14000]  }
0x89a: {  	[tilespmem:v6+s23+$0x0] =	vst.idx.add.f32.msk $0xffff, v1  }
0x89b: {  	v6 =	vld [tilespmem:s17+$0x14000]  }
0x89c: {  	v4 =	vadd.s32 s28, v4;
	[tilespmem:v5+s23+$0x0] =	vst.idx.add.f32.msk $0xffff, v1  }
0x89d: {  	v5 =	vld [tilespmem:s14+$0x14000];
	_ =	sdelay $0x1  }
0x89e: {  	v3 =	vadd.s32 s29, v3;
	_ =	sdelay $0x1  }
0x89f: {  	v6 =	vadd.s32 s25, v6;
	[tilespmem:v4+s23+$0x0] =	vst.idx.add.f32.msk $0xffff, v1  }
0x8a0: {  	v4 =	vld [tilespmem:s5+$0x14000];
	v5 =	vadd.s32 s8, v5;
	_ =	sdelay $0x1  }
0x8a1: {  	[tilespmem:v3+s23+$0x0] =	vst.idx.add.f32.msk $0xffff, v1  }
0x8a2: {  	v3 =	vld [tilespmem:s22+$0x14000]  }
0x8a3: {  	[tilespmem:v6+s23+$0x0] =	vst.idx.add.f32.msk $0xffff, v1  }
0x8a4: {  	s16 =	rddreg [dreg:$0x6];
	v4 =	vadd.s32 s28, v4;
	[tilespmem:v5+s23+$0x0] =	vst.idx.add.f32.msk $0xffff, v1  }
0x8a5: {  	v6 =	vld [tilespmem:s16+$0x14000];
	s17 =	rddreg [dreg:$0x14]  }
0x8a6: {  	v5 =	vld [tilespmem:s17+$0x14000]  }
0x8a7: {  	v3 =	vadd.s32 s29, v3;
	_ =	sdelay $0x1  }
0x8a8: {  	[tilespmem:v4+s23+$0x0] =	vst.idx.add.f32.msk $0xffff, v1  }
0x8a9: {  	v6 =	vadd.s32 s25, v6;
	s18 =	rddreg [dreg:$0x4]  }
0x8aa: {  	v4 =	vld [tilespmem:s18+$0x14000];
	v5 =	vadd.s32 s8, v5  }
0x8ab: {  	[tilespmem:v3+s23+$0x0] =	vst.idx.add.f32.msk $0xffff, v1  }
0x8ac: {  	s19 =	rddreg [dreg:$0x8]  }
0x8ad: {  	v3 =	vld [tilespmem:s19+$0x14000]  }
0x8ae: {  	[tilespmem:v6+s23+$0x0] =	vst.idx.add.f32.msk $0xffff, v1  }
0x8af: {  	s20 =	rddreg [dreg:$0xc];
	[tilespmem:v5+s23+$0x0] =	vst.idx.add.f32.msk $0xffff, v1  }
0x8b0: {  	v4 =	vadd.s32 s28, v4;
	v6 =	vld [tilespmem:s20+$0x14000]  }
0x8b1: {  	s22 =	sld [smem:$0x7C1];
	_ =	sdelay $0x1  }
0x8b2: {  	v3 =	vadd.s32 s29, v3  }
0x8b3: {  	v5 =	vld [tilespmem:s22+$0x14000]  }
0x8b4: {  	[tilespmem:v4+s23+$0x0] =	vst.idx.add.f32.msk $0xffff, v1;
	v6 =	vadd.s32 s25, v6  }
0x8b5: {  	s24 =	rddreg [dreg:$0xa]  }
0x8b6: {  	v4 =	vld [tilespmem:s24+$0x14000]  }
0x8b7: {  	[tilespmem:v3+s23+$0x0] =	vst.idx.add.f32.msk $0xffff, v1  }
0x8b8: {  	v3 =	vld [tilespmem:s26+$0x14000]  }
0x8b9: {  	v5 =	vadd.s32 s8, v5;
	[tilespmem:v6+s23+$0x0] =	vst.idx.add.f32.msk $0xffff, v1  }
0x8ba: {  	s26 =	rddreg [dreg:$0xe]  }
0x8bb: {  	v6 =	vld [tilespmem:s26+$0x14000]  }
0x8bc: {  	v4 =	vadd.s32 s28, v4;
	_ =	sdelay $0x1  }
0x8bd: {  	v3 =	vadd.s32 s29, v3;
	[tilespmem:v5+s23+$0x0] =	vst.idx.add.f32.msk $0xffff, v1  }
0x8be: {  	s30 =	rddreg [dreg:$0x19]  }
0x8bf: {  	v5 =	vld [tilespmem:s30+$0x14000];
	v6 =	vadd.s32 s25, v6  }
0x8c0: {  	[tilespmem:v4+s23+$0x0] =	vst.idx.add.f32.msk $0xffff, v1  }
0x8c1: {  	v4 =	vld [tilespmem:s6+$0x14000]  }
0x8c2: {  	[tilespmem:v3+s23+$0x0] =	vst.idx.add.f32.msk $0xffff, v1  }
0x8c3: {  	v3 =	vld [tilespmem:s11+$0x14000]  }
0x8c4: {  	[tilespmem:v6+s23+$0x0] =	vst.idx.add.f32.msk $0xffff, v1  }
0x8c5: {  	v6 =	vld [tilespmem:s12+$0x14000];
	_ =	sdelay $0x1  }
0x8c6: {  	v5 =	vadd.s32 s8, v5  }
0x8c7: {  	v4 =	vadd.s32 s28, v4  }
0x8c8: {  	v3 =	vadd.s32 s29, v3  }
0x8c9: {  	v6 =	vadd.s32 s25, v6  }
0x8ca: {  	[tilespmem:v2+s23+$0x0] =	vst.idx.add.f32.msk vm0, v1  }
0x8cb: {  	[tilespmem:v5+s23+$0x0] =	vst.idx.add.f32.msk vm0, v1  }
0x8cc: {  	[tilespmem:v4+s23+$0x0] =	vst.idx.add.f32.msk vm0, v1  }
0x8cd: {  	s2 =	sld [smem:$0x7C7];
	[tilespmem:v3+s23+$0x0] =	vst.idx.add.f32.msk vm0, v1  }
0x8ce: {  	[tilespmem:v6+s23+$0x0] =	vst.idx.add.f32.msk vm0, v1  }
.Ltmp6:
0x8cf: {  	s1 =	sld [smem:$0x7F3];
	(pc) =	sbr.rel @p1 .LBB2_12-.Ltmp6, $3  }
0x8d0: {  	s31 =	smul.u32 $0x6, s2;
	_ =	sdelay $0x1  }
0x8d1: {  	s5 =	simm.s32 $0x0;
	s0 =	sadd.s32 s1, s31  }
0x8d2: {  	[hbm4b:s0+s5] =	stream.linear.scatter [tilespmem:s23], [sflag:$0x4], $0xC00, $0x38;
	[tilespmem:$0x19800] =	vst v63  }
0x8d3: {  	s0 =	sshll.u32 s2, $0x5;
	s1 =	rddreg [dreg:$0x0]  }
0x8d4: {  	s26 =	sld [smem:$0x7F9];
	s0 =	sadd.s32 $0x1000, s0  }
0x8d5: {  	s25 =	simm.s32 $0xC000;
	s29 =	sld [smem:$0x7FB];
	s1 =	sadd.s32 s1, s0  }
0x8d6: {  	[tilespmem:s25], [sflag:$0x2] =	stream.linear.gather [hbm4b:s1+s5], $0x4000, $0x38;
	[tilespmem:$0x19800] =	vst v63  }
.Ltmp7:
0x8d7: {  	s31 =	sld [smem:$0x7F0];
	(pc) =	sbr.rel .LBB2_2-.Ltmp7, $4  }
0x8d8: {  	s28 =	simm.s32 $0x10000;
	s1 =	sadd.s32 s26, s0  }
0x8d9: {  	[tilespmem:s28], [sflag:$0x2] =	stream.linear.gather [hbm4b:s1+s5], $0x4000, $0x38;
	[tilespmem:$0x19800] =	vst v63  }
0x8da: {  	s30 =	simm.s32 $0x14000;
	s0 =	sadd.s32 s29, s0;
	s1 =	sadd.s32 $0x1, s31  }
0x8db: {  	[tilespmem:s30], [sflag:$0x2] =	stream.linear.gather [hbm4b:s0+s5], $0x4000, $0x38;
	[tilespmem:$0x19800] =	vst v63  }
.LBB2_13:
0x8dc: {  	_ =	sfence.sel $0x180000  }
0x8dd: {  	[bflag:$0x0] =	sbarrier.arrive $0xFFFF  }
0x8de: {  	_ =	strace $0x90000047  }
0x8df: {  	s0 =	stileid.u32;
	[bflag:$0x2] =	sbarrier.arrive $0xFFFF  }
0x8e0: {  	p0 =	sne.s32 s0, $0x0;
	s0 =	rddreg [dreg:$0x2]  }
0x8e1: {  	s0 =	sadd.s32 @!p0 $0x100000, s0  }
0x8e2: {  	[sflag:s0] =	ssyncadd.tile.s32 @!p0 $0x1;
	_ =	shalt  }
.Lfunc_end2:
_tile_overlayer_lowered:
.L_overlay_start_2:
0x8e3: {  	(tag) =	ssettag $0x2  }
0x8e4: {  	s0 =	rddreg [dreg:$0x0];
	s2 =	stileid.u32  }
0x8e5: {  	s1 =	rddreg [dreg:$0x1];
	p0 =	sne.s32 s2, $0x0  }
0x8e6: {  	s3 =	rddreg [dreg:$0x2];
	[bflag:$0x3] =	sbarrier.arrive $0xFFFF;
	s2 =	simm.s32 @!p0 $0x1C05  }
0x8e7: {  	[timem:s3], [sflag:s2] =	dma.local @!p0 [hbm:s0], s1  }
0x8e8: {  	s0 =	simm.s32 @!p0 $0x5  }
0x8e9: {  	_ =	swait.ge @!p0 [sflag:s0], s1  }
0x8ea: {  	s1 =	ssub.s32 @!p0 $0x0, s1;
	[sflag:s0] =	ssyncset.done @!p0 $0x0  }
0x8eb: {  	[sflag:s0] =	ssyncadd.s32 @!p0 s1  }
0x8ec: {  	[bflag:$0x3] =	sbarrier.arrive $0xFFFF  }
0x8ed: {  	_ =	shalt  }

</sc_bundles>
